<compile_context>
chip_gen: v7x
topology: tpu7x:2x2x1
jax: 0.10.2.dev20260603
libtpu: 0.0.44.dev20260713+nightly
codegen_flags: <defaults>
</compile_context>

<pallas_src>
import functools

import jax
import jax.numpy as jnp
from jax import lax
from jax.experimental import pallas as pl
from jax.experimental.pallas import tpu as pltpu
from jax.experimental.pallas import tpu_sc as plsc

N_NODES = 10000
IN_CH = 128
OUT_CH = 128
HID = 256
N_EDGES = 320000

NC = 2
NS = 16
LN = 16

CHUNK = 128
NBUF = 2
EPW = -(-N_EDGES // (NS * NBUF * CHUNK)) * NBUF * CHUNK
EPAD = EPW * NS

CPR = 5000
SZ1 = 5112
TRASH = 5112
ACC = 5120
ROWS_PT = ACC // NS

RB = 1000
GRID = N_NODES // RB
NB0 = CPR // RB
DW = 128


def _plane_spec(width):
    return pl.BlockSpec((1, RB, width), lambda i: (i // NB0, i % NB0, 0))


def _zero_rows(buf, nrows, width):
    def zf(r, _):
        for k in range(width // LN):
            buf[r, pl.ds(k * LN, LN)] = jnp.zeros((LN,), jnp.float32)
        return 0

    lax.fori_loop(0, nrows, zf, 0)


def _zero_acc_slice(rows_v, acc_sh, base):
    nfull = ROWS_PT // CHUNK
    for k in range(nfull):
        pltpu.sync_copy(rows_v, acc_sh.at[pl.ds(base + k * CHUNK, CHUNK)])
    rem = ROWS_PT % CHUNK
    if rem:
        pltpu.sync_copy(
            rows_v.at[pl.ds(0, rem)], acc_sh.at[pl.ds(base + nfull * CHUNK, rem)]
        )


def _localize_dst(dst_v, c):
    base = c * CPR
    sz = CPR + c * (SZ1 - CPR)
    for j in range(CHUNK // LN):
        d = dst_v[pl.ds(j * LN, LN)] - base
        ok = (d >= 0) & (d < sz)
        dst_v[pl.ds(j * LN, LN)] = jnp.where(ok, d, TRASH)


def _localize_pair(src_v, dst_v, c):
    base = c * CPR
    sz = CPR + c * (SZ1 - CPR)
    for j in range(CHUNK // LN):
        sl = pl.ds(j * LN, LN)
        d = dst_v[sl] - base
        ok = (d >= 0) & (d < sz)
        dst_v[sl] = jnp.where(ok, d, TRASH)
        src_v[sl] = jnp.where(ok, src_v[sl], 0)


def _deg_body(
    dst_hbm, out_hbm, raw0, raw1, loc0, loc1, ones_v, acc_sh,
    sem_i0, sem_i1, sem_s0, sem_s1,
):
    c = lax.axis_index("c")
    s = lax.axis_index("s")

    _zero_rows(ones_v, CHUNK, DW)
    acc_base = s * ROWS_PT
    _zero_acc_slice(ones_v, acc_sh, acc_base)

    def of(r, _):
        ones_v[r, pl.ds(0, LN)] = jnp.ones((LN,), jnp.float32)
        return 0

    lax.fori_loop(0, CHUNK, of, 0)
    plsc.subcore_barrier()

    ebase = s * EPW
    nchunks = EPW // CHUNK
    bufs = ((raw0, loc0, sem_i0, sem_s0), (raw1, loc1, sem_i1, sem_s1))

    def localize(raw_v, loc_v):
        base = c * CPR
        sz = CPR + c * (SZ1 - CPR)
        for j in range(CHUNK // LN):
            d = raw_v[pl.ds(j * LN, LN)] - base
            ok = (d >= 0) & (d < sz)
            loc_v[pl.ds(j * LN, LN)] = jnp.where(ok, d, TRASH)

    def idx_load(n, raw_v, sem_i):
        off = ebase + jnp.minimum(n, nchunks - 1) * CHUNK
        pltpu.async_copy(dst_hbm.at[pl.ds(off, CHUNK)], raw_v, sem_i)

    def idx_wait(raw_v, sem_i):
        pltpu.make_async_copy(dst_hbm.at[pl.ds(ebase, CHUNK)], raw_v, sem_i).wait()

    def scat_wait(loc_v, sem_s):
        pltpu.make_async_copy(ones_v, acc_sh.at[loc_v], sem_s).wait()

    for b in range(2):
        idx_load(b, bufs[b][0], bufs[b][2])
    for b in range(2):
        raw_v, loc_v, sem_i, sem_s = bufs[b]
        idx_wait(raw_v, sem_i)
        localize(raw_v, loc_v)
        pltpu.async_copy(ones_v, acc_sh.at[loc_v], sem_s, add=True)
        idx_load(2 + b, raw_v, sem_i)

    def body(i, _):
        for b in range(2):
            raw_v, loc_v, sem_i, sem_s = bufs[b]
            idx_wait(raw_v, sem_i)
            scat_wait(loc_v, sem_s)
            localize(raw_v, loc_v)
            pltpu.async_copy(ones_v, acc_sh.at[loc_v], sem_s, add=True)
            idx_load(2 * i + 2 + b, raw_v, sem_i)
        return 0

    lax.fori_loop(1, nchunks // 2, body, 0)
    for b in range(2):
        raw_v, loc_v, sem_i, sem_s = bufs[b]
        scat_wait(loc_v, sem_s)
        idx_wait(raw_v, sem_i)
    plsc.subcore_barrier()
    pltpu.sync_copy(
        acc_sh.at[pl.ds(acc_base, ROWS_PT)],
        out_hbm.at[pl.ds(c * ACC + acc_base, ROWS_PT)],
    )


@functools.cache
def _build_deg():
    mesh = plsc.VectorSubcoreMesh(
        core_axis_name="c", subcore_axis_name="s", num_cores=NC, num_subcores=NS
    )
    return pl.kernel(
        _deg_body,
        out_type=jax.ShapeDtypeStruct((NC * ACC, DW), jnp.float32),
        mesh=mesh,
        scratch_types=[
            pltpu.VMEM((CHUNK,), jnp.int32),
            pltpu.VMEM((CHUNK,), jnp.int32),
            pltpu.VMEM((CHUNK,), jnp.int32),
            pltpu.VMEM((CHUNK,), jnp.int32),
            pltpu.VMEM((CHUNK, DW), jnp.float32),
            pltpu.VMEM_SHARED((ACC, DW), jnp.float32),
            pltpu.SemaphoreType.DMA,
            pltpu.SemaphoreType.DMA,
            pltpu.SemaphoreType.DMA,
            pltpu.SemaphoreType.DMA,
        ],
    )


def _deg_call(dst_p):
    return _build_deg()(dst_p)


def _agg_body(y_hbm, src_hbm, dst_hbm, out_hbm, *scratch):
    c = lax.axis_index("c")
    s = lax.axis_index("s")
    bufs = tuple(
        (scratch[3 * b], scratch[3 * b + 1], scratch[3 * b + 2],
         scratch[3 * NBUF + 1 + 2 * b], scratch[3 * NBUF + 2 + 2 * b])
        for b in range(NBUF)
    )
    acc_sh = scratch[3 * NBUF]

    rows0 = bufs[0][2]
    _zero_rows(rows0, CHUNK, IN_CH)
    acc_base = s * ROWS_PT
    _zero_acc_slice(rows0, acc_sh, acc_base)
    plsc.subcore_barrier()

    ebase = s * EPW
    nchunks = EPW // CHUNK

    def load_and_gather(off, src_v, dst_v, rows_v, sem_g):
        pltpu.sync_copy(src_hbm.at[pl.ds(off, CHUNK)], src_v)
        pltpu.sync_copy(dst_hbm.at[pl.ds(off, CHUNK)], dst_v)
        _localize_pair(src_v, dst_v, c)
        pltpu.async_copy(y_hbm.at[src_v], rows_v, sem_g)

    for b in range(NBUF):
        src_v, dst_v, rows_v, sem_g, _ = bufs[b]
        load_and_gather(ebase + b * CHUNK, src_v, dst_v, rows_v, sem_g)

    def body(i, _):
        for b in range(NBUF):
            src_v, dst_v, rows_v, sem_g, sem_s = bufs[b]
            pltpu.make_async_copy(y_hbm.at[src_v], rows_v, sem_g).wait()
            sc = pltpu.async_copy(rows_v, acc_sh.at[dst_v], sem_s, add=True)
            sc.wait()
            nxt = (NBUF * i + NBUF + b) * CHUNK
            load_and_gather(ebase + nxt, src_v, dst_v, rows_v, sem_g)
        return 0

    lax.fori_loop(0, nchunks // NBUF - 1, body, 0)
    for b in range(NBUF):
        src_v, dst_v, rows_v, sem_g, sem_s = bufs[b]
        pltpu.make_async_copy(y_hbm.at[src_v], rows_v, sem_g).wait()
        pltpu.async_copy(rows_v, acc_sh.at[dst_v], sem_s, add=True).wait()
    plsc.subcore_barrier()
    pltpu.sync_copy(
        acc_sh.at[pl.ds(acc_base, ROWS_PT)],
        out_hbm.at[pl.ds(c * ACC + acc_base, ROWS_PT)],
    )


@functools.cache
def _build_agg():
    mesh = plsc.VectorSubcoreMesh(
        core_axis_name="c", subcore_axis_name="s", num_cores=NC, num_subcores=NS
    )
    per_buf = []
    for _ in range(NBUF):
        per_buf += [
            pltpu.VMEM((CHUNK,), jnp.int32),
            pltpu.VMEM((CHUNK,), jnp.int32),
            pltpu.VMEM((CHUNK, IN_CH), jnp.float32),
        ]
    return pl.kernel(
        _agg_body,
        out_type=jax.ShapeDtypeStruct((NC * ACC, IN_CH), jnp.float32),
        mesh=mesh,
        scratch_types=per_buf
        + [pltpu.VMEM_SHARED((ACC, IN_CH), jnp.float32)]
        + [pltpu.SemaphoreType.DMA] * (2 * NBUF),
    )


def _agg_call(y, src_p, dst_p):
    return _build_agg()(y, src_p, dst_p)


def _scale_body(d_ref, x_ref, y1_ref, dv_ref):
    deg = d_ref[0, :, 0:1] + 1.0
    dv = jnp.broadcast_to(lax.rsqrt(deg), (RB, IN_CH))
    dv_ref[...] = dv
    y1_ref[...] = dv * x_ref[...]


def _scale_call(degp, x):
    return pl.pallas_call(
        _scale_body,
        grid=(GRID,),
        in_specs=[
            _plane_spec(DW),
            pl.BlockSpec((RB, IN_CH), lambda i: (i, 0)),
        ],
        out_specs=[
            pl.BlockSpec((RB, IN_CH), lambda i: (i, 0)),
            pl.BlockSpec((RB, IN_CH), lambda i: (i, 0)),
        ],
        out_shape=[
            jax.ShapeDtypeStruct((N_NODES, IN_CH), jnp.float32),
            jax.ShapeDtypeStruct((N_NODES, IN_CH), jnp.float32),
        ],
    )(degp.reshape(NC, ACC, DW), x)


def _layer_body(p_ref, y1_ref, dv_ref, w1_ref, b1_ref, w2_ref, y2_ref):
    z = dv_ref[...] * (p_ref[0] + y1_ref[...])
    h = jnp.dot(z, w1_ref[...], preferred_element_type=jnp.float32)
    h = jnp.maximum(h + b1_ref[...], 0.0)
    g = jnp.dot(h, w2_ref[...], preferred_element_type=jnp.float32)
    y2_ref[...] = dv_ref[...] * g


def _layer_call(agg1, y1, dv, W1, b1, W2):
    return pl.pallas_call(
        _layer_body,
        grid=(GRID,),
        in_specs=[
            _plane_spec(IN_CH),
            pl.BlockSpec((RB, IN_CH), lambda i: (i, 0)),
            pl.BlockSpec((RB, IN_CH), lambda i: (i, 0)),
            pl.BlockSpec((IN_CH, HID), lambda i: (0, 0)),
            pl.BlockSpec((1, HID), lambda i: (0, 0)),
            pl.BlockSpec((HID, OUT_CH), lambda i: (0, 0)),
        ],
        out_specs=pl.BlockSpec((RB, OUT_CH), lambda i: (i, 0)),
        out_shape=jax.ShapeDtypeStruct((N_NODES, OUT_CH), jnp.float32),
    )(agg1.reshape(NC, ACC, IN_CH), y1, dv, W1, b1.reshape(1, HID), W2)


def _out_body(p_ref, y2_ref, dv_ref, b2_ref, o_ref):
    o_ref[...] = dv_ref[...] * (p_ref[0] + y2_ref[...]) + b2_ref[...]


def _out_call(agg2, y2, dv, b2):
    return pl.pallas_call(
        _out_body,
        grid=(GRID,),
        in_specs=[
            _plane_spec(OUT_CH),
            pl.BlockSpec((RB, OUT_CH), lambda i: (i, 0)),
            pl.BlockSpec((RB, OUT_CH), lambda i: (i, 0)),
            pl.BlockSpec((1, OUT_CH), lambda i: (0, 0)),
        ],
        out_specs=pl.BlockSpec((RB, OUT_CH), lambda i: (i, 0)),
        out_shape=jax.ShapeDtypeStruct((N_NODES, OUT_CH), jnp.float32),
    )(agg2.reshape(NC, ACC, OUT_CH), y2, dv, b2.reshape(1, OUT_CH))


def kernel(x, edge_index, W1, b1, W2, b2):
    x = x.astype(jnp.float32)
    src = edge_index[0].astype(jnp.int32)
    dst = edge_index[1].astype(jnp.int32)
    npad_e = EPAD - N_EDGES
    src_p = jnp.concatenate([src, jnp.zeros((npad_e,), jnp.int32)])
    dst_p = jnp.concatenate([dst, jnp.full((npad_e,), N_NODES, jnp.int32)])

    degp = _deg_call(dst_p)
    y1, dv = _scale_call(degp, x)
    agg1 = _agg_call(y1, src_p, dst_p)
    y2 = _layer_call(agg1, y1, dv, W1, b1, W2)
    agg2 = _agg_call(y2, src_p, dst_p)
    return _out_call(agg2, y2, dv, b2)

# --- scband reference (transcript-rebuilt; emitter-appended) ---
"""Pipeline reference for scband-gcnencoder-7490422964886 (READ-ONLY COPY).

The authoritative reference and input builder live on the scoring server;
editing this copy changes nothing except your own understanding.
"""

import jax, jax.numpy as jnp
import numpy as np

N_NODES = 10000
N_EDGES = 320000
IN_CH = 128
OUT_CH = 128
HID = 2 * OUT_CH


def setup_inputs(seed: int = 0) -> dict:
    key = jax.random.key(seed)
    k1, k2, k3, k4, k5, k6 = jax.random.split(key, 6)
    x = jax.random.normal(k1, (N_NODES, IN_CH), dtype=jnp.float32)
    edge_index = jax.random.randint(k2, (2, N_EDGES), 0, N_NODES, dtype=jnp.int64)
    # Glorot-style init for GCNConv linear weights, zeros for bias (PyG default)
    s1 = (6.0 / (IN_CH + HID)) ** 0.5
    W1 = jax.random.uniform(k3, (IN_CH, HID), dtype=jnp.float32, minval=-s1, maxval=s1)
    b1 = jnp.zeros((HID,), dtype=jnp.float32)
    s2 = (6.0 / (HID + OUT_CH)) ** 0.5
    W2 = jax.random.uniform(k4, (HID, OUT_CH), dtype=jnp.float32, minval=-s2, maxval=s2)
    b2 = jnp.zeros((OUT_CH,), dtype=jnp.float32)
    return {"x": x, "edge_index": edge_index, "W1": W1, "b1": b1, "W2": W2, "b2": b2}


def _gcn_conv(x, edge_index, W, b, num_nodes):
    # PyG GCNConv: add self-loops, symmetric normalization D^-1/2 (A+I) D^-1/2, then X W + bias
    loop = jnp.arange(num_nodes, dtype=edge_index.dtype)
    src = jnp.concatenate([edge_index[0], loop])
    dst = jnp.concatenate([edge_index[1], loop])
    deg = jnp.zeros((num_nodes,), dtype=jnp.float32).at[dst].add(1.0)
    deg_inv_sqrt = jnp.where(deg > 0, deg ** -0.5, 0.0)
    norm = deg_inv_sqrt[src] * deg_inv_sqrt[dst]
    h = x @ W
    msg = h[src] * norm[:, None]
    out = jnp.zeros((num_nodes, W.shape[1]), dtype=h.dtype).at[dst].add(msg)
    return out + b


def reference(x, edge_index, W1, b1, W2, b2):
    x = x.astype(jnp.float32)
    h = _gcn_conv(x, edge_index, W1, b1, N_NODES)
    h = jax.nn.relu(h)
    out = _gcn_conv(h, edge_index, W2, b2, N_NODES)
    return out

if __name__ == "__main__":
    import jax
    _d = setup_inputs()
    print(jax.jit(kernel)(*tuple(_d.values())))

</pallas_src>

<mosaic_0001>
#map = affine_map<(d0, d1) -> (0, 0)>
#map1 = affine_map<(d0, d1) -> (0)>
module attributes {stable_mosaic.version = 14 : i64} {
  func.func @_agg_body(%arg0: i32, %arg1: i32, %arg2: memref<10000x128xf32, #tpu.memory_space<hbm>>, %arg3: memref<323584xi32, #tpu.memory_space<hbm>>, %arg4: memref<323584xi32, #tpu.memory_space<hbm>>, %arg5: memref<10240x128xf32, #tpu.memory_space<hbm>>, %arg6: memref<128xi32, #tpu.memory_space<vmem>>, %arg7: memref<128xi32, #tpu.memory_space<vmem>>, %arg8: memref<128x128xf32, #tpu.memory_space<vmem>>, %arg9: memref<128xi32, #tpu.memory_space<vmem>>, %arg10: memref<128xi32, #tpu.memory_space<vmem>>, %arg11: memref<128x128xf32, #tpu.memory_space<vmem>>, %arg12: memref<5120x128xf32, #tpu.memory_space<vmem_shared>>, %arg13: memref<!tpu.dma_semaphore, #tpu.memory_space<semaphore_mem>>, %arg14: memref<!tpu.dma_semaphore, #tpu.memory_space<semaphore_mem>>, %arg15: memref<!tpu.dma_semaphore, #tpu.memory_space<semaphore_mem>>, %arg16: memref<!tpu.dma_semaphore, #tpu.memory_space<semaphore_mem>>) attributes {dimension_semantics = [#tpu.dimension_semantics<core_parallel>, #tpu.dimension_semantics<subcore_parallel>], iteration_bounds = array<i64: 2, 16>, scalar_prefetch = 0 : i64, scratch_operands = 11 : i64, tpu.core_type = #tpu.core_type<sc_vector_subcore>, window_params = [{transform_indices = #map}, {transform_indices = #map1}, {transform_indices = #map1}, {transform_indices = #map}]} {
    %scan3A = arith.constant 0 : i32
    %scan3A_0 = arith.constant 0 : i32
    %scan3A_1 = arith.constant 128 : i32
    %scan3A_2 = arith.addi %scan3A_0, %scan3A_1 : i32
    %scan3A_3 = arith.constant 1 : i32
    %scan3A_4 = scf.for %scan3A_502 = %scan3A_0 to %scan3A_2 step %scan3A_3 iter_args(%scan3A_503 = %scan3A) -> (i32)  : i32 {
      %broadcast_in_dim3A_504 = arith.constant 0.000000e+00 : f32
      %broadcast_in_dim3A_505 = vector.broadcast %broadcast_in_dim3A_504 : f32 to vector<16xf32>
      %swap3A_506 = arith.index_cast %scan3A_502 : i32 to index
      %swap3A_507 = arith.constant 0 : index
      %swap3A_508 = tpu.vector_load %arg8[%swap3A_506, %swap3A_507] {strides = array<i32>} : memref<128x128xf32, #tpu.memory_space<vmem>>, vector<1x16xf32>,
      %swap3A_509 = vector.shape_cast %swap3A_508 : vector<1x16xf32> to vector<16xf32>
      %swap3A_510 = vector.shape_cast %broadcast_in_dim3A_505 : vector<16xf32> to vector<1x16xf32>
      tpu.vector_store %arg8[%swap3A_506, %swap3A_507], %swap3A_510 {strides = array<i32>} : memref<128x128xf32, #tpu.memory_space<vmem>>, vector<1x16xf32>,
      %broadcast_in_dim3A_511 = arith.constant 0.000000e+00 : f32
      %broadcast_in_dim3A_512 = vector.broadcast %broadcast_in_dim3A_511 : f32 to vector<16xf32>
      %swap3A_513 = arith.index_cast %scan3A_502 : i32 to index
      %swap3A_514 = arith.constant 16 : index
      %swap3A_515 = tpu.vector_load %arg8[%swap3A_513, %swap3A_514] {strides = array<i32>} : memref<128x128xf32, #tpu.memory_space<vmem>>, vector<1x16xf32>,
      %swap3A_516 = vector.shape_cast %swap3A_515 : vector<1x16xf32> to vector<16xf32>
      %swap3A_517 = vector.shape_cast %broadcast_in_dim3A_512 : vector<16xf32> to vector<1x16xf32>
      tpu.vector_store %arg8[%swap3A_513, %swap3A_514], %swap3A_517 {strides = array<i32>} : memref<128x128xf32, #tpu.memory_space<vmem>>, vector<1x16xf32>,
      %broadcast_in_dim3A_518 = arith.constant 0.000000e+00 : f32
      %broadcast_in_dim3A_519 = vector.broadcast %broadcast_in_dim3A_518 : f32 to vector<16xf32>
      %swap3A_520 = arith.index_cast %scan3A_502 : i32 to index
      %swap3A_521 = arith.constant 32 : index
      %swap3A_522 = tpu.vector_load %arg8[%swap3A_520, %swap3A_521] {strides = array<i32>} : memref<128x128xf32, #tpu.memory_space<vmem>>, vector<1x16xf32>,
      %swap3A_523 = vector.shape_cast %swap3A_522 : vector<1x16xf32> to vector<16xf32>
      %swap3A_524 = vector.shape_cast %broadcast_in_dim3A_519 : vector<16xf32> to vector<1x16xf32>
      tpu.vector_store %arg8[%swap3A_520, %swap3A_521], %swap3A_524 {strides = array<i32>} : memref<128x128xf32, #tpu.memory_space<vmem>>, vector<1x16xf32>,
      %broadcast_in_dim3A_525 = arith.constant 0.000000e+00 : f32
      %broadcast_in_dim3A_526 = vector.broadcast %broadcast_in_dim3A_525 : f32 to vector<16xf32>
      %swap3A_527 = arith.index_cast %scan3A_502 : i32 to index
      %swap3A_528 = arith.constant 48 : index
      %swap3A_529 = tpu.vector_load %arg8[%swap3A_527, %swap3A_528] {strides = array<i32>} : memref<128x128xf32, #tpu.memory_space<vmem>>, vector<1x16xf32>,
      %swap3A_530 = vector.shape_cast %swap3A_529 : vector<1x16xf32> to vector<16xf32>
      %swap3A_531 = vector.shape_cast %broadcast_in_dim3A_526 : vector<16xf32> to vector<1x16xf32>
      tpu.vector_store %arg8[%swap3A_527, %swap3A_528], %swap3A_531 {strides = array<i32>} : memref<128x128xf32, #tpu.memory_space<vmem>>, vector<1x16xf32>,
      %broadcast_in_dim3A_532 = arith.constant 0.000000e+00 : f32
      %broadcast_in_dim3A_533 = vector.broadcast %broadcast_in_dim3A_532 : f32 to vector<16xf32>
      %swap3A_534 = arith.index_cast %scan3A_502 : i32 to index
      %swap3A_535 = arith.constant 64 : index
      %swap3A_536 = tpu.vector_load %arg8[%swap3A_534, %swap3A_535] {strides = array<i32>} : memref<128x128xf32, #tpu.memory_space<vmem>>, vector<1x16xf32>,
      %swap3A_537 = vector.shape_cast %swap3A_536 : vector<1x16xf32> to vector<16xf32>
      %swap3A_538 = vector.shape_cast %broadcast_in_dim3A_533 : vector<16xf32> to vector<1x16xf32>
      tpu.vector_store %arg8[%swap3A_534, %swap3A_535], %swap3A_538 {strides = array<i32>} : memref<128x128xf32, #tpu.memory_space<vmem>>, vector<1x16xf32>,
      %broadcast_in_dim3A_539 = arith.constant 0.000000e+00 : f32
      %broadcast_in_dim3A_540 = vector.broadcast %broadcast_in_dim3A_539 : f32 to vector<16xf32>
      %swap3A_541 = arith.index_cast %scan3A_502 : i32 to index
      %swap3A_542 = arith.constant 80 : index
      %swap3A_543 = tpu.vector_load %arg8[%swap3A_541, %swap3A_542] {strides = array<i32>} : memref<128x128xf32, #tpu.memory_space<vmem>>, vector<1x16xf32>,
      %swap3A_544 = vector.shape_cast %swap3A_543 : vector<1x16xf32> to vector<16xf32>
      %swap3A_545 = vector.shape_cast %broadcast_in_dim3A_540 : vector<16xf32> to vector<1x16xf32>
      tpu.vector_store %arg8[%swap3A_541, %swap3A_542], %swap3A_545 {strides = array<i32>} : memref<128x128xf32, #tpu.memory_space<vmem>>, vector<1x16xf32>,
      %broadcast_in_dim3A_546 = arith.constant 0.000000e+00 : f32
      %broadcast_in_dim3A_547 = vector.broadcast %broadcast_in_dim3A_546 : f32 to vector<16xf32>
      %swap3A_548 = arith.index_cast %scan3A_502 : i32 to index
      %swap3A_549 = arith.constant 96 : index
      %swap3A_550 = tpu.vector_load %arg8[%swap3A_548, %swap3A_549] {strides = array<i32>} : memref<128x128xf32, #tpu.memory_space<vmem>>, vector<1x16xf32>,
      %swap3A_551 = vector.shape_cast %swap3A_550 : vector<1x16xf32> to vector<16xf32>
      %swap3A_552 = vector.shape_cast %broadcast_in_dim3A_547 : vector<16xf32> to vector<1x16xf32>
      tpu.vector_store %arg8[%swap3A_548, %swap3A_549], %swap3A_552 {strides = array<i32>} : memref<128x128xf32, #tpu.memory_space<vmem>>, vector<1x16xf32>,
      %broadcast_in_dim3A_553 = arith.constant 0.000000e+00 : f32
      %broadcast_in_dim3A_554 = vector.broadcast %broadcast_in_dim3A_553 : f32 to vector<16xf32>
      %swap3A_555 = arith.index_cast %scan3A_502 : i32 to index
      %swap3A_556 = arith.constant 112 : index
      %swap3A_557 = tpu.vector_load %arg8[%swap3A_555, %swap3A_556] {strides = array<i32>} : memref<128x128xf32, #tpu.memory_space<vmem>>, vector<1x16xf32>,
      %swap3A_558 = vector.shape_cast %swap3A_557 : vector<1x16xf32> to vector<16xf32>
      %swap3A_559 = vector.shape_cast %broadcast_in_dim3A_554 : vector<16xf32> to vector<1x16xf32>
      tpu.vector_store %arg8[%swap3A_555, %swap3A_556], %swap3A_559 {strides = array<i32>} : memref<128x128xf32, #tpu.memory_space<vmem>>, vector<1x16xf32>,
      %scan3A_560 = arith.constant 0 : i32
      scf.yield %scan3A_560 : i32
    }
    %scan3A_5 = arith.constant 128 : i32
    %mul3A = arith.constant 320 : i32
    %mul3A_6 = arith.muli %arg1, %mul3A : i32
    %add3A = arith.constant 0 : i32
    %add3A_7 = arith.addi %mul3A_6, %add3A : i32
    "tpu.region"() ({
      %run_scoped3A = tpu.sem_alloc : memref<!tpu.dma_semaphore, #tpu.memory_space<semaphore_mem>>
      %dma_start3A_502 = arith.constant 0 : i32
      %dma_start3A_503 = tpu.memref_slice %arg12[%add3A_7, %dma_start3A_502] : memref<5120x128xf32, #tpu.memory_space<vmem_shared>> -> memref<128x128xf32, #tpu.memory_space<vmem_shared>>
      %dma_start3A_504 = arith.constant 0 : i32
      %dma_start3A_505 = tpu.memref_slice %arg12[%add3A_7, %dma_start3A_504] : memref<5120x128xf32, #tpu.memory_space<vmem_shared>> -> memref<128x128xf32, #tpu.memory_space<vmem_shared>>
      tpu.enqueue_dma source(%arg8 : memref<128x128xf32, #tpu.memory_space<vmem>>) target(%dma_start3A_505 : memref<128x128xf32, #tpu.memory_space<vmem_shared>>) target_semaphore(%run_scoped3A : memref<!tpu.dma_semaphore, #tpu.memory_space<semaphore_mem>>)
      %dma_wait3A_506 = arith.constant 0 : i32
      %dma_wait3A_507 = tpu.memref_slice %arg12[%add3A_7, %dma_wait3A_506] : memref<5120x128xf32, #tpu.memory_space<vmem_shared>> -> memref<128x128xf32, #tpu.memory_space<vmem_shared>>
      %dma_wait3A_508 = arith.constant 0 : i32
      %dma_wait3A_509 = tpu.memref_slice %arg12[%add3A_7, %dma_wait3A_508] : memref<5120x128xf32, #tpu.memory_space<vmem_shared>> -> memref<128x128xf32, #tpu.memory_space<vmem_shared>>
      tpu.wait_dma2 semaphore(%run_scoped3A : memref<!tpu.dma_semaphore, #tpu.memory_space<semaphore_mem>>) src(%arg8 : memref<128x128xf32, #tpu.memory_space<vmem>>) dst(%dma_wait3A_509 : memref<128x128xf32, #tpu.memory_space<vmem_shared>>)
      tpu.yield
    }) : () -> ()
    %add3A_8 = arith.constant 128 : i32
    %add3A_9 = arith.addi %mul3A_6, %add3A_8 : i32
    "tpu.region"() ({
      %run_scoped3A = tpu.sem_alloc : memref<!tpu.dma_semaphore, #tpu.memory_space<semaphore_mem>>
      %dma_start3A_502 = arith.constant 0 : i32
      %dma_start3A_503 = tpu.memref_slice %arg12[%add3A_9, %dma_start3A_502] : memref<5120x128xf32, #tpu.memory_space<vmem_shared>> -> memref<128x128xf32, #tpu.memory_space<vmem_shared>>
      %dma_start3A_504 = arith.constant 0 : i32
      %dma_start3A_505 = tpu.memref_slice %arg12[%add3A_9, %dma_start3A_504] : memref<5120x128xf32, #tpu.memory_space<vmem_shared>> -> memref<128x128xf32, #tpu.memory_space<vmem_shared>>
      tpu.enqueue_dma source(%arg8 : memref<128x128xf32, #tpu.memory_space<vmem>>) target(%dma_start3A_505 : memref<128x128xf32, #tpu.memory_space<vmem_shared>>) target_semaphore(%run_scoped3A : memref<!tpu.dma_semaphore, #tpu.memory_space<semaphore_mem>>)
      %dma_wait3A_506 = arith.constant 0 : i32
      %dma_wait3A_507 = tpu.memref_slice %arg12[%add3A_9, %dma_wait3A_506] : memref<5120x128xf32, #tpu.memory_space<vmem_shared>> -> memref<128x128xf32, #tpu.memory_space<vmem_shared>>
      %dma_wait3A_508 = arith.constant 0 : i32
      %dma_wait3A_509 = tpu.memref_slice %arg12[%add3A_9, %dma_wait3A_508] : memref<5120x128xf32, #tpu.memory_space<vmem_shared>> -> memref<128x128xf32, #tpu.memory_space<vmem_shared>>
      tpu.wait_dma2 semaphore(%run_scoped3A : memref<!tpu.dma_semaphore, #tpu.memory_space<semaphore_mem>>) src(%arg8 : memref<128x128xf32, #tpu.memory_space<vmem>>) dst(%dma_wait3A_509 : memref<128x128xf32, #tpu.memory_space<vmem_shared>>)
      tpu.yield
    }) : () -> ()
    %add3A_10 = arith.constant 256 : i32
    %add3A_11 = arith.addi %mul3A_6, %add3A_10 : i32
    "tpu.region"() ({
      %run_scoped3A = tpu.sem_alloc : memref<!tpu.dma_semaphore, #tpu.memory_space<semaphore_mem>>
      %dma_start3A_502 = arith.constant 0 : i32
      %dma_start3A_503 = arith.constant 0 : i32
      %dma_start3A_504 = tpu.memref_slice %arg8[%dma_start3A_502, %dma_start3A_503] : memref<128x128xf32, #tpu.memory_space<vmem>> -> memref<64x128xf32, #tpu.memory_space<vmem>>
      %dma_start3A_505 = arith.constant 0 : i32
      %dma_start3A_506 = tpu.memref_slice %arg12[%add3A_11, %dma_start3A_505] : memref<5120x128xf32, #tpu.memory_space<vmem_shared>> -> memref<64x128xf32, #tpu.memory_space<vmem_shared>>
      %dma_start3A_507 = arith.constant 0 : i32
      %dma_start3A_508 = tpu.memref_slice %arg12[%add3A_11, %dma_start3A_507] : memref<5120x128xf32, #tpu.memory_space<vmem_shared>> -> memref<64x128xf32, #tpu.memory_space<vmem_shared>>
      %dma_start3A_509 = arith.constant 0 : i32
      %dma_start3A_510 = arith.constant 0 : i32
      %dma_start3A_511 = tpu.memref_slice %arg8[%dma_start3A_509, %dma_start3A_510] : memref<128x128xf32, #tpu.memory_space<vmem>> -> memref<64x128xf32, #tpu.memory_space<vmem>>
      tpu.enqueue_dma source(%dma_start3A_511 : memref<64x128xf32, #tpu.memory_space<vmem>>) target(%dma_start3A_508 : memref<64x128xf32, #tpu.memory_space<vmem_shared>>) target_semaphore(%run_scoped3A : memref<!tpu.dma_semaphore, #tpu.memory_space<semaphore_mem>>)
      %dma_wait3A_512 = arith.constant 0 : i32
      %dma_wait3A_513 = arith.constant 0 : i32
      %dma_wait3A_514 = tpu.memref_slice %arg8[%dma_wait3A_512, %dma_wait3A_513] : memref<128x128xf32, #tpu.memory_space<vmem>> -> memref<64x128xf32, #tpu.memory_space<vmem>>
      %dma_wait3A_515 = arith.constant 0 : i32
      %dma_wait3A_516 = tpu.memref_slice %arg12[%add3A_11, %dma_wait3A_515] : memref<5120x128xf32, #tpu.memory_space<vmem_shared>> -> memref<64x128xf32, #tpu.memory_space<vmem_shared>>
      %dma_wait3A_517 = arith.constant 0 : i32
      %dma_wait3A_518 = tpu.memref_slice %arg12[%add3A_11, %dma_wait3A_517] : memref<5120x128xf32, #tpu.memory_space<vmem_shared>> -> memref<64x128xf32, #tpu.memory_space<vmem_shared>>
      %dma_wait3A_519 = arith.constant 0 : i32
      %dma_wait3A_520 = arith.constant 0 : i32
      %dma_wait3A_521 = tpu.memref_slice %arg8[%dma_wait3A_519, %dma_wait3A_520] : memref<128x128xf32, #tpu.memory_space<vmem>> -> memref<64x128xf32, #tpu.memory_space<vmem>>
      tpu.wait_dma2 semaphore(%run_scoped3A : memref<!tpu.dma_semaphore, #tpu.memory_space<semaphore_mem>>) src(%dma_wait3A_521 : memref<64x128xf32, #tpu.memory_space<vmem>>) dst(%dma_wait3A_518 : memref<64x128xf32, #tpu.memory_space<vmem_shared>>)
      tpu.yield
    }) : () -> ()
    %barrier3A = arith.constant 0 : index
    tpu.barrier barrier_id(%barrier3A)
    %mul3A_12 = arith.constant 20224 : i32
    %mul3A_13 = arith.muli %arg1, %mul3A_12 : i32
    %add3A_14 = arith.constant 0 : i32
    %add3A_15 = arith.addi %mul3A_13, %add3A_14 : i32
    "tpu.region"() ({
      %run_scoped3A = tpu.sem_alloc : memref<!tpu.dma_semaphore, #tpu.memory_space<semaphore_mem>>
      %dma_start3A_502 = tpu.memref_slice %arg3[%add3A_15] : memref<323584xi32, #tpu.memory_space<hbm>> -> memref<128xi32, #tpu.memory_space<hbm>>
      %dma_start3A_503 = tpu.memref_slice %arg3[%add3A_15] : memref<323584xi32, #tpu.memory_space<hbm>> -> memref<128xi32, #tpu.memory_space<hbm>>
      tpu.enqueue_dma source(%dma_start3A_503 : memref<128xi32, #tpu.memory_space<hbm>>) target(%arg6 : memref<128xi32, #tpu.memory_space<vmem>>) target_semaphore(%run_scoped3A : memref<!tpu.dma_semaphore, #tpu.memory_space<semaphore_mem>>)
      %dma_wait3A_504 = tpu.memref_slice %arg3[%add3A_15] : memref<323584xi32, #tpu.memory_space<hbm>> -> memref<128xi32, #tpu.memory_space<hbm>>
      %dma_wait3A_505 = tpu.memref_slice %arg3[%add3A_15] : memref<323584xi32, #tpu.memory_space<hbm>> -> memref<128xi32, #tpu.memory_space<hbm>>
      tpu.wait_dma2 semaphore(%run_scoped3A : memref<!tpu.dma_semaphore, #tpu.memory_space<semaphore_mem>>) src(%dma_wait3A_505 : memref<128xi32, #tpu.memory_space<hbm>>) dst(%arg6 : memref<128xi32, #tpu.memory_space<vmem>>)
      tpu.yield
    }) : () -> ()
    "tpu.region"() ({
      %run_scoped3A = tpu.sem_alloc : memref<!tpu.dma_semaphore, #tpu.memory_space<semaphore_mem>>
      %dma_start3A_502 = tpu.memref_slice %arg4[%add3A_15] : memref<323584xi32, #tpu.memory_space<hbm>> -> memref<128xi32, #tpu.memory_space<hbm>>
      %dma_start3A_503 = tpu.memref_slice %arg4[%add3A_15] : memref<323584xi32, #tpu.memory_space<hbm>> -> memref<128xi32, #tpu.memory_space<hbm>>
      tpu.enqueue_dma source(%dma_start3A_503 : memref<128xi32, #tpu.memory_space<hbm>>) target(%arg7 : memref<128xi32, #tpu.memory_space<vmem>>) target_semaphore(%run_scoped3A : memref<!tpu.dma_semaphore, #tpu.memory_space<semaphore_mem>>)
      %dma_wait3A_504 = tpu.memref_slice %arg4[%add3A_15] : memref<323584xi32, #tpu.memory_space<hbm>> -> memref<128xi32, #tpu.memory_space<hbm>>
      %dma_wait3A_505 = tpu.memref_slice %arg4[%add3A_15] : memref<323584xi32, #tpu.memory_space<hbm>> -> memref<128xi32, #tpu.memory_space<hbm>>
      tpu.wait_dma2 semaphore(%run_scoped3A : memref<!tpu.dma_semaphore, #tpu.memory_space<semaphore_mem>>) src(%dma_wait3A_505 : memref<128xi32, #tpu.memory_space<hbm>>) dst(%arg7 : memref<128xi32, #tpu.memory_space<vmem>>)
      tpu.yield
    }) : () -> ()
    %mul3A_16 = arith.constant 5000 : i32
    %mul3A_17 = arith.muli %arg0, %mul3A_16 : i32
    %mul3A_18 = arith.constant 112 : i32
    %mul3A_19 = arith.muli %arg0, %mul3A_18 : i32
    %add3A_20 = arith.constant 5000 : i32
    %add3A_21 = arith.addi %add3A_20, %mul3A_19 : i32
    %get3A = arith.constant 0 : index
    %get3A_22 = tpu.vector_load %arg7[%get3A] {strides = array<i32>} : memref<128xi32, #tpu.memory_space<vmem>>, vector<16xi32>,
    %get3A_23 = vector.shape_cast %get3A_22 : vector<16xi32> to vector<16xi32>
    %sub3A = vector.broadcast %mul3A_17 : i32 to vector<16xi32>
    %sub3A_24 = arith.subi %get3A_23, %sub3A : vector<16xi32>
    %ge3A = arith.constant 0 : i32
    %ge3A_25 = vector.broadcast %ge3A : i32 to vector<16xi32>
    %ge3A_26 = arith.cmpi sge, %sub3A_24, %ge3A_25 : vector<16xi32>
    %lt3A = vector.broadcast %add3A_21 : i32 to vector<16xi32>
    %lt3A_27 = arith.cmpi slt, %sub3A_24, %lt3A : vector<16xi32>
    %and3A = arith.andi %ge3A_26, %lt3A_27 : vector<16xi1>
    %jit3A = arith.constant 5112 : i32
    %broadcast_in_dim3A = vector.broadcast %jit3A : i32 to vector<16xi32>
    %select_n3A = arith.select %and3A, %sub3A_24, %broadcast_in_dim3A : vector<16xi1>, vector<16xi32>
    %swap3A = arith.constant 0 : index
    %swap3A_28 = tpu.vector_load %arg7[%swap3A] {strides = array<i32>} : memref<128xi32, #tpu.memory_space<vmem>>, vector<16xi32>,
    %swap3A_29 = vector.shape_cast %swap3A_28 : vector<16xi32> to vector<16xi32>
    %swap3A_30 = vector.shape_cast %select_n3A : vector<16xi32> to vector<16xi32>
    tpu.vector_store %arg7[%swap3A], %swap3A_30 {strides = array<i32>} : memref<128xi32, #tpu.memory_space<vmem>>, vector<16xi32>,
    %get3A_31 = arith.constant 0 : index
    %get3A_32 = tpu.vector_load %arg6[%get3A_31] {strides = array<i32>} : memref<128xi32, #tpu.memory_space<vmem>>, vector<16xi32>,
    %get3A_33 = vector.shape_cast %get3A_32 : vector<16xi32> to vector<16xi32>
    %jit3A_34 = arith.constant 0 : i32
    %broadcast_in_dim3A_35 = vector.broadcast %jit3A_34 : i32 to vector<16xi32>
    %select_n3A_36 = arith.select %and3A, %get3A_33, %broadcast_in_dim3A_35 : vector<16xi1>, vector<16xi32>
    %swap3A_37 = arith.constant 0 : index
    %swap3A_38 = tpu.vector_load %arg6[%swap3A_37] {strides = array<i32>} : memref<128xi32, #tpu.memory_space<vmem>>, vector<16xi32>,
    %swap3A_39 = vector.shape_cast %swap3A_38 : vector<16xi32> to vector<16xi32>
    %swap3A_40 = vector.shape_cast %select_n3A_36 : vector<16xi32> to vector<16xi32>
    tpu.vector_store %arg6[%swap3A_37], %swap3A_40 {strides = array<i32>} : memref<128xi32, #tpu.memory_space<vmem>>, vector<16xi32>,
    %get3A_41 = arith.constant 16 : index
    %get3A_42 = tpu.vector_load %arg7[%get3A_41] {strides = array<i32>} : memref<128xi32, #tpu.memory_space<vmem>>, vector<16xi32>,
    %get3A_43 = vector.shape_cast %get3A_42 : vector<16xi32> to vector<16xi32>
    %sub3A_44 = vector.broadcast %mul3A_17 : i32 to vector<16xi32>
    %sub3A_45 = arith.subi %get3A_43, %sub3A_44 : vector<16xi32>
    %ge3A_46 = arith.constant 0 : i32
    %ge3A_47 = vector.broadcast %ge3A_46 : i32 to vector<16xi32>
    %ge3A_48 = arith.cmpi sge, %sub3A_45, %ge3A_47 : vector<16xi32>
    %lt3A_49 = vector.broadcast %add3A_21 : i32 to vector<16xi32>
    %lt3A_50 = arith.cmpi slt, %sub3A_45, %lt3A_49 : vector<16xi32>
    %and3A_51 = arith.andi %ge3A_48, %lt3A_50 : vector<16xi1>
    %jit3A_52 = arith.constant 5112 : i32
    %broadcast_in_dim3A_53 = vector.broadcast %jit3A_52 : i32 to vector<16xi32>
    %select_n3A_54 = arith.select %and3A_51, %sub3A_45, %broadcast_in_dim3A_53 : vector<16xi1>, vector<16xi32>
    %swap3A_55 = arith.constant 16 : index
    %swap3A_56 = tpu.vector_load %arg7[%swap3A_55] {strides = array<i32>} : memref<128xi32, #tpu.memory_space<vmem>>, vector<16xi32>,
    %swap3A_57 = vector.shape_cast %swap3A_56 : vector<16xi32> to vector<16xi32>
    %swap3A_58 = vector.shape_cast %select_n3A_54 : vector<16xi32> to vector<16xi32>
    tpu.vector_store %arg7[%swap3A_55], %swap3A_58 {strides = array<i32>} : memref<128xi32, #tpu.memory_space<vmem>>, vector<16xi32>,
    %get3A_59 = arith.constant 16 : index
    %get3A_60 = tpu.vector_load %arg6[%get3A_59] {strides = array<i32>} : memref<128xi32, #tpu.memory_space<vmem>>, vector<16xi32>,
    %get3A_61 = vector.shape_cast %get3A_60 : vector<16xi32> to vector<16xi32>
    %jit3A_62 = arith.constant 0 : i32
    %broadcast_in_dim3A_63 = vector.broadcast %jit3A_62 : i32 to vector<16xi32>
    %select_n3A_64 = arith.select %and3A_51, %get3A_61, %broadcast_in_dim3A_63 : vector<16xi1>, vector<16xi32>
    %swap3A_65 = arith.constant 16 : index
    %swap3A_66 = tpu.vector_load %arg6[%swap3A_65] {strides = array<i32>} : memref<128xi32, #tpu.memory_space<vmem>>, vector<16xi32>,
    %swap3A_67 = vector.shape_cast %swap3A_66 : vector<16xi32> to vector<16xi32>
    %swap3A_68 = vector.shape_cast %select_n3A_64 : vector<16xi32> to vector<16xi32>
    tpu.vector_store %arg6[%swap3A_65], %swap3A_68 {strides = array<i32>} : memref<128xi32, #tpu.memory_space<vmem>>, vector<16xi32>,
    %get3A_69 = arith.constant 32 : index
    %get3A_70 = tpu.vector_load %arg7[%get3A_69] {strides = array<i32>} : memref<128xi32, #tpu.memory_space<vmem>>, vector<16xi32>,
    %get3A_71 = vector.shape_cast %get3A_70 : vector<16xi32> to vector<16xi32>
    %sub3A_72 = vector.broadcast %mul3A_17 : i32 to vector<16xi32>
    %sub3A_73 = arith.subi %get3A_71, %sub3A_72 : vector<16xi32>
    %ge3A_74 = arith.constant 0 : i32
    %ge3A_75 = vector.broadcast %ge3A_74 : i32 to vector<16xi32>
    %ge3A_76 = arith.cmpi sge, %sub3A_73, %ge3A_75 : vector<16xi32>
    %lt3A_77 = vector.broadcast %add3A_21 : i32 to vector<16xi32>
    %lt3A_78 = arith.cmpi slt, %sub3A_73, %lt3A_77 : vector<16xi32>
    %and3A_79 = arith.andi %ge3A_76, %lt3A_78 : vector<16xi1>
    %jit3A_80 = arith.constant 5112 : i32
    %broadcast_in_dim3A_81 = vector.broadcast %jit3A_80 : i32 to vector<16xi32>
    %select_n3A_82 = arith.select %and3A_79, %sub3A_73, %broadcast_in_dim3A_81 : vector<16xi1>, vector<16xi32>
    %swap3A_83 = arith.constant 32 : index
    %swap3A_84 = tpu.vector_load %arg7[%swap3A_83] {strides = array<i32>} : memref<128xi32, #tpu.memory_space<vmem>>, vector<16xi32>,
    %swap3A_85 = vector.shape_cast %swap3A_84 : vector<16xi32> to vector<16xi32>
    %swap3A_86 = vector.shape_cast %select_n3A_82 : vector<16xi32> to vector<16xi32>
    tpu.vector_store %arg7[%swap3A_83], %swap3A_86 {strides = array<i32>} : memref<128xi32, #tpu.memory_space<vmem>>, vector<16xi32>,
    %get3A_87 = arith.constant 32 : index
    %get3A_88 = tpu.vector_load %arg6[%get3A_87] {strides = array<i32>} : memref<128xi32, #tpu.memory_space<vmem>>, vector<16xi32>,
    %get3A_89 = vector.shape_cast %get3A_88 : vector<16xi32> to vector<16xi32>
    %jit3A_90 = arith.constant 0 : i32
    %broadcast_in_dim3A_91 = vector.broadcast %jit3A_90 : i32 to vector<16xi32>
    %select_n3A_92 = arith.select %and3A_79, %get3A_89, %broadcast_in_dim3A_91 : vector<16xi1>, vector<16xi32>
    %swap3A_93 = arith.constant 32 : index
    %swap3A_94 = tpu.vector_load %arg6[%swap3A_93] {strides = array<i32>} : memref<128xi32, #tpu.memory_space<vmem>>, vector<16xi32>,
    %swap3A_95 = vector.shape_cast %swap3A_94 : vector<16xi32> to vector<16xi32>
    %swap3A_96 = vector.shape_cast %select_n3A_92 : vector<16xi32> to vector<16xi32>
    tpu.vector_store %arg6[%swap3A_93], %swap3A_96 {strides = array<i32>} : memref<128xi32, #tpu.memory_space<vmem>>, vector<16xi32>,
    %get3A_97 = arith.constant 48 : index
    %get3A_98 = tpu.vector_load %arg7[%get3A_97] {strides = array<i32>} : memref<128xi32, #tpu.memory_space<vmem>>, vector<16xi32>,
    %get3A_99 = vector.shape_cast %get3A_98 : vector<16xi32> to vector<16xi32>
    %sub3A_100 = vector.broadcast %mul3A_17 : i32 to vector<16xi32>
    %sub3A_101 = arith.subi %get3A_99, %sub3A_100 : vector<16xi32>
    %ge3A_102 = arith.constant 0 : i32
    %ge3A_103 = vector.broadcast %ge3A_102 : i32 to vector<16xi32>
    %ge3A_104 = arith.cmpi sge, %sub3A_101, %ge3A_103 : vector<16xi32>
    %lt3A_105 = vector.broadcast %add3A_21 : i32 to vector<16xi32>
    %lt3A_106 = arith.cmpi slt, %sub3A_101, %lt3A_105 : vector<16xi32>
    %and3A_107 = arith.andi %ge3A_104, %lt3A_106 : vector<16xi1>
    %jit3A_108 = arith.constant 5112 : i32
    %broadcast_in_dim3A_109 = vector.broadcast %jit3A_108 : i32 to vector<16xi32>
    %select_n3A_110 = arith.select %and3A_107, %sub3A_101, %broadcast_in_dim3A_109 : vector<16xi1>, vector<16xi32>
    %swap3A_111 = arith.constant 48 : index
    %swap3A_112 = tpu.vector_load %arg7[%swap3A_111] {strides = array<i32>} : memref<128xi32, #tpu.memory_space<vmem>>, vector<16xi32>,
    %swap3A_113 = vector.shape_cast %swap3A_112 : vector<16xi32> to vector<16xi32>
    %swap3A_114 = vector.shape_cast %select_n3A_110 : vector<16xi32> to vector<16xi32>
    tpu.vector_store %arg7[%swap3A_111], %swap3A_114 {strides = array<i32>} : memref<128xi32, #tpu.memory_space<vmem>>, vector<16xi32>,
    %get3A_115 = arith.constant 48 : index
    %get3A_116 = tpu.vector_load %arg6[%get3A_115] {strides = array<i32>} : memref<128xi32, #tpu.memory_space<vmem>>, vector<16xi32>,
    %get3A_117 = vector.shape_cast %get3A_116 : vector<16xi32> to vector<16xi32>
    %jit3A_118 = arith.constant 0 : i32
    %broadcast_in_dim3A_119 = vector.broadcast %jit3A_118 : i32 to vector<16xi32>
    %select_n3A_120 = arith.select %and3A_107, %get3A_117, %broadcast_in_dim3A_119 : vector<16xi1>, vector<16xi32>
    %swap3A_121 = arith.constant 48 : index
    %swap3A_122 = tpu.vector_load %arg6[%swap3A_121] {strides = array<i32>} : memref<128xi32, #tpu.memory_space<vmem>>, vector<16xi32>,
    %swap3A_123 = vector.shape_cast %swap3A_122 : vector<16xi32> to vector<16xi32>
    %swap3A_124 = vector.shape_cast %select_n3A_120 : vector<16xi32> to vector<16xi32>
    tpu.vector_store %arg6[%swap3A_121], %swap3A_124 {strides = array<i32>} : memref<128xi32, #tpu.memory_space<vmem>>, vector<16xi32>,
    %get3A_125 = arith.constant 64 : index
    %get3A_126 = tpu.vector_load %arg7[%get3A_125] {strides = array<i32>} : memref<128xi32, #tpu.memory_space<vmem>>, vector<16xi32>,
    %get3A_127 = vector.shape_cast %get3A_126 : vector<16xi32> to vector<16xi32>
    %sub3A_128 = vector.broadcast %mul3A_17 : i32 to vector<16xi32>
    %sub3A_129 = arith.subi %get3A_127, %sub3A_128 : vector<16xi32>
    %ge3A_130 = arith.constant 0 : i32
    %ge3A_131 = vector.broadcast %ge3A_130 : i32 to vector<16xi32>
    %ge3A_132 = arith.cmpi sge, %sub3A_129, %ge3A_131 : vector<16xi32>
    %lt3A_133 = vector.broadcast %add3A_21 : i32 to vector<16xi32>
    %lt3A_134 = arith.cmpi slt, %sub3A_129, %lt3A_133 : vector<16xi32>
    %and3A_135 = arith.andi %ge3A_132, %lt3A_134 : vector<16xi1>
    %jit3A_136 = arith.constant 5112 : i32
    %broadcast_in_dim3A_137 = vector.broadcast %jit3A_136 : i32 to vector<16xi32>
    %select_n3A_138 = arith.select %and3A_135, %sub3A_129, %broadcast_in_dim3A_137 : vector<16xi1>, vector<16xi32>
    %swap3A_139 = arith.constant 64 : index
    %swap3A_140 = tpu.vector_load %arg7[%swap3A_139] {strides = array<i32>} : memref<128xi32, #tpu.memory_space<vmem>>, vector<16xi32>,
    %swap3A_141 = vector.shape_cast %swap3A_140 : vector<16xi32> to vector<16xi32>
    %swap3A_142 = vector.shape_cast %select_n3A_138 : vector<16xi32> to vector<16xi32>
    tpu.vector_store %arg7[%swap3A_139], %swap3A_142 {strides = array<i32>} : memref<128xi32, #tpu.memory_space<vmem>>, vector<16xi32>,
    %get3A_143 = arith.constant 64 : index
    %get3A_144 = tpu.vector_load %arg6[%get3A_143] {strides = array<i32>} : memref<128xi32, #tpu.memory_space<vmem>>, vector<16xi32>,
    %get3A_145 = vector.shape_cast %get3A_144 : vector<16xi32> to vector<16xi32>
    %jit3A_146 = arith.constant 0 : i32
    %broadcast_in_dim3A_147 = vector.broadcast %jit3A_146 : i32 to vector<16xi32>
    %select_n3A_148 = arith.select %and3A_135, %get3A_145, %broadcast_in_dim3A_147 : vector<16xi1>, vector<16xi32>
    %swap3A_149 = arith.constant 64 : index
    %swap3A_150 = tpu.vector_load %arg6[%swap3A_149] {strides = array<i32>} : memref<128xi32, #tpu.memory_space<vmem>>, vector<16xi32>,
    %swap3A_151 = vector.shape_cast %swap3A_150 : vector<16xi32> to vector<16xi32>
    %swap3A_152 = vector.shape_cast %select_n3A_148 : vector<16xi32> to vector<16xi32>
    tpu.vector_store %arg6[%swap3A_149], %swap3A_152 {strides = array<i32>} : memref<128xi32, #tpu.memory_space<vmem>>, vector<16xi32>,
    %get3A_153 = arith.constant 80 : index
    %get3A_154 = tpu.vector_load %arg7[%get3A_153] {strides = array<i32>} : memref<128xi32, #tpu.memory_space<vmem>>, vector<16xi32>,
    %get3A_155 = vector.shape_cast %get3A_154 : vector<16xi32> to vector<16xi32>
    %sub3A_156 = vector.broadcast %mul3A_17 : i32 to vector<16xi32>
    %sub3A_157 = arith.subi %get3A_155, %sub3A_156 : vector<16xi32>
    %ge3A_158 = arith.constant 0 : i32
    %ge3A_159 = vector.broadcast %ge3A_158 : i32 to vector<16xi32>
    %ge3A_160 = arith.cmpi sge, %sub3A_157, %ge3A_159 : vector<16xi32>
    %lt3A_161 = vector.broadcast %add3A_21 : i32 to vector<16xi32>
    %lt3A_162 = arith.cmpi slt, %sub3A_157, %lt3A_161 : vector<16xi32>
    %and3A_163 = arith.andi %ge3A_160, %lt3A_162 : vector<16xi1>
    %jit3A_164 = arith.constant 5112 : i32
    %broadcast_in_dim3A_165 = vector.broadcast %jit3A_164 : i32 to vector<16xi32>
    %select_n3A_166 = arith.select %and3A_163, %sub3A_157, %broadcast_in_dim3A_165 : vector<16xi1>, vector<16xi32>
    %swap3A_167 = arith.constant 80 : index
    %swap3A_168 = tpu.vector_load %arg7[%swap3A_167] {strides = array<i32>} : memref<128xi32, #tpu.memory_space<vmem>>, vector<16xi32>,
    %swap3A_169 = vector.shape_cast %swap3A_168 : vector<16xi32> to vector<16xi32>
    %swap3A_170 = vector.shape_cast %select_n3A_166 : vector<16xi32> to vector<16xi32>
    tpu.vector_store %arg7[%swap3A_167], %swap3A_170 {strides = array<i32>} : memref<128xi32, #tpu.memory_space<vmem>>, vector<16xi32>,
    %get3A_171 = arith.constant 80 : index
    %get3A_172 = tpu.vector_load %arg6[%get3A_171] {strides = array<i32>} : memref<128xi32, #tpu.memory_space<vmem>>, vector<16xi32>,
    %get3A_173 = vector.shape_cast %get3A_172 : vector<16xi32> to vector<16xi32>
    %jit3A_174 = arith.constant 0 : i32
    %broadcast_in_dim3A_175 = vector.broadcast %jit3A_174 : i32 to vector<16xi32>
    %select_n3A_176 = arith.select %and3A_163, %get3A_173, %broadcast_in_dim3A_175 : vector<16xi1>, vector<16xi32>
    %swap3A_177 = arith.constant 80 : index
    %swap3A_178 = tpu.vector_load %arg6[%swap3A_177] {strides = array<i32>} : memref<128xi32, #tpu.memory_space<vmem>>, vector<16xi32>,
    %swap3A_179 = vector.shape_cast %swap3A_178 : vector<16xi32> to vector<16xi32>
    %swap3A_180 = vector.shape_cast %select_n3A_176 : vector<16xi32> to vector<16xi32>
    tpu.vector_store %arg6[%swap3A_177], %swap3A_180 {strides = array<i32>} : memref<128xi32, #tpu.memory_space<vmem>>, vector<16xi32>,
    %get3A_181 = arith.constant 96 : index
    %get3A_182 = tpu.vector_load %arg7[%get3A_181] {strides = array<i32>} : memref<128xi32, #tpu.memory_space<vmem>>, vector<16xi32>,
    %get3A_183 = vector.shape_cast %get3A_182 : vector<16xi32> to vector<16xi32>
    %sub3A_184 = vector.broadcast %mul3A_17 : i32 to vector<16xi32>
    %sub3A_185 = arith.subi %get3A_183, %sub3A_184 : vector<16xi32>
    %ge3A_186 = arith.constant 0 : i32
    %ge3A_187 = vector.broadcast %ge3A_186 : i32 to vector<16xi32>
    %ge3A_188 = arith.cmpi sge, %sub3A_185, %ge3A_187 : vector<16xi32>
    %lt3A_189 = vector.broadcast %add3A_21 : i32 to vector<16xi32>
    %lt3A_190 = arith.cmpi slt, %sub3A_185, %lt3A_189 : vector<16xi32>
    %and3A_191 = arith.andi %ge3A_188, %lt3A_190 : vector<16xi1>
    %jit3A_192 = arith.constant 5112 : i32
    %broadcast_in_dim3A_193 = vector.broadcast %jit3A_192 : i32 to vector<16xi32>
    %select_n3A_194 = arith.select %and3A_191, %sub3A_185, %broadcast_in_dim3A_193 : vector<16xi1>, vector<16xi32>
    %swap3A_195 = arith.constant 96 : index
    %swap3A_196 = tpu.vector_load %arg7[%swap3A_195] {strides = array<i32>} : memref<128xi32, #tpu.memory_space<vmem>>, vector<16xi32>,
    %swap3A_197 = vector.shape_cast %swap3A_196 : vector<16xi32> to vector<16xi32>
    %swap3A_198 = vector.shape_cast %select_n3A_194 : vector<16xi32> to vector<16xi32>
    tpu.vector_store %arg7[%swap3A_195], %swap3A_198 {strides = array<i32>} : memref<128xi32, #tpu.memory_space<vmem>>, vector<16xi32>,
    %get3A_199 = arith.constant 96 : index
    %get3A_200 = tpu.vector_load %arg6[%get3A_199] {strides = array<i32>} : memref<128xi32, #tpu.memory_space<vmem>>, vector<16xi32>,
    %get3A_201 = vector.shape_cast %get3A_200 : vector<16xi32> to vector<16xi32>
    %jit3A_202 = arith.constant 0 : i32
    %broadcast_in_dim3A_203 = vector.broadcast %jit3A_202 : i32 to vector<16xi32>
    %select_n3A_204 = arith.select %and3A_191, %get3A_201, %broadcast_in_dim3A_203 : vector<16xi1>, vector<16xi32>
    %swap3A_205 = arith.constant 96 : index
    %swap3A_206 = tpu.vector_load %arg6[%swap3A_205] {strides = array<i32>} : memref<128xi32, #tpu.memory_space<vmem>>, vector<16xi32>,
    %swap3A_207 = vector.shape_cast %swap3A_206 : vector<16xi32> to vector<16xi32>
    %swap3A_208 = vector.shape_cast %select_n3A_204 : vector<16xi32> to vector<16xi32>
    tpu.vector_store %arg6[%swap3A_205], %swap3A_208 {strides = array<i32>} : memref<128xi32, #tpu.memory_space<vmem>>, vector<16xi32>,
    %get3A_209 = arith.constant 112 : index
    %get3A_210 = tpu.vector_load %arg7[%get3A_209] {strides = array<i32>} : memref<128xi32, #tpu.memory_space<vmem>>, vector<16xi32>,
    %get3A_211 = vector.shape_cast %get3A_210 : vector<16xi32> to vector<16xi32>
    %sub3A_212 = vector.broadcast %mul3A_17 : i32 to vector<16xi32>
    %sub3A_213 = arith.subi %get3A_211, %sub3A_212 : vector<16xi32>
    %ge3A_214 = arith.constant 0 : i32
    %ge3A_215 = vector.broadcast %ge3A_214 : i32 to vector<16xi32>
    %ge3A_216 = arith.cmpi sge, %sub3A_213, %ge3A_215 : vector<16xi32>
    %lt3A_217 = vector.broadcast %add3A_21 : i32 to vector<16xi32>
    %lt3A_218 = arith.cmpi slt, %sub3A_213, %lt3A_217 : vector<16xi32>
    %and3A_219 = arith.andi %ge3A_216, %lt3A_218 : vector<16xi1>
    %jit3A_220 = arith.constant 5112 : i32
    %broadcast_in_dim3A_221 = vector.broadcast %jit3A_220 : i32 to vector<16xi32>
    %select_n3A_222 = arith.select %and3A_219, %sub3A_213, %broadcast_in_dim3A_221 : vector<16xi1>, vector<16xi32>
    %swap3A_223 = arith.constant 112 : index
    %swap3A_224 = tpu.vector_load %arg7[%swap3A_223] {strides = array<i32>} : memref<128xi32, #tpu.memory_space<vmem>>, vector<16xi32>,
    %swap3A_225 = vector.shape_cast %swap3A_224 : vector<16xi32> to vector<16xi32>
    %swap3A_226 = vector.shape_cast %select_n3A_222 : vector<16xi32> to vector<16xi32>
    tpu.vector_store %arg7[%swap3A_223], %swap3A_226 {strides = array<i32>} : memref<128xi32, #tpu.memory_space<vmem>>, vector<16xi32>,
    %get3A_227 = arith.constant 112 : index
    %get3A_228 = tpu.vector_load %arg6[%get3A_227] {strides = array<i32>} : memref<128xi32, #tpu.memory_space<vmem>>, vector<16xi32>,
    %get3A_229 = vector.shape_cast %get3A_228 : vector<16xi32> to vector<16xi32>
    %jit3A_230 = arith.constant 0 : i32
    %broadcast_in_dim3A_231 = vector.broadcast %jit3A_230 : i32 to vector<16xi32>
    %select_n3A_232 = arith.select %and3A_219, %get3A_229, %broadcast_in_dim3A_231 : vector<16xi1>, vector<16xi32>
    %swap3A_233 = arith.constant 112 : index
    %swap3A_234 = tpu.vector_load %arg6[%swap3A_233] {strides = array<i32>} : memref<128xi32, #tpu.memory_space<vmem>>, vector<16xi32>,
    %swap3A_235 = vector.shape_cast %swap3A_234 : vector<16xi32> to vector<16xi32>
    %swap3A_236 = vector.shape_cast %select_n3A_232 : vector<16xi32> to vector<16xi32>
    tpu.vector_store %arg6[%swap3A_233], %swap3A_236 {strides = array<i32>} : memref<128xi32, #tpu.memory_space<vmem>>, vector<16xi32>,
    %dma_start3A = arith.constant 0 : i32
    %dma_start3A_237 = arith.constant 0 : i32
    %dma_start3A_238 = tpu.memref_slice %arg2[%dma_start3A, %dma_start3A_237] : memref<10000x128xf32, #tpu.memory_space<hbm>> -> memref<10000x128xf32, #tpu.memory_space<hbm>>
    tpu.enqueue_indirect_dma source(%dma_start3A_238 : memref<10000x128xf32, #tpu.memory_space<hbm>>) target(%arg8 : memref<128x128xf32, #tpu.memory_space<vmem>>) offsets(%arg6 : memref<128xi32, #tpu.memory_space<vmem>>) semaphore(%arg13 : memref<!tpu.dma_semaphore, #tpu.memory_space<semaphore_mem>>)
    %add3A_239 = arith.constant 128 : i32
    %add3A_240 = arith.addi %mul3A_13, %add3A_239 : i32
    "tpu.region"() ({
      %run_scoped3A = tpu.sem_alloc : memref<!tpu.dma_semaphore, #tpu.memory_space<semaphore_mem>>
      %dma_start3A_502 = tpu.memref_slice %arg3[%add3A_240] : memref<323584xi32, #tpu.memory_space<hbm>> -> memref<128xi32, #tpu.memory_space<hbm>>
      %dma_start3A_503 = tpu.memref_slice %arg3[%add3A_240] : memref<323584xi32, #tpu.memory_space<hbm>> -> memref<128xi32, #tpu.memory_space<hbm>>
      tpu.enqueue_dma source(%dma_start3A_503 : memref<128xi32, #tpu.memory_space<hbm>>) target(%arg9 : memref<128xi32, #tpu.memory_space<vmem>>) target_semaphore(%run_scoped3A : memref<!tpu.dma_semaphore, #tpu.memory_space<semaphore_mem>>)
      %dma_wait3A_504 = tpu.memref_slice %arg3[%add3A_240] : memref<323584xi32, #tpu.memory_space<hbm>> -> memref<128xi32, #tpu.memory_space<hbm>>
      %dma_wait3A_505 = tpu.memref_slice %arg3[%add3A_240] : memref<323584xi32, #tpu.memory_space<hbm>> -> memref<128xi32, #tpu.memory_space<hbm>>
      tpu.wait_dma2 semaphore(%run_scoped3A : memref<!tpu.dma_semaphore, #tpu.memory_space<semaphore_mem>>) src(%dma_wait3A_505 : memref<128xi32, #tpu.memory_space<hbm>>) dst(%arg9 : memref<128xi32, #tpu.memory_space<vmem>>)
      tpu.yield
    }) : () -> ()
    "tpu.region"() ({
      %run_scoped3A = tpu.sem_alloc : memref<!tpu.dma_semaphore, #tpu.memory_space<semaphore_mem>>
      %dma_start3A_502 = tpu.memref_slice %arg4[%add3A_240] : memref<323584xi32, #tpu.memory_space<hbm>> -> memref<128xi32, #tpu.memory_space<hbm>>
      %dma_start3A_503 = tpu.memref_slice %arg4[%add3A_240] : memref<323584xi32, #tpu.memory_space<hbm>> -> memref<128xi32, #tpu.memory_space<hbm>>
      tpu.enqueue_dma source(%dma_start3A_503 : memref<128xi32, #tpu.memory_space<hbm>>) target(%arg10 : memref<128xi32, #tpu.memory_space<vmem>>) target_semaphore(%run_scoped3A : memref<!tpu.dma_semaphore, #tpu.memory_space<semaphore_mem>>)
      %dma_wait3A_504 = tpu.memref_slice %arg4[%add3A_240] : memref<323584xi32, #tpu.memory_space<hbm>> -> memref<128xi32, #tpu.memory_space<hbm>>
      %dma_wait3A_505 = tpu.memref_slice %arg4[%add3A_240] : memref<323584xi32, #tpu.memory_space<hbm>> -> memref<128xi32, #tpu.memory_space<hbm>>
      tpu.wait_dma2 semaphore(%run_scoped3A : memref<!tpu.dma_semaphore, #tpu.memory_space<semaphore_mem>>) src(%dma_wait3A_505 : memref<128xi32, #tpu.memory_space<hbm>>) dst(%arg10 : memref<128xi32, #tpu.memory_space<vmem>>)
      tpu.yield
    }) : () -> ()
    %mul3A_241 = arith.constant 5000 : i32
    %mul3A_242 = arith.muli %arg0, %mul3A_241 : i32
    %mul3A_243 = arith.constant 112 : i32
    %mul3A_244 = arith.muli %arg0, %mul3A_243 : i32
    %add3A_245 = arith.constant 5000 : i32
    %add3A_246 = arith.addi %add3A_245, %mul3A_244 : i32
    %get3A_247 = arith.constant 0 : index
    %get3A_248 = tpu.vector_load %arg10[%get3A_247] {strides = array<i32>} : memref<128xi32, #tpu.memory_space<vmem>>, vector<16xi32>,
    %get3A_249 = vector.shape_cast %get3A_248 : vector<16xi32> to vector<16xi32>
    %sub3A_250 = vector.broadcast %mul3A_242 : i32 to vector<16xi32>
    %sub3A_251 = arith.subi %get3A_249, %sub3A_250 : vector<16xi32>
    %ge3A_252 = arith.constant 0 : i32
    %ge3A_253 = vector.broadcast %ge3A_252 : i32 to vector<16xi32>
    %ge3A_254 = arith.cmpi sge, %sub3A_251, %ge3A_253 : vector<16xi32>
    %lt3A_255 = vector.broadcast %add3A_246 : i32 to vector<16xi32>
    %lt3A_256 = arith.cmpi slt, %sub3A_251, %lt3A_255 : vector<16xi32>
    %and3A_257 = arith.andi %ge3A_254, %lt3A_256 : vector<16xi1>
    %jit3A_258 = arith.constant 5112 : i32
    %broadcast_in_dim3A_259 = vector.broadcast %jit3A_258 : i32 to vector<16xi32>
    %select_n3A_260 = arith.select %and3A_257, %sub3A_251, %broadcast_in_dim3A_259 : vector<16xi1>, vector<16xi32>
    %swap3A_261 = arith.constant 0 : index
    %swap3A_262 = tpu.vector_load %arg10[%swap3A_261] {strides = array<i32>} : memref<128xi32, #tpu.memory_space<vmem>>, vector<16xi32>,
    %swap3A_263 = vector.shape_cast %swap3A_262 : vector<16xi32> to vector<16xi32>
    %swap3A_264 = vector.shape_cast %select_n3A_260 : vector<16xi32> to vector<16xi32>
    tpu.vector_store %arg10[%swap3A_261], %swap3A_264 {strides = array<i32>} : memref<128xi32, #tpu.memory_space<vmem>>, vector<16xi32>,
    %get3A_265 = arith.constant 0 : index
    %get3A_266 = tpu.vector_load %arg9[%get3A_265] {strides = array<i32>} : memref<128xi32, #tpu.memory_space<vmem>>, vector<16xi32>,
    %get3A_267 = vector.shape_cast %get3A_266 : vector<16xi32> to vector<16xi32>
    %jit3A_268 = arith.constant 0 : i32
    %broadcast_in_dim3A_269 = vector.broadcast %jit3A_268 : i32 to vector<16xi32>
    %select_n3A_270 = arith.select %and3A_257, %get3A_267, %broadcast_in_dim3A_269 : vector<16xi1>, vector<16xi32>
    %swap3A_271 = arith.constant 0 : index
    %swap3A_272 = tpu.vector_load %arg9[%swap3A_271] {strides = array<i32>} : memref<128xi32, #tpu.memory_space<vmem>>, vector<16xi32>,
    %swap3A_273 = vector.shape_cast %swap3A_272 : vector<16xi32> to vector<16xi32>
    %swap3A_274 = vector.shape_cast %select_n3A_270 : vector<16xi32> to vector<16xi32>
    tpu.vector_store %arg9[%swap3A_271], %swap3A_274 {strides = array<i32>} : memref<128xi32, #tpu.memory_space<vmem>>, vector<16xi32>,
    %get3A_275 = arith.constant 16 : index
    %get3A_276 = tpu.vector_load %arg10[%get3A_275] {strides = array<i32>} : memref<128xi32, #tpu.memory_space<vmem>>, vector<16xi32>,
    %get3A_277 = vector.shape_cast %get3A_276 : vector<16xi32> to vector<16xi32>
    %sub3A_278 = vector.broadcast %mul3A_242 : i32 to vector<16xi32>
    %sub3A_279 = arith.subi %get3A_277, %sub3A_278 : vector<16xi32>
    %ge3A_280 = arith.constant 0 : i32
    %ge3A_281 = vector.broadcast %ge3A_280 : i32 to vector<16xi32>
    %ge3A_282 = arith.cmpi sge, %sub3A_279, %ge3A_281 : vector<16xi32>
    %lt3A_283 = vector.broadcast %add3A_246 : i32 to vector<16xi32>
    %lt3A_284 = arith.cmpi slt, %sub3A_279, %lt3A_283 : vector<16xi32>
    %and3A_285 = arith.andi %ge3A_282, %lt3A_284 : vector<16xi1>
    %jit3A_286 = arith.constant 5112 : i32
    %broadcast_in_dim3A_287 = vector.broadcast %jit3A_286 : i32 to vector<16xi32>
    %select_n3A_288 = arith.select %and3A_285, %sub3A_279, %broadcast_in_dim3A_287 : vector<16xi1>, vector<16xi32>
    %swap3A_289 = arith.constant 16 : index
    %swap3A_290 = tpu.vector_load %arg10[%swap3A_289] {strides = array<i32>} : memref<128xi32, #tpu.memory_space<vmem>>, vector<16xi32>,
    %swap3A_291 = vector.shape_cast %swap3A_290 : vector<16xi32> to vector<16xi32>
    %swap3A_292 = vector.shape_cast %select_n3A_288 : vector<16xi32> to vector<16xi32>
    tpu.vector_store %arg10[%swap3A_289], %swap3A_292 {strides = array<i32>} : memref<128xi32, #tpu.memory_space<vmem>>, vector<16xi32>,
    %get3A_293 = arith.constant 16 : index
    %get3A_294 = tpu.vector_load %arg9[%get3A_293] {strides = array<i32>} : memref<128xi32, #tpu.memory_space<vmem>>, vector<16xi32>,
    %get3A_295 = vector.shape_cast %get3A_294 : vector<16xi32> to vector<16xi32>
    %jit3A_296 = arith.constant 0 : i32
    %broadcast_in_dim3A_297 = vector.broadcast %jit3A_296 : i32 to vector<16xi32>
    %select_n3A_298 = arith.select %and3A_285, %get3A_295, %broadcast_in_dim3A_297 : vector<16xi1>, vector<16xi32>
    %swap3A_299 = arith.constant 16 : index
    %swap3A_300 = tpu.vector_load %arg9[%swap3A_299] {strides = array<i32>} : memref<128xi32, #tpu.memory_space<vmem>>, vector<16xi32>,
    %swap3A_301 = vector.shape_cast %swap3A_300 : vector<16xi32> to vector<16xi32>
    %swap3A_302 = vector.shape_cast %select_n3A_298 : vector<16xi32> to vector<16xi32>
    tpu.vector_store %arg9[%swap3A_299], %swap3A_302 {strides = array<i32>} : memref<128xi32, #tpu.memory_space<vmem>>, vector<16xi32>,
    %get3A_303 = arith.constant 32 : index
    %get3A_304 = tpu.vector_load %arg10[%get3A_303] {strides = array<i32>} : memref<128xi32, #tpu.memory_space<vmem>>, vector<16xi32>,
    %get3A_305 = vector.shape_cast %get3A_304 : vector<16xi32> to vector<16xi32>
    %sub3A_306 = vector.broadcast %mul3A_242 : i32 to vector<16xi32>
    %sub3A_307 = arith.subi %get3A_305, %sub3A_306 : vector<16xi32>
    %ge3A_308 = arith.constant 0 : i32
    %ge3A_309 = vector.broadcast %ge3A_308 : i32 to vector<16xi32>
    %ge3A_310 = arith.cmpi sge, %sub3A_307, %ge3A_309 : vector<16xi32>
    %lt3A_311 = vector.broadcast %add3A_246 : i32 to vector<16xi32>
    %lt3A_312 = arith.cmpi slt, %sub3A_307, %lt3A_311 : vector<16xi32>
    %and3A_313 = arith.andi %ge3A_310, %lt3A_312 : vector<16xi1>
    %jit3A_314 = arith.constant 5112 : i32
    %broadcast_in_dim3A_315 = vector.broadcast %jit3A_314 : i32 to vector<16xi32>
    %select_n3A_316 = arith.select %and3A_313, %sub3A_307, %broadcast_in_dim3A_315 : vector<16xi1>, vector<16xi32>
    %swap3A_317 = arith.constant 32 : index
    %swap3A_318 = tpu.vector_load %arg10[%swap3A_317] {strides = array<i32>} : memref<128xi32, #tpu.memory_space<vmem>>, vector<16xi32>,
    %swap3A_319 = vector.shape_cast %swap3A_318 : vector<16xi32> to vector<16xi32>
    %swap3A_320 = vector.shape_cast %select_n3A_316 : vector<16xi32> to vector<16xi32>
    tpu.vector_store %arg10[%swap3A_317], %swap3A_320 {strides = array<i32>} : memref<128xi32, #tpu.memory_space<vmem>>, vector<16xi32>,
    %get3A_321 = arith.constant 32 : index
    %get3A_322 = tpu.vector_load %arg9[%get3A_321] {strides = array<i32>} : memref<128xi32, #tpu.memory_space<vmem>>, vector<16xi32>,
    %get3A_323 = vector.shape_cast %get3A_322 : vector<16xi32> to vector<16xi32>
    %jit3A_324 = arith.constant 0 : i32
    %broadcast_in_dim3A_325 = vector.broadcast %jit3A_324 : i32 to vector<16xi32>
    %select_n3A_326 = arith.select %and3A_313, %get3A_323, %broadcast_in_dim3A_325 : vector<16xi1>, vector<16xi32>
    %swap3A_327 = arith.constant 32 : index
    %swap3A_328 = tpu.vector_load %arg9[%swap3A_327] {strides = array<i32>} : memref<128xi32, #tpu.memory_space<vmem>>, vector<16xi32>,
    %swap3A_329 = vector.shape_cast %swap3A_328 : vector<16xi32> to vector<16xi32>
    %swap3A_330 = vector.shape_cast %select_n3A_326 : vector<16xi32> to vector<16xi32>
    tpu.vector_store %arg9[%swap3A_327], %swap3A_330 {strides = array<i32>} : memref<128xi32, #tpu.memory_space<vmem>>, vector<16xi32>,
    %get3A_331 = arith.constant 48 : index
    %get3A_332 = tpu.vector_load %arg10[%get3A_331] {strides = array<i32>} : memref<128xi32, #tpu.memory_space<vmem>>, vector<16xi32>,
    %get3A_333 = vector.shape_cast %get3A_332 : vector<16xi32> to vector<16xi32>
    %sub3A_334 = vector.broadcast %mul3A_242 : i32 to vector<16xi32>
    %sub3A_335 = arith.subi %get3A_333, %sub3A_334 : vector<16xi32>
    %ge3A_336 = arith.constant 0 : i32
    %ge3A_337 = vector.broadcast %ge3A_336 : i32 to vector<16xi32>
    %ge3A_338 = arith.cmpi sge, %sub3A_335, %ge3A_337 : vector<16xi32>
    %lt3A_339 = vector.broadcast %add3A_246 : i32 to vector<16xi32>
    %lt3A_340 = arith.cmpi slt, %sub3A_335, %lt3A_339 : vector<16xi32>
    %and3A_341 = arith.andi %ge3A_338, %lt3A_340 : vector<16xi1>
    %jit3A_342 = arith.constant 5112 : i32
    %broadcast_in_dim3A_343 = vector.broadcast %jit3A_342 : i32 to vector<16xi32>
    %select_n3A_344 = arith.select %and3A_341, %sub3A_335, %broadcast_in_dim3A_343 : vector<16xi1>, vector<16xi32>
    %swap3A_345 = arith.constant 48 : index
    %swap3A_346 = tpu.vector_load %arg10[%swap3A_345] {strides = array<i32>} : memref<128xi32, #tpu.memory_space<vmem>>, vector<16xi32>,
    %swap3A_347 = vector.shape_cast %swap3A_346 : vector<16xi32> to vector<16xi32>
    %swap3A_348 = vector.shape_cast %select_n3A_344 : vector<16xi32> to vector<16xi32>
    tpu.vector_store %arg10[%swap3A_345], %swap3A_348 {strides = array<i32>} : memref<128xi32, #tpu.memory_space<vmem>>, vector<16xi32>,
    %get3A_349 = arith.constant 48 : index
    %get3A_350 = tpu.vector_load %arg9[%get3A_349] {strides = array<i32>} : memref<128xi32, #tpu.memory_space<vmem>>, vector<16xi32>,
    %get3A_351 = vector.shape_cast %get3A_350 : vector<16xi32> to vector<16xi32>
    %jit3A_352 = arith.constant 0 : i32
    %broadcast_in_dim3A_353 = vector.broadcast %jit3A_352 : i32 to vector<16xi32>
    %select_n3A_354 = arith.select %and3A_341, %get3A_351, %broadcast_in_dim3A_353 : vector<16xi1>, vector<16xi32>
    %swap3A_355 = arith.constant 48 : index
    %swap3A_356 = tpu.vector_load %arg9[%swap3A_355] {strides = array<i32>} : memref<128xi32, #tpu.memory_space<vmem>>, vector<16xi32>,
    %swap3A_357 = vector.shape_cast %swap3A_356 : vector<16xi32> to vector<16xi32>
    %swap3A_358 = vector.shape_cast %select_n3A_354 : vector<16xi32> to vector<16xi32>
    tpu.vector_store %arg9[%swap3A_355], %swap3A_358 {strides = array<i32>} : memref<128xi32, #tpu.memory_space<vmem>>, vector<16xi32>,
    %get3A_359 = arith.constant 64 : index
    %get3A_360 = tpu.vector_load %arg10[%get3A_359] {strides = array<i32>} : memref<128xi32, #tpu.memory_space<vmem>>, vector<16xi32>,
    %get3A_361 = vector.shape_cast %get3A_360 : vector<16xi32> to vector<16xi32>
    %sub3A_362 = vector.broadcast %mul3A_242 : i32 to vector<16xi32>
    %sub3A_363 = arith.subi %get3A_361, %sub3A_362 : vector<16xi32>
    %ge3A_364 = arith.constant 0 : i32
    %ge3A_365 = vector.broadcast %ge3A_364 : i32 to vector<16xi32>
    %ge3A_366 = arith.cmpi sge, %sub3A_363, %ge3A_365 : vector<16xi32>
    %lt3A_367 = vector.broadcast %add3A_246 : i32 to vector<16xi32>
    %lt3A_368 = arith.cmpi slt, %sub3A_363, %lt3A_367 : vector<16xi32>
    %and3A_369 = arith.andi %ge3A_366, %lt3A_368 : vector<16xi1>
    %jit3A_370 = arith.constant 5112 : i32
    %broadcast_in_dim3A_371 = vector.broadcast %jit3A_370 : i32 to vector<16xi32>
    %select_n3A_372 = arith.select %and3A_369, %sub3A_363, %broadcast_in_dim3A_371 : vector<16xi1>, vector<16xi32>
    %swap3A_373 = arith.constant 64 : index
    %swap3A_374 = tpu.vector_load %arg10[%swap3A_373] {strides = array<i32>} : memref<128xi32, #tpu.memory_space<vmem>>, vector<16xi32>,
    %swap3A_375 = vector.shape_cast %swap3A_374 : vector<16xi32> to vector<16xi32>
    %swap3A_376 = vector.shape_cast %select_n3A_372 : vector<16xi32> to vector<16xi32>
    tpu.vector_store %arg10[%swap3A_373], %swap3A_376 {strides = array<i32>} : memref<128xi32, #tpu.memory_space<vmem>>, vector<16xi32>,
    %get3A_377 = arith.constant 64 : index
    %get3A_378 = tpu.vector_load %arg9[%get3A_377] {strides = array<i32>} : memref<128xi32, #tpu.memory_space<vmem>>, vector<16xi32>,
    %get3A_379 = vector.shape_cast %get3A_378 : vector<16xi32> to vector<16xi32>
    %jit3A_380 = arith.constant 0 : i32
    %broadcast_in_dim3A_381 = vector.broadcast %jit3A_380 : i32 to vector<16xi32>
    %select_n3A_382 = arith.select %and3A_369, %get3A_379, %broadcast_in_dim3A_381 : vector<16xi1>, vector<16xi32>
    %swap3A_383 = arith.constant 64 : index
    %swap3A_384 = tpu.vector_load %arg9[%swap3A_383] {strides = array<i32>} : memref<128xi32, #tpu.memory_space<vmem>>, vector<16xi32>,
    %swap3A_385 = vector.shape_cast %swap3A_384 : vector<16xi32> to vector<16xi32>
    %swap3A_386 = vector.shape_cast %select_n3A_382 : vector<16xi32> to vector<16xi32>
    tpu.vector_store %arg9[%swap3A_383], %swap3A_386 {strides = array<i32>} : memref<128xi32, #tpu.memory_space<vmem>>, vector<16xi32>,
    %get3A_387 = arith.constant 80 : index
    %get3A_388 = tpu.vector_load %arg10[%get3A_387] {strides = array<i32>} : memref<128xi32, #tpu.memory_space<vmem>>, vector<16xi32>,
    %get3A_389 = vector.shape_cast %get3A_388 : vector<16xi32> to vector<16xi32>
    %sub3A_390 = vector.broadcast %mul3A_242 : i32 to vector<16xi32>
    %sub3A_391 = arith.subi %get3A_389, %sub3A_390 : vector<16xi32>
    %ge3A_392 = arith.constant 0 : i32
    %ge3A_393 = vector.broadcast %ge3A_392 : i32 to vector<16xi32>
    %ge3A_394 = arith.cmpi sge, %sub3A_391, %ge3A_393 : vector<16xi32>
    %lt3A_395 = vector.broadcast %add3A_246 : i32 to vector<16xi32>
    %lt3A_396 = arith.cmpi slt, %sub3A_391, %lt3A_395 : vector<16xi32>
    %and3A_397 = arith.andi %ge3A_394, %lt3A_396 : vector<16xi1>
    %jit3A_398 = arith.constant 5112 : i32
    %broadcast_in_dim3A_399 = vector.broadcast %jit3A_398 : i32 to vector<16xi32>
    %select_n3A_400 = arith.select %and3A_397, %sub3A_391, %broadcast_in_dim3A_399 : vector<16xi1>, vector<16xi32>
    %swap3A_401 = arith.constant 80 : index
    %swap3A_402 = tpu.vector_load %arg10[%swap3A_401] {strides = array<i32>} : memref<128xi32, #tpu.memory_space<vmem>>, vector<16xi32>,
    %swap3A_403 = vector.shape_cast %swap3A_402 : vector<16xi32> to vector<16xi32>
    %swap3A_404 = vector.shape_cast %select_n3A_400 : vector<16xi32> to vector<16xi32>
    tpu.vector_store %arg10[%swap3A_401], %swap3A_404 {strides = array<i32>} : memref<128xi32, #tpu.memory_space<vmem>>, vector<16xi32>,
    %get3A_405 = arith.constant 80 : index
    %get3A_406 = tpu.vector_load %arg9[%get3A_405] {strides = array<i32>} : memref<128xi32, #tpu.memory_space<vmem>>, vector<16xi32>,
    %get3A_407 = vector.shape_cast %get3A_406 : vector<16xi32> to vector<16xi32>
    %jit3A_408 = arith.constant 0 : i32
    %broadcast_in_dim3A_409 = vector.broadcast %jit3A_408 : i32 to vector<16xi32>
    %select_n3A_410 = arith.select %and3A_397, %get3A_407, %broadcast_in_dim3A_409 : vector<16xi1>, vector<16xi32>
    %swap3A_411 = arith.constant 80 : index
    %swap3A_412 = tpu.vector_load %arg9[%swap3A_411] {strides = array<i32>} : memref<128xi32, #tpu.memory_space<vmem>>, vector<16xi32>,
    %swap3A_413 = vector.shape_cast %swap3A_412 : vector<16xi32> to vector<16xi32>
    %swap3A_414 = vector.shape_cast %select_n3A_410 : vector<16xi32> to vector<16xi32>
    tpu.vector_store %arg9[%swap3A_411], %swap3A_414 {strides = array<i32>} : memref<128xi32, #tpu.memory_space<vmem>>, vector<16xi32>,
    %get3A_415 = arith.constant 96 : index
    %get3A_416 = tpu.vector_load %arg10[%get3A_415] {strides = array<i32>} : memref<128xi32, #tpu.memory_space<vmem>>, vector<16xi32>,
    %get3A_417 = vector.shape_cast %get3A_416 : vector<16xi32> to vector<16xi32>
    %sub3A_418 = vector.broadcast %mul3A_242 : i32 to vector<16xi32>
    %sub3A_419 = arith.subi %get3A_417, %sub3A_418 : vector<16xi32>
    %ge3A_420 = arith.constant 0 : i32
    %ge3A_421 = vector.broadcast %ge3A_420 : i32 to vector<16xi32>
    %ge3A_422 = arith.cmpi sge, %sub3A_419, %ge3A_421 : vector<16xi32>
    %lt3A_423 = vector.broadcast %add3A_246 : i32 to vector<16xi32>
    %lt3A_424 = arith.cmpi slt, %sub3A_419, %lt3A_423 : vector<16xi32>
    %and3A_425 = arith.andi %ge3A_422, %lt3A_424 : vector<16xi1>
    %jit3A_426 = arith.constant 5112 : i32
    %broadcast_in_dim3A_427 = vector.broadcast %jit3A_426 : i32 to vector<16xi32>
    %select_n3A_428 = arith.select %and3A_425, %sub3A_419, %broadcast_in_dim3A_427 : vector<16xi1>, vector<16xi32>
    %swap3A_429 = arith.constant 96 : index
    %swap3A_430 = tpu.vector_load %arg10[%swap3A_429] {strides = array<i32>} : memref<128xi32, #tpu.memory_space<vmem>>, vector<16xi32>,
    %swap3A_431 = vector.shape_cast %swap3A_430 : vector<16xi32> to vector<16xi32>
    %swap3A_432 = vector.shape_cast %select_n3A_428 : vector<16xi32> to vector<16xi32>
    tpu.vector_store %arg10[%swap3A_429], %swap3A_432 {strides = array<i32>} : memref<128xi32, #tpu.memory_space<vmem>>, vector<16xi32>,
    %get3A_433 = arith.constant 96 : index
    %get3A_434 = tpu.vector_load %arg9[%get3A_433] {strides = array<i32>} : memref<128xi32, #tpu.memory_space<vmem>>, vector<16xi32>,
    %get3A_435 = vector.shape_cast %get3A_434 : vector<16xi32> to vector<16xi32>
    %jit3A_436 = arith.constant 0 : i32
    %broadcast_in_dim3A_437 = vector.broadcast %jit3A_436 : i32 to vector<16xi32>
    %select_n3A_438 = arith.select %and3A_425, %get3A_435, %broadcast_in_dim3A_437 : vector<16xi1>, vector<16xi32>
    %swap3A_439 = arith.constant 96 : index
    %swap3A_440 = tpu.vector_load %arg9[%swap3A_439] {strides = array<i32>} : memref<128xi32, #tpu.memory_space<vmem>>, vector<16xi32>,
    %swap3A_441 = vector.shape_cast %swap3A_440 : vector<16xi32> to vector<16xi32>
    %swap3A_442 = vector.shape_cast %select_n3A_438 : vector<16xi32> to vector<16xi32>
    tpu.vector_store %arg9[%swap3A_439], %swap3A_442 {strides = array<i32>} : memref<128xi32, #tpu.memory_space<vmem>>, vector<16xi32>,
    %get3A_443 = arith.constant 112 : index
    %get3A_444 = tpu.vector_load %arg10[%get3A_443] {strides = array<i32>} : memref<128xi32, #tpu.memory_space<vmem>>, vector<16xi32>,
    %get3A_445 = vector.shape_cast %get3A_444 : vector<16xi32> to vector<16xi32>
    %sub3A_446 = vector.broadcast %mul3A_242 : i32 to vector<16xi32>
    %sub3A_447 = arith.subi %get3A_445, %sub3A_446 : vector<16xi32>
    %ge3A_448 = arith.constant 0 : i32
    %ge3A_449 = vector.broadcast %ge3A_448 : i32 to vector<16xi32>
    %ge3A_450 = arith.cmpi sge, %sub3A_447, %ge3A_449 : vector<16xi32>
    %lt3A_451 = vector.broadcast %add3A_246 : i32 to vector<16xi32>
    %lt3A_452 = arith.cmpi slt, %sub3A_447, %lt3A_451 : vector<16xi32>
    %and3A_453 = arith.andi %ge3A_450, %lt3A_452 : vector<16xi1>
    %jit3A_454 = arith.constant 5112 : i32
    %broadcast_in_dim3A_455 = vector.broadcast %jit3A_454 : i32 to vector<16xi32>
    %select_n3A_456 = arith.select %and3A_453, %sub3A_447, %broadcast_in_dim3A_455 : vector<16xi1>, vector<16xi32>
    %swap3A_457 = arith.constant 112 : index
    %swap3A_458 = tpu.vector_load %arg10[%swap3A_457] {strides = array<i32>} : memref<128xi32, #tpu.memory_space<vmem>>, vector<16xi32>,
    %swap3A_459 = vector.shape_cast %swap3A_458 : vector<16xi32> to vector<16xi32>
    %swap3A_460 = vector.shape_cast %select_n3A_456 : vector<16xi32> to vector<16xi32>
    tpu.vector_store %arg10[%swap3A_457], %swap3A_460 {strides = array<i32>} : memref<128xi32, #tpu.memory_space<vmem>>, vector<16xi32>,
    %get3A_461 = arith.constant 112 : index
    %get3A_462 = tpu.vector_load %arg9[%get3A_461] {strides = array<i32>} : memref<128xi32, #tpu.memory_space<vmem>>, vector<16xi32>,
    %get3A_463 = vector.shape_cast %get3A_462 : vector<16xi32> to vector<16xi32>
    %jit3A_464 = arith.constant 0 : i32
    %broadcast_in_dim3A_465 = vector.broadcast %jit3A_464 : i32 to vector<16xi32>
    %select_n3A_466 = arith.select %and3A_453, %get3A_463, %broadcast_in_dim3A_465 : vector<16xi1>, vector<16xi32>
    %swap3A_467 = arith.constant 112 : index
    %swap3A_468 = tpu.vector_load %arg9[%swap3A_467] {strides = array<i32>} : memref<128xi32, #tpu.memory_space<vmem>>, vector<16xi32>,
    %swap3A_469 = vector.shape_cast %swap3A_468 : vector<16xi32> to vector<16xi32>
    %swap3A_470 = vector.shape_cast %select_n3A_466 : vector<16xi32> to vector<16xi32>
    tpu.vector_store %arg9[%swap3A_467], %swap3A_470 {strides = array<i32>} : memref<128xi32, #tpu.memory_space<vmem>>, vector<16xi32>,
    %dma_start3A_471 = arith.constant 0 : i32
    %dma_start3A_472 = arith.constant 0 : i32
    %dma_start3A_473 = tpu.memref_slice %arg2[%dma_start3A_471, %dma_start3A_472] : memref<10000x128xf32, #tpu.memory_space<hbm>> -> memref<10000x128xf32, #tpu.memory_space<hbm>>
    tpu.enqueue_indirect_dma source(%dma_start3A_473 : memref<10000x128xf32, #tpu.memory_space<hbm>>) target(%arg11 : memref<128x128xf32, #tpu.memory_space<vmem>>) offsets(%arg9 : memref<128xi32, #tpu.memory_space<vmem>>) semaphore(%arg15 : memref<!tpu.dma_semaphore, #tpu.memory_space<semaphore_mem>>)
    %scan3A_474 = arith.constant 0 : i32
    %scan3A_475 = arith.constant 0 : i32
    %scan3A_476 = arith.constant 78 : i32
    %scan3A_477 = arith.addi %scan3A_475, %scan3A_476 : i32
    %scan3A_478 = arith.constant 1 : i32
    %scan3A_479 = scf.for %scan3A_502 = %scan3A_475 to %scan3A_477 step %scan3A_478 iter_args(%scan3A_503 = %scan3A_474) -> (i32)  : i32 {
      %dma_wait3A_504 = arith.constant 0 : i32
      %dma_wait3A_505 = arith.constant 0 : i32
      %dma_wait3A_506 = tpu.memref_slice %arg2[%dma_wait3A_504, %dma_wait3A_505] : memref<10000x128xf32, #tpu.memory_space<hbm>> -> memref<10000x128xf32, #tpu.memory_space<hbm>>
      tpu.wait_indirect_dma semaphore(%arg13 : memref<!tpu.dma_semaphore, #tpu.memory_space<semaphore_mem>>) src(%dma_wait3A_506 : memref<10000x128xf32, #tpu.memory_space<hbm>>) dst(%arg8 : memref<128x128xf32, #tpu.memory_space<vmem>>)
      %dma_start3A_507 = arith.constant 0 : i32
      %dma_start3A_508 = arith.constant 0 : i32
      %dma_start3A_509 = tpu.memref_slice %arg12[%dma_start3A_507, %dma_start3A_508] : memref<5120x128xf32, #tpu.memory_space<vmem_shared>> -> memref<5120x128xf32, #tpu.memory_space<vmem_shared>>
      tpu.enqueue_indirect_dma source(%arg8 : memref<128x128xf32, #tpu.memory_space<vmem>>) target(%dma_start3A_509 : memref<5120x128xf32, #tpu.memory_space<vmem_shared>>) offsets(%arg7 : memref<128xi32, #tpu.memory_space<vmem>>) semaphore(%arg14 : memref<!tpu.dma_semaphore, #tpu.memory_space<semaphore_mem>>) {add = true}
      %dma_wait3A_510 = arith.constant 0 : i32
      %dma_wait3A_511 = arith.constant 0 : i32
      %dma_wait3A_512 = tpu.memref_slice %arg12[%dma_wait3A_510, %dma_wait3A_511] : memref<5120x128xf32, #tpu.memory_space<vmem_shared>> -> memref<5120x128xf32, #tpu.memory_space<vmem_shared>>
      tpu.wait_indirect_dma semaphore(%arg14 : memref<!tpu.dma_semaphore, #tpu.memory_space<semaphore_mem>>) src(%arg8 : memref<128x128xf32, #tpu.memory_space<vmem>>) dst(%dma_wait3A_512 : memref<5120x128xf32, #tpu.memory_space<vmem_shared>>)
      %mul3A_513 = arith.constant 2 : i32
      %mul3A_514 = arith.muli %mul3A_513, %scan3A_502 : i32
      %add3A_515 = arith.constant 2 : i32
      %add3A_516 = arith.addi %mul3A_514, %add3A_515 : i32
      %add3A_517 = arith.constant 0 : i32
      %add3A_518 = arith.addi %add3A_516, %add3A_517 : i32
      %mul3A_519 = arith.constant 128 : i32
      %mul3A_520 = arith.muli %add3A_518, %mul3A_519 : i32
      %add3A_521 = arith.addi %mul3A_13, %mul3A_520 : i32
      "tpu.region"() ({
        %run_scoped3A = tpu.sem_alloc : memref<!tpu.dma_semaphore, #tpu.memory_space<semaphore_mem>>
        %dma_start3A_1007 = tpu.memref_slice %arg3[%add3A_521] : memref<323584xi32, #tpu.memory_space<hbm>> -> memref<128xi32, #tpu.memory_space<hbm>>
        %dma_start3A_1008 = tpu.memref_slice %arg3[%add3A_521] : memref<323584xi32, #tpu.memory_space<hbm>> -> memref<128xi32, #tpu.memory_space<hbm>>
        tpu.enqueue_dma source(%dma_start3A_1008 : memref<128xi32, #tpu.memory_space<hbm>>) target(%arg6 : memref<128xi32, #tpu.memory_space<vmem>>) target_semaphore(%run_scoped3A : memref<!tpu.dma_semaphore, #tpu.memory_space<semaphore_mem>>)
        %dma_wait3A_1009 = tpu.memref_slice %arg3[%add3A_521] : memref<323584xi32, #tpu.memory_space<hbm>> -> memref<128xi32, #tpu.memory_space<hbm>>
        %dma_wait3A_1010 = tpu.memref_slice %arg3[%add3A_521] : memref<323584xi32, #tpu.memory_space<hbm>> -> memref<128xi32, #tpu.memory_space<hbm>>
        tpu.wait_dma2 semaphore(%run_scoped3A : memref<!tpu.dma_semaphore, #tpu.memory_space<semaphore_mem>>) src(%dma_wait3A_1010 : memref<128xi32, #tpu.memory_space<hbm>>) dst(%arg6 : memref<128xi32, #tpu.memory_space<vmem>>)
        tpu.yield
      }) : () -> ()
      "tpu.region"() ({
        %run_scoped3A = tpu.sem_alloc : memref<!tpu.dma_semaphore, #tpu.memory_space<semaphore_mem>>
        %dma_start3A_1007 = tpu.memref_slice %arg4[%add3A_521] : memref<323584xi32, #tpu.memory_space<hbm>> -> memref<128xi32, #tpu.memory_space<hbm>>
        %dma_start3A_1008 = tpu.memref_slice %arg4[%add3A_521] : memref<323584xi32, #tpu.memory_space<hbm>> -> memref<128xi32, #tpu.memory_space<hbm>>
        tpu.enqueue_dma source(%dma_start3A_1008 : memref<128xi32, #tpu.memory_space<hbm>>) target(%arg7 : memref<128xi32, #tpu.memory_space<vmem>>) target_semaphore(%run_scoped3A : memref<!tpu.dma_semaphore, #tpu.memory_space<semaphore_mem>>)
        %dma_wait3A_1009 = tpu.memref_slice %arg4[%add3A_521] : memref<323584xi32, #tpu.memory_space<hbm>> -> memref<128xi32, #tpu.memory_space<hbm>>
        %dma_wait3A_1010 = tpu.memref_slice %arg4[%add3A_521] : memref<323584xi32, #tpu.memory_space<hbm>> -> memref<128xi32, #tpu.memory_space<hbm>>
        tpu.wait_dma2 semaphore(%run_scoped3A : memref<!tpu.dma_semaphore, #tpu.memory_space<semaphore_mem>>) src(%dma_wait3A_1010 : memref<128xi32, #tpu.memory_space<hbm>>) dst(%arg7 : memref<128xi32, #tpu.memory_space<vmem>>)
        tpu.yield
      }) : () -> ()
      %mul3A_522 = arith.constant 5000 : i32
      %mul3A_523 = arith.muli %arg0, %mul3A_522 : i32
      %mul3A_524 = arith.constant 112 : i32
      %mul3A_525 = arith.muli %arg0, %mul3A_524 : i32
      %add3A_526 = arith.constant 5000 : i32
      %add3A_527 = arith.addi %add3A_526, %mul3A_525 : i32
      %get3A_528 = arith.constant 0 : index
      %get3A_529 = tpu.vector_load %arg7[%get3A_528] {strides = array<i32>} : memref<128xi32, #tpu.memory_space<vmem>>, vector<16xi32>,
      %get3A_530 = vector.shape_cast %get3A_529 : vector<16xi32> to vector<16xi32>
      %sub3A_531 = vector.broadcast %mul3A_523 : i32 to vector<16xi32>
      %sub3A_532 = arith.subi %get3A_530, %sub3A_531 : vector<16xi32>
      %ge3A_533 = arith.constant 0 : i32
      %ge3A_534 = vector.broadcast %ge3A_533 : i32 to vector<16xi32>
      %ge3A_535 = arith.cmpi sge, %sub3A_532, %ge3A_534 : vector<16xi32>
      %lt3A_536 = vector.broadcast %add3A_527 : i32 to vector<16xi32>
      %lt3A_537 = arith.cmpi slt, %sub3A_532, %lt3A_536 : vector<16xi32>
      %and3A_538 = arith.andi %ge3A_535, %lt3A_537 : vector<16xi1>
      %jit3A_539 = arith.constant 5112 : i32
      %broadcast_in_dim3A_540 = vector.broadcast %jit3A_539 : i32 to vector<16xi32>
      %select_n3A_541 = arith.select %and3A_538, %sub3A_532, %broadcast_in_dim3A_540 : vector<16xi1>, vector<16xi32>
      %swap3A_542 = arith.constant 0 : index
      %swap3A_543 = tpu.vector_load %arg7[%swap3A_542] {strides = array<i32>} : memref<128xi32, #tpu.memory_space<vmem>>, vector<16xi32>,
      %swap3A_544 = vector.shape_cast %swap3A_543 : vector<16xi32> to vector<16xi32>
      %swap3A_545 = vector.shape_cast %select_n3A_541 : vector<16xi32> to vector<16xi32>
      tpu.vector_store %arg7[%swap3A_542], %swap3A_545 {strides = array<i32>} : memref<128xi32, #tpu.memory_space<vmem>>, vector<16xi32>,
      %get3A_546 = arith.constant 0 : index
      %get3A_547 = tpu.vector_load %arg6[%get3A_546] {strides = array<i32>} : memref<128xi32, #tpu.memory_space<vmem>>, vector<16xi32>,
      %get3A_548 = vector.shape_cast %get3A_547 : vector<16xi32> to vector<16xi32>
      %jit3A_549 = arith.constant 0 : i32
      %broadcast_in_dim3A_550 = vector.broadcast %jit3A_549 : i32 to vector<16xi32>
      %select_n3A_551 = arith.select %and3A_538, %get3A_548, %broadcast_in_dim3A_550 : vector<16xi1>, vector<16xi32>
      %swap3A_552 = arith.constant 0 : index
      %swap3A_553 = tpu.vector_load %arg6[%swap3A_552] {strides = array<i32>} : memref<128xi32, #tpu.memory_space<vmem>>, vector<16xi32>,
      %swap3A_554 = vector.shape_cast %swap3A_553 : vector<16xi32> to vector<16xi32>
      %swap3A_555 = vector.shape_cast %select_n3A_551 : vector<16xi32> to vector<16xi32>
      tpu.vector_store %arg6[%swap3A_552], %swap3A_555 {strides = array<i32>} : memref<128xi32, #tpu.memory_space<vmem>>, vector<16xi32>,
      %get3A_556 = arith.constant 16 : index
      %get3A_557 = tpu.vector_load %arg7[%get3A_556] {strides = array<i32>} : memref<128xi32, #tpu.memory_space<vmem>>, vector<16xi32>,
      %get3A_558 = vector.shape_cast %get3A_557 : vector<16xi32> to vector<16xi32>
      %sub3A_559 = vector.broadcast %mul3A_523 : i32 to vector<16xi32>
      %sub3A_560 = arith.subi %get3A_558, %sub3A_559 : vector<16xi32>
      %ge3A_561 = arith.constant 0 : i32
      %ge3A_562 = vector.broadcast %ge3A_561 : i32 to vector<16xi32>
      %ge3A_563 = arith.cmpi sge, %sub3A_560, %ge3A_562 : vector<16xi32>
      %lt3A_564 = vector.broadcast %add3A_527 : i32 to vector<16xi32>
      %lt3A_565 = arith.cmpi slt, %sub3A_560, %lt3A_564 : vector<16xi32>
      %and3A_566 = arith.andi %ge3A_563, %lt3A_565 : vector<16xi1>
      %jit3A_567 = arith.constant 5112 : i32
      %broadcast_in_dim3A_568 = vector.broadcast %jit3A_567 : i32 to vector<16xi32>
      %select_n3A_569 = arith.select %and3A_566, %sub3A_560, %broadcast_in_dim3A_568 : vector<16xi1>, vector<16xi32>
      %swap3A_570 = arith.constant 16 : index
      %swap3A_571 = tpu.vector_load %arg7[%swap3A_570] {strides = array<i32>} : memref<128xi32, #tpu.memory_space<vmem>>, vector<16xi32>,
      %swap3A_572 = vector.shape_cast %swap3A_571 : vector<16xi32> to vector<16xi32>
      %swap3A_573 = vector.shape_cast %select_n3A_569 : vector<16xi32> to vector<16xi32>
      tpu.vector_store %arg7[%swap3A_570], %swap3A_573 {strides = array<i32>} : memref<128xi32, #tpu.memory_space<vmem>>, vector<16xi32>,
      %get3A_574 = arith.constant 16 : index
      %get3A_575 = tpu.vector_load %arg6[%get3A_574] {strides = array<i32>} : memref<128xi32, #tpu.memory_space<vmem>>, vector<16xi32>,
      %get3A_576 = vector.shape_cast %get3A_575 : vector<16xi32> to vector<16xi32>
      %jit3A_577 = arith.constant 0 : i32
      %broadcast_in_dim3A_578 = vector.broadcast %jit3A_577 : i32 to vector<16xi32>
      %select_n3A_579 = arith.select %and3A_566, %get3A_576, %broadcast_in_dim3A_578 : vector<16xi1>, vector<16xi32>
      %swap3A_580 = arith.constant 16 : index
      %swap3A_581 = tpu.vector_load %arg6[%swap3A_580] {strides = array<i32>} : memref<128xi32, #tpu.memory_space<vmem>>, vector<16xi32>,
      %swap3A_582 = vector.shape_cast %swap3A_581 : vector<16xi32> to vector<16xi32>
      %swap3A_583 = vector.shape_cast %select_n3A_579 : vector<16xi32> to vector<16xi32>
      tpu.vector_store %arg6[%swap3A_580], %swap3A_583 {strides = array<i32>} : memref<128xi32, #tpu.memory_space<vmem>>, vector<16xi32>,
      %get3A_584 = arith.constant 32 : index
      %get3A_585 = tpu.vector_load %arg7[%get3A_584] {strides = array<i32>} : memref<128xi32, #tpu.memory_space<vmem>>, vector<16xi32>,
      %get3A_586 = vector.shape_cast %get3A_585 : vector<16xi32> to vector<16xi32>
      %sub3A_587 = vector.broadcast %mul3A_523 : i32 to vector<16xi32>
      %sub3A_588 = arith.subi %get3A_586, %sub3A_587 : vector<16xi32>
      %ge3A_589 = arith.constant 0 : i32
      %ge3A_590 = vector.broadcast %ge3A_589 : i32 to vector<16xi32>
      %ge3A_591 = arith.cmpi sge, %sub3A_588, %ge3A_590 : vector<16xi32>
      %lt3A_592 = vector.broadcast %add3A_527 : i32 to vector<16xi32>
      %lt3A_593 = arith.cmpi slt, %sub3A_588, %lt3A_592 : vector<16xi32>
      %and3A_594 = arith.andi %ge3A_591, %lt3A_593 : vector<16xi1>
      %jit3A_595 = arith.constant 5112 : i32
      %broadcast_in_dim3A_596 = vector.broadcast %jit3A_595 : i32 to vector<16xi32>
      %select_n3A_597 = arith.select %and3A_594, %sub3A_588, %broadcast_in_dim3A_596 : vector<16xi1>, vector<16xi32>
      %swap3A_598 = arith.constant 32 : index
      %swap3A_599 = tpu.vector_load %arg7[%swap3A_598] {strides = array<i32>} : memref<128xi32, #tpu.memory_space<vmem>>, vector<16xi32>,
      %swap3A_600 = vector.shape_cast %swap3A_599 : vector<16xi32> to vector<16xi32>
      %swap3A_601 = vector.shape_cast %select_n3A_597 : vector<16xi32> to vector<16xi32>
      tpu.vector_store %arg7[%swap3A_598], %swap3A_601 {strides = array<i32>} : memref<128xi32, #tpu.memory_space<vmem>>, vector<16xi32>,
      %get3A_602 = arith.constant 32 : index
      %get3A_603 = tpu.vector_load %arg6[%get3A_602] {strides = array<i32>} : memref<128xi32, #tpu.memory_space<vmem>>, vector<16xi32>,
      %get3A_604 = vector.shape_cast %get3A_603 : vector<16xi32> to vector<16xi32>
      %jit3A_605 = arith.constant 0 : i32
      %broadcast_in_dim3A_606 = vector.broadcast %jit3A_605 : i32 to vector<16xi32>
      %select_n3A_607 = arith.select %and3A_594, %get3A_604, %broadcast_in_dim3A_606 : vector<16xi1>, vector<16xi32>
      %swap3A_608 = arith.constant 32 : index
      %swap3A_609 = tpu.vector_load %arg6[%swap3A_608] {strides = array<i32>} : memref<128xi32, #tpu.memory_space<vmem>>, vector<16xi32>,
      %swap3A_610 = vector.shape_cast %swap3A_609 : vector<16xi32> to vector<16xi32>
      %swap3A_611 = vector.shape_cast %select_n3A_607 : vector<16xi32> to vector<16xi32>
      tpu.vector_store %arg6[%swap3A_608], %swap3A_611 {strides = array<i32>} : memref<128xi32, #tpu.memory_space<vmem>>, vector<16xi32>,
      %get3A_612 = arith.constant 48 : index
      %get3A_613 = tpu.vector_load %arg7[%get3A_612] {strides = array<i32>} : memref<128xi32, #tpu.memory_space<vmem>>, vector<16xi32>,
      %get3A_614 = vector.shape_cast %get3A_613 : vector<16xi32> to vector<16xi32>
      %sub3A_615 = vector.broadcast %mul3A_523 : i32 to vector<16xi32>
      %sub3A_616 = arith.subi %get3A_614, %sub3A_615 : vector<16xi32>
      %ge3A_617 = arith.constant 0 : i32
      %ge3A_618 = vector.broadcast %ge3A_617 : i32 to vector<16xi32>
      %ge3A_619 = arith.cmpi sge, %sub3A_616, %ge3A_618 : vector<16xi32>
      %lt3A_620 = vector.broadcast %add3A_527 : i32 to vector<16xi32>
      %lt3A_621 = arith.cmpi slt, %sub3A_616, %lt3A_620 : vector<16xi32>
      %and3A_622 = arith.andi %ge3A_619, %lt3A_621 : vector<16xi1>
      %jit3A_623 = arith.constant 5112 : i32
      %broadcast_in_dim3A_624 = vector.broadcast %jit3A_623 : i32 to vector<16xi32>
      %select_n3A_625 = arith.select %and3A_622, %sub3A_616, %broadcast_in_dim3A_624 : vector<16xi1>, vector<16xi32>
      %swap3A_626 = arith.constant 48 : index
      %swap3A_627 = tpu.vector_load %arg7[%swap3A_626] {strides = array<i32>} : memref<128xi32, #tpu.memory_space<vmem>>, vector<16xi32>,
      %swap3A_628 = vector.shape_cast %swap3A_627 : vector<16xi32> to vector<16xi32>
      %swap3A_629 = vector.shape_cast %select_n3A_625 : vector<16xi32> to vector<16xi32>
      tpu.vector_store %arg7[%swap3A_626], %swap3A_629 {strides = array<i32>} : memref<128xi32, #tpu.memory_space<vmem>>, vector<16xi32>,
      %get3A_630 = arith.constant 48 : index
      %get3A_631 = tpu.vector_load %arg6[%get3A_630] {strides = array<i32>} : memref<128xi32, #tpu.memory_space<vmem>>, vector<16xi32>,
      %get3A_632 = vector.shape_cast %get3A_631 : vector<16xi32> to vector<16xi32>
      %jit3A_633 = arith.constant 0 : i32
      %broadcast_in_dim3A_634 = vector.broadcast %jit3A_633 : i32 to vector<16xi32>
      %select_n3A_635 = arith.select %and3A_622, %get3A_632, %broadcast_in_dim3A_634 : vector<16xi1>, vector<16xi32>
      %swap3A_636 = arith.constant 48 : index
      %swap3A_637 = tpu.vector_load %arg6[%swap3A_636] {strides = array<i32>} : memref<128xi32, #tpu.memory_space<vmem>>, vector<16xi32>,
      %swap3A_638 = vector.shape_cast %swap3A_637 : vector<16xi32> to vector<16xi32>
      %swap3A_639 = vector.shape_cast %select_n3A_635 : vector<16xi32> to vector<16xi32>
      tpu.vector_store %arg6[%swap3A_636], %swap3A_639 {strides = array<i32>} : memref<128xi32, #tpu.memory_space<vmem>>, vector<16xi32>,
      %get3A_640 = arith.constant 64 : index
      %get3A_641 = tpu.vector_load %arg7[%get3A_640] {strides = array<i32>} : memref<128xi32, #tpu.memory_space<vmem>>, vector<16xi32>,
      %get3A_642 = vector.shape_cast %get3A_641 : vector<16xi32> to vector<16xi32>
      %sub3A_643 = vector.broadcast %mul3A_523 : i32 to vector<16xi32>
      %sub3A_644 = arith.subi %get3A_642, %sub3A_643 : vector<16xi32>
      %ge3A_645 = arith.constant 0 : i32
      %ge3A_646 = vector.broadcast %ge3A_645 : i32 to vector<16xi32>
      %ge3A_647 = arith.cmpi sge, %sub3A_644, %ge3A_646 : vector<16xi32>
      %lt3A_648 = vector.broadcast %add3A_527 : i32 to vector<16xi32>
      %lt3A_649 = arith.cmpi slt, %sub3A_644, %lt3A_648 : vector<16xi32>
      %and3A_650 = arith.andi %ge3A_647, %lt3A_649 : vector<16xi1>
      %jit3A_651 = arith.constant 5112 : i32
      %broadcast_in_dim3A_652 = vector.broadcast %jit3A_651 : i32 to vector<16xi32>
      %select_n3A_653 = arith.select %and3A_650, %sub3A_644, %broadcast_in_dim3A_652 : vector<16xi1>, vector<16xi32>
      %swap3A_654 = arith.constant 64 : index
      %swap3A_655 = tpu.vector_load %arg7[%swap3A_654] {strides = array<i32>} : memref<128xi32, #tpu.memory_space<vmem>>, vector<16xi32>,
      %swap3A_656 = vector.shape_cast %swap3A_655 : vector<16xi32> to vector<16xi32>
      %swap3A_657 = vector.shape_cast %select_n3A_653 : vector<16xi32> to vector<16xi32>
      tpu.vector_store %arg7[%swap3A_654], %swap3A_657 {strides = array<i32>} : memref<128xi32, #tpu.memory_space<vmem>>, vector<16xi32>,
      %get3A_658 = arith.constant 64 : index
      %get3A_659 = tpu.vector_load %arg6[%get3A_658] {strides = array<i32>} : memref<128xi32, #tpu.memory_space<vmem>>, vector<16xi32>,
      %get3A_660 = vector.shape_cast %get3A_659 : vector<16xi32> to vector<16xi32>
      %jit3A_661 = arith.constant 0 : i32
      %broadcast_in_dim3A_662 = vector.broadcast %jit3A_661 : i32 to vector<16xi32>
      %select_n3A_663 = arith.select %and3A_650, %get3A_660, %broadcast_in_dim3A_662 : vector<16xi1>, vector<16xi32>
      %swap3A_664 = arith.constant 64 : index
      %swap3A_665 = tpu.vector_load %arg6[%swap3A_664] {strides = array<i32>} : memref<128xi32, #tpu.memory_space<vmem>>, vector<16xi32>,
      %swap3A_666 = vector.shape_cast %swap3A_665 : vector<16xi32> to vector<16xi32>
      %swap3A_667 = vector.shape_cast %select_n3A_663 : vector<16xi32> to vector<16xi32>
      tpu.vector_store %arg6[%swap3A_664], %swap3A_667 {strides = array<i32>} : memref<128xi32, #tpu.memory_space<vmem>>, vector<16xi32>,
      %get3A_668 = arith.constant 80 : index
      %get3A_669 = tpu.vector_load %arg7[%get3A_668] {strides = array<i32>} : memref<128xi32, #tpu.memory_space<vmem>>, vector<16xi32>,
      %get3A_670 = vector.shape_cast %get3A_669 : vector<16xi32> to vector<16xi32>
      %sub3A_671 = vector.broadcast %mul3A_523 : i32 to vector<16xi32>
      %sub3A_672 = arith.subi %get3A_670, %sub3A_671 : vector<16xi32>
      %ge3A_673 = arith.constant 0 : i32
      %ge3A_674 = vector.broadcast %ge3A_673 : i32 to vector<16xi32>
      %ge3A_675 = arith.cmpi sge, %sub3A_672, %ge3A_674 : vector<16xi32>
      %lt3A_676 = vector.broadcast %add3A_527 : i32 to vector<16xi32>
      %lt3A_677 = arith.cmpi slt, %sub3A_672, %lt3A_676 : vector<16xi32>
      %and3A_678 = arith.andi %ge3A_675, %lt3A_677 : vector<16xi1>
      %jit3A_679 = arith.constant 5112 : i32
      %broadcast_in_dim3A_680 = vector.broadcast %jit3A_679 : i32 to vector<16xi32>
      %select_n3A_681 = arith.select %and3A_678, %sub3A_672, %broadcast_in_dim3A_680 : vector<16xi1>, vector<16xi32>
      %swap3A_682 = arith.constant 80 : index
      %swap3A_683 = tpu.vector_load %arg7[%swap3A_682] {strides = array<i32>} : memref<128xi32, #tpu.memory_space<vmem>>, vector<16xi32>,
      %swap3A_684 = vector.shape_cast %swap3A_683 : vector<16xi32> to vector<16xi32>
      %swap3A_685 = vector.shape_cast %select_n3A_681 : vector<16xi32> to vector<16xi32>
      tpu.vector_store %arg7[%swap3A_682], %swap3A_685 {strides = array<i32>} : memref<128xi32, #tpu.memory_space<vmem>>, vector<16xi32>,
      %get3A_686 = arith.constant 80 : index
      %get3A_687 = tpu.vector_load %arg6[%get3A_686] {strides = array<i32>} : memref<128xi32, #tpu.memory_space<vmem>>, vector<16xi32>,
      %get3A_688 = vector.shape_cast %get3A_687 : vector<16xi32> to vector<16xi32>
      %jit3A_689 = arith.constant 0 : i32
      %broadcast_in_dim3A_690 = vector.broadcast %jit3A_689 : i32 to vector<16xi32>
      %select_n3A_691 = arith.select %and3A_678, %get3A_688, %broadcast_in_dim3A_690 : vector<16xi1>, vector<16xi32>
      %swap3A_692 = arith.constant 80 : index
      %swap3A_693 = tpu.vector_load %arg6[%swap3A_692] {strides = array<i32>} : memref<128xi32, #tpu.memory_space<vmem>>, vector<16xi32>,
      %swap3A_694 = vector.shape_cast %swap3A_693 : vector<16xi32> to vector<16xi32>
      %swap3A_695 = vector.shape_cast %select_n3A_691 : vector<16xi32> to vector<16xi32>
      tpu.vector_store %arg6[%swap3A_692], %swap3A_695 {strides = array<i32>} : memref<128xi32, #tpu.memory_space<vmem>>, vector<16xi32>,
      %get3A_696 = arith.constant 96 : index
      %get3A_697 = tpu.vector_load %arg7[%get3A_696] {strides = array<i32>} : memref<128xi32, #tpu.memory_space<vmem>>, vector<16xi32>,
      %get3A_698 = vector.shape_cast %get3A_697 : vector<16xi32> to vector<16xi32>
      %sub3A_699 = vector.broadcast %mul3A_523 : i32 to vector<16xi32>
      %sub3A_700 = arith.subi %get3A_698, %sub3A_699 : vector<16xi32>
      %ge3A_701 = arith.constant 0 : i32
      %ge3A_702 = vector.broadcast %ge3A_701 : i32 to vector<16xi32>
      %ge3A_703 = arith.cmpi sge, %sub3A_700, %ge3A_702 : vector<16xi32>
      %lt3A_704 = vector.broadcast %add3A_527 : i32 to vector<16xi32>
      %lt3A_705 = arith.cmpi slt, %sub3A_700, %lt3A_704 : vector<16xi32>
      %and3A_706 = arith.andi %ge3A_703, %lt3A_705 : vector<16xi1>
      %jit3A_707 = arith.constant 5112 : i32
      %broadcast_in_dim3A_708 = vector.broadcast %jit3A_707 : i32 to vector<16xi32>
      %select_n3A_709 = arith.select %and3A_706, %sub3A_700, %broadcast_in_dim3A_708 : vector<16xi1>, vector<16xi32>
      %swap3A_710 = arith.constant 96 : index
      %swap3A_711 = tpu.vector_load %arg7[%swap3A_710] {strides = array<i32>} : memref<128xi32, #tpu.memory_space<vmem>>, vector<16xi32>,
      %swap3A_712 = vector.shape_cast %swap3A_711 : vector<16xi32> to vector<16xi32>
      %swap3A_713 = vector.shape_cast %select_n3A_709 : vector<16xi32> to vector<16xi32>
      tpu.vector_store %arg7[%swap3A_710], %swap3A_713 {strides = array<i32>} : memref<128xi32, #tpu.memory_space<vmem>>, vector<16xi32>,
      %get3A_714 = arith.constant 96 : index
      %get3A_715 = tpu.vector_load %arg6[%get3A_714] {strides = array<i32>} : memref<128xi32, #tpu.memory_space<vmem>>, vector<16xi32>,
      %get3A_716 = vector.shape_cast %get3A_715 : vector<16xi32> to vector<16xi32>
      %jit3A_717 = arith.constant 0 : i32
      %broadcast_in_dim3A_718 = vector.broadcast %jit3A_717 : i32 to vector<16xi32>
      %select_n3A_719 = arith.select %and3A_706, %get3A_716, %broadcast_in_dim3A_718 : vector<16xi1>, vector<16xi32>
      %swap3A_720 = arith.constant 96 : index
      %swap3A_721 = tpu.vector_load %arg6[%swap3A_720] {strides = array<i32>} : memref<128xi32, #tpu.memory_space<vmem>>, vector<16xi32>,
      %swap3A_722 = vector.shape_cast %swap3A_721 : vector<16xi32> to vector<16xi32>
      %swap3A_723 = vector.shape_cast %select_n3A_719 : vector<16xi32> to vector<16xi32>
      tpu.vector_store %arg6[%swap3A_720], %swap3A_723 {strides = array<i32>} : memref<128xi32, #tpu.memory_space<vmem>>, vector<16xi32>,
      %get3A_724 = arith.constant 112 : index
      %get3A_725 = tpu.vector_load %arg7[%get3A_724] {strides = array<i32>} : memref<128xi32, #tpu.memory_space<vmem>>, vector<16xi32>,
      %get3A_726 = vector.shape_cast %get3A_725 : vector<16xi32> to vector<16xi32>
      %sub3A_727 = vector.broadcast %mul3A_523 : i32 to vector<16xi32>
      %sub3A_728 = arith.subi %get3A_726, %sub3A_727 : vector<16xi32>
      %ge3A_729 = arith.constant 0 : i32
      %ge3A_730 = vector.broadcast %ge3A_729 : i32 to vector<16xi32>
      %ge3A_731 = arith.cmpi sge, %sub3A_728, %ge3A_730 : vector<16xi32>
      %lt3A_732 = vector.broadcast %add3A_527 : i32 to vector<16xi32>
      %lt3A_733 = arith.cmpi slt, %sub3A_728, %lt3A_732 : vector<16xi32>
      %and3A_734 = arith.andi %ge3A_731, %lt3A_733 : vector<16xi1>
      %jit3A_735 = arith.constant 5112 : i32
      %broadcast_in_dim3A_736 = vector.broadcast %jit3A_735 : i32 to vector<16xi32>
      %select_n3A_737 = arith.select %and3A_734, %sub3A_728, %broadcast_in_dim3A_736 : vector<16xi1>, vector<16xi32>
      %swap3A_738 = arith.constant 112 : index
      %swap3A_739 = tpu.vector_load %arg7[%swap3A_738] {strides = array<i32>} : memref<128xi32, #tpu.memory_space<vmem>>, vector<16xi32>,
      %swap3A_740 = vector.shape_cast %swap3A_739 : vector<16xi32> to vector<16xi32>
      %swap3A_741 = vector.shape_cast %select_n3A_737 : vector<16xi32> to vector<16xi32>
      tpu.vector_store %arg7[%swap3A_738], %swap3A_741 {strides = array<i32>} : memref<128xi32, #tpu.memory_space<vmem>>, vector<16xi32>,
      %get3A_742 = arith.constant 112 : index
      %get3A_743 = tpu.vector_load %arg6[%get3A_742] {strides = array<i32>} : memref<128xi32, #tpu.memory_space<vmem>>, vector<16xi32>,
      %get3A_744 = vector.shape_cast %get3A_743 : vector<16xi32> to vector<16xi32>
      %jit3A_745 = arith.constant 0 : i32
      %broadcast_in_dim3A_746 = vector.broadcast %jit3A_745 : i32 to vector<16xi32>
      %select_n3A_747 = arith.select %and3A_734, %get3A_744, %broadcast_in_dim3A_746 : vector<16xi1>, vector<16xi32>
      %swap3A_748 = arith.constant 112 : index
      %swap3A_749 = tpu.vector_load %arg6[%swap3A_748] {strides = array<i32>} : memref<128xi32, #tpu.memory_space<vmem>>, vector<16xi32>,
      %swap3A_750 = vector.shape_cast %swap3A_749 : vector<16xi32> to vector<16xi32>
      %swap3A_751 = vector.shape_cast %select_n3A_747 : vector<16xi32> to vector<16xi32>
      tpu.vector_store %arg6[%swap3A_748], %swap3A_751 {strides = array<i32>} : memref<128xi32, #tpu.memory_space<vmem>>, vector<16xi32>,
      %dma_start3A_752 = arith.constant 0 : i32
      %dma_start3A_753 = arith.constant 0 : i32
      %dma_start3A_754 = tpu.memref_slice %arg2[%dma_start3A_752, %dma_start3A_753] : memref<10000x128xf32, #tpu.memory_space<hbm>> -> memref<10000x128xf32, #tpu.memory_space<hbm>>
      tpu.enqueue_indirect_dma source(%dma_start3A_754 : memref<10000x128xf32, #tpu.memory_space<hbm>>) target(%arg8 : memref<128x128xf32, #tpu.memory_space<vmem>>) offsets(%arg6 : memref<128xi32, #tpu.memory_space<vmem>>) semaphore(%arg13 : memref<!tpu.dma_semaphore, #tpu.memory_space<semaphore_mem>>)
      %dma_wait3A_755 = arith.constant 0 : i32
      %dma_wait3A_756 = arith.constant 0 : i32
      %dma_wait3A_757 = tpu.memref_slice %arg2[%dma_wait3A_755, %dma_wait3A_756] : memref<10000x128xf32, #tpu.memory_space<hbm>> -> memref<10000x128xf32, #tpu.memory_space<hbm>>
      tpu.wait_indirect_dma semaphore(%arg15 : memref<!tpu.dma_semaphore, #tpu.memory_space<semaphore_mem>>) src(%dma_wait3A_757 : memref<10000x128xf32, #tpu.memory_space<hbm>>) dst(%arg11 : memref<128x128xf32, #tpu.memory_space<vmem>>)
      %dma_start3A_758 = arith.constant 0 : i32
      %dma_start3A_759 = arith.constant 0 : i32
      %dma_start3A_760 = tpu.memref_slice %arg12[%dma_start3A_758, %dma_start3A_759] : memref<5120x128xf32, #tpu.memory_space<vmem_shared>> -> memref<5120x128xf32, #tpu.memory_space<vmem_shared>>
      tpu.enqueue_indirect_dma source(%arg11 : memref<128x128xf32, #tpu.memory_space<vmem>>) target(%dma_start3A_760 : memref<5120x128xf32, #tpu.memory_space<vmem_shared>>) offsets(%arg10 : memref<128xi32, #tpu.memory_space<vmem>>) semaphore(%arg16 : memref<!tpu.dma_semaphore, #tpu.memory_space<semaphore_mem>>) {add = true}
      %dma_wait3A_761 = arith.constant 0 : i32
      %dma_wait3A_762 = arith.constant 0 : i32
      %dma_wait3A_763 = tpu.memref_slice %arg12[%dma_wait3A_761, %dma_wait3A_762] : memref<5120x128xf32, #tpu.memory_space<vmem_shared>> -> memref<5120x128xf32, #tpu.memory_space<vmem_shared>>
      tpu.wait_indirect_dma semaphore(%arg16 : memref<!tpu.dma_semaphore, #tpu.memory_space<semaphore_mem>>) src(%arg11 : memref<128x128xf32, #tpu.memory_space<vmem>>) dst(%dma_wait3A_763 : memref<5120x128xf32, #tpu.memory_space<vmem_shared>>)
      %mul3A_764 = arith.constant 2 : i32
      %mul3A_765 = arith.muli %mul3A_764, %scan3A_502 : i32
      %add3A_766 = arith.constant 2 : i32
      %add3A_767 = arith.addi %mul3A_765, %add3A_766 : i32
      %add3A_768 = arith.constant 1 : i32
      %add3A_769 = arith.addi %add3A_767, %add3A_768 : i32
      %mul3A_770 = arith.constant 128 : i32
      %mul3A_771 = arith.muli %add3A_769, %mul3A_770 : i32
      %add3A_772 = arith.addi %mul3A_13, %mul3A_771 : i32
      "tpu.region"() ({
        %run_scoped3A = tpu.sem_alloc : memref<!tpu.dma_semaphore, #tpu.memory_space<semaphore_mem>>
        %dma_start3A_1007 = tpu.memref_slice %arg3[%add3A_772] : memref<323584xi32, #tpu.memory_space<hbm>> -> memref<128xi32, #tpu.memory_space<hbm>>
        %dma_start3A_1008 = tpu.memref_slice %arg3[%add3A_772] : memref<323584xi32, #tpu.memory_space<hbm>> -> memref<128xi32, #tpu.memory_space<hbm>>
        tpu.enqueue_dma source(%dma_start3A_1008 : memref<128xi32, #tpu.memory_space<hbm>>) target(%arg9 : memref<128xi32, #tpu.memory_space<vmem>>) target_semaphore(%run_scoped3A : memref<!tpu.dma_semaphore, #tpu.memory_space<semaphore_mem>>)
        %dma_wait3A_1009 = tpu.memref_slice %arg3[%add3A_772] : memref<323584xi32, #tpu.memory_space<hbm>> -> memref<128xi32, #tpu.memory_space<hbm>>
        %dma_wait3A_1010 = tpu.memref_slice %arg3[%add3A_772] : memref<323584xi32, #tpu.memory_space<hbm>> -> memref<128xi32, #tpu.memory_space<hbm>>
        tpu.wait_dma2 semaphore(%run_scoped3A : memref<!tpu.dma_semaphore, #tpu.memory_space<semaphore_mem>>) src(%dma_wait3A_1010 : memref<128xi32, #tpu.memory_space<hbm>>) dst(%arg9 : memref<128xi32, #tpu.memory_space<vmem>>)
        tpu.yield
      }) : () -> ()
      "tpu.region"() ({
        %run_scoped3A = tpu.sem_alloc : memref<!tpu.dma_semaphore, #tpu.memory_space<semaphore_mem>>
        %dma_start3A_1007 = tpu.memref_slice %arg4[%add3A_772] : memref<323584xi32, #tpu.memory_space<hbm>> -> memref<128xi32, #tpu.memory_space<hbm>>
        %dma_start3A_1008 = tpu.memref_slice %arg4[%add3A_772] : memref<323584xi32, #tpu.memory_space<hbm>> -> memref<128xi32, #tpu.memory_space<hbm>>
        tpu.enqueue_dma source(%dma_start3A_1008 : memref<128xi32, #tpu.memory_space<hbm>>) target(%arg10 : memref<128xi32, #tpu.memory_space<vmem>>) target_semaphore(%run_scoped3A : memref<!tpu.dma_semaphore, #tpu.memory_space<semaphore_mem>>)
        %dma_wait3A_1009 = tpu.memref_slice %arg4[%add3A_772] : memref<323584xi32, #tpu.memory_space<hbm>> -> memref<128xi32, #tpu.memory_space<hbm>>
        %dma_wait3A_1010 = tpu.memref_slice %arg4[%add3A_772] : memref<323584xi32, #tpu.memory_space<hbm>> -> memref<128xi32, #tpu.memory_space<hbm>>
        tpu.wait_dma2 semaphore(%run_scoped3A : memref<!tpu.dma_semaphore, #tpu.memory_space<semaphore_mem>>) src(%dma_wait3A_1010 : memref<128xi32, #tpu.memory_space<hbm>>) dst(%arg10 : memref<128xi32, #tpu.memory_space<vmem>>)
        tpu.yield
      }) : () -> ()
      %mul3A_773 = arith.constant 5000 : i32
      %mul3A_774 = arith.muli %arg0, %mul3A_773 : i32
      %mul3A_775 = arith.constant 112 : i32
      %mul3A_776 = arith.muli %arg0, %mul3A_775 : i32
      %add3A_777 = arith.constant 5000 : i32
      %add3A_778 = arith.addi %add3A_777, %mul3A_776 : i32
      %get3A_779 = arith.constant 0 : index
      %get3A_780 = tpu.vector_load %arg10[%get3A_779] {strides = array<i32>} : memref<128xi32, #tpu.memory_space<vmem>>, vector<16xi32>,
      %get3A_781 = vector.shape_cast %get3A_780 : vector<16xi32> to vector<16xi32>
      %sub3A_782 = vector.broadcast %mul3A_774 : i32 to vector<16xi32>
      %sub3A_783 = arith.subi %get3A_781, %sub3A_782 : vector<16xi32>
      %ge3A_784 = arith.constant 0 : i32
      %ge3A_785 = vector.broadcast %ge3A_784 : i32 to vector<16xi32>
      %ge3A_786 = arith.cmpi sge, %sub3A_783, %ge3A_785 : vector<16xi32>
      %lt3A_787 = vector.broadcast %add3A_778 : i32 to vector<16xi32>
      %lt3A_788 = arith.cmpi slt, %sub3A_783, %lt3A_787 : vector<16xi32>
      %and3A_789 = arith.andi %ge3A_786, %lt3A_788 : vector<16xi1>
      %jit3A_790 = arith.constant 5112 : i32
      %broadcast_in_dim3A_791 = vector.broadcast %jit3A_790 : i32 to vector<16xi32>
      %select_n3A_792 = arith.select %and3A_789, %sub3A_783, %broadcast_in_dim3A_791 : vector<16xi1>, vector<16xi32>
      %swap3A_793 = arith.constant 0 : index
      %swap3A_794 = tpu.vector_load %arg10[%swap3A_793] {strides = array<i32>} : memref<128xi32, #tpu.memory_space<vmem>>, vector<16xi32>,
      %swap3A_795 = vector.shape_cast %swap3A_794 : vector<16xi32> to vector<16xi32>
      %swap3A_796 = vector.shape_cast %select_n3A_792 : vector<16xi32> to vector<16xi32>
      tpu.vector_store %arg10[%swap3A_793], %swap3A_796 {strides = array<i32>} : memref<128xi32, #tpu.memory_space<vmem>>, vector<16xi32>,
      %get3A_797 = arith.constant 0 : index
      %get3A_798 = tpu.vector_load %arg9[%get3A_797] {strides = array<i32>} : memref<128xi32, #tpu.memory_space<vmem>>, vector<16xi32>,
      %get3A_799 = vector.shape_cast %get3A_798 : vector<16xi32> to vector<16xi32>
      %jit3A_800 = arith.constant 0 : i32
      %broadcast_in_dim3A_801 = vector.broadcast %jit3A_800 : i32 to vector<16xi32>
      %select_n3A_802 = arith.select %and3A_789, %get3A_799, %broadcast_in_dim3A_801 : vector<16xi1>, vector<16xi32>
      %swap3A_803 = arith.constant 0 : index
      %swap3A_804 = tpu.vector_load %arg9[%swap3A_803] {strides = array<i32>} : memref<128xi32, #tpu.memory_space<vmem>>, vector<16xi32>,
      %swap3A_805 = vector.shape_cast %swap3A_804 : vector<16xi32> to vector<16xi32>
      %swap3A_806 = vector.shape_cast %select_n3A_802 : vector<16xi32> to vector<16xi32>
      tpu.vector_store %arg9[%swap3A_803], %swap3A_806 {strides = array<i32>} : memref<128xi32, #tpu.memory_space<vmem>>, vector<16xi32>,
      %get3A_807 = arith.constant 16 : index
      %get3A_808 = tpu.vector_load %arg10[%get3A_807] {strides = array<i32>} : memref<128xi32, #tpu.memory_space<vmem>>, vector<16xi32>,
      %get3A_809 = vector.shape_cast %get3A_808 : vector<16xi32> to vector<16xi32>
      %sub3A_810 = vector.broadcast %mul3A_774 : i32 to vector<16xi32>
      %sub3A_811 = arith.subi %get3A_809, %sub3A_810 : vector<16xi32>
      %ge3A_812 = arith.constant 0 : i32
      %ge3A_813 = vector.broadcast %ge3A_812 : i32 to vector<16xi32>
      %ge3A_814 = arith.cmpi sge, %sub3A_811, %ge3A_813 : vector<16xi32>
      %lt3A_815 = vector.broadcast %add3A_778 : i32 to vector<16xi32>
      %lt3A_816 = arith.cmpi slt, %sub3A_811, %lt3A_815 : vector<16xi32>
      %and3A_817 = arith.andi %ge3A_814, %lt3A_816 : vector<16xi1>
      %jit3A_818 = arith.constant 5112 : i32
      %broadcast_in_dim3A_819 = vector.broadcast %jit3A_818 : i32 to vector<16xi32>
      %select_n3A_820 = arith.select %and3A_817, %sub3A_811, %broadcast_in_dim3A_819 : vector<16xi1>, vector<16xi32>
      %swap3A_821 = arith.constant 16 : index
      %swap3A_822 = tpu.vector_load %arg10[%swap3A_821] {strides = array<i32>} : memref<128xi32, #tpu.memory_space<vmem>>, vector<16xi32>,
      %swap3A_823 = vector.shape_cast %swap3A_822 : vector<16xi32> to vector<16xi32>
      %swap3A_824 = vector.shape_cast %select_n3A_820 : vector<16xi32> to vector<16xi32>
      tpu.vector_store %arg10[%swap3A_821], %swap3A_824 {strides = array<i32>} : memref<128xi32, #tpu.memory_space<vmem>>, vector<16xi32>,
      %get3A_825 = arith.constant 16 : index
      %get3A_826 = tpu.vector_load %arg9[%get3A_825] {strides = array<i32>} : memref<128xi32, #tpu.memory_space<vmem>>, vector<16xi32>,
      %get3A_827 = vector.shape_cast %get3A_826 : vector<16xi32> to vector<16xi32>
      %jit3A_828 = arith.constant 0 : i32
      %broadcast_in_dim3A_829 = vector.broadcast %jit3A_828 : i32 to vector<16xi32>
      %select_n3A_830 = arith.select %and3A_817, %get3A_827, %broadcast_in_dim3A_829 : vector<16xi1>, vector<16xi32>
      %swap3A_831 = arith.constant 16 : index
      %swap3A_832 = tpu.vector_load %arg9[%swap3A_831] {strides = array<i32>} : memref<128xi32, #tpu.memory_space<vmem>>, vector<16xi32>,
      %swap3A_833 = vector.shape_cast %swap3A_832 : vector<16xi32> to vector<16xi32>
      %swap3A_834 = vector.shape_cast %select_n3A_830 : vector<16xi32> to vector<16xi32>
      tpu.vector_store %arg9[%swap3A_831], %swap3A_834 {strides = array<i32>} : memref<128xi32, #tpu.memory_space<vmem>>, vector<16xi32>,
      %get3A_835 = arith.constant 32 : index
      %get3A_836 = tpu.vector_load %arg10[%get3A_835] {strides = array<i32>} : memref<128xi32, #tpu.memory_space<vmem>>, vector<16xi32>,
      %get3A_837 = vector.shape_cast %get3A_836 : vector<16xi32> to vector<16xi32>
      %sub3A_838 = vector.broadcast %mul3A_774 : i32 to vector<16xi32>
      %sub3A_839 = arith.subi %get3A_837, %sub3A_838 : vector<16xi32>
      %ge3A_840 = arith.constant 0 : i32
      %ge3A_841 = vector.broadcast %ge3A_840 : i32 to vector<16xi32>
      %ge3A_842 = arith.cmpi sge, %sub3A_839, %ge3A_841 : vector<16xi32>
      %lt3A_843 = vector.broadcast %add3A_778 : i32 to vector<16xi32>
      %lt3A_844 = arith.cmpi slt, %sub3A_839, %lt3A_843 : vector<16xi32>
      %and3A_845 = arith.andi %ge3A_842, %lt3A_844 : vector<16xi1>
      %jit3A_846 = arith.constant 5112 : i32
      %broadcast_in_dim3A_847 = vector.broadcast %jit3A_846 : i32 to vector<16xi32>
      %select_n3A_848 = arith.select %and3A_845, %sub3A_839, %broadcast_in_dim3A_847 : vector<16xi1>, vector<16xi32>
      %swap3A_849 = arith.constant 32 : index
      %swap3A_850 = tpu.vector_load %arg10[%swap3A_849] {strides = array<i32>} : memref<128xi32, #tpu.memory_space<vmem>>, vector<16xi32>,
      %swap3A_851 = vector.shape_cast %swap3A_850 : vector<16xi32> to vector<16xi32>
      %swap3A_852 = vector.shape_cast %select_n3A_848 : vector<16xi32> to vector<16xi32>
      tpu.vector_store %arg10[%swap3A_849], %swap3A_852 {strides = array<i32>} : memref<128xi32, #tpu.memory_space<vmem>>, vector<16xi32>,
      %get3A_853 = arith.constant 32 : index
      %get3A_854 = tpu.vector_load %arg9[%get3A_853] {strides = array<i32>} : memref<128xi32, #tpu.memory_space<vmem>>, vector<16xi32>,
      %get3A_855 = vector.shape_cast %get3A_854 : vector<16xi32> to vector<16xi32>
      %jit3A_856 = arith.constant 0 : i32
      %broadcast_in_dim3A_857 = vector.broadcast %jit3A_856 : i32 to vector<16xi32>
      %select_n3A_858 = arith.select %and3A_845, %get3A_855, %broadcast_in_dim3A_857 : vector<16xi1>, vector<16xi32>
      %swap3A_859 = arith.constant 32 : index
      %swap3A_860 = tpu.vector_load %arg9[%swap3A_859] {strides = array<i32>} : memref<128xi32, #tpu.memory_space<vmem>>, vector<16xi32>,
      %swap3A_861 = vector.shape_cast %swap3A_860 : vector<16xi32> to vector<16xi32>
      %swap3A_862 = vector.shape_cast %select_n3A_858 : vector<16xi32> to vector<16xi32>
      tpu.vector_store %arg9[%swap3A_859], %swap3A_862 {strides = array<i32>} : memref<128xi32, #tpu.memory_space<vmem>>, vector<16xi32>,
      %get3A_863 = arith.constant 48 : index
      %get3A_864 = tpu.vector_load %arg10[%get3A_863] {strides = array<i32>} : memref<128xi32, #tpu.memory_space<vmem>>, vector<16xi32>,
      %get3A_865 = vector.shape_cast %get3A_864 : vector<16xi32> to vector<16xi32>
      %sub3A_866 = vector.broadcast %mul3A_774 : i32 to vector<16xi32>
      %sub3A_867 = arith.subi %get3A_865, %sub3A_866 : vector<16xi32>
      %ge3A_868 = arith.constant 0 : i32
      %ge3A_869 = vector.broadcast %ge3A_868 : i32 to vector<16xi32>
      %ge3A_870 = arith.cmpi sge, %sub3A_867, %ge3A_869 : vector<16xi32>
      %lt3A_871 = vector.broadcast %add3A_778 : i32 to vector<16xi32>
      %lt3A_872 = arith.cmpi slt, %sub3A_867, %lt3A_871 : vector<16xi32>
      %and3A_873 = arith.andi %ge3A_870, %lt3A_872 : vector<16xi1>
      %jit3A_874 = arith.constant 5112 : i32
      %broadcast_in_dim3A_875 = vector.broadcast %jit3A_874 : i32 to vector<16xi32>
      %select_n3A_876 = arith.select %and3A_873, %sub3A_867, %broadcast_in_dim3A_875 : vector<16xi1>, vector<16xi32>
      %swap3A_877 = arith.constant 48 : index
      %swap3A_878 = tpu.vector_load %arg10[%swap3A_877] {strides = array<i32>} : memref<128xi32, #tpu.memory_space<vmem>>, vector<16xi32>,
      %swap3A_879 = vector.shape_cast %swap3A_878 : vector<16xi32> to vector<16xi32>
      %swap3A_880 = vector.shape_cast %select_n3A_876 : vector<16xi32> to vector<16xi32>
      tpu.vector_store %arg10[%swap3A_877], %swap3A_880 {strides = array<i32>} : memref<128xi32, #tpu.memory_space<vmem>>, vector<16xi32>,
      %get3A_881 = arith.constant 48 : index
      %get3A_882 = tpu.vector_load %arg9[%get3A_881] {strides = array<i32>} : memref<128xi32, #tpu.memory_space<vmem>>, vector<16xi32>,
      %get3A_883 = vector.shape_cast %get3A_882 : vector<16xi32> to vector<16xi32>
      %jit3A_884 = arith.constant 0 : i32
      %broadcast_in_dim3A_885 = vector.broadcast %jit3A_884 : i32 to vector<16xi32>
      %select_n3A_886 = arith.select %and3A_873, %get3A_883, %broadcast_in_dim3A_885 : vector<16xi1>, vector<16xi32>
      %swap3A_887 = arith.constant 48 : index
      %swap3A_888 = tpu.vector_load %arg9[%swap3A_887] {strides = array<i32>} : memref<128xi32, #tpu.memory_space<vmem>>, vector<16xi32>,
      %swap3A_889 = vector.shape_cast %swap3A_888 : vector<16xi32> to vector<16xi32>
      %swap3A_890 = vector.shape_cast %select_n3A_886 : vector<16xi32> to vector<16xi32>
      tpu.vector_store %arg9[%swap3A_887], %swap3A_890 {strides = array<i32>} : memref<128xi32, #tpu.memory_space<vmem>>, vector<16xi32>,
      %get3A_891 = arith.constant 64 : index
      %get3A_892 = tpu.vector_load %arg10[%get3A_891] {strides = array<i32>} : memref<128xi32, #tpu.memory_space<vmem>>, vector<16xi32>,
      %get3A_893 = vector.shape_cast %get3A_892 : vector<16xi32> to vector<16xi32>
      %sub3A_894 = vector.broadcast %mul3A_774 : i32 to vector<16xi32>
      %sub3A_895 = arith.subi %get3A_893, %sub3A_894 : vector<16xi32>
      %ge3A_896 = arith.constant 0 : i32
      %ge3A_897 = vector.broadcast %ge3A_896 : i32 to vector<16xi32>
      %ge3A_898 = arith.cmpi sge, %sub3A_895, %ge3A_897 : vector<16xi32>
      %lt3A_899 = vector.broadcast %add3A_778 : i32 to vector<16xi32>
      %lt3A_900 = arith.cmpi slt, %sub3A_895, %lt3A_899 : vector<16xi32>
      %and3A_901 = arith.andi %ge3A_898, %lt3A_900 : vector<16xi1>
      %jit3A_902 = arith.constant 5112 : i32
      %broadcast_in_dim3A_903 = vector.broadcast %jit3A_902 : i32 to vector<16xi32>
      %select_n3A_904 = arith.select %and3A_901, %sub3A_895, %broadcast_in_dim3A_903 : vector<16xi1>, vector<16xi32>
      %swap3A_905 = arith.constant 64 : index
      %swap3A_906 = tpu.vector_load %arg10[%swap3A_905] {strides = array<i32>} : memref<128xi32, #tpu.memory_space<vmem>>, vector<16xi32>,
      %swap3A_907 = vector.shape_cast %swap3A_906 : vector<16xi32> to vector<16xi32>
      %swap3A_908 = vector.shape_cast %select_n3A_904 : vector<16xi32> to vector<16xi32>
      tpu.vector_store %arg10[%swap3A_905], %swap3A_908 {strides = array<i32>} : memref<128xi32, #tpu.memory_space<vmem>>, vector<16xi32>,
      %get3A_909 = arith.constant 64 : index
      %get3A_910 = tpu.vector_load %arg9[%get3A_909] {strides = array<i32>} : memref<128xi32, #tpu.memory_space<vmem>>, vector<16xi32>,
      %get3A_911 = vector.shape_cast %get3A_910 : vector<16xi32> to vector<16xi32>
      %jit3A_912 = arith.constant 0 : i32
      %broadcast_in_dim3A_913 = vector.broadcast %jit3A_912 : i32 to vector<16xi32>
      %select_n3A_914 = arith.select %and3A_901, %get3A_911, %broadcast_in_dim3A_913 : vector<16xi1>, vector<16xi32>
      %swap3A_915 = arith.constant 64 : index
      %swap3A_916 = tpu.vector_load %arg9[%swap3A_915] {strides = array<i32>} : memref<128xi32, #tpu.memory_space<vmem>>, vector<16xi32>,
      %swap3A_917 = vector.shape_cast %swap3A_916 : vector<16xi32> to vector<16xi32>
      %swap3A_918 = vector.shape_cast %select_n3A_914 : vector<16xi32> to vector<16xi32>
      tpu.vector_store %arg9[%swap3A_915], %swap3A_918 {strides = array<i32>} : memref<128xi32, #tpu.memory_space<vmem>>, vector<16xi32>,
      %get3A_919 = arith.constant 80 : index
      %get3A_920 = tpu.vector_load %arg10[%get3A_919] {strides = array<i32>} : memref<128xi32, #tpu.memory_space<vmem>>, vector<16xi32>,
      %get3A_921 = vector.shape_cast %get3A_920 : vector<16xi32> to vector<16xi32>
      %sub3A_922 = vector.broadcast %mul3A_774 : i32 to vector<16xi32>
      %sub3A_923 = arith.subi %get3A_921, %sub3A_922 : vector<16xi32>
      %ge3A_924 = arith.constant 0 : i32
      %ge3A_925 = vector.broadcast %ge3A_924 : i32 to vector<16xi32>
      %ge3A_926 = arith.cmpi sge, %sub3A_923, %ge3A_925 : vector<16xi32>
      %lt3A_927 = vector.broadcast %add3A_778 : i32 to vector<16xi32>
      %lt3A_928 = arith.cmpi slt, %sub3A_923, %lt3A_927 : vector<16xi32>
      %and3A_929 = arith.andi %ge3A_926, %lt3A_928 : vector<16xi1>
      %jit3A_930 = arith.constant 5112 : i32
      %broadcast_in_dim3A_931 = vector.broadcast %jit3A_930 : i32 to vector<16xi32>
      %select_n3A_932 = arith.select %and3A_929, %sub3A_923, %broadcast_in_dim3A_931 : vector<16xi1>, vector<16xi32>
      %swap3A_933 = arith.constant 80 : index
      %swap3A_934 = tpu.vector_load %arg10[%swap3A_933] {strides = array<i32>} : memref<128xi32, #tpu.memory_space<vmem>>, vector<16xi32>,
      %swap3A_935 = vector.shape_cast %swap3A_934 : vector<16xi32> to vector<16xi32>
      %swap3A_936 = vector.shape_cast %select_n3A_932 : vector<16xi32> to vector<16xi32>
      tpu.vector_store %arg10[%swap3A_933], %swap3A_936 {strides = array<i32>} : memref<128xi32, #tpu.memory_space<vmem>>, vector<16xi32>,
      %get3A_937 = arith.constant 80 : index
      %get3A_938 = tpu.vector_load %arg9[%get3A_937] {strides = array<i32>} : memref<128xi32, #tpu.memory_space<vmem>>, vector<16xi32>,
      %get3A_939 = vector.shape_cast %get3A_938 : vector<16xi32> to vector<16xi32>
      %jit3A_940 = arith.constant 0 : i32
      %broadcast_in_dim3A_941 = vector.broadcast %jit3A_940 : i32 to vector<16xi32>
      %select_n3A_942 = arith.select %and3A_929, %get3A_939, %broadcast_in_dim3A_941 : vector<16xi1>, vector<16xi32>
      %swap3A_943 = arith.constant 80 : index
      %swap3A_944 = tpu.vector_load %arg9[%swap3A_943] {strides = array<i32>} : memref<128xi32, #tpu.memory_space<vmem>>, vector<16xi32>,
      %swap3A_945 = vector.shape_cast %swap3A_944 : vector<16xi32> to vector<16xi32>
      %swap3A_946 = vector.shape_cast %select_n3A_942 : vector<16xi32> to vector<16xi32>
      tpu.vector_store %arg9[%swap3A_943], %swap3A_946 {strides = array<i32>} : memref<128xi32, #tpu.memory_space<vmem>>, vector<16xi32>,
      %get3A_947 = arith.constant 96 : index
      %get3A_948 = tpu.vector_load %arg10[%get3A_947] {strides = array<i32>} : memref<128xi32, #tpu.memory_space<vmem>>, vector<16xi32>,
      %get3A_949 = vector.shape_cast %get3A_948 : vector<16xi32> to vector<16xi32>
      %sub3A_950 = vector.broadcast %mul3A_774 : i32 to vector<16xi32>
      %sub3A_951 = arith.subi %get3A_949, %sub3A_950 : vector<16xi32>
      %ge3A_952 = arith.constant 0 : i32
      %ge3A_953 = vector.broadcast %ge3A_952 : i32 to vector<16xi32>
      %ge3A_954 = arith.cmpi sge, %sub3A_951, %ge3A_953 : vector<16xi32>
      %lt3A_955 = vector.broadcast %add3A_778 : i32 to vector<16xi32>
      %lt3A_956 = arith.cmpi slt, %sub3A_951, %lt3A_955 : vector<16xi32>
      %and3A_957 = arith.andi %ge3A_954, %lt3A_956 : vector<16xi1>
      %jit3A_958 = arith.constant 5112 : i32
      %broadcast_in_dim3A_959 = vector.broadcast %jit3A_958 : i32 to vector<16xi32>
      %select_n3A_960 = arith.select %and3A_957, %sub3A_951, %broadcast_in_dim3A_959 : vector<16xi1>, vector<16xi32>
      %swap3A_961 = arith.constant 96 : index
      %swap3A_962 = tpu.vector_load %arg10[%swap3A_961] {strides = array<i32>} : memref<128xi32, #tpu.memory_space<vmem>>, vector<16xi32>,
      %swap3A_963 = vector.shape_cast %swap3A_962 : vector<16xi32> to vector<16xi32>
      %swap3A_964 = vector.shape_cast %select_n3A_960 : vector<16xi32> to vector<16xi32>
      tpu.vector_store %arg10[%swap3A_961], %swap3A_964 {strides = array<i32>} : memref<128xi32, #tpu.memory_space<vmem>>, vector<16xi32>,
      %get3A_965 = arith.constant 96 : index
      %get3A_966 = tpu.vector_load %arg9[%get3A_965] {strides = array<i32>} : memref<128xi32, #tpu.memory_space<vmem>>, vector<16xi32>,
      %get3A_967 = vector.shape_cast %get3A_966 : vector<16xi32> to vector<16xi32>
      %jit3A_968 = arith.constant 0 : i32
      %broadcast_in_dim3A_969 = vector.broadcast %jit3A_968 : i32 to vector<16xi32>
      %select_n3A_970 = arith.select %and3A_957, %get3A_967, %broadcast_in_dim3A_969 : vector<16xi1>, vector<16xi32>
      %swap3A_971 = arith.constant 96 : index
      %swap3A_972 = tpu.vector_load %arg9[%swap3A_971] {strides = array<i32>} : memref<128xi32, #tpu.memory_space<vmem>>, vector<16xi32>,
      %swap3A_973 = vector.shape_cast %swap3A_972 : vector<16xi32> to vector<16xi32>
      %swap3A_974 = vector.shape_cast %select_n3A_970 : vector<16xi32> to vector<16xi32>
      tpu.vector_store %arg9[%swap3A_971], %swap3A_974 {strides = array<i32>} : memref<128xi32, #tpu.memory_space<vmem>>, vector<16xi32>,
      %get3A_975 = arith.constant 112 : index
      %get3A_976 = tpu.vector_load %arg10[%get3A_975] {strides = array<i32>} : memref<128xi32, #tpu.memory_space<vmem>>, vector<16xi32>,
      %get3A_977 = vector.shape_cast %get3A_976 : vector<16xi32> to vector<16xi32>
      %sub3A_978 = vector.broadcast %mul3A_774 : i32 to vector<16xi32>
      %sub3A_979 = arith.subi %get3A_977, %sub3A_978 : vector<16xi32>
      %ge3A_980 = arith.constant 0 : i32
      %ge3A_981 = vector.broadcast %ge3A_980 : i32 to vector<16xi32>
      %ge3A_982 = arith.cmpi sge, %sub3A_979, %ge3A_981 : vector<16xi32>
      %lt3A_983 = vector.broadcast %add3A_778 : i32 to vector<16xi32>
      %lt3A_984 = arith.cmpi slt, %sub3A_979, %lt3A_983 : vector<16xi32>
      %and3A_985 = arith.andi %ge3A_982, %lt3A_984 : vector<16xi1>
      %jit3A_986 = arith.constant 5112 : i32
      %broadcast_in_dim3A_987 = vector.broadcast %jit3A_986 : i32 to vector<16xi32>
      %select_n3A_988 = arith.select %and3A_985, %sub3A_979, %broadcast_in_dim3A_987 : vector<16xi1>, vector<16xi32>
      %swap3A_989 = arith.constant 112 : index
      %swap3A_990 = tpu.vector_load %arg10[%swap3A_989] {strides = array<i32>} : memref<128xi32, #tpu.memory_space<vmem>>, vector<16xi32>,
      %swap3A_991 = vector.shape_cast %swap3A_990 : vector<16xi32> to vector<16xi32>
      %swap3A_992 = vector.shape_cast %select_n3A_988 : vector<16xi32> to vector<16xi32>
      tpu.vector_store %arg10[%swap3A_989], %swap3A_992 {strides = array<i32>} : memref<128xi32, #tpu.memory_space<vmem>>, vector<16xi32>,
      %get3A_993 = arith.constant 112 : index
      %get3A_994 = tpu.vector_load %arg9[%get3A_993] {strides = array<i32>} : memref<128xi32, #tpu.memory_space<vmem>>, vector<16xi32>,
      %get3A_995 = vector.shape_cast %get3A_994 : vector<16xi32> to vector<16xi32>
      %jit3A_996 = arith.constant 0 : i32
      %broadcast_in_dim3A_997 = vector.broadcast %jit3A_996 : i32 to vector<16xi32>
      %select_n3A_998 = arith.select %and3A_985, %get3A_995, %broadcast_in_dim3A_997 : vector<16xi1>, vector<16xi32>
      %swap3A_999 = arith.constant 112 : index
      %swap3A_1000 = tpu.vector_load %arg9[%swap3A_999] {strides = array<i32>} : memref<128xi32, #tpu.memory_space<vmem>>, vector<16xi32>,
      %swap3A_1001 = vector.shape_cast %swap3A_1000 : vector<16xi32> to vector<16xi32>
      %swap3A_1002 = vector.shape_cast %select_n3A_998 : vector<16xi32> to vector<16xi32>
      tpu.vector_store %arg9[%swap3A_999], %swap3A_1002 {strides = array<i32>} : memref<128xi32, #tpu.memory_space<vmem>>, vector<16xi32>,
      %dma_start3A_1003 = arith.constant 0 : i32
      %dma_start3A_1004 = arith.constant 0 : i32
      %dma_start3A_1005 = tpu.memref_slice %arg2[%dma_start3A_1003, %dma_start3A_1004] : memref<10000x128xf32, #tpu.memory_space<hbm>> -> memref<10000x128xf32, #tpu.memory_space<hbm>>
      tpu.enqueue_indirect_dma source(%dma_start3A_1005 : memref<10000x128xf32, #tpu.memory_space<hbm>>) target(%arg11 : memref<128x128xf32, #tpu.memory_space<vmem>>) offsets(%arg9 : memref<128xi32, #tpu.memory_space<vmem>>) semaphore(%arg15 : memref<!tpu.dma_semaphore, #tpu.memory_space<semaphore_mem>>)
      %scan3A_1006 = arith.constant 0 : i32
      scf.yield %scan3A_1006 : i32
    }
    %scan3A_480 = arith.constant 78 : i32
    %dma_wait3A = arith.constant 0 : i32
    %dma_wait3A_481 = arith.constant 0 : i32
    %dma_wait3A_482 = tpu.memref_slice %arg2[%dma_wait3A, %dma_wait3A_481] : memref<10000x128xf32, #tpu.memory_space<hbm>> -> memref<10000x128xf32, #tpu.memory_space<hbm>>
    tpu.wait_indirect_dma semaphore(%arg13 : memref<!tpu.dma_semaphore, #tpu.memory_space<semaphore_mem>>) src(%dma_wait3A_482 : memref<10000x128xf32, #tpu.memory_space<hbm>>) dst(%arg8 : memref<128x128xf32, #tpu.memory_space<vmem>>)
    %dma_start3A_483 = arith.constant 0 : i32
    %dma_start3A_484 = arith.constant 0 : i32
    %dma_start3A_485 = tpu.memref_slice %arg12[%dma_start3A_483, %dma_start3A_484] : memref<5120x128xf32, #tpu.memory_space<vmem_shared>> -> memref<5120x128xf32, #tpu.memory_space<vmem_shared>>
    tpu.enqueue_indirect_dma source(%arg8 : memref<128x128xf32, #tpu.memory_space<vmem>>) target(%dma_start3A_485 : memref<5120x128xf32, #tpu.memory_space<vmem_shared>>) offsets(%arg7 : memref<128xi32, #tpu.memory_space<vmem>>) semaphore(%arg14 : memref<!tpu.dma_semaphore, #tpu.memory_space<semaphore_mem>>) {add = true}
    %dma_wait3A_486 = arith.constant 0 : i32
    %dma_wait3A_487 = arith.constant 0 : i32
    %dma_wait3A_488 = tpu.memref_slice %arg12[%dma_wait3A_486, %dma_wait3A_487] : memref<5120x128xf32, #tpu.memory_space<vmem_shared>> -> memref<5120x128xf32, #tpu.memory_space<vmem_shared>>
    tpu.wait_indirect_dma semaphore(%arg14 : memref<!tpu.dma_semaphore, #tpu.memory_space<semaphore_mem>>) src(%arg8 : memref<128x128xf32, #tpu.memory_space<vmem>>) dst(%dma_wait3A_488 : memref<5120x128xf32, #tpu.memory_space<vmem_shared>>)
    %dma_wait3A_489 = arith.constant 0 : i32
    %dma_wait3A_490 = arith.constant 0 : i32
    %dma_wait3A_491 = tpu.memref_slice %arg2[%dma_wait3A_489, %dma_wait3A_490] : memref<10000x128xf32, #tpu.memory_space<hbm>> -> memref<10000x128xf32, #tpu.memory_space<hbm>>
    tpu.wait_indirect_dma semaphore(%arg15 : memref<!tpu.dma_semaphore, #tpu.memory_space<semaphore_mem>>) src(%dma_wait3A_491 : memref<10000x128xf32, #tpu.memory_space<hbm>>) dst(%arg11 : memref<128x128xf32, #tpu.memory_space<vmem>>)
    %dma_start3A_492 = arith.constant 0 : i32
    %dma_start3A_493 = arith.constant 0 : i32
    %dma_start3A_494 = tpu.memref_slice %arg12[%dma_start3A_492, %dma_start3A_493] : memref<5120x128xf32, #tpu.memory_space<vmem_shared>> -> memref<5120x128xf32, #tpu.memory_space<vmem_shared>>
    tpu.enqueue_indirect_dma source(%arg11 : memref<128x128xf32, #tpu.memory_space<vmem>>) target(%dma_start3A_494 : memref<5120x128xf32, #tpu.memory_space<vmem_shared>>) offsets(%arg10 : memref<128xi32, #tpu.memory_space<vmem>>) semaphore(%arg16 : memref<!tpu.dma_semaphore, #tpu.memory_space<semaphore_mem>>) {add = true}
    %dma_wait3A_495 = arith.constant 0 : i32
    %dma_wait3A_496 = arith.constant 0 : i32
    %dma_wait3A_497 = tpu.memref_slice %arg12[%dma_wait3A_495, %dma_wait3A_496] : memref<5120x128xf32, #tpu.memory_space<vmem_shared>> -> memref<5120x128xf32, #tpu.memory_space<vmem_shared>>
    tpu.wait_indirect_dma semaphore(%arg16 : memref<!tpu.dma_semaphore, #tpu.memory_space<semaphore_mem>>) src(%arg11 : memref<128x128xf32, #tpu.memory_space<vmem>>) dst(%dma_wait3A_497 : memref<5120x128xf32, #tpu.memory_space<vmem_shared>>)
    %barrier3A_498 = arith.constant 0 : index
    tpu.barrier barrier_id(%barrier3A_498)
    %mul3A_499 = arith.constant 5120 : i32
    %mul3A_500 = arith.muli %arg0, %mul3A_499 : i32
    %add3A_501 = arith.addi %mul3A_500, %mul3A_6 : i32
    "tpu.region"() ({
      %run_scoped3A = tpu.sem_alloc : memref<!tpu.dma_semaphore, #tpu.memory_space<semaphore_mem>>
      %dma_start3A_502 = arith.constant 0 : i32
      %dma_start3A_503 = tpu.memref_slice %arg5[%add3A_501, %dma_start3A_502] : memref<10240x128xf32, #tpu.memory_space<hbm>> -> memref<320x128xf32, #tpu.memory_space<hbm>>
      %dma_start3A_504 = arith.constant 0 : i32
      %dma_start3A_505 = tpu.memref_slice %arg12[%mul3A_6, %dma_start3A_504] : memref<5120x128xf32, #tpu.memory_space<vmem_shared>> -> memref<320x128xf32, #tpu.memory_space<vmem_shared>>
      tpu.enqueue_dma source(%dma_start3A_505 : memref<320x128xf32, #tpu.memory_space<vmem_shared>>) target(%dma_start3A_503 : memref<320x128xf32, #tpu.memory_space<hbm>>) target_semaphore(%run_scoped3A : memref<!tpu.dma_semaphore, #tpu.memory_space<semaphore_mem>>)
      %dma_wait3A_506 = arith.constant 0 : i32
      %dma_wait3A_507 = tpu.memref_slice %arg5[%add3A_501, %dma_wait3A_506] : memref<10240x128xf32, #tpu.memory_space<hbm>> -> memref<320x128xf32, #tpu.memory_space<hbm>>
      %dma_wait3A_508 = arith.constant 0 : i32
      %dma_wait3A_509 = tpu.memref_slice %arg12[%mul3A_6, %dma_wait3A_508] : memref<5120x128xf32, #tpu.memory_space<vmem_shared>> -> memref<320x128xf32, #tpu.memory_space<vmem_shared>>
      tpu.wait_dma2 semaphore(%run_scoped3A : memref<!tpu.dma_semaphore, #tpu.memory_space<semaphore_mem>>) src(%dma_wait3A_509 : memref<320x128xf32, #tpu.memory_space<vmem_shared>>) dst(%dma_wait3A_507 : memref<320x128xf32, #tpu.memory_space<hbm>>)
      tpu.yield
    }) : () -> ()
    return
  }
}

#map = affine_map<(d0, d1) -> (0)>
#map1 = affine_map<(d0, d1) -> (0, 0)>
module attributes {stable_mosaic.version = 14 : i64} {
  func.func @_deg_body(%arg0: i32, %arg1: i32, %arg2: memref<323584xi32, #tpu.memory_space<hbm>>, %arg3: memref<10240x128xf32, #tpu.memory_space<hbm>>, %arg4: memref<128xi32, #tpu.memory_space<vmem>>, %arg5: memref<128xi32, #tpu.memory_space<vmem>>, %arg6: memref<128xi32, #tpu.memory_space<vmem>>, %arg7: memref<128xi32, #tpu.memory_space<vmem>>, %arg8: memref<128x128xf32, #tpu.memory_space<vmem>>, %arg9: memref<5120x128xf32, #tpu.memory_space<vmem_shared>>, %arg10: memref<!tpu.dma_semaphore, #tpu.memory_space<semaphore_mem>>, %arg11: memref<!tpu.dma_semaphore, #tpu.memory_space<semaphore_mem>>, %arg12: memref<!tpu.dma_semaphore, #tpu.memory_space<semaphore_mem>>, %arg13: memref<!tpu.dma_semaphore, #tpu.memory_space<semaphore_mem>>) attributes {dimension_semantics = [#tpu.dimension_semantics<core_parallel>, #tpu.dimension_semantics<subcore_parallel>], iteration_bounds = array<i64: 2, 16>, scalar_prefetch = 0 : i64, scratch_operands = 10 : i64, tpu.core_type = #tpu.core_type<sc_vector_subcore>, window_params = [{transform_indices = #map}, {transform_indices = #map1}]} {
    %scan3A = arith.constant 0 : i32
    %scan3A_0 = arith.constant 0 : i32
    %scan3A_1 = arith.constant 128 : i32
    %scan3A_2 = arith.addi %scan3A_0, %scan3A_1 : i32
    %scan3A_3 = arith.constant 1 : i32
    %scan3A_4 = scf.for %scan3A_372 = %scan3A_0 to %scan3A_2 step %scan3A_3 iter_args(%scan3A_373 = %scan3A) -> (i32)  : i32 {
      %broadcast_in_dim3A_374 = arith.constant 0.000000e+00 : f32
      %broadcast_in_dim3A_375 = vector.broadcast %broadcast_in_dim3A_374 : f32 to vector<16xf32>
      %swap3A_376 = arith.index_cast %scan3A_372 : i32 to index
      %swap3A_377 = arith.constant 0 : index
      %swap3A_378 = tpu.vector_load %arg8[%swap3A_376, %swap3A_377] {strides = array<i32>} : memref<128x128xf32, #tpu.memory_space<vmem>>, vector<1x16xf32>,
      %swap3A_379 = vector.shape_cast %swap3A_378 : vector<1x16xf32> to vector<16xf32>
      %swap3A_380 = vector.shape_cast %broadcast_in_dim3A_375 : vector<16xf32> to vector<1x16xf32>
      tpu.vector_store %arg8[%swap3A_376, %swap3A_377], %swap3A_380 {strides = array<i32>} : memref<128x128xf32, #tpu.memory_space<vmem>>, vector<1x16xf32>,
      %broadcast_in_dim3A_381 = arith.constant 0.000000e+00 : f32
      %broadcast_in_dim3A_382 = vector.broadcast %broadcast_in_dim3A_381 : f32 to vector<16xf32>
      %swap3A_383 = arith.index_cast %scan3A_372 : i32 to index
      %swap3A_384 = arith.constant 16 : index
      %swap3A_385 = tpu.vector_load %arg8[%swap3A_383, %swap3A_384] {strides = array<i32>} : memref<128x128xf32, #tpu.memory_space<vmem>>, vector<1x16xf32>,
      %swap3A_386 = vector.shape_cast %swap3A_385 : vector<1x16xf32> to vector<16xf32>
      %swap3A_387 = vector.shape_cast %broadcast_in_dim3A_382 : vector<16xf32> to vector<1x16xf32>
      tpu.vector_store %arg8[%swap3A_383, %swap3A_384], %swap3A_387 {strides = array<i32>} : memref<128x128xf32, #tpu.memory_space<vmem>>, vector<1x16xf32>,
      %broadcast_in_dim3A_388 = arith.constant 0.000000e+00 : f32
      %broadcast_in_dim3A_389 = vector.broadcast %broadcast_in_dim3A_388 : f32 to vector<16xf32>
      %swap3A_390 = arith.index_cast %scan3A_372 : i32 to index
      %swap3A_391 = arith.constant 32 : index
      %swap3A_392 = tpu.vector_load %arg8[%swap3A_390, %swap3A_391] {strides = array<i32>} : memref<128x128xf32, #tpu.memory_space<vmem>>, vector<1x16xf32>,
      %swap3A_393 = vector.shape_cast %swap3A_392 : vector<1x16xf32> to vector<16xf32>
      %swap3A_394 = vector.shape_cast %broadcast_in_dim3A_389 : vector<16xf32> to vector<1x16xf32>
      tpu.vector_store %arg8[%swap3A_390, %swap3A_391], %swap3A_394 {strides = array<i32>} : memref<128x128xf32, #tpu.memory_space<vmem>>, vector<1x16xf32>,
      %broadcast_in_dim3A_395 = arith.constant 0.000000e+00 : f32
      %broadcast_in_dim3A_396 = vector.broadcast %broadcast_in_dim3A_395 : f32 to vector<16xf32>
      %swap3A_397 = arith.index_cast %scan3A_372 : i32 to index
      %swap3A_398 = arith.constant 48 : index
      %swap3A_399 = tpu.vector_load %arg8[%swap3A_397, %swap3A_398] {strides = array<i32>} : memref<128x128xf32, #tpu.memory_space<vmem>>, vector<1x16xf32>,
      %swap3A_400 = vector.shape_cast %swap3A_399 : vector<1x16xf32> to vector<16xf32>
      %swap3A_401 = vector.shape_cast %broadcast_in_dim3A_396 : vector<16xf32> to vector<1x16xf32>
      tpu.vector_store %arg8[%swap3A_397, %swap3A_398], %swap3A_401 {strides = array<i32>} : memref<128x128xf32, #tpu.memory_space<vmem>>, vector<1x16xf32>,
      %broadcast_in_dim3A_402 = arith.constant 0.000000e+00 : f32
      %broadcast_in_dim3A_403 = vector.broadcast %broadcast_in_dim3A_402 : f32 to vector<16xf32>
      %swap3A_404 = arith.index_cast %scan3A_372 : i32 to index
      %swap3A_405 = arith.constant 64 : index
      %swap3A_406 = tpu.vector_load %arg8[%swap3A_404, %swap3A_405] {strides = array<i32>} : memref<128x128xf32, #tpu.memory_space<vmem>>, vector<1x16xf32>,
      %swap3A_407 = vector.shape_cast %swap3A_406 : vector<1x16xf32> to vector<16xf32>
      %swap3A_408 = vector.shape_cast %broadcast_in_dim3A_403 : vector<16xf32> to vector<1x16xf32>
      tpu.vector_store %arg8[%swap3A_404, %swap3A_405], %swap3A_408 {strides = array<i32>} : memref<128x128xf32, #tpu.memory_space<vmem>>, vector<1x16xf32>,
      %broadcast_in_dim3A_409 = arith.constant 0.000000e+00 : f32
      %broadcast_in_dim3A_410 = vector.broadcast %broadcast_in_dim3A_409 : f32 to vector<16xf32>
      %swap3A_411 = arith.index_cast %scan3A_372 : i32 to index
      %swap3A_412 = arith.constant 80 : index
      %swap3A_413 = tpu.vector_load %arg8[%swap3A_411, %swap3A_412] {strides = array<i32>} : memref<128x128xf32, #tpu.memory_space<vmem>>, vector<1x16xf32>,
      %swap3A_414 = vector.shape_cast %swap3A_413 : vector<1x16xf32> to vector<16xf32>
      %swap3A_415 = vector.shape_cast %broadcast_in_dim3A_410 : vector<16xf32> to vector<1x16xf32>
      tpu.vector_store %arg8[%swap3A_411, %swap3A_412], %swap3A_415 {strides = array<i32>} : memref<128x128xf32, #tpu.memory_space<vmem>>, vector<1x16xf32>,
      %broadcast_in_dim3A_416 = arith.constant 0.000000e+00 : f32
      %broadcast_in_dim3A_417 = vector.broadcast %broadcast_in_dim3A_416 : f32 to vector<16xf32>
      %swap3A_418 = arith.index_cast %scan3A_372 : i32 to index
      %swap3A_419 = arith.constant 96 : index
      %swap3A_420 = tpu.vector_load %arg8[%swap3A_418, %swap3A_419] {strides = array<i32>} : memref<128x128xf32, #tpu.memory_space<vmem>>, vector<1x16xf32>,
      %swap3A_421 = vector.shape_cast %swap3A_420 : vector<1x16xf32> to vector<16xf32>
      %swap3A_422 = vector.shape_cast %broadcast_in_dim3A_417 : vector<16xf32> to vector<1x16xf32>
      tpu.vector_store %arg8[%swap3A_418, %swap3A_419], %swap3A_422 {strides = array<i32>} : memref<128x128xf32, #tpu.memory_space<vmem>>, vector<1x16xf32>,
      %broadcast_in_dim3A_423 = arith.constant 0.000000e+00 : f32
      %broadcast_in_dim3A_424 = vector.broadcast %broadcast_in_dim3A_423 : f32 to vector<16xf32>
      %swap3A_425 = arith.index_cast %scan3A_372 : i32 to index
      %swap3A_426 = arith.constant 112 : index
      %swap3A_427 = tpu.vector_load %arg8[%swap3A_425, %swap3A_426] {strides = array<i32>} : memref<128x128xf32, #tpu.memory_space<vmem>>, vector<1x16xf32>,
      %swap3A_428 = vector.shape_cast %swap3A_427 : vector<1x16xf32> to vector<16xf32>
      %swap3A_429 = vector.shape_cast %broadcast_in_dim3A_424 : vector<16xf32> to vector<1x16xf32>
      tpu.vector_store %arg8[%swap3A_425, %swap3A_426], %swap3A_429 {strides = array<i32>} : memref<128x128xf32, #tpu.memory_space<vmem>>, vector<1x16xf32>,
      %scan3A_430 = arith.constant 0 : i32
      scf.yield %scan3A_430 : i32
    }
    %scan3A_5 = arith.constant 128 : i32
    %mul3A = arith.constant 320 : i32
    %mul3A_6 = arith.muli %arg1, %mul3A : i32
    %add3A = arith.constant 0 : i32
    %add3A_7 = arith.addi %mul3A_6, %add3A : i32
    "tpu.region"() ({
      %run_scoped3A = tpu.sem_alloc : memref<!tpu.dma_semaphore, #tpu.memory_space<semaphore_mem>>
      %dma_start3A_372 = arith.constant 0 : i32
      %dma_start3A_373 = tpu.memref_slice %arg9[%add3A_7, %dma_start3A_372] : memref<5120x128xf32, #tpu.memory_space<vmem_shared>> -> memref<128x128xf32, #tpu.memory_space<vmem_shared>>
      %dma_start3A_374 = arith.constant 0 : i32
      %dma_start3A_375 = tpu.memref_slice %arg9[%add3A_7, %dma_start3A_374] : memref<5120x128xf32, #tpu.memory_space<vmem_shared>> -> memref<128x128xf32, #tpu.memory_space<vmem_shared>>
      tpu.enqueue_dma source(%arg8 : memref<128x128xf32, #tpu.memory_space<vmem>>) target(%dma_start3A_375 : memref<128x128xf32, #tpu.memory_space<vmem_shared>>) target_semaphore(%run_scoped3A : memref<!tpu.dma_semaphore, #tpu.memory_space<semaphore_mem>>)
      %dma_wait3A_376 = arith.constant 0 : i32
      %dma_wait3A_377 = tpu.memref_slice %arg9[%add3A_7, %dma_wait3A_376] : memref<5120x128xf32, #tpu.memory_space<vmem_shared>> -> memref<128x128xf32, #tpu.memory_space<vmem_shared>>
      %dma_wait3A_378 = arith.constant 0 : i32
      %dma_wait3A_379 = tpu.memref_slice %arg9[%add3A_7, %dma_wait3A_378] : memref<5120x128xf32, #tpu.memory_space<vmem_shared>> -> memref<128x128xf32, #tpu.memory_space<vmem_shared>>
      tpu.wait_dma2 semaphore(%run_scoped3A : memref<!tpu.dma_semaphore, #tpu.memory_space<semaphore_mem>>) src(%arg8 : memref<128x128xf32, #tpu.memory_space<vmem>>) dst(%dma_wait3A_379 : memref<128x128xf32, #tpu.memory_space<vmem_shared>>)
      tpu.yield
    }) : () -> ()
    %add3A_8 = arith.constant 128 : i32
    %add3A_9 = arith.addi %mul3A_6, %add3A_8 : i32
    "tpu.region"() ({
      %run_scoped3A = tpu.sem_alloc : memref<!tpu.dma_semaphore, #tpu.memory_space<semaphore_mem>>
      %dma_start3A_372 = arith.constant 0 : i32
      %dma_start3A_373 = tpu.memref_slice %arg9[%add3A_9, %dma_start3A_372] : memref<5120x128xf32, #tpu.memory_space<vmem_shared>> -> memref<128x128xf32, #tpu.memory_space<vmem_shared>>
      %dma_start3A_374 = arith.constant 0 : i32
      %dma_start3A_375 = tpu.memref_slice %arg9[%add3A_9, %dma_start3A_374] : memref<5120x128xf32, #tpu.memory_space<vmem_shared>> -> memref<128x128xf32, #tpu.memory_space<vmem_shared>>
      tpu.enqueue_dma source(%arg8 : memref<128x128xf32, #tpu.memory_space<vmem>>) target(%dma_start3A_375 : memref<128x128xf32, #tpu.memory_space<vmem_shared>>) target_semaphore(%run_scoped3A : memref<!tpu.dma_semaphore, #tpu.memory_space<semaphore_mem>>)
      %dma_wait3A_376 = arith.constant 0 : i32
      %dma_wait3A_377 = tpu.memref_slice %arg9[%add3A_9, %dma_wait3A_376] : memref<5120x128xf32, #tpu.memory_space<vmem_shared>> -> memref<128x128xf32, #tpu.memory_space<vmem_shared>>
      %dma_wait3A_378 = arith.constant 0 : i32
      %dma_wait3A_379 = tpu.memref_slice %arg9[%add3A_9, %dma_wait3A_378] : memref<5120x128xf32, #tpu.memory_space<vmem_shared>> -> memref<128x128xf32, #tpu.memory_space<vmem_shared>>
      tpu.wait_dma2 semaphore(%run_scoped3A : memref<!tpu.dma_semaphore, #tpu.memory_space<semaphore_mem>>) src(%arg8 : memref<128x128xf32, #tpu.memory_space<vmem>>) dst(%dma_wait3A_379 : memref<128x128xf32, #tpu.memory_space<vmem_shared>>)
      tpu.yield
    }) : () -> ()
    %add3A_10 = arith.constant 256 : i32
    %add3A_11 = arith.addi %mul3A_6, %add3A_10 : i32
    "tpu.region"() ({
      %run_scoped3A = tpu.sem_alloc : memref<!tpu.dma_semaphore, #tpu.memory_space<semaphore_mem>>
      %dma_start3A_372 = arith.constant 0 : i32
      %dma_start3A_373 = arith.constant 0 : i32
      %dma_start3A_374 = tpu.memref_slice %arg8[%dma_start3A_372, %dma_start3A_373] : memref<128x128xf32, #tpu.memory_space<vmem>> -> memref<64x128xf32, #tpu.memory_space<vmem>>
      %dma_start3A_375 = arith.constant 0 : i32
      %dma_start3A_376 = tpu.memref_slice %arg9[%add3A_11, %dma_start3A_375] : memref<5120x128xf32, #tpu.memory_space<vmem_shared>> -> memref<64x128xf32, #tpu.memory_space<vmem_shared>>
      %dma_start3A_377 = arith.constant 0 : i32
      %dma_start3A_378 = tpu.memref_slice %arg9[%add3A_11, %dma_start3A_377] : memref<5120x128xf32, #tpu.memory_space<vmem_shared>> -> memref<64x128xf32, #tpu.memory_space<vmem_shared>>
      %dma_start3A_379 = arith.constant 0 : i32
      %dma_start3A_380 = arith.constant 0 : i32
      %dma_start3A_381 = tpu.memref_slice %arg8[%dma_start3A_379, %dma_start3A_380] : memref<128x128xf32, #tpu.memory_space<vmem>> -> memref<64x128xf32, #tpu.memory_space<vmem>>
      tpu.enqueue_dma source(%dma_start3A_381 : memref<64x128xf32, #tpu.memory_space<vmem>>) target(%dma_start3A_378 : memref<64x128xf32, #tpu.memory_space<vmem_shared>>) target_semaphore(%run_scoped3A : memref<!tpu.dma_semaphore, #tpu.memory_space<semaphore_mem>>)
      %dma_wait3A_382 = arith.constant 0 : i32
      %dma_wait3A_383 = arith.constant 0 : i32
      %dma_wait3A_384 = tpu.memref_slice %arg8[%dma_wait3A_382, %dma_wait3A_383] : memref<128x128xf32, #tpu.memory_space<vmem>> -> memref<64x128xf32, #tpu.memory_space<vmem>>
      %dma_wait3A_385 = arith.constant 0 : i32
      %dma_wait3A_386 = tpu.memref_slice %arg9[%add3A_11, %dma_wait3A_385] : memref<5120x128xf32, #tpu.memory_space<vmem_shared>> -> memref<64x128xf32, #tpu.memory_space<vmem_shared>>
      %dma_wait3A_387 = arith.constant 0 : i32
      %dma_wait3A_388 = tpu.memref_slice %arg9[%add3A_11, %dma_wait3A_387] : memref<5120x128xf32, #tpu.memory_space<vmem_shared>> -> memref<64x128xf32, #tpu.memory_space<vmem_shared>>
      %dma_wait3A_389 = arith.constant 0 : i32
      %dma_wait3A_390 = arith.constant 0 : i32
      %dma_wait3A_391 = tpu.memref_slice %arg8[%dma_wait3A_389, %dma_wait3A_390] : memref<128x128xf32, #tpu.memory_space<vmem>> -> memref<64x128xf32, #tpu.memory_space<vmem>>
      tpu.wait_dma2 semaphore(%run_scoped3A : memref<!tpu.dma_semaphore, #tpu.memory_space<semaphore_mem>>) src(%dma_wait3A_391 : memref<64x128xf32, #tpu.memory_space<vmem>>) dst(%dma_wait3A_388 : memref<64x128xf32, #tpu.memory_space<vmem_shared>>)
      tpu.yield
    }) : () -> ()
    %scan3A_12 = arith.constant 0 : i32
    %scan3A_13 = arith.constant 0 : i32
    %scan3A_14 = arith.constant 128 : i32
    %scan3A_15 = arith.addi %scan3A_13, %scan3A_14 : i32
    %scan3A_16 = arith.constant 1 : i32
    %scan3A_17 = scf.for %scan3A_372 = %scan3A_13 to %scan3A_15 step %scan3A_16 iter_args(%scan3A_373 = %scan3A_12) -> (i32)  : i32 {
      %broadcast_in_dim3A_374 = arith.constant 1.000000e+00 : f32
      %broadcast_in_dim3A_375 = vector.broadcast %broadcast_in_dim3A_374 : f32 to vector<16xf32>
      %swap3A_376 = arith.index_cast %scan3A_372 : i32 to index
      %swap3A_377 = arith.constant 0 : index
      %swap3A_378 = tpu.vector_load %arg8[%swap3A_376, %swap3A_377] {strides = array<i32>} : memref<128x128xf32, #tpu.memory_space<vmem>>, vector<1x16xf32>,
      %swap3A_379 = vector.shape_cast %swap3A_378 : vector<1x16xf32> to vector<16xf32>
      %swap3A_380 = vector.shape_cast %broadcast_in_dim3A_375 : vector<16xf32> to vector<1x16xf32>
      tpu.vector_store %arg8[%swap3A_376, %swap3A_377], %swap3A_380 {strides = array<i32>} : memref<128x128xf32, #tpu.memory_space<vmem>>, vector<1x16xf32>,
      %scan3A_381 = arith.constant 0 : i32
      scf.yield %scan3A_381 : i32
    }
    %scan3A_18 = arith.constant 128 : i32
    %barrier3A = arith.constant 0 : index
    tpu.barrier barrier_id(%barrier3A)
    %mul3A_19 = arith.constant 20224 : i32
    %mul3A_20 = arith.muli %arg1, %mul3A_19 : i32
    %min3A = arith.constant 0 : i32
    %min3A_21 = arith.constant 157 : i32
    %min3A_22 = arith.minsi %min3A, %min3A_21 : i32
    %mul3A_23 = arith.constant 128 : i32
    %mul3A_24 = arith.muli %min3A_22, %mul3A_23 : i32
    %add3A_25 = arith.addi %mul3A_20, %mul3A_24 : i32
    %dma_start3A = tpu.memref_slice %arg2[%add3A_25] : memref<323584xi32, #tpu.memory_space<hbm>> -> memref<128xi32, #tpu.memory_space<hbm>>
    %dma_start3A_26 = tpu.memref_slice %arg2[%add3A_25] : memref<323584xi32, #tpu.memory_space<hbm>> -> memref<128xi32, #tpu.memory_space<hbm>>
    tpu.enqueue_dma source(%dma_start3A_26 : memref<128xi32, #tpu.memory_space<hbm>>) target(%arg4 : memref<128xi32, #tpu.memory_space<vmem>>) target_semaphore(%arg10 : memref<!tpu.dma_semaphore, #tpu.memory_space<semaphore_mem>>)
    %min3A_27 = arith.constant 1 : i32
    %min3A_28 = arith.constant 157 : i32
    %min3A_29 = arith.minsi %min3A_27, %min3A_28 : i32
    %mul3A_30 = arith.constant 128 : i32
    %mul3A_31 = arith.muli %min3A_29, %mul3A_30 : i32
    %add3A_32 = arith.addi %mul3A_20, %mul3A_31 : i32
    %dma_start3A_33 = tpu.memref_slice %arg2[%add3A_32] : memref<323584xi32, #tpu.memory_space<hbm>> -> memref<128xi32, #tpu.memory_space<hbm>>
    %dma_start3A_34 = tpu.memref_slice %arg2[%add3A_32] : memref<323584xi32, #tpu.memory_space<hbm>> -> memref<128xi32, #tpu.memory_space<hbm>>
    tpu.enqueue_dma source(%dma_start3A_34 : memref<128xi32, #tpu.memory_space<hbm>>) target(%arg5 : memref<128xi32, #tpu.memory_space<vmem>>) target_semaphore(%arg11 : memref<!tpu.dma_semaphore, #tpu.memory_space<semaphore_mem>>)
    %dma_wait3A = tpu.memref_slice %arg2[%mul3A_20] : memref<323584xi32, #tpu.memory_space<hbm>> -> memref<128xi32, #tpu.memory_space<hbm>>
    %dma_wait3A_35 = tpu.memref_slice %arg2[%mul3A_20] : memref<323584xi32, #tpu.memory_space<hbm>> -> memref<128xi32, #tpu.memory_space<hbm>>
    tpu.wait_dma2 semaphore(%arg10 : memref<!tpu.dma_semaphore, #tpu.memory_space<semaphore_mem>>) src(%dma_wait3A_35 : memref<128xi32, #tpu.memory_space<hbm>>) dst(%arg4 : memref<128xi32, #tpu.memory_space<vmem>>)
    %mul3A_36 = arith.constant 5000 : i32
    %mul3A_37 = arith.muli %arg0, %mul3A_36 : i32
    %mul3A_38 = arith.constant 112 : i32
    %mul3A_39 = arith.muli %arg0, %mul3A_38 : i32
    %add3A_40 = arith.constant 5000 : i32
    %add3A_41 = arith.addi %add3A_40, %mul3A_39 : i32
    %get3A = arith.constant 0 : index
    %get3A_42 = tpu.vector_load %arg4[%get3A] {strides = array<i32>} : memref<128xi32, #tpu.memory_space<vmem>>, vector<16xi32>,
    %get3A_43 = vector.shape_cast %get3A_42 : vector<16xi32> to vector<16xi32>
    %sub3A = vector.broadcast %mul3A_37 : i32 to vector<16xi32>
    %sub3A_44 = arith.subi %get3A_43, %sub3A : vector<16xi32>
    %ge3A = arith.constant 0 : i32
    %ge3A_45 = vector.broadcast %ge3A : i32 to vector<16xi32>
    %ge3A_46 = arith.cmpi sge, %sub3A_44, %ge3A_45 : vector<16xi32>
    %lt3A = vector.broadcast %add3A_41 : i32 to vector<16xi32>
    %lt3A_47 = arith.cmpi slt, %sub3A_44, %lt3A : vector<16xi32>
    %and3A = arith.andi %ge3A_46, %lt3A_47 : vector<16xi1>
    %jit3A = arith.constant 5112 : i32
    %broadcast_in_dim3A = vector.broadcast %jit3A : i32 to vector<16xi32>
    %select_n3A = arith.select %and3A, %sub3A_44, %broadcast_in_dim3A : vector<16xi1>, vector<16xi32>
    %swap3A = arith.constant 0 : index
    %swap3A_48 = tpu.vector_load %arg6[%swap3A] {strides = array<i32>} : memref<128xi32, #tpu.memory_space<vmem>>, vector<16xi32>,
    %swap3A_49 = vector.shape_cast %swap3A_48 : vector<16xi32> to vector<16xi32>
    %swap3A_50 = vector.shape_cast %select_n3A : vector<16xi32> to vector<16xi32>
    tpu.vector_store %arg6[%swap3A], %swap3A_50 {strides = array<i32>} : memref<128xi32, #tpu.memory_space<vmem>>, vector<16xi32>,
    %get3A_51 = arith.constant 16 : index
    %get3A_52 = tpu.vector_load %arg4[%get3A_51] {strides = array<i32>} : memref<128xi32, #tpu.memory_space<vmem>>, vector<16xi32>,
    %get3A_53 = vector.shape_cast %get3A_52 : vector<16xi32> to vector<16xi32>
    %sub3A_54 = vector.broadcast %mul3A_37 : i32 to vector<16xi32>
    %sub3A_55 = arith.subi %get3A_53, %sub3A_54 : vector<16xi32>
    %ge3A_56 = arith.constant 0 : i32
    %ge3A_57 = vector.broadcast %ge3A_56 : i32 to vector<16xi32>
    %ge3A_58 = arith.cmpi sge, %sub3A_55, %ge3A_57 : vector<16xi32>
    %lt3A_59 = vector.broadcast %add3A_41 : i32 to vector<16xi32>
    %lt3A_60 = arith.cmpi slt, %sub3A_55, %lt3A_59 : vector<16xi32>
    %and3A_61 = arith.andi %ge3A_58, %lt3A_60 : vector<16xi1>
    %jit3A_62 = arith.constant 5112 : i32
    %broadcast_in_dim3A_63 = vector.broadcast %jit3A_62 : i32 to vector<16xi32>
    %select_n3A_64 = arith.select %and3A_61, %sub3A_55, %broadcast_in_dim3A_63 : vector<16xi1>, vector<16xi32>
    %swap3A_65 = arith.constant 16 : index
    %swap3A_66 = tpu.vector_load %arg6[%swap3A_65] {strides = array<i32>} : memref<128xi32, #tpu.memory_space<vmem>>, vector<16xi32>,
    %swap3A_67 = vector.shape_cast %swap3A_66 : vector<16xi32> to vector<16xi32>
    %swap3A_68 = vector.shape_cast %select_n3A_64 : vector<16xi32> to vector<16xi32>
    tpu.vector_store %arg6[%swap3A_65], %swap3A_68 {strides = array<i32>} : memref<128xi32, #tpu.memory_space<vmem>>, vector<16xi32>,
    %get3A_69 = arith.constant 32 : index
    %get3A_70 = tpu.vector_load %arg4[%get3A_69] {strides = array<i32>} : memref<128xi32, #tpu.memory_space<vmem>>, vector<16xi32>,
    %get3A_71 = vector.shape_cast %get3A_70 : vector<16xi32> to vector<16xi32>
    %sub3A_72 = vector.broadcast %mul3A_37 : i32 to vector<16xi32>
    %sub3A_73 = arith.subi %get3A_71, %sub3A_72 : vector<16xi32>
    %ge3A_74 = arith.constant 0 : i32
    %ge3A_75 = vector.broadcast %ge3A_74 : i32 to vector<16xi32>
    %ge3A_76 = arith.cmpi sge, %sub3A_73, %ge3A_75 : vector<16xi32>
    %lt3A_77 = vector.broadcast %add3A_41 : i32 to vector<16xi32>
    %lt3A_78 = arith.cmpi slt, %sub3A_73, %lt3A_77 : vector<16xi32>
    %and3A_79 = arith.andi %ge3A_76, %lt3A_78 : vector<16xi1>
    %jit3A_80 = arith.constant 5112 : i32
    %broadcast_in_dim3A_81 = vector.broadcast %jit3A_80 : i32 to vector<16xi32>
    %select_n3A_82 = arith.select %and3A_79, %sub3A_73, %broadcast_in_dim3A_81 : vector<16xi1>, vector<16xi32>
    %swap3A_83 = arith.constant 32 : index
    %swap3A_84 = tpu.vector_load %arg6[%swap3A_83] {strides = array<i32>} : memref<128xi32, #tpu.memory_space<vmem>>, vector<16xi32>,
    %swap3A_85 = vector.shape_cast %swap3A_84 : vector<16xi32> to vector<16xi32>
    %swap3A_86 = vector.shape_cast %select_n3A_82 : vector<16xi32> to vector<16xi32>
    tpu.vector_store %arg6[%swap3A_83], %swap3A_86 {strides = array<i32>} : memref<128xi32, #tpu.memory_space<vmem>>, vector<16xi32>,
    %get3A_87 = arith.constant 48 : index
    %get3A_88 = tpu.vector_load %arg4[%get3A_87] {strides = array<i32>} : memref<128xi32, #tpu.memory_space<vmem>>, vector<16xi32>,
    %get3A_89 = vector.shape_cast %get3A_88 : vector<16xi32> to vector<16xi32>
    %sub3A_90 = vector.broadcast %mul3A_37 : i32 to vector<16xi32>
    %sub3A_91 = arith.subi %get3A_89, %sub3A_90 : vector<16xi32>
    %ge3A_92 = arith.constant 0 : i32
    %ge3A_93 = vector.broadcast %ge3A_92 : i32 to vector<16xi32>
    %ge3A_94 = arith.cmpi sge, %sub3A_91, %ge3A_93 : vector<16xi32>
    %lt3A_95 = vector.broadcast %add3A_41 : i32 to vector<16xi32>
    %lt3A_96 = arith.cmpi slt, %sub3A_91, %lt3A_95 : vector<16xi32>
    %and3A_97 = arith.andi %ge3A_94, %lt3A_96 : vector<16xi1>
    %jit3A_98 = arith.constant 5112 : i32
    %broadcast_in_dim3A_99 = vector.broadcast %jit3A_98 : i32 to vector<16xi32>
    %select_n3A_100 = arith.select %and3A_97, %sub3A_91, %broadcast_in_dim3A_99 : vector<16xi1>, vector<16xi32>
    %swap3A_101 = arith.constant 48 : index
    %swap3A_102 = tpu.vector_load %arg6[%swap3A_101] {strides = array<i32>} : memref<128xi32, #tpu.memory_space<vmem>>, vector<16xi32>,
    %swap3A_103 = vector.shape_cast %swap3A_102 : vector<16xi32> to vector<16xi32>
    %swap3A_104 = vector.shape_cast %select_n3A_100 : vector<16xi32> to vector<16xi32>
    tpu.vector_store %arg6[%swap3A_101], %swap3A_104 {strides = array<i32>} : memref<128xi32, #tpu.memory_space<vmem>>, vector<16xi32>,
    %get3A_105 = arith.constant 64 : index
    %get3A_106 = tpu.vector_load %arg4[%get3A_105] {strides = array<i32>} : memref<128xi32, #tpu.memory_space<vmem>>, vector<16xi32>,
    %get3A_107 = vector.shape_cast %get3A_106 : vector<16xi32> to vector<16xi32>
    %sub3A_108 = vector.broadcast %mul3A_37 : i32 to vector<16xi32>
    %sub3A_109 = arith.subi %get3A_107, %sub3A_108 : vector<16xi32>
    %ge3A_110 = arith.constant 0 : i32
    %ge3A_111 = vector.broadcast %ge3A_110 : i32 to vector<16xi32>
    %ge3A_112 = arith.cmpi sge, %sub3A_109, %ge3A_111 : vector<16xi32>
    %lt3A_113 = vector.broadcast %add3A_41 : i32 to vector<16xi32>
    %lt3A_114 = arith.cmpi slt, %sub3A_109, %lt3A_113 : vector<16xi32>
    %and3A_115 = arith.andi %ge3A_112, %lt3A_114 : vector<16xi1>
    %jit3A_116 = arith.constant 5112 : i32
    %broadcast_in_dim3A_117 = vector.broadcast %jit3A_116 : i32 to vector<16xi32>
    %select_n3A_118 = arith.select %and3A_115, %sub3A_109, %broadcast_in_dim3A_117 : vector<16xi1>, vector<16xi32>
    %swap3A_119 = arith.constant 64 : index
    %swap3A_120 = tpu.vector_load %arg6[%swap3A_119] {strides = array<i32>} : memref<128xi32, #tpu.memory_space<vmem>>, vector<16xi32>,
    %swap3A_121 = vector.shape_cast %swap3A_120 : vector<16xi32> to vector<16xi32>
    %swap3A_122 = vector.shape_cast %select_n3A_118 : vector<16xi32> to vector<16xi32>
    tpu.vector_store %arg6[%swap3A_119], %swap3A_122 {strides = array<i32>} : memref<128xi32, #tpu.memory_space<vmem>>, vector<16xi32>,
    %get3A_123 = arith.constant 80 : index
    %get3A_124 = tpu.vector_load %arg4[%get3A_123] {strides = array<i32>} : memref<128xi32, #tpu.memory_space<vmem>>, vector<16xi32>,
    %get3A_125 = vector.shape_cast %get3A_124 : vector<16xi32> to vector<16xi32>
    %sub3A_126 = vector.broadcast %mul3A_37 : i32 to vector<16xi32>
    %sub3A_127 = arith.subi %get3A_125, %sub3A_126 : vector<16xi32>
    %ge3A_128 = arith.constant 0 : i32
    %ge3A_129 = vector.broadcast %ge3A_128 : i32 to vector<16xi32>
    %ge3A_130 = arith.cmpi sge, %sub3A_127, %ge3A_129 : vector<16xi32>
    %lt3A_131 = vector.broadcast %add3A_41 : i32 to vector<16xi32>
    %lt3A_132 = arith.cmpi slt, %sub3A_127, %lt3A_131 : vector<16xi32>
    %and3A_133 = arith.andi %ge3A_130, %lt3A_132 : vector<16xi1>
    %jit3A_134 = arith.constant 5112 : i32
    %broadcast_in_dim3A_135 = vector.broadcast %jit3A_134 : i32 to vector<16xi32>
    %select_n3A_136 = arith.select %and3A_133, %sub3A_127, %broadcast_in_dim3A_135 : vector<16xi1>, vector<16xi32>
    %swap3A_137 = arith.constant 80 : index
    %swap3A_138 = tpu.vector_load %arg6[%swap3A_137] {strides = array<i32>} : memref<128xi32, #tpu.memory_space<vmem>>, vector<16xi32>,
    %swap3A_139 = vector.shape_cast %swap3A_138 : vector<16xi32> to vector<16xi32>
    %swap3A_140 = vector.shape_cast %select_n3A_136 : vector<16xi32> to vector<16xi32>
    tpu.vector_store %arg6[%swap3A_137], %swap3A_140 {strides = array<i32>} : memref<128xi32, #tpu.memory_space<vmem>>, vector<16xi32>,
    %get3A_141 = arith.constant 96 : index
    %get3A_142 = tpu.vector_load %arg4[%get3A_141] {strides = array<i32>} : memref<128xi32, #tpu.memory_space<vmem>>, vector<16xi32>,
    %get3A_143 = vector.shape_cast %get3A_142 : vector<16xi32> to vector<16xi32>
    %sub3A_144 = vector.broadcast %mul3A_37 : i32 to vector<16xi32>
    %sub3A_145 = arith.subi %get3A_143, %sub3A_144 : vector<16xi32>
    %ge3A_146 = arith.constant 0 : i32
    %ge3A_147 = vector.broadcast %ge3A_146 : i32 to vector<16xi32>
    %ge3A_148 = arith.cmpi sge, %sub3A_145, %ge3A_147 : vector<16xi32>
    %lt3A_149 = vector.broadcast %add3A_41 : i32 to vector<16xi32>
    %lt3A_150 = arith.cmpi slt, %sub3A_145, %lt3A_149 : vector<16xi32>
    %and3A_151 = arith.andi %ge3A_148, %lt3A_150 : vector<16xi1>
    %jit3A_152 = arith.constant 5112 : i32
    %broadcast_in_dim3A_153 = vector.broadcast %jit3A_152 : i32 to vector<16xi32>
    %select_n3A_154 = arith.select %and3A_151, %sub3A_145, %broadcast_in_dim3A_153 : vector<16xi1>, vector<16xi32>
    %swap3A_155 = arith.constant 96 : index
    %swap3A_156 = tpu.vector_load %arg6[%swap3A_155] {strides = array<i32>} : memref<128xi32, #tpu.memory_space<vmem>>, vector<16xi32>,
    %swap3A_157 = vector.shape_cast %swap3A_156 : vector<16xi32> to vector<16xi32>
    %swap3A_158 = vector.shape_cast %select_n3A_154 : vector<16xi32> to vector<16xi32>
    tpu.vector_store %arg6[%swap3A_155], %swap3A_158 {strides = array<i32>} : memref<128xi32, #tpu.memory_space<vmem>>, vector<16xi32>,
    %get3A_159 = arith.constant 112 : index
    %get3A_160 = tpu.vector_load %arg4[%get3A_159] {strides = array<i32>} : memref<128xi32, #tpu.memory_space<vmem>>, vector<16xi32>,
    %get3A_161 = vector.shape_cast %get3A_160 : vector<16xi32> to vector<16xi32>
    %sub3A_162 = vector.broadcast %mul3A_37 : i32 to vector<16xi32>
    %sub3A_163 = arith.subi %get3A_161, %sub3A_162 : vector<16xi32>
    %ge3A_164 = arith.constant 0 : i32
    %ge3A_165 = vector.broadcast %ge3A_164 : i32 to vector<16xi32>
    %ge3A_166 = arith.cmpi sge, %sub3A_163, %ge3A_165 : vector<16xi32>
    %lt3A_167 = vector.broadcast %add3A_41 : i32 to vector<16xi32>
    %lt3A_168 = arith.cmpi slt, %sub3A_163, %lt3A_167 : vector<16xi32>
    %and3A_169 = arith.andi %ge3A_166, %lt3A_168 : vector<16xi1>
    %jit3A_170 = arith.constant 5112 : i32
    %broadcast_in_dim3A_171 = vector.broadcast %jit3A_170 : i32 to vector<16xi32>
    %select_n3A_172 = arith.select %and3A_169, %sub3A_163, %broadcast_in_dim3A_171 : vector<16xi1>, vector<16xi32>
    %swap3A_173 = arith.constant 112 : index
    %swap3A_174 = tpu.vector_load %arg6[%swap3A_173] {strides = array<i32>} : memref<128xi32, #tpu.memory_space<vmem>>, vector<16xi32>,
    %swap3A_175 = vector.shape_cast %swap3A_174 : vector<16xi32> to vector<16xi32>
    %swap3A_176 = vector.shape_cast %select_n3A_172 : vector<16xi32> to vector<16xi32>
    tpu.vector_store %arg6[%swap3A_173], %swap3A_176 {strides = array<i32>} : memref<128xi32, #tpu.memory_space<vmem>>, vector<16xi32>,
    %dma_start3A_177 = arith.constant 0 : i32
    %dma_start3A_178 = arith.constant 0 : i32
    %dma_start3A_179 = tpu.memref_slice %arg9[%dma_start3A_177, %dma_start3A_178] : memref<5120x128xf32, #tpu.memory_space<vmem_shared>> -> memref<5120x128xf32, #tpu.memory_space<vmem_shared>>
    tpu.enqueue_indirect_dma source(%arg8 : memref<128x128xf32, #tpu.memory_space<vmem>>) target(%dma_start3A_179 : memref<5120x128xf32, #tpu.memory_space<vmem_shared>>) offsets(%arg6 : memref<128xi32, #tpu.memory_space<vmem>>) semaphore(%arg12 : memref<!tpu.dma_semaphore, #tpu.memory_space<semaphore_mem>>) {add = true}
    %min3A_180 = arith.constant 2 : i32
    %min3A_181 = arith.constant 157 : i32
    %min3A_182 = arith.minsi %min3A_180, %min3A_181 : i32
    %mul3A_183 = arith.constant 128 : i32
    %mul3A_184 = arith.muli %min3A_182, %mul3A_183 : i32
    %add3A_185 = arith.addi %mul3A_20, %mul3A_184 : i32
    %dma_start3A_186 = tpu.memref_slice %arg2[%add3A_185] : memref<323584xi32, #tpu.memory_space<hbm>> -> memref<128xi32, #tpu.memory_space<hbm>>
    %dma_start3A_187 = tpu.memref_slice %arg2[%add3A_185] : memref<323584xi32, #tpu.memory_space<hbm>> -> memref<128xi32, #tpu.memory_space<hbm>>
    tpu.enqueue_dma source(%dma_start3A_187 : memref<128xi32, #tpu.memory_space<hbm>>) target(%arg4 : memref<128xi32, #tpu.memory_space<vmem>>) target_semaphore(%arg10 : memref<!tpu.dma_semaphore, #tpu.memory_space<semaphore_mem>>)
    %dma_wait3A_188 = tpu.memref_slice %arg2[%mul3A_20] : memref<323584xi32, #tpu.memory_space<hbm>> -> memref<128xi32, #tpu.memory_space<hbm>>
    %dma_wait3A_189 = tpu.memref_slice %arg2[%mul3A_20] : memref<323584xi32, #tpu.memory_space<hbm>> -> memref<128xi32, #tpu.memory_space<hbm>>
    tpu.wait_dma2 semaphore(%arg11 : memref<!tpu.dma_semaphore, #tpu.memory_space<semaphore_mem>>) src(%dma_wait3A_189 : memref<128xi32, #tpu.memory_space<hbm>>) dst(%arg5 : memref<128xi32, #tpu.memory_space<vmem>>)
    %mul3A_190 = arith.constant 5000 : i32
    %mul3A_191 = arith.muli %arg0, %mul3A_190 : i32
    %mul3A_192 = arith.constant 112 : i32
    %mul3A_193 = arith.muli %arg0, %mul3A_192 : i32
    %add3A_194 = arith.constant 5000 : i32
    %add3A_195 = arith.addi %add3A_194, %mul3A_193 : i32
    %get3A_196 = arith.constant 0 : index
    %get3A_197 = tpu.vector_load %arg5[%get3A_196] {strides = array<i32>} : memref<128xi32, #tpu.memory_space<vmem>>, vector<16xi32>,
    %get3A_198 = vector.shape_cast %get3A_197 : vector<16xi32> to vector<16xi32>
    %sub3A_199 = vector.broadcast %mul3A_191 : i32 to vector<16xi32>
    %sub3A_200 = arith.subi %get3A_198, %sub3A_199 : vector<16xi32>
    %ge3A_201 = arith.constant 0 : i32
    %ge3A_202 = vector.broadcast %ge3A_201 : i32 to vector<16xi32>
    %ge3A_203 = arith.cmpi sge, %sub3A_200, %ge3A_202 : vector<16xi32>
    %lt3A_204 = vector.broadcast %add3A_195 : i32 to vector<16xi32>
    %lt3A_205 = arith.cmpi slt, %sub3A_200, %lt3A_204 : vector<16xi32>
    %and3A_206 = arith.andi %ge3A_203, %lt3A_205 : vector<16xi1>
    %jit3A_207 = arith.constant 5112 : i32
    %broadcast_in_dim3A_208 = vector.broadcast %jit3A_207 : i32 to vector<16xi32>
    %select_n3A_209 = arith.select %and3A_206, %sub3A_200, %broadcast_in_dim3A_208 : vector<16xi1>, vector<16xi32>
    %swap3A_210 = arith.constant 0 : index
    %swap3A_211 = tpu.vector_load %arg7[%swap3A_210] {strides = array<i32>} : memref<128xi32, #tpu.memory_space<vmem>>, vector<16xi32>,
    %swap3A_212 = vector.shape_cast %swap3A_211 : vector<16xi32> to vector<16xi32>
    %swap3A_213 = vector.shape_cast %select_n3A_209 : vector<16xi32> to vector<16xi32>
    tpu.vector_store %arg7[%swap3A_210], %swap3A_213 {strides = array<i32>} : memref<128xi32, #tpu.memory_space<vmem>>, vector<16xi32>,
    %get3A_214 = arith.constant 16 : index
    %get3A_215 = tpu.vector_load %arg5[%get3A_214] {strides = array<i32>} : memref<128xi32, #tpu.memory_space<vmem>>, vector<16xi32>,
    %get3A_216 = vector.shape_cast %get3A_215 : vector<16xi32> to vector<16xi32>
    %sub3A_217 = vector.broadcast %mul3A_191 : i32 to vector<16xi32>
    %sub3A_218 = arith.subi %get3A_216, %sub3A_217 : vector<16xi32>
    %ge3A_219 = arith.constant 0 : i32
    %ge3A_220 = vector.broadcast %ge3A_219 : i32 to vector<16xi32>
    %ge3A_221 = arith.cmpi sge, %sub3A_218, %ge3A_220 : vector<16xi32>
    %lt3A_222 = vector.broadcast %add3A_195 : i32 to vector<16xi32>
    %lt3A_223 = arith.cmpi slt, %sub3A_218, %lt3A_222 : vector<16xi32>
    %and3A_224 = arith.andi %ge3A_221, %lt3A_223 : vector<16xi1>
    %jit3A_225 = arith.constant 5112 : i32
    %broadcast_in_dim3A_226 = vector.broadcast %jit3A_225 : i32 to vector<16xi32>
    %select_n3A_227 = arith.select %and3A_224, %sub3A_218, %broadcast_in_dim3A_226 : vector<16xi1>, vector<16xi32>
    %swap3A_228 = arith.constant 16 : index
    %swap3A_229 = tpu.vector_load %arg7[%swap3A_228] {strides = array<i32>} : memref<128xi32, #tpu.memory_space<vmem>>, vector<16xi32>,
    %swap3A_230 = vector.shape_cast %swap3A_229 : vector<16xi32> to vector<16xi32>
    %swap3A_231 = vector.shape_cast %select_n3A_227 : vector<16xi32> to vector<16xi32>
    tpu.vector_store %arg7[%swap3A_228], %swap3A_231 {strides = array<i32>} : memref<128xi32, #tpu.memory_space<vmem>>, vector<16xi32>,
    %get3A_232 = arith.constant 32 : index
    %get3A_233 = tpu.vector_load %arg5[%get3A_232] {strides = array<i32>} : memref<128xi32, #tpu.memory_space<vmem>>, vector<16xi32>,
    %get3A_234 = vector.shape_cast %get3A_233 : vector<16xi32> to vector<16xi32>
    %sub3A_235 = vector.broadcast %mul3A_191 : i32 to vector<16xi32>
    %sub3A_236 = arith.subi %get3A_234, %sub3A_235 : vector<16xi32>
    %ge3A_237 = arith.constant 0 : i32
    %ge3A_238 = vector.broadcast %ge3A_237 : i32 to vector<16xi32>
    %ge3A_239 = arith.cmpi sge, %sub3A_236, %ge3A_238 : vector<16xi32>
    %lt3A_240 = vector.broadcast %add3A_195 : i32 to vector<16xi32>
    %lt3A_241 = arith.cmpi slt, %sub3A_236, %lt3A_240 : vector<16xi32>
    %and3A_242 = arith.andi %ge3A_239, %lt3A_241 : vector<16xi1>
    %jit3A_243 = arith.constant 5112 : i32
    %broadcast_in_dim3A_244 = vector.broadcast %jit3A_243 : i32 to vector<16xi32>
    %select_n3A_245 = arith.select %and3A_242, %sub3A_236, %broadcast_in_dim3A_244 : vector<16xi1>, vector<16xi32>
    %swap3A_246 = arith.constant 32 : index
    %swap3A_247 = tpu.vector_load %arg7[%swap3A_246] {strides = array<i32>} : memref<128xi32, #tpu.memory_space<vmem>>, vector<16xi32>,
    %swap3A_248 = vector.shape_cast %swap3A_247 : vector<16xi32> to vector<16xi32>
    %swap3A_249 = vector.shape_cast %select_n3A_245 : vector<16xi32> to vector<16xi32>
    tpu.vector_store %arg7[%swap3A_246], %swap3A_249 {strides = array<i32>} : memref<128xi32, #tpu.memory_space<vmem>>, vector<16xi32>,
    %get3A_250 = arith.constant 48 : index
    %get3A_251 = tpu.vector_load %arg5[%get3A_250] {strides = array<i32>} : memref<128xi32, #tpu.memory_space<vmem>>, vector<16xi32>,
    %get3A_252 = vector.shape_cast %get3A_251 : vector<16xi32> to vector<16xi32>
    %sub3A_253 = vector.broadcast %mul3A_191 : i32 to vector<16xi32>
    %sub3A_254 = arith.subi %get3A_252, %sub3A_253 : vector<16xi32>
    %ge3A_255 = arith.constant 0 : i32
    %ge3A_256 = vector.broadcast %ge3A_255 : i32 to vector<16xi32>
    %ge3A_257 = arith.cmpi sge, %sub3A_254, %ge3A_256 : vector<16xi32>
    %lt3A_258 = vector.broadcast %add3A_195 : i32 to vector<16xi32>
    %lt3A_259 = arith.cmpi slt, %sub3A_254, %lt3A_258 : vector<16xi32>
    %and3A_260 = arith.andi %ge3A_257, %lt3A_259 : vector<16xi1>
    %jit3A_261 = arith.constant 5112 : i32
    %broadcast_in_dim3A_262 = vector.broadcast %jit3A_261 : i32 to vector<16xi32>
    %select_n3A_263 = arith.select %and3A_260, %sub3A_254, %broadcast_in_dim3A_262 : vector<16xi1>, vector<16xi32>
    %swap3A_264 = arith.constant 48 : index
    %swap3A_265 = tpu.vector_load %arg7[%swap3A_264] {strides = array<i32>} : memref<128xi32, #tpu.memory_space<vmem>>, vector<16xi32>,
    %swap3A_266 = vector.shape_cast %swap3A_265 : vector<16xi32> to vector<16xi32>
    %swap3A_267 = vector.shape_cast %select_n3A_263 : vector<16xi32> to vector<16xi32>
    tpu.vector_store %arg7[%swap3A_264], %swap3A_267 {strides = array<i32>} : memref<128xi32, #tpu.memory_space<vmem>>, vector<16xi32>,
    %get3A_268 = arith.constant 64 : index
    %get3A_269 = tpu.vector_load %arg5[%get3A_268] {strides = array<i32>} : memref<128xi32, #tpu.memory_space<vmem>>, vector<16xi32>,
    %get3A_270 = vector.shape_cast %get3A_269 : vector<16xi32> to vector<16xi32>
    %sub3A_271 = vector.broadcast %mul3A_191 : i32 to vector<16xi32>
    %sub3A_272 = arith.subi %get3A_270, %sub3A_271 : vector<16xi32>
    %ge3A_273 = arith.constant 0 : i32
    %ge3A_274 = vector.broadcast %ge3A_273 : i32 to vector<16xi32>
    %ge3A_275 = arith.cmpi sge, %sub3A_272, %ge3A_274 : vector<16xi32>
    %lt3A_276 = vector.broadcast %add3A_195 : i32 to vector<16xi32>
    %lt3A_277 = arith.cmpi slt, %sub3A_272, %lt3A_276 : vector<16xi32>
    %and3A_278 = arith.andi %ge3A_275, %lt3A_277 : vector<16xi1>
    %jit3A_279 = arith.constant 5112 : i32
    %broadcast_in_dim3A_280 = vector.broadcast %jit3A_279 : i32 to vector<16xi32>
    %select_n3A_281 = arith.select %and3A_278, %sub3A_272, %broadcast_in_dim3A_280 : vector<16xi1>, vector<16xi32>
    %swap3A_282 = arith.constant 64 : index
    %swap3A_283 = tpu.vector_load %arg7[%swap3A_282] {strides = array<i32>} : memref<128xi32, #tpu.memory_space<vmem>>, vector<16xi32>,
    %swap3A_284 = vector.shape_cast %swap3A_283 : vector<16xi32> to vector<16xi32>
    %swap3A_285 = vector.shape_cast %select_n3A_281 : vector<16xi32> to vector<16xi32>
    tpu.vector_store %arg7[%swap3A_282], %swap3A_285 {strides = array<i32>} : memref<128xi32, #tpu.memory_space<vmem>>, vector<16xi32>,
    %get3A_286 = arith.constant 80 : index
    %get3A_287 = tpu.vector_load %arg5[%get3A_286] {strides = array<i32>} : memref<128xi32, #tpu.memory_space<vmem>>, vector<16xi32>,
    %get3A_288 = vector.shape_cast %get3A_287 : vector<16xi32> to vector<16xi32>
    %sub3A_289 = vector.broadcast %mul3A_191 : i32 to vector<16xi32>
    %sub3A_290 = arith.subi %get3A_288, %sub3A_289 : vector<16xi32>
    %ge3A_291 = arith.constant 0 : i32
    %ge3A_292 = vector.broadcast %ge3A_291 : i32 to vector<16xi32>
    %ge3A_293 = arith.cmpi sge, %sub3A_290, %ge3A_292 : vector<16xi32>
    %lt3A_294 = vector.broadcast %add3A_195 : i32 to vector<16xi32>
    %lt3A_295 = arith.cmpi slt, %sub3A_290, %lt3A_294 : vector<16xi32>
    %and3A_296 = arith.andi %ge3A_293, %lt3A_295 : vector<16xi1>
    %jit3A_297 = arith.constant 5112 : i32
    %broadcast_in_dim3A_298 = vector.broadcast %jit3A_297 : i32 to vector<16xi32>
    %select_n3A_299 = arith.select %and3A_296, %sub3A_290, %broadcast_in_dim3A_298 : vector<16xi1>, vector<16xi32>
    %swap3A_300 = arith.constant 80 : index
    %swap3A_301 = tpu.vector_load %arg7[%swap3A_300] {strides = array<i32>} : memref<128xi32, #tpu.memory_space<vmem>>, vector<16xi32>,
    %swap3A_302 = vector.shape_cast %swap3A_301 : vector<16xi32> to vector<16xi32>
    %swap3A_303 = vector.shape_cast %select_n3A_299 : vector<16xi32> to vector<16xi32>
    tpu.vector_store %arg7[%swap3A_300], %swap3A_303 {strides = array<i32>} : memref<128xi32, #tpu.memory_space<vmem>>, vector<16xi32>,
    %get3A_304 = arith.constant 96 : index
    %get3A_305 = tpu.vector_load %arg5[%get3A_304] {strides = array<i32>} : memref<128xi32, #tpu.memory_space<vmem>>, vector<16xi32>,
    %get3A_306 = vector.shape_cast %get3A_305 : vector<16xi32> to vector<16xi32>
    %sub3A_307 = vector.broadcast %mul3A_191 : i32 to vector<16xi32>
    %sub3A_308 = arith.subi %get3A_306, %sub3A_307 : vector<16xi32>
    %ge3A_309 = arith.constant 0 : i32
    %ge3A_310 = vector.broadcast %ge3A_309 : i32 to vector<16xi32>
    %ge3A_311 = arith.cmpi sge, %sub3A_308, %ge3A_310 : vector<16xi32>
    %lt3A_312 = vector.broadcast %add3A_195 : i32 to vector<16xi32>
    %lt3A_313 = arith.cmpi slt, %sub3A_308, %lt3A_312 : vector<16xi32>
    %and3A_314 = arith.andi %ge3A_311, %lt3A_313 : vector<16xi1>
    %jit3A_315 = arith.constant 5112 : i32
    %broadcast_in_dim3A_316 = vector.broadcast %jit3A_315 : i32 to vector<16xi32>
    %select_n3A_317 = arith.select %and3A_314, %sub3A_308, %broadcast_in_dim3A_316 : vector<16xi1>, vector<16xi32>
    %swap3A_318 = arith.constant 96 : index
    %swap3A_319 = tpu.vector_load %arg7[%swap3A_318] {strides = array<i32>} : memref<128xi32, #tpu.memory_space<vmem>>, vector<16xi32>,
    %swap3A_320 = vector.shape_cast %swap3A_319 : vector<16xi32> to vector<16xi32>
    %swap3A_321 = vector.shape_cast %select_n3A_317 : vector<16xi32> to vector<16xi32>
    tpu.vector_store %arg7[%swap3A_318], %swap3A_321 {strides = array<i32>} : memref<128xi32, #tpu.memory_space<vmem>>, vector<16xi32>,
    %get3A_322 = arith.constant 112 : index
    %get3A_323 = tpu.vector_load %arg5[%get3A_322] {strides = array<i32>} : memref<128xi32, #tpu.memory_space<vmem>>, vector<16xi32>,
    %get3A_324 = vector.shape_cast %get3A_323 : vector<16xi32> to vector<16xi32>
    %sub3A_325 = vector.broadcast %mul3A_191 : i32 to vector<16xi32>
    %sub3A_326 = arith.subi %get3A_324, %sub3A_325 : vector<16xi32>
    %ge3A_327 = arith.constant 0 : i32
    %ge3A_328 = vector.broadcast %ge3A_327 : i32 to vector<16xi32>
    %ge3A_329 = arith.cmpi sge, %sub3A_326, %ge3A_328 : vector<16xi32>
    %lt3A_330 = vector.broadcast %add3A_195 : i32 to vector<16xi32>
    %lt3A_331 = arith.cmpi slt, %sub3A_326, %lt3A_330 : vector<16xi32>
    %and3A_332 = arith.andi %ge3A_329, %lt3A_331 : vector<16xi1>
    %jit3A_333 = arith.constant 5112 : i32
    %broadcast_in_dim3A_334 = vector.broadcast %jit3A_333 : i32 to vector<16xi32>
    %select_n3A_335 = arith.select %and3A_332, %sub3A_326, %broadcast_in_dim3A_334 : vector<16xi1>, vector<16xi32>
    %swap3A_336 = arith.constant 112 : index
    %swap3A_337 = tpu.vector_load %arg7[%swap3A_336] {strides = array<i32>} : memref<128xi32, #tpu.memory_space<vmem>>, vector<16xi32>,
    %swap3A_338 = vector.shape_cast %swap3A_337 : vector<16xi32> to vector<16xi32>
    %swap3A_339 = vector.shape_cast %select_n3A_335 : vector<16xi32> to vector<16xi32>
    tpu.vector_store %arg7[%swap3A_336], %swap3A_339 {strides = array<i32>} : memref<128xi32, #tpu.memory_space<vmem>>, vector<16xi32>,
    %dma_start3A_340 = arith.constant 0 : i32
    %dma_start3A_341 = arith.constant 0 : i32
    %dma_start3A_342 = tpu.memref_slice %arg9[%dma_start3A_340, %dma_start3A_341] : memref<5120x128xf32, #tpu.memory_space<vmem_shared>> -> memref<5120x128xf32, #tpu.memory_space<vmem_shared>>
    tpu.enqueue_indirect_dma source(%arg8 : memref<128x128xf32, #tpu.memory_space<vmem>>) target(%dma_start3A_342 : memref<5120x128xf32, #tpu.memory_space<vmem_shared>>) offsets(%arg7 : memref<128xi32, #tpu.memory_space<vmem>>) semaphore(%arg13 : memref<!tpu.dma_semaphore, #tpu.memory_space<semaphore_mem>>) {add = true}
    %min3A_343 = arith.constant 3 : i32
    %min3A_344 = arith.constant 157 : i32
    %min3A_345 = arith.minsi %min3A_343, %min3A_344 : i32
    %mul3A_346 = arith.constant 128 : i32
    %mul3A_347 = arith.muli %min3A_345, %mul3A_346 : i32
    %add3A_348 = arith.addi %mul3A_20, %mul3A_347 : i32
    %dma_start3A_349 = tpu.memref_slice %arg2[%add3A_348] : memref<323584xi32, #tpu.memory_space<hbm>> -> memref<128xi32, #tpu.memory_space<hbm>>
    %dma_start3A_350 = tpu.memref_slice %arg2[%add3A_348] : memref<323584xi32, #tpu.memory_space<hbm>> -> memref<128xi32, #tpu.memory_space<hbm>>
    tpu.enqueue_dma source(%dma_start3A_350 : memref<128xi32, #tpu.memory_space<hbm>>) target(%arg5 : memref<128xi32, #tpu.memory_space<vmem>>) target_semaphore(%arg11 : memref<!tpu.dma_semaphore, #tpu.memory_space<semaphore_mem>>)
    %scan3A_351 = arith.constant 0 : i32
    %scan3A_352 = arith.constant 1 : i32
    %scan3A_353 = arith.constant 78 : i32
    %scan3A_354 = arith.addi %scan3A_352, %scan3A_353 : i32
    %scan3A_355 = arith.constant 1 : i32
    %scan3A_356 = scf.for %scan3A_372 = %scan3A_352 to %scan3A_354 step %scan3A_355 iter_args(%scan3A_373 = %scan3A_351) -> (i32)  : i32 {
      %dma_wait3A_374 = tpu.memref_slice %arg2[%mul3A_20] : memref<323584xi32, #tpu.memory_space<hbm>> -> memref<128xi32, #tpu.memory_space<hbm>>
      %dma_wait3A_375 = tpu.memref_slice %arg2[%mul3A_20] : memref<323584xi32, #tpu.memory_space<hbm>> -> memref<128xi32, #tpu.memory_space<hbm>>
      tpu.wait_dma2 semaphore(%arg10 : memref<!tpu.dma_semaphore, #tpu.memory_space<semaphore_mem>>) src(%dma_wait3A_375 : memref<128xi32, #tpu.memory_space<hbm>>) dst(%arg4 : memref<128xi32, #tpu.memory_space<vmem>>)
      %dma_wait3A_376 = arith.constant 0 : i32
      %dma_wait3A_377 = arith.constant 0 : i32
      %dma_wait3A_378 = tpu.memref_slice %arg9[%dma_wait3A_376, %dma_wait3A_377] : memref<5120x128xf32, #tpu.memory_space<vmem_shared>> -> memref<5120x128xf32, #tpu.memory_space<vmem_shared>>
      tpu.wait_indirect_dma semaphore(%arg12 : memref<!tpu.dma_semaphore, #tpu.memory_space<semaphore_mem>>) src(%arg8 : memref<128x128xf32, #tpu.memory_space<vmem>>) dst(%dma_wait3A_378 : memref<5120x128xf32, #tpu.memory_space<vmem_shared>>)
      %mul3A_379 = arith.constant 5000 : i32
      %mul3A_380 = arith.muli %arg0, %mul3A_379 : i32
      %mul3A_381 = arith.constant 112 : i32
      %mul3A_382 = arith.muli %arg0, %mul3A_381 : i32
      %add3A_383 = arith.constant 5000 : i32
      %add3A_384 = arith.addi %add3A_383, %mul3A_382 : i32
      %get3A_385 = arith.constant 0 : index
      %get3A_386 = tpu.vector_load %arg4[%get3A_385] {strides = array<i32>} : memref<128xi32, #tpu.memory_space<vmem>>, vector<16xi32>,
      %get3A_387 = vector.shape_cast %get3A_386 : vector<16xi32> to vector<16xi32>
      %sub3A_388 = vector.broadcast %mul3A_380 : i32 to vector<16xi32>
      %sub3A_389 = arith.subi %get3A_387, %sub3A_388 : vector<16xi32>
      %ge3A_390 = arith.constant 0 : i32
      %ge3A_391 = vector.broadcast %ge3A_390 : i32 to vector<16xi32>
      %ge3A_392 = arith.cmpi sge, %sub3A_389, %ge3A_391 : vector<16xi32>
      %lt3A_393 = vector.broadcast %add3A_384 : i32 to vector<16xi32>
      %lt3A_394 = arith.cmpi slt, %sub3A_389, %lt3A_393 : vector<16xi32>
      %and3A_395 = arith.andi %ge3A_392, %lt3A_394 : vector<16xi1>
      %jit3A_396 = arith.constant 5112 : i32
      %broadcast_in_dim3A_397 = vector.broadcast %jit3A_396 : i32 to vector<16xi32>
      %select_n3A_398 = arith.select %and3A_395, %sub3A_389, %broadcast_in_dim3A_397 : vector<16xi1>, vector<16xi32>
      %swap3A_399 = arith.constant 0 : index
      %swap3A_400 = tpu.vector_load %arg6[%swap3A_399] {strides = array<i32>} : memref<128xi32, #tpu.memory_space<vmem>>, vector<16xi32>,
      %swap3A_401 = vector.shape_cast %swap3A_400 : vector<16xi32> to vector<16xi32>
      %swap3A_402 = vector.shape_cast %select_n3A_398 : vector<16xi32> to vector<16xi32>
      tpu.vector_store %arg6[%swap3A_399], %swap3A_402 {strides = array<i32>} : memref<128xi32, #tpu.memory_space<vmem>>, vector<16xi32>,
      %get3A_403 = arith.constant 16 : index
      %get3A_404 = tpu.vector_load %arg4[%get3A_403] {strides = array<i32>} : memref<128xi32, #tpu.memory_space<vmem>>, vector<16xi32>,
      %get3A_405 = vector.shape_cast %get3A_404 : vector<16xi32> to vector<16xi32>
      %sub3A_406 = vector.broadcast %mul3A_380 : i32 to vector<16xi32>
      %sub3A_407 = arith.subi %get3A_405, %sub3A_406 : vector<16xi32>
      %ge3A_408 = arith.constant 0 : i32
      %ge3A_409 = vector.broadcast %ge3A_408 : i32 to vector<16xi32>
      %ge3A_410 = arith.cmpi sge, %sub3A_407, %ge3A_409 : vector<16xi32>
      %lt3A_411 = vector.broadcast %add3A_384 : i32 to vector<16xi32>
      %lt3A_412 = arith.cmpi slt, %sub3A_407, %lt3A_411 : vector<16xi32>
      %and3A_413 = arith.andi %ge3A_410, %lt3A_412 : vector<16xi1>
      %jit3A_414 = arith.constant 5112 : i32
      %broadcast_in_dim3A_415 = vector.broadcast %jit3A_414 : i32 to vector<16xi32>
      %select_n3A_416 = arith.select %and3A_413, %sub3A_407, %broadcast_in_dim3A_415 : vector<16xi1>, vector<16xi32>
      %swap3A_417 = arith.constant 16 : index
      %swap3A_418 = tpu.vector_load %arg6[%swap3A_417] {strides = array<i32>} : memref<128xi32, #tpu.memory_space<vmem>>, vector<16xi32>,
      %swap3A_419 = vector.shape_cast %swap3A_418 : vector<16xi32> to vector<16xi32>
      %swap3A_420 = vector.shape_cast %select_n3A_416 : vector<16xi32> to vector<16xi32>
      tpu.vector_store %arg6[%swap3A_417], %swap3A_420 {strides = array<i32>} : memref<128xi32, #tpu.memory_space<vmem>>, vector<16xi32>,
      %get3A_421 = arith.constant 32 : index
      %get3A_422 = tpu.vector_load %arg4[%get3A_421] {strides = array<i32>} : memref<128xi32, #tpu.memory_space<vmem>>, vector<16xi32>,
      %get3A_423 = vector.shape_cast %get3A_422 : vector<16xi32> to vector<16xi32>
      %sub3A_424 = vector.broadcast %mul3A_380 : i32 to vector<16xi32>
      %sub3A_425 = arith.subi %get3A_423, %sub3A_424 : vector<16xi32>
      %ge3A_426 = arith.constant 0 : i32
      %ge3A_427 = vector.broadcast %ge3A_426 : i32 to vector<16xi32>
      %ge3A_428 = arith.cmpi sge, %sub3A_425, %ge3A_427 : vector<16xi32>
      %lt3A_429 = vector.broadcast %add3A_384 : i32 to vector<16xi32>
      %lt3A_430 = arith.cmpi slt, %sub3A_425, %lt3A_429 : vector<16xi32>
      %and3A_431 = arith.andi %ge3A_428, %lt3A_430 : vector<16xi1>
      %jit3A_432 = arith.constant 5112 : i32
      %broadcast_in_dim3A_433 = vector.broadcast %jit3A_432 : i32 to vector<16xi32>
      %select_n3A_434 = arith.select %and3A_431, %sub3A_425, %broadcast_in_dim3A_433 : vector<16xi1>, vector<16xi32>
      %swap3A_435 = arith.constant 32 : index
      %swap3A_436 = tpu.vector_load %arg6[%swap3A_435] {strides = array<i32>} : memref<128xi32, #tpu.memory_space<vmem>>, vector<16xi32>,
      %swap3A_437 = vector.shape_cast %swap3A_436 : vector<16xi32> to vector<16xi32>
      %swap3A_438 = vector.shape_cast %select_n3A_434 : vector<16xi32> to vector<16xi32>
      tpu.vector_store %arg6[%swap3A_435], %swap3A_438 {strides = array<i32>} : memref<128xi32, #tpu.memory_space<vmem>>, vector<16xi32>,
      %get3A_439 = arith.constant 48 : index
      %get3A_440 = tpu.vector_load %arg4[%get3A_439] {strides = array<i32>} : memref<128xi32, #tpu.memory_space<vmem>>, vector<16xi32>,
      %get3A_441 = vector.shape_cast %get3A_440 : vector<16xi32> to vector<16xi32>
      %sub3A_442 = vector.broadcast %mul3A_380 : i32 to vector<16xi32>
      %sub3A_443 = arith.subi %get3A_441, %sub3A_442 : vector<16xi32>
      %ge3A_444 = arith.constant 0 : i32
      %ge3A_445 = vector.broadcast %ge3A_444 : i32 to vector<16xi32>
      %ge3A_446 = arith.cmpi sge, %sub3A_443, %ge3A_445 : vector<16xi32>
      %lt3A_447 = vector.broadcast %add3A_384 : i32 to vector<16xi32>
      %lt3A_448 = arith.cmpi slt, %sub3A_443, %lt3A_447 : vector<16xi32>
      %and3A_449 = arith.andi %ge3A_446, %lt3A_448 : vector<16xi1>
      %jit3A_450 = arith.constant 5112 : i32
      %broadcast_in_dim3A_451 = vector.broadcast %jit3A_450 : i32 to vector<16xi32>
      %select_n3A_452 = arith.select %and3A_449, %sub3A_443, %broadcast_in_dim3A_451 : vector<16xi1>, vector<16xi32>
      %swap3A_453 = arith.constant 48 : index
      %swap3A_454 = tpu.vector_load %arg6[%swap3A_453] {strides = array<i32>} : memref<128xi32, #tpu.memory_space<vmem>>, vector<16xi32>,
      %swap3A_455 = vector.shape_cast %swap3A_454 : vector<16xi32> to vector<16xi32>
      %swap3A_456 = vector.shape_cast %select_n3A_452 : vector<16xi32> to vector<16xi32>
      tpu.vector_store %arg6[%swap3A_453], %swap3A_456 {strides = array<i32>} : memref<128xi32, #tpu.memory_space<vmem>>, vector<16xi32>,
      %get3A_457 = arith.constant 64 : index
      %get3A_458 = tpu.vector_load %arg4[%get3A_457] {strides = array<i32>} : memref<128xi32, #tpu.memory_space<vmem>>, vector<16xi32>,
      %get3A_459 = vector.shape_cast %get3A_458 : vector<16xi32> to vector<16xi32>
      %sub3A_460 = vector.broadcast %mul3A_380 : i32 to vector<16xi32>
      %sub3A_461 = arith.subi %get3A_459, %sub3A_460 : vector<16xi32>
      %ge3A_462 = arith.constant 0 : i32
      %ge3A_463 = vector.broadcast %ge3A_462 : i32 to vector<16xi32>
      %ge3A_464 = arith.cmpi sge, %sub3A_461, %ge3A_463 : vector<16xi32>
      %lt3A_465 = vector.broadcast %add3A_384 : i32 to vector<16xi32>
      %lt3A_466 = arith.cmpi slt, %sub3A_461, %lt3A_465 : vector<16xi32>
      %and3A_467 = arith.andi %ge3A_464, %lt3A_466 : vector<16xi1>
      %jit3A_468 = arith.constant 5112 : i32
      %broadcast_in_dim3A_469 = vector.broadcast %jit3A_468 : i32 to vector<16xi32>
      %select_n3A_470 = arith.select %and3A_467, %sub3A_461, %broadcast_in_dim3A_469 : vector<16xi1>, vector<16xi32>
      %swap3A_471 = arith.constant 64 : index
      %swap3A_472 = tpu.vector_load %arg6[%swap3A_471] {strides = array<i32>} : memref<128xi32, #tpu.memory_space<vmem>>, vector<16xi32>,
      %swap3A_473 = vector.shape_cast %swap3A_472 : vector<16xi32> to vector<16xi32>
      %swap3A_474 = vector.shape_cast %select_n3A_470 : vector<16xi32> to vector<16xi32>
      tpu.vector_store %arg6[%swap3A_471], %swap3A_474 {strides = array<i32>} : memref<128xi32, #tpu.memory_space<vmem>>, vector<16xi32>,
      %get3A_475 = arith.constant 80 : index
      %get3A_476 = tpu.vector_load %arg4[%get3A_475] {strides = array<i32>} : memref<128xi32, #tpu.memory_space<vmem>>, vector<16xi32>,
      %get3A_477 = vector.shape_cast %get3A_476 : vector<16xi32> to vector<16xi32>
      %sub3A_478 = vector.broadcast %mul3A_380 : i32 to vector<16xi32>
      %sub3A_479 = arith.subi %get3A_477, %sub3A_478 : vector<16xi32>
      %ge3A_480 = arith.constant 0 : i32
      %ge3A_481 = vector.broadcast %ge3A_480 : i32 to vector<16xi32>
      %ge3A_482 = arith.cmpi sge, %sub3A_479, %ge3A_481 : vector<16xi32>
      %lt3A_483 = vector.broadcast %add3A_384 : i32 to vector<16xi32>
      %lt3A_484 = arith.cmpi slt, %sub3A_479, %lt3A_483 : vector<16xi32>
      %and3A_485 = arith.andi %ge3A_482, %lt3A_484 : vector<16xi1>
      %jit3A_486 = arith.constant 5112 : i32
      %broadcast_in_dim3A_487 = vector.broadcast %jit3A_486 : i32 to vector<16xi32>
      %select_n3A_488 = arith.select %and3A_485, %sub3A_479, %broadcast_in_dim3A_487 : vector<16xi1>, vector<16xi32>
      %swap3A_489 = arith.constant 80 : index
      %swap3A_490 = tpu.vector_load %arg6[%swap3A_489] {strides = array<i32>} : memref<128xi32, #tpu.memory_space<vmem>>, vector<16xi32>,
      %swap3A_491 = vector.shape_cast %swap3A_490 : vector<16xi32> to vector<16xi32>
      %swap3A_492 = vector.shape_cast %select_n3A_488 : vector<16xi32> to vector<16xi32>
      tpu.vector_store %arg6[%swap3A_489], %swap3A_492 {strides = array<i32>} : memref<128xi32, #tpu.memory_space<vmem>>, vector<16xi32>,
      %get3A_493 = arith.constant 96 : index
      %get3A_494 = tpu.vector_load %arg4[%get3A_493] {strides = array<i32>} : memref<128xi32, #tpu.memory_space<vmem>>, vector<16xi32>,
      %get3A_495 = vector.shape_cast %get3A_494 : vector<16xi32> to vector<16xi32>
      %sub3A_496 = vector.broadcast %mul3A_380 : i32 to vector<16xi32>
      %sub3A_497 = arith.subi %get3A_495, %sub3A_496 : vector<16xi32>
      %ge3A_498 = arith.constant 0 : i32
      %ge3A_499 = vector.broadcast %ge3A_498 : i32 to vector<16xi32>
      %ge3A_500 = arith.cmpi sge, %sub3A_497, %ge3A_499 : vector<16xi32>
      %lt3A_501 = vector.broadcast %add3A_384 : i32 to vector<16xi32>
      %lt3A_502 = arith.cmpi slt, %sub3A_497, %lt3A_501 : vector<16xi32>
      %and3A_503 = arith.andi %ge3A_500, %lt3A_502 : vector<16xi1>
      %jit3A_504 = arith.constant 5112 : i32
      %broadcast_in_dim3A_505 = vector.broadcast %jit3A_504 : i32 to vector<16xi32>
      %select_n3A_506 = arith.select %and3A_503, %sub3A_497, %broadcast_in_dim3A_505 : vector<16xi1>, vector<16xi32>
      %swap3A_507 = arith.constant 96 : index
      %swap3A_508 = tpu.vector_load %arg6[%swap3A_507] {strides = array<i32>} : memref<128xi32, #tpu.memory_space<vmem>>, vector<16xi32>,
      %swap3A_509 = vector.shape_cast %swap3A_508 : vector<16xi32> to vector<16xi32>
      %swap3A_510 = vector.shape_cast %select_n3A_506 : vector<16xi32> to vector<16xi32>
      tpu.vector_store %arg6[%swap3A_507], %swap3A_510 {strides = array<i32>} : memref<128xi32, #tpu.memory_space<vmem>>, vector<16xi32>,
      %get3A_511 = arith.constant 112 : index
      %get3A_512 = tpu.vector_load %arg4[%get3A_511] {strides = array<i32>} : memref<128xi32, #tpu.memory_space<vmem>>, vector<16xi32>,
      %get3A_513 = vector.shape_cast %get3A_512 : vector<16xi32> to vector<16xi32>
      %sub3A_514 = vector.broadcast %mul3A_380 : i32 to vector<16xi32>
      %sub3A_515 = arith.subi %get3A_513, %sub3A_514 : vector<16xi32>
      %ge3A_516 = arith.constant 0 : i32
      %ge3A_517 = vector.broadcast %ge3A_516 : i32 to vector<16xi32>
      %ge3A_518 = arith.cmpi sge, %sub3A_515, %ge3A_517 : vector<16xi32>
      %lt3A_519 = vector.broadcast %add3A_384 : i32 to vector<16xi32>
      %lt3A_520 = arith.cmpi slt, %sub3A_515, %lt3A_519 : vector<16xi32>
      %and3A_521 = arith.andi %ge3A_518, %lt3A_520 : vector<16xi1>
      %jit3A_522 = arith.constant 5112 : i32
      %broadcast_in_dim3A_523 = vector.broadcast %jit3A_522 : i32 to vector<16xi32>
      %select_n3A_524 = arith.select %and3A_521, %sub3A_515, %broadcast_in_dim3A_523 : vector<16xi1>, vector<16xi32>
      %swap3A_525 = arith.constant 112 : index
      %swap3A_526 = tpu.vector_load %arg6[%swap3A_525] {strides = array<i32>} : memref<128xi32, #tpu.memory_space<vmem>>, vector<16xi32>,
      %swap3A_527 = vector.shape_cast %swap3A_526 : vector<16xi32> to vector<16xi32>
      %swap3A_528 = vector.shape_cast %select_n3A_524 : vector<16xi32> to vector<16xi32>
      tpu.vector_store %arg6[%swap3A_525], %swap3A_528 {strides = array<i32>} : memref<128xi32, #tpu.memory_space<vmem>>, vector<16xi32>,
      %dma_start3A_529 = arith.constant 0 : i32
      %dma_start3A_530 = arith.constant 0 : i32
      %dma_start3A_531 = tpu.memref_slice %arg9[%dma_start3A_529, %dma_start3A_530] : memref<5120x128xf32, #tpu.memory_space<vmem_shared>> -> memref<5120x128xf32, #tpu.memory_space<vmem_shared>>
      tpu.enqueue_indirect_dma source(%arg8 : memref<128x128xf32, #tpu.memory_space<vmem>>) target(%dma_start3A_531 : memref<5120x128xf32, #tpu.memory_space<vmem_shared>>) offsets(%arg6 : memref<128xi32, #tpu.memory_space<vmem>>) semaphore(%arg12 : memref<!tpu.dma_semaphore, #tpu.memory_space<semaphore_mem>>) {add = true}
      %mul3A_532 = arith.constant 2 : i32
      %mul3A_533 = arith.muli %mul3A_532, %scan3A_372 : i32
      %add3A_534 = arith.constant 2 : i32
      %add3A_535 = arith.addi %mul3A_533, %add3A_534 : i32
      %add3A_536 = arith.constant 0 : i32
      %add3A_537 = arith.addi %add3A_535, %add3A_536 : i32
      %min3A_538 = arith.constant 157 : i32
      %min3A_539 = arith.minsi %add3A_537, %min3A_538 : i32
      %mul3A_540 = arith.constant 128 : i32
      %mul3A_541 = arith.muli %min3A_539, %mul3A_540 : i32
      %add3A_542 = arith.addi %mul3A_20, %mul3A_541 : i32
      %dma_start3A_543 = tpu.memref_slice %arg2[%add3A_542] : memref<323584xi32, #tpu.memory_space<hbm>> -> memref<128xi32, #tpu.memory_space<hbm>>
      %dma_start3A_544 = tpu.memref_slice %arg2[%add3A_542] : memref<323584xi32, #tpu.memory_space<hbm>> -> memref<128xi32, #tpu.memory_space<hbm>>
      tpu.enqueue_dma source(%dma_start3A_544 : memref<128xi32, #tpu.memory_space<hbm>>) target(%arg4 : memref<128xi32, #tpu.memory_space<vmem>>) target_semaphore(%arg10 : memref<!tpu.dma_semaphore, #tpu.memory_space<semaphore_mem>>)
      %dma_wait3A_545 = tpu.memref_slice %arg2[%mul3A_20] : memref<323584xi32, #tpu.memory_space<hbm>> -> memref<128xi32, #tpu.memory_space<hbm>>
      %dma_wait3A_546 = tpu.memref_slice %arg2[%mul3A_20] : memref<323584xi32, #tpu.memory_space<hbm>> -> memref<128xi32, #tpu.memory_space<hbm>>
      tpu.wait_dma2 semaphore(%arg11 : memref<!tpu.dma_semaphore, #tpu.memory_space<semaphore_mem>>) src(%dma_wait3A_546 : memref<128xi32, #tpu.memory_space<hbm>>) dst(%arg5 : memref<128xi32, #tpu.memory_space<vmem>>)
      %dma_wait3A_547 = arith.constant 0 : i32
      %dma_wait3A_548 = arith.constant 0 : i32
      %dma_wait3A_549 = tpu.memref_slice %arg9[%dma_wait3A_547, %dma_wait3A_548] : memref<5120x128xf32, #tpu.memory_space<vmem_shared>> -> memref<5120x128xf32, #tpu.memory_space<vmem_shared>>
      tpu.wait_indirect_dma semaphore(%arg13 : memref<!tpu.dma_semaphore, #tpu.memory_space<semaphore_mem>>) src(%arg8 : memref<128x128xf32, #tpu.memory_space<vmem>>) dst(%dma_wait3A_549 : memref<5120x128xf32, #tpu.memory_space<vmem_shared>>)
      %mul3A_550 = arith.constant 5000 : i32
      %mul3A_551 = arith.muli %arg0, %mul3A_550 : i32
      %mul3A_552 = arith.constant 112 : i32
      %mul3A_553 = arith.muli %arg0, %mul3A_552 : i32
      %add3A_554 = arith.constant 5000 : i32
      %add3A_555 = arith.addi %add3A_554, %mul3A_553 : i32
      %get3A_556 = arith.constant 0 : index
      %get3A_557 = tpu.vector_load %arg5[%get3A_556] {strides = array<i32>} : memref<128xi32, #tpu.memory_space<vmem>>, vector<16xi32>,
      %get3A_558 = vector.shape_cast %get3A_557 : vector<16xi32> to vector<16xi32>
      %sub3A_559 = vector.broadcast %mul3A_551 : i32 to vector<16xi32>
      %sub3A_560 = arith.subi %get3A_558, %sub3A_559 : vector<16xi32>
      %ge3A_561 = arith.constant 0 : i32
      %ge3A_562 = vector.broadcast %ge3A_561 : i32 to vector<16xi32>
      %ge3A_563 = arith.cmpi sge, %sub3A_560, %ge3A_562 : vector<16xi32>
      %lt3A_564 = vector.broadcast %add3A_555 : i32 to vector<16xi32>
      %lt3A_565 = arith.cmpi slt, %sub3A_560, %lt3A_564 : vector<16xi32>
      %and3A_566 = arith.andi %ge3A_563, %lt3A_565 : vector<16xi1>
      %jit3A_567 = arith.constant 5112 : i32
      %broadcast_in_dim3A_568 = vector.broadcast %jit3A_567 : i32 to vector<16xi32>
      %select_n3A_569 = arith.select %and3A_566, %sub3A_560, %broadcast_in_dim3A_568 : vector<16xi1>, vector<16xi32>
      %swap3A_570 = arith.constant 0 : index
      %swap3A_571 = tpu.vector_load %arg7[%swap3A_570] {strides = array<i32>} : memref<128xi32, #tpu.memory_space<vmem>>, vector<16xi32>,
      %swap3A_572 = vector.shape_cast %swap3A_571 : vector<16xi32> to vector<16xi32>
      %swap3A_573 = vector.shape_cast %select_n3A_569 : vector<16xi32> to vector<16xi32>
      tpu.vector_store %arg7[%swap3A_570], %swap3A_573 {strides = array<i32>} : memref<128xi32, #tpu.memory_space<vmem>>, vector<16xi32>,
      %get3A_574 = arith.constant 16 : index
      %get3A_575 = tpu.vector_load %arg5[%get3A_574] {strides = array<i32>} : memref<128xi32, #tpu.memory_space<vmem>>, vector<16xi32>,
      %get3A_576 = vector.shape_cast %get3A_575 : vector<16xi32> to vector<16xi32>
      %sub3A_577 = vector.broadcast %mul3A_551 : i32 to vector<16xi32>
      %sub3A_578 = arith.subi %get3A_576, %sub3A_577 : vector<16xi32>
      %ge3A_579 = arith.constant 0 : i32
      %ge3A_580 = vector.broadcast %ge3A_579 : i32 to vector<16xi32>
      %ge3A_581 = arith.cmpi sge, %sub3A_578, %ge3A_580 : vector<16xi32>
      %lt3A_582 = vector.broadcast %add3A_555 : i32 to vector<16xi32>
      %lt3A_583 = arith.cmpi slt, %sub3A_578, %lt3A_582 : vector<16xi32>
      %and3A_584 = arith.andi %ge3A_581, %lt3A_583 : vector<16xi1>
      %jit3A_585 = arith.constant 5112 : i32
      %broadcast_in_dim3A_586 = vector.broadcast %jit3A_585 : i32 to vector<16xi32>
      %select_n3A_587 = arith.select %and3A_584, %sub3A_578, %broadcast_in_dim3A_586 : vector<16xi1>, vector<16xi32>
      %swap3A_588 = arith.constant 16 : index
      %swap3A_589 = tpu.vector_load %arg7[%swap3A_588] {strides = array<i32>} : memref<128xi32, #tpu.memory_space<vmem>>, vector<16xi32>,
      %swap3A_590 = vector.shape_cast %swap3A_589 : vector<16xi32> to vector<16xi32>
      %swap3A_591 = vector.shape_cast %select_n3A_587 : vector<16xi32> to vector<16xi32>
      tpu.vector_store %arg7[%swap3A_588], %swap3A_591 {strides = array<i32>} : memref<128xi32, #tpu.memory_space<vmem>>, vector<16xi32>,
      %get3A_592 = arith.constant 32 : index
      %get3A_593 = tpu.vector_load %arg5[%get3A_592] {strides = array<i32>} : memref<128xi32, #tpu.memory_space<vmem>>, vector<16xi32>,
      %get3A_594 = vector.shape_cast %get3A_593 : vector<16xi32> to vector<16xi32>
      %sub3A_595 = vector.broadcast %mul3A_551 : i32 to vector<16xi32>
      %sub3A_596 = arith.subi %get3A_594, %sub3A_595 : vector<16xi32>
      %ge3A_597 = arith.constant 0 : i32
      %ge3A_598 = vector.broadcast %ge3A_597 : i32 to vector<16xi32>
      %ge3A_599 = arith.cmpi sge, %sub3A_596, %ge3A_598 : vector<16xi32>
      %lt3A_600 = vector.broadcast %add3A_555 : i32 to vector<16xi32>
      %lt3A_601 = arith.cmpi slt, %sub3A_596, %lt3A_600 : vector<16xi32>
      %and3A_602 = arith.andi %ge3A_599, %lt3A_601 : vector<16xi1>
      %jit3A_603 = arith.constant 5112 : i32
      %broadcast_in_dim3A_604 = vector.broadcast %jit3A_603 : i32 to vector<16xi32>
      %select_n3A_605 = arith.select %and3A_602, %sub3A_596, %broadcast_in_dim3A_604 : vector<16xi1>, vector<16xi32>
      %swap3A_606 = arith.constant 32 : index
      %swap3A_607 = tpu.vector_load %arg7[%swap3A_606] {strides = array<i32>} : memref<128xi32, #tpu.memory_space<vmem>>, vector<16xi32>,
      %swap3A_608 = vector.shape_cast %swap3A_607 : vector<16xi32> to vector<16xi32>
      %swap3A_609 = vector.shape_cast %select_n3A_605 : vector<16xi32> to vector<16xi32>
      tpu.vector_store %arg7[%swap3A_606], %swap3A_609 {strides = array<i32>} : memref<128xi32, #tpu.memory_space<vmem>>, vector<16xi32>,
      %get3A_610 = arith.constant 48 : index
      %get3A_611 = tpu.vector_load %arg5[%get3A_610] {strides = array<i32>} : memref<128xi32, #tpu.memory_space<vmem>>, vector<16xi32>,
      %get3A_612 = vector.shape_cast %get3A_611 : vector<16xi32> to vector<16xi32>
      %sub3A_613 = vector.broadcast %mul3A_551 : i32 to vector<16xi32>
      %sub3A_614 = arith.subi %get3A_612, %sub3A_613 : vector<16xi32>
      %ge3A_615 = arith.constant 0 : i32
      %ge3A_616 = vector.broadcast %ge3A_615 : i32 to vector<16xi32>
      %ge3A_617 = arith.cmpi sge, %sub3A_614, %ge3A_616 : vector<16xi32>
      %lt3A_618 = vector.broadcast %add3A_555 : i32 to vector<16xi32>
      %lt3A_619 = arith.cmpi slt, %sub3A_614, %lt3A_618 : vector<16xi32>
      %and3A_620 = arith.andi %ge3A_617, %lt3A_619 : vector<16xi1>
      %jit3A_621 = arith.constant 5112 : i32
      %broadcast_in_dim3A_622 = vector.broadcast %jit3A_621 : i32 to vector<16xi32>
      %select_n3A_623 = arith.select %and3A_620, %sub3A_614, %broadcast_in_dim3A_622 : vector<16xi1>, vector<16xi32>
      %swap3A_624 = arith.constant 48 : index
      %swap3A_625 = tpu.vector_load %arg7[%swap3A_624] {strides = array<i32>} : memref<128xi32, #tpu.memory_space<vmem>>, vector<16xi32>,
      %swap3A_626 = vector.shape_cast %swap3A_625 : vector<16xi32> to vector<16xi32>
      %swap3A_627 = vector.shape_cast %select_n3A_623 : vector<16xi32> to vector<16xi32>
      tpu.vector_store %arg7[%swap3A_624], %swap3A_627 {strides = array<i32>} : memref<128xi32, #tpu.memory_space<vmem>>, vector<16xi32>,
      %get3A_628 = arith.constant 64 : index
      %get3A_629 = tpu.vector_load %arg5[%get3A_628] {strides = array<i32>} : memref<128xi32, #tpu.memory_space<vmem>>, vector<16xi32>,
      %get3A_630 = vector.shape_cast %get3A_629 : vector<16xi32> to vector<16xi32>
      %sub3A_631 = vector.broadcast %mul3A_551 : i32 to vector<16xi32>
      %sub3A_632 = arith.subi %get3A_630, %sub3A_631 : vector<16xi32>
      %ge3A_633 = arith.constant 0 : i32
      %ge3A_634 = vector.broadcast %ge3A_633 : i32 to vector<16xi32>
      %ge3A_635 = arith.cmpi sge, %sub3A_632, %ge3A_634 : vector<16xi32>
      %lt3A_636 = vector.broadcast %add3A_555 : i32 to vector<16xi32>
      %lt3A_637 = arith.cmpi slt, %sub3A_632, %lt3A_636 : vector<16xi32>
      %and3A_638 = arith.andi %ge3A_635, %lt3A_637 : vector<16xi1>
      %jit3A_639 = arith.constant 5112 : i32
      %broadcast_in_dim3A_640 = vector.broadcast %jit3A_639 : i32 to vector<16xi32>
      %select_n3A_641 = arith.select %and3A_638, %sub3A_632, %broadcast_in_dim3A_640 : vector<16xi1>, vector<16xi32>
      %swap3A_642 = arith.constant 64 : index
      %swap3A_643 = tpu.vector_load %arg7[%swap3A_642] {strides = array<i32>} : memref<128xi32, #tpu.memory_space<vmem>>, vector<16xi32>,
      %swap3A_644 = vector.shape_cast %swap3A_643 : vector<16xi32> to vector<16xi32>
      %swap3A_645 = vector.shape_cast %select_n3A_641 : vector<16xi32> to vector<16xi32>
      tpu.vector_store %arg7[%swap3A_642], %swap3A_645 {strides = array<i32>} : memref<128xi32, #tpu.memory_space<vmem>>, vector<16xi32>,
      %get3A_646 = arith.constant 80 : index
      %get3A_647 = tpu.vector_load %arg5[%get3A_646] {strides = array<i32>} : memref<128xi32, #tpu.memory_space<vmem>>, vector<16xi32>,
      %get3A_648 = vector.shape_cast %get3A_647 : vector<16xi32> to vector<16xi32>
      %sub3A_649 = vector.broadcast %mul3A_551 : i32 to vector<16xi32>
      %sub3A_650 = arith.subi %get3A_648, %sub3A_649 : vector<16xi32>
      %ge3A_651 = arith.constant 0 : i32
      %ge3A_652 = vector.broadcast %ge3A_651 : i32 to vector<16xi32>
      %ge3A_653 = arith.cmpi sge, %sub3A_650, %ge3A_652 : vector<16xi32>
      %lt3A_654 = vector.broadcast %add3A_555 : i32 to vector<16xi32>
      %lt3A_655 = arith.cmpi slt, %sub3A_650, %lt3A_654 : vector<16xi32>
      %and3A_656 = arith.andi %ge3A_653, %lt3A_655 : vector<16xi1>
      %jit3A_657 = arith.constant 5112 : i32
      %broadcast_in_dim3A_658 = vector.broadcast %jit3A_657 : i32 to vector<16xi32>
      %select_n3A_659 = arith.select %and3A_656, %sub3A_650, %broadcast_in_dim3A_658 : vector<16xi1>, vector<16xi32>
      %swap3A_660 = arith.constant 80 : index
      %swap3A_661 = tpu.vector_load %arg7[%swap3A_660] {strides = array<i32>} : memref<128xi32, #tpu.memory_space<vmem>>, vector<16xi32>,
      %swap3A_662 = vector.shape_cast %swap3A_661 : vector<16xi32> to vector<16xi32>
      %swap3A_663 = vector.shape_cast %select_n3A_659 : vector<16xi32> to vector<16xi32>
      tpu.vector_store %arg7[%swap3A_660], %swap3A_663 {strides = array<i32>} : memref<128xi32, #tpu.memory_space<vmem>>, vector<16xi32>,
      %get3A_664 = arith.constant 96 : index
      %get3A_665 = tpu.vector_load %arg5[%get3A_664] {strides = array<i32>} : memref<128xi32, #tpu.memory_space<vmem>>, vector<16xi32>,
      %get3A_666 = vector.shape_cast %get3A_665 : vector<16xi32> to vector<16xi32>
      %sub3A_667 = vector.broadcast %mul3A_551 : i32 to vector<16xi32>
      %sub3A_668 = arith.subi %get3A_666, %sub3A_667 : vector<16xi32>
      %ge3A_669 = arith.constant 0 : i32
      %ge3A_670 = vector.broadcast %ge3A_669 : i32 to vector<16xi32>
      %ge3A_671 = arith.cmpi sge, %sub3A_668, %ge3A_670 : vector<16xi32>
      %lt3A_672 = vector.broadcast %add3A_555 : i32 to vector<16xi32>
      %lt3A_673 = arith.cmpi slt, %sub3A_668, %lt3A_672 : vector<16xi32>
      %and3A_674 = arith.andi %ge3A_671, %lt3A_673 : vector<16xi1>
      %jit3A_675 = arith.constant 5112 : i32
      %broadcast_in_dim3A_676 = vector.broadcast %jit3A_675 : i32 to vector<16xi32>
      %select_n3A_677 = arith.select %and3A_674, %sub3A_668, %broadcast_in_dim3A_676 : vector<16xi1>, vector<16xi32>
      %swap3A_678 = arith.constant 96 : index
      %swap3A_679 = tpu.vector_load %arg7[%swap3A_678] {strides = array<i32>} : memref<128xi32, #tpu.memory_space<vmem>>, vector<16xi32>,
      %swap3A_680 = vector.shape_cast %swap3A_679 : vector<16xi32> to vector<16xi32>
      %swap3A_681 = vector.shape_cast %select_n3A_677 : vector<16xi32> to vector<16xi32>
      tpu.vector_store %arg7[%swap3A_678], %swap3A_681 {strides = array<i32>} : memref<128xi32, #tpu.memory_space<vmem>>, vector<16xi32>,
      %get3A_682 = arith.constant 112 : index
      %get3A_683 = tpu.vector_load %arg5[%get3A_682] {strides = array<i32>} : memref<128xi32, #tpu.memory_space<vmem>>, vector<16xi32>,
      %get3A_684 = vector.shape_cast %get3A_683 : vector<16xi32> to vector<16xi32>
      %sub3A_685 = vector.broadcast %mul3A_551 : i32 to vector<16xi32>
      %sub3A_686 = arith.subi %get3A_684, %sub3A_685 : vector<16xi32>
      %ge3A_687 = arith.constant 0 : i32
      %ge3A_688 = vector.broadcast %ge3A_687 : i32 to vector<16xi32>
      %ge3A_689 = arith.cmpi sge, %sub3A_686, %ge3A_688 : vector<16xi32>
      %lt3A_690 = vector.broadcast %add3A_555 : i32 to vector<16xi32>
      %lt3A_691 = arith.cmpi slt, %sub3A_686, %lt3A_690 : vector<16xi32>
      %and3A_692 = arith.andi %ge3A_689, %lt3A_691 : vector<16xi1>
      %jit3A_693 = arith.constant 5112 : i32
      %broadcast_in_dim3A_694 = vector.broadcast %jit3A_693 : i32 to vector<16xi32>
      %select_n3A_695 = arith.select %and3A_692, %sub3A_686, %broadcast_in_dim3A_694 : vector<16xi1>, vector<16xi32>
      %swap3A_696 = arith.constant 112 : index
      %swap3A_697 = tpu.vector_load %arg7[%swap3A_696] {strides = array<i32>} : memref<128xi32, #tpu.memory_space<vmem>>, vector<16xi32>,
      %swap3A_698 = vector.shape_cast %swap3A_697 : vector<16xi32> to vector<16xi32>
      %swap3A_699 = vector.shape_cast %select_n3A_695 : vector<16xi32> to vector<16xi32>
      tpu.vector_store %arg7[%swap3A_696], %swap3A_699 {strides = array<i32>} : memref<128xi32, #tpu.memory_space<vmem>>, vector<16xi32>,
      %dma_start3A_700 = arith.constant 0 : i32
      %dma_start3A_701 = arith.constant 0 : i32
      %dma_start3A_702 = tpu.memref_slice %arg9[%dma_start3A_700, %dma_start3A_701] : memref<5120x128xf32, #tpu.memory_space<vmem_shared>> -> memref<5120x128xf32, #tpu.memory_space<vmem_shared>>
      tpu.enqueue_indirect_dma source(%arg8 : memref<128x128xf32, #tpu.memory_space<vmem>>) target(%dma_start3A_702 : memref<5120x128xf32, #tpu.memory_space<vmem_shared>>) offsets(%arg7 : memref<128xi32, #tpu.memory_space<vmem>>) semaphore(%arg13 : memref<!tpu.dma_semaphore, #tpu.memory_space<semaphore_mem>>) {add = true}
      %mul3A_703 = arith.constant 2 : i32
      %mul3A_704 = arith.muli %mul3A_703, %scan3A_372 : i32
      %add3A_705 = arith.constant 2 : i32
      %add3A_706 = arith.addi %mul3A_704, %add3A_705 : i32
      %add3A_707 = arith.constant 1 : i32
      %add3A_708 = arith.addi %add3A_706, %add3A_707 : i32
      %min3A_709 = arith.constant 157 : i32
      %min3A_710 = arith.minsi %add3A_708, %min3A_709 : i32
      %mul3A_711 = arith.constant 128 : i32
      %mul3A_712 = arith.muli %min3A_710, %mul3A_711 : i32
      %add3A_713 = arith.addi %mul3A_20, %mul3A_712 : i32
      %dma_start3A_714 = tpu.memref_slice %arg2[%add3A_713] : memref<323584xi32, #tpu.memory_space<hbm>> -> memref<128xi32, #tpu.memory_space<hbm>>
      %dma_start3A_715 = tpu.memref_slice %arg2[%add3A_713] : memref<323584xi32, #tpu.memory_space<hbm>> -> memref<128xi32, #tpu.memory_space<hbm>>
      tpu.enqueue_dma source(%dma_start3A_715 : memref<128xi32, #tpu.memory_space<hbm>>) target(%arg5 : memref<128xi32, #tpu.memory_space<vmem>>) target_semaphore(%arg11 : memref<!tpu.dma_semaphore, #tpu.memory_space<semaphore_mem>>)
      %scan3A_716 = arith.constant 0 : i32
      scf.yield %scan3A_716 : i32
    }
    %scan3A_357 = arith.constant 78 : i32
    %dma_wait3A_358 = arith.constant 0 : i32
    %dma_wait3A_359 = arith.constant 0 : i32
    %dma_wait3A_360 = tpu.memref_slice %arg9[%dma_wait3A_358, %dma_wait3A_359] : memref<5120x128xf32, #tpu.memory_space<vmem_shared>> -> memref<5120x128xf32, #tpu.memory_space<vmem_shared>>
    tpu.wait_indirect_dma semaphore(%arg12 : memref<!tpu.dma_semaphore, #tpu.memory_space<semaphore_mem>>) src(%arg8 : memref<128x128xf32, #tpu.memory_space<vmem>>) dst(%dma_wait3A_360 : memref<5120x128xf32, #tpu.memory_space<vmem_shared>>)
    %dma_wait3A_361 = tpu.memref_slice %arg2[%mul3A_20] : memref<323584xi32, #tpu.memory_space<hbm>> -> memref<128xi32, #tpu.memory_space<hbm>>
    %dma_wait3A_362 = tpu.memref_slice %arg2[%mul3A_20] : memref<323584xi32, #tpu.memory_space<hbm>> -> memref<128xi32, #tpu.memory_space<hbm>>
    tpu.wait_dma2 semaphore(%arg10 : memref<!tpu.dma_semaphore, #tpu.memory_space<semaphore_mem>>) src(%dma_wait3A_362 : memref<128xi32, #tpu.memory_space<hbm>>) dst(%arg4 : memref<128xi32, #tpu.memory_space<vmem>>)
    %dma_wait3A_363 = arith.constant 0 : i32
    %dma_wait3A_364 = arith.constant 0 : i32
    %dma_wait3A_365 = tpu.memref_slice %arg9[%dma_wait3A_363, %dma_wait3A_364] : memref<5120x128xf32, #tpu.memory_space<vmem_shared>> -> memref<5120x128xf32, #tpu.memory_space<vmem_shared>>
    tpu.wait_indirect_dma semaphore(%arg13 : memref<!tpu.dma_semaphore, #tpu.memory_space<semaphore_mem>>) src(%arg8 : memref<128x128xf32, #tpu.memory_space<vmem>>) dst(%dma_wait3A_365 : memref<5120x128xf32, #tpu.memory_space<vmem_shared>>)
    %dma_wait3A_366 = tpu.memref_slice %arg2[%mul3A_20] : memref<323584xi32, #tpu.memory_space<hbm>> -> memref<128xi32, #tpu.memory_space<hbm>>
    %dma_wait3A_367 = tpu.memref_slice %arg2[%mul3A_20] : memref<323584xi32, #tpu.memory_space<hbm>> -> memref<128xi32, #tpu.memory_space<hbm>>
    tpu.wait_dma2 semaphore(%arg11 : memref<!tpu.dma_semaphore, #tpu.memory_space<semaphore_mem>>) src(%dma_wait3A_367 : memref<128xi32, #tpu.memory_space<hbm>>) dst(%arg5 : memref<128xi32, #tpu.memory_space<vmem>>)
    %barrier3A_368 = arith.constant 0 : index
    tpu.barrier barrier_id(%barrier3A_368)
    %mul3A_369 = arith.constant 5120 : i32
    %mul3A_370 = arith.muli %arg0, %mul3A_369 : i32
    %add3A_371 = arith.addi %mul3A_370, %mul3A_6 : i32
    "tpu.region"() ({
      %run_scoped3A = tpu.sem_alloc : memref<!tpu.dma_semaphore, #tpu.memory_space<semaphore_mem>>
      %dma_start3A_372 = arith.constant 0 : i32
      %dma_start3A_373 = tpu.memref_slice %arg3[%add3A_371, %dma_start3A_372] : memref<10240x128xf32, #tpu.memory_space<hbm>> -> memref<320x128xf32, #tpu.memory_space<hbm>>
      %dma_start3A_374 = arith.constant 0 : i32
      %dma_start3A_375 = tpu.memref_slice %arg9[%mul3A_6, %dma_start3A_374] : memref<5120x128xf32, #tpu.memory_space<vmem_shared>> -> memref<320x128xf32, #tpu.memory_space<vmem_shared>>
      tpu.enqueue_dma source(%dma_start3A_375 : memref<320x128xf32, #tpu.memory_space<vmem_shared>>) target(%dma_start3A_373 : memref<320x128xf32, #tpu.memory_space<hbm>>) target_semaphore(%run_scoped3A : memref<!tpu.dma_semaphore, #tpu.memory_space<semaphore_mem>>)
      %dma_wait3A_376 = arith.constant 0 : i32
      %dma_wait3A_377 = tpu.memref_slice %arg3[%add3A_371, %dma_wait3A_376] : memref<10240x128xf32, #tpu.memory_space<hbm>> -> memref<320x128xf32, #tpu.memory_space<hbm>>
      %dma_wait3A_378 = arith.constant 0 : i32
      %dma_wait3A_379 = tpu.memref_slice %arg9[%mul3A_6, %dma_wait3A_378] : memref<5120x128xf32, #tpu.memory_space<vmem_shared>> -> memref<320x128xf32, #tpu.memory_space<vmem_shared>>
      tpu.wait_dma2 semaphore(%run_scoped3A : memref<!tpu.dma_semaphore, #tpu.memory_space<semaphore_mem>>) src(%dma_wait3A_379 : memref<320x128xf32, #tpu.memory_space<vmem_shared>>) dst(%dma_wait3A_377 : memref<320x128xf32, #tpu.memory_space<hbm>>)
      tpu.yield
    }) : () -> ()
    return
  }
}

#map = affine_map<(d0, d1) -> (0, 0)>
#map1 = affine_map<(d0, d1) -> (0)>
module attributes {stable_mosaic.version = 14 : i64} {
  func.func @_agg_body(%arg0: i32, %arg1: i32, %arg2: memref<10000x128xf32, #tpu.memory_space<hbm>>, %arg3: memref<323584xi32, #tpu.memory_space<hbm>>, %arg4: memref<323584xi32, #tpu.memory_space<hbm>>, %arg5: memref<10240x128xf32, #tpu.memory_space<hbm>>, %arg6: memref<128xi32, #tpu.memory_space<vmem>>, %arg7: memref<128xi32, #tpu.memory_space<vmem>>, %arg8: memref<128x128xf32, #tpu.memory_space<vmem>>, %arg9: memref<128xi32, #tpu.memory_space<vmem>>, %arg10: memref<128xi32, #tpu.memory_space<vmem>>, %arg11: memref<128x128xf32, #tpu.memory_space<vmem>>, %arg12: memref<5120x128xf32, #tpu.memory_space<vmem_shared>>, %arg13: memref<!tpu.dma_semaphore, #tpu.memory_space<semaphore_mem>>, %arg14: memref<!tpu.dma_semaphore, #tpu.memory_space<semaphore_mem>>, %arg15: memref<!tpu.dma_semaphore, #tpu.memory_space<semaphore_mem>>, %arg16: memref<!tpu.dma_semaphore, #tpu.memory_space<semaphore_mem>>) attributes {dimension_semantics = [#tpu.dimension_semantics<core_parallel>, #tpu.dimension_semantics<subcore_parallel>], iteration_bounds = array<i64: 2, 16>, scalar_prefetch = 0 : i64, scratch_operands = 11 : i64, tpu.core_type = #tpu.core_type<sc_vector_subcore>, window_params = [{transform_indices = #map}, {transform_indices = #map1}, {transform_indices = #map1}, {transform_indices = #map}]} {
    %scan3A = arith.constant 0 : i32
    %scan3A_0 = arith.constant 0 : i32
    %scan3A_1 = arith.constant 128 : i32
    %scan3A_2 = arith.addi %scan3A_0, %scan3A_1 : i32
    %scan3A_3 = arith.constant 1 : i32
    %scan3A_4 = scf.for %scan3A_502 = %scan3A_0 to %scan3A_2 step %scan3A_3 iter_args(%scan3A_503 = %scan3A) -> (i32)  : i32 {
      %broadcast_in_dim3A_504 = arith.constant 0.000000e+00 : f32
      %broadcast_in_dim3A_505 = vector.broadcast %broadcast_in_dim3A_504 : f32 to vector<16xf32>
      %swap3A_506 = arith.index_cast %scan3A_502 : i32 to index
      %swap3A_507 = arith.constant 0 : index
      %swap3A_508 = tpu.vector_load %arg8[%swap3A_506, %swap3A_507] {strides = array<i32>} : memref<128x128xf32, #tpu.memory_space<vmem>>, vector<1x16xf32>,
      %swap3A_509 = vector.shape_cast %swap3A_508 : vector<1x16xf32> to vector<16xf32>
      %swap3A_510 = vector.shape_cast %broadcast_in_dim3A_505 : vector<16xf32> to vector<1x16xf32>
      tpu.vector_store %arg8[%swap3A_506, %swap3A_507], %swap3A_510 {strides = array<i32>} : memref<128x128xf32, #tpu.memory_space<vmem>>, vector<1x16xf32>,
      %broadcast_in_dim3A_511 = arith.constant 0.000000e+00 : f32
      %broadcast_in_dim3A_512 = vector.broadcast %broadcast_in_dim3A_511 : f32 to vector<16xf32>
      %swap3A_513 = arith.index_cast %scan3A_502 : i32 to index
      %swap3A_514 = arith.constant 16 : index
      %swap3A_515 = tpu.vector_load %arg8[%swap3A_513, %swap3A_514] {strides = array<i32>} : memref<128x128xf32, #tpu.memory_space<vmem>>, vector<1x16xf32>,
      %swap3A_516 = vector.shape_cast %swap3A_515 : vector<1x16xf32> to vector<16xf32>
      %swap3A_517 = vector.shape_cast %broadcast_in_dim3A_512 : vector<16xf32> to vector<1x16xf32>
      tpu.vector_store %arg8[%swap3A_513, %swap3A_514], %swap3A_517 {strides = array<i32>} : memref<128x128xf32, #tpu.memory_space<vmem>>, vector<1x16xf32>,
      %broadcast_in_dim3A_518 = arith.constant 0.000000e+00 : f32
      %broadcast_in_dim3A_519 = vector.broadcast %broadcast_in_dim3A_518 : f32 to vector<16xf32>
      %swap3A_520 = arith.index_cast %scan3A_502 : i32 to index
      %swap3A_521 = arith.constant 32 : index
      %swap3A_522 = tpu.vector_load %arg8[%swap3A_520, %swap3A_521] {strides = array<i32>} : memref<128x128xf32, #tpu.memory_space<vmem>>, vector<1x16xf32>,
      %swap3A_523 = vector.shape_cast %swap3A_522 : vector<1x16xf32> to vector<16xf32>
      %swap3A_524 = vector.shape_cast %broadcast_in_dim3A_519 : vector<16xf32> to vector<1x16xf32>
      tpu.vector_store %arg8[%swap3A_520, %swap3A_521], %swap3A_524 {strides = array<i32>} : memref<128x128xf32, #tpu.memory_space<vmem>>, vector<1x16xf32>,
      %broadcast_in_dim3A_525 = arith.constant 0.000000e+00 : f32
      %broadcast_in_dim3A_526 = vector.broadcast %broadcast_in_dim3A_525 : f32 to vector<16xf32>
      %swap3A_527 = arith.index_cast %scan3A_502 : i32 to index
      %swap3A_528 = arith.constant 48 : index
      %swap3A_529 = tpu.vector_load %arg8[%swap3A_527, %swap3A_528] {strides = array<i32>} : memref<128x128xf32, #tpu.memory_space<vmem>>, vector<1x16xf32>,
      %swap3A_530 = vector.shape_cast %swap3A_529 : vector<1x16xf32> to vector<16xf32>
      %swap3A_531 = vector.shape_cast %broadcast_in_dim3A_526 : vector<16xf32> to vector<1x16xf32>
      tpu.vector_store %arg8[%swap3A_527, %swap3A_528], %swap3A_531 {strides = array<i32>} : memref<128x128xf32, #tpu.memory_space<vmem>>, vector<1x16xf32>,
      %broadcast_in_dim3A_532 = arith.constant 0.000000e+00 : f32
      %broadcast_in_dim3A_533 = vector.broadcast %broadcast_in_dim3A_532 : f32 to vector<16xf32>
      %swap3A_534 = arith.index_cast %scan3A_502 : i32 to index
      %swap3A_535 = arith.constant 64 : index
      %swap3A_536 = tpu.vector_load %arg8[%swap3A_534, %swap3A_535] {strides = array<i32>} : memref<128x128xf32, #tpu.memory_space<vmem>>, vector<1x16xf32>,
      %swap3A_537 = vector.shape_cast %swap3A_536 : vector<1x16xf32> to vector<16xf32>
      %swap3A_538 = vector.shape_cast %broadcast_in_dim3A_533 : vector<16xf32> to vector<1x16xf32>
      tpu.vector_store %arg8[%swap3A_534, %swap3A_535], %swap3A_538 {strides = array<i32>} : memref<128x128xf32, #tpu.memory_space<vmem>>, vector<1x16xf32>,
      %broadcast_in_dim3A_539 = arith.constant 0.000000e+00 : f32
      %broadcast_in_dim3A_540 = vector.broadcast %broadcast_in_dim3A_539 : f32 to vector<16xf32>
      %swap3A_541 = arith.index_cast %scan3A_502 : i32 to index
      %swap3A_542 = arith.constant 80 : index
      %swap3A_543 = tpu.vector_load %arg8[%swap3A_541, %swap3A_542] {strides = array<i32>} : memref<128x128xf32, #tpu.memory_space<vmem>>, vector<1x16xf32>,
      %swap3A_544 = vector.shape_cast %swap3A_543 : vector<1x16xf32> to vector<16xf32>
      %swap3A_545 = vector.shape_cast %broadcast_in_dim3A_540 : vector<16xf32> to vector<1x16xf32>
      tpu.vector_store %arg8[%swap3A_541, %swap3A_542], %swap3A_545 {strides = array<i32>} : memref<128x128xf32, #tpu.memory_space<vmem>>, vector<1x16xf32>,
      %broadcast_in_dim3A_546 = arith.constant 0.000000e+00 : f32
      %broadcast_in_dim3A_547 = vector.broadcast %broadcast_in_dim3A_546 : f32 to vector<16xf32>
      %swap3A_548 = arith.index_cast %scan3A_502 : i32 to index
      %swap3A_549 = arith.constant 96 : index
      %swap3A_550 = tpu.vector_load %arg8[%swap3A_548, %swap3A_549] {strides = array<i32>} : memref<128x128xf32, #tpu.memory_space<vmem>>, vector<1x16xf32>,
      %swap3A_551 = vector.shape_cast %swap3A_550 : vector<1x16xf32> to vector<16xf32>
      %swap3A_552 = vector.shape_cast %broadcast_in_dim3A_547 : vector<16xf32> to vector<1x16xf32>
      tpu.vector_store %arg8[%swap3A_548, %swap3A_549], %swap3A_552 {strides = array<i32>} : memref<128x128xf32, #tpu.memory_space<vmem>>, vector<1x16xf32>,
      %broadcast_in_dim3A_553 = arith.constant 0.000000e+00 : f32
      %broadcast_in_dim3A_554 = vector.broadcast %broadcast_in_dim3A_553 : f32 to vector<16xf32>
      %swap3A_555 = arith.index_cast %scan3A_502 : i32 to index
      %swap3A_556 = arith.constant 112 : index
      %swap3A_557 = tpu.vector_load %arg8[%swap3A_555, %swap3A_556] {strides = array<i32>} : memref<128x128xf32, #tpu.memory_space<vmem>>, vector<1x16xf32>,
      %swap3A_558 = vector.shape_cast %swap3A_557 : vector<1x16xf32> to vector<16xf32>
      %swap3A_559 = vector.shape_cast %broadcast_in_dim3A_554 : vector<16xf32> to vector<1x16xf32>
      tpu.vector_store %arg8[%swap3A_555, %swap3A_556], %swap3A_559 {strides = array<i32>} : memref<128x128xf32, #tpu.memory_space<vmem>>, vector<1x16xf32>,
      %scan3A_560 = arith.constant 0 : i32
      scf.yield %scan3A_560 : i32
    }
    %scan3A_5 = arith.constant 128 : i32
    %mul3A = arith.constant 320 : i32
    %mul3A_6 = arith.muli %arg1, %mul3A : i32
    %add3A = arith.constant 0 : i32
    %add3A_7 = arith.addi %mul3A_6, %add3A : i32
    "tpu.region"() ({
      %run_scoped3A = tpu.sem_alloc : memref<!tpu.dma_semaphore, #tpu.memory_space<semaphore_mem>>
      %dma_start3A_502 = arith.constant 0 : i32
      %dma_start3A_503 = tpu.memref_slice %arg12[%add3A_7, %dma_start3A_502] : memref<5120x128xf32, #tpu.memory_space<vmem_shared>> -> memref<128x128xf32, #tpu.memory_space<vmem_shared>>
      %dma_start3A_504 = arith.constant 0 : i32
      %dma_start3A_505 = tpu.memref_slice %arg12[%add3A_7, %dma_start3A_504] : memref<5120x128xf32, #tpu.memory_space<vmem_shared>> -> memref<128x128xf32, #tpu.memory_space<vmem_shared>>
      tpu.enqueue_dma source(%arg8 : memref<128x128xf32, #tpu.memory_space<vmem>>) target(%dma_start3A_505 : memref<128x128xf32, #tpu.memory_space<vmem_shared>>) target_semaphore(%run_scoped3A : memref<!tpu.dma_semaphore, #tpu.memory_space<semaphore_mem>>)
      %dma_wait3A_506 = arith.constant 0 : i32
      %dma_wait3A_507 = tpu.memref_slice %arg12[%add3A_7, %dma_wait3A_506] : memref<5120x128xf32, #tpu.memory_space<vmem_shared>> -> memref<128x128xf32, #tpu.memory_space<vmem_shared>>
      %dma_wait3A_508 = arith.constant 0 : i32
      %dma_wait3A_509 = tpu.memref_slice %arg12[%add3A_7, %dma_wait3A_508] : memref<5120x128xf32, #tpu.memory_space<vmem_shared>> -> memref<128x128xf32, #tpu.memory_space<vmem_shared>>
      tpu.wait_dma2 semaphore(%run_scoped3A : memref<!tpu.dma_semaphore, #tpu.memory_space<semaphore_mem>>) src(%arg8 : memref<128x128xf32, #tpu.memory_space<vmem>>) dst(%dma_wait3A_509 : memref<128x128xf32, #tpu.memory_space<vmem_shared>>)
      tpu.yield
    }) : () -> ()
    %add3A_8 = arith.constant 128 : i32
    %add3A_9 = arith.addi %mul3A_6, %add3A_8 : i32
    "tpu.region"() ({
      %run_scoped3A = tpu.sem_alloc : memref<!tpu.dma_semaphore, #tpu.memory_space<semaphore_mem>>
      %dma_start3A_502 = arith.constant 0 : i32
      %dma_start3A_503 = tpu.memref_slice %arg12[%add3A_9, %dma_start3A_502] : memref<5120x128xf32, #tpu.memory_space<vmem_shared>> -> memref<128x128xf32, #tpu.memory_space<vmem_shared>>
      %dma_start3A_504 = arith.constant 0 : i32
      %dma_start3A_505 = tpu.memref_slice %arg12[%add3A_9, %dma_start3A_504] : memref<5120x128xf32, #tpu.memory_space<vmem_shared>> -> memref<128x128xf32, #tpu.memory_space<vmem_shared>>
      tpu.enqueue_dma source(%arg8 : memref<128x128xf32, #tpu.memory_space<vmem>>) target(%dma_start3A_505 : memref<128x128xf32, #tpu.memory_space<vmem_shared>>) target_semaphore(%run_scoped3A : memref<!tpu.dma_semaphore, #tpu.memory_space<semaphore_mem>>)
      %dma_wait3A_506 = arith.constant 0 : i32
      %dma_wait3A_507 = tpu.memref_slice %arg12[%add3A_9, %dma_wait3A_506] : memref<5120x128xf32, #tpu.memory_space<vmem_shared>> -> memref<128x128xf32, #tpu.memory_space<vmem_shared>>
      %dma_wait3A_508 = arith.constant 0 : i32
      %dma_wait3A_509 = tpu.memref_slice %arg12[%add3A_9, %dma_wait3A_508] : memref<5120x128xf32, #tpu.memory_space<vmem_shared>> -> memref<128x128xf32, #tpu.memory_space<vmem_shared>>
      tpu.wait_dma2 semaphore(%run_scoped3A : memref<!tpu.dma_semaphore, #tpu.memory_space<semaphore_mem>>) src(%arg8 : memref<128x128xf32, #tpu.memory_space<vmem>>) dst(%dma_wait3A_509 : memref<128x128xf32, #tpu.memory_space<vmem_shared>>)
      tpu.yield
    }) : () -> ()
    %add3A_10 = arith.constant 256 : i32
    %add3A_11 = arith.addi %mul3A_6, %add3A_10 : i32
    "tpu.region"() ({
      %run_scoped3A = tpu.sem_alloc : memref<!tpu.dma_semaphore, #tpu.memory_space<semaphore_mem>>
      %dma_start3A_502 = arith.constant 0 : i32
      %dma_start3A_503 = arith.constant 0 : i32
      %dma_start3A_504 = tpu.memref_slice %arg8[%dma_start3A_502, %dma_start3A_503] : memref<128x128xf32, #tpu.memory_space<vmem>> -> memref<64x128xf32, #tpu.memory_space<vmem>>
      %dma_start3A_505 = arith.constant 0 : i32
      %dma_start3A_506 = tpu.memref_slice %arg12[%add3A_11, %dma_start3A_505] : memref<5120x128xf32, #tpu.memory_space<vmem_shared>> -> memref<64x128xf32, #tpu.memory_space<vmem_shared>>
      %dma_start3A_507 = arith.constant 0 : i32
      %dma_start3A_508 = tpu.memref_slice %arg12[%add3A_11, %dma_start3A_507] : memref<5120x128xf32, #tpu.memory_space<vmem_shared>> -> memref<64x128xf32, #tpu.memory_space<vmem_shared>>
      %dma_start3A_509 = arith.constant 0 : i32
      %dma_start3A_510 = arith.constant 0 : i32
      %dma_start3A_511 = tpu.memref_slice %arg8[%dma_start3A_509, %dma_start3A_510] : memref<128x128xf32, #tpu.memory_space<vmem>> -> memref<64x128xf32, #tpu.memory_space<vmem>>
      tpu.enqueue_dma source(%dma_start3A_511 : memref<64x128xf32, #tpu.memory_space<vmem>>) target(%dma_start3A_508 : memref<64x128xf32, #tpu.memory_space<vmem_shared>>) target_semaphore(%run_scoped3A : memref<!tpu.dma_semaphore, #tpu.memory_space<semaphore_mem>>)
      %dma_wait3A_512 = arith.constant 0 : i32
      %dma_wait3A_513 = arith.constant 0 : i32
      %dma_wait3A_514 = tpu.memref_slice %arg8[%dma_wait3A_512, %dma_wait3A_513] : memref<128x128xf32, #tpu.memory_space<vmem>> -> memref<64x128xf32, #tpu.memory_space<vmem>>
      %dma_wait3A_515 = arith.constant 0 : i32
      %dma_wait3A_516 = tpu.memref_slice %arg12[%add3A_11, %dma_wait3A_515] : memref<5120x128xf32, #tpu.memory_space<vmem_shared>> -> memref<64x128xf32, #tpu.memory_space<vmem_shared>>
      %dma_wait3A_517 = arith.constant 0 : i32
      %dma_wait3A_518 = tpu.memref_slice %arg12[%add3A_11, %dma_wait3A_517] : memref<5120x128xf32, #tpu.memory_space<vmem_shared>> -> memref<64x128xf32, #tpu.memory_space<vmem_shared>>
      %dma_wait3A_519 = arith.constant 0 : i32
      %dma_wait3A_520 = arith.constant 0 : i32
      %dma_wait3A_521 = tpu.memref_slice %arg8[%dma_wait3A_519, %dma_wait3A_520] : memref<128x128xf32, #tpu.memory_space<vmem>> -> memref<64x128xf32, #tpu.memory_space<vmem>>
      tpu.wait_dma2 semaphore(%run_scoped3A : memref<!tpu.dma_semaphore, #tpu.memory_space<semaphore_mem>>) src(%dma_wait3A_521 : memref<64x128xf32, #tpu.memory_space<vmem>>) dst(%dma_wait3A_518 : memref<64x128xf32, #tpu.memory_space<vmem_shared>>)
      tpu.yield
    }) : () -> ()
    %barrier3A = arith.constant 0 : index
    tpu.barrier barrier_id(%barrier3A)
    %mul3A_12 = arith.constant 20224 : i32
    %mul3A_13 = arith.muli %arg1, %mul3A_12 : i32
    %add3A_14 = arith.constant 0 : i32
    %add3A_15 = arith.addi %mul3A_13, %add3A_14 : i32
    "tpu.region"() ({
      %run_scoped3A = tpu.sem_alloc : memref<!tpu.dma_semaphore, #tpu.memory_space<semaphore_mem>>
      %dma_start3A_502 = tpu.memref_slice %arg3[%add3A_15] : memref<323584xi32, #tpu.memory_space<hbm>> -> memref<128xi32, #tpu.memory_space<hbm>>
      %dma_start3A_503 = tpu.memref_slice %arg3[%add3A_15] : memref<323584xi32, #tpu.memory_space<hbm>> -> memref<128xi32, #tpu.memory_space<hbm>>
      tpu.enqueue_dma source(%dma_start3A_503 : memref<128xi32, #tpu.memory_space<hbm>>) target(%arg6 : memref<128xi32, #tpu.memory_space<vmem>>) target_semaphore(%run_scoped3A : memref<!tpu.dma_semaphore, #tpu.memory_space<semaphore_mem>>)
      %dma_wait3A_504 = tpu.memref_slice %arg3[%add3A_15] : memref<323584xi32, #tpu.memory_space<hbm>> -> memref<128xi32, #tpu.memory_space<hbm>>
      %dma_wait3A_505 = tpu.memref_slice %arg3[%add3A_15] : memref<323584xi32, #tpu.memory_space<hbm>> -> memref<128xi32, #tpu.memory_space<hbm>>
      tpu.wait_dma2 semaphore(%run_scoped3A : memref<!tpu.dma_semaphore, #tpu.memory_space<semaphore_mem>>) src(%dma_wait3A_505 : memref<128xi32, #tpu.memory_space<hbm>>) dst(%arg6 : memref<128xi32, #tpu.memory_space<vmem>>)
      tpu.yield
    }) : () -> ()
    "tpu.region"() ({
      %run_scoped3A = tpu.sem_alloc : memref<!tpu.dma_semaphore, #tpu.memory_space<semaphore_mem>>
      %dma_start3A_502 = tpu.memref_slice %arg4[%add3A_15] : memref<323584xi32, #tpu.memory_space<hbm>> -> memref<128xi32, #tpu.memory_space<hbm>>
      %dma_start3A_503 = tpu.memref_slice %arg4[%add3A_15] : memref<323584xi32, #tpu.memory_space<hbm>> -> memref<128xi32, #tpu.memory_space<hbm>>
      tpu.enqueue_dma source(%dma_start3A_503 : memref<128xi32, #tpu.memory_space<hbm>>) target(%arg7 : memref<128xi32, #tpu.memory_space<vmem>>) target_semaphore(%run_scoped3A : memref<!tpu.dma_semaphore, #tpu.memory_space<semaphore_mem>>)
      %dma_wait3A_504 = tpu.memref_slice %arg4[%add3A_15] : memref<323584xi32, #tpu.memory_space<hbm>> -> memref<128xi32, #tpu.memory_space<hbm>>
      %dma_wait3A_505 = tpu.memref_slice %arg4[%add3A_15] : memref<323584xi32, #tpu.memory_space<hbm>> -> memref<128xi32, #tpu.memory_space<hbm>>
      tpu.wait_dma2 semaphore(%run_scoped3A : memref<!tpu.dma_semaphore, #tpu.memory_space<semaphore_mem>>) src(%dma_wait3A_505 : memref<128xi32, #tpu.memory_space<hbm>>) dst(%arg7 : memref<128xi32, #tpu.memory_space<vmem>>)
      tpu.yield
    }) : () -> ()
    %mul3A_16 = arith.constant 5000 : i32
    %mul3A_17 = arith.muli %arg0, %mul3A_16 : i32
    %mul3A_18 = arith.constant 112 : i32
    %mul3A_19 = arith.muli %arg0, %mul3A_18 : i32
    %add3A_20 = arith.constant 5000 : i32
    %add3A_21 = arith.addi %add3A_20, %mul3A_19 : i32
    %get3A = arith.constant 0 : index
    %get3A_22 = tpu.vector_load %arg7[%get3A] {strides = array<i32>} : memref<128xi32, #tpu.memory_space<vmem>>, vector<16xi32>,
    %get3A_23 = vector.shape_cast %get3A_22 : vector<16xi32> to vector<16xi32>
    %sub3A = vector.broadcast %mul3A_17 : i32 to vector<16xi32>
    %sub3A_24 = arith.subi %get3A_23, %sub3A : vector<16xi32>
    %ge3A = arith.constant 0 : i32
    %ge3A_25 = vector.broadcast %ge3A : i32 to vector<16xi32>
    %ge3A_26 = arith.cmpi sge, %sub3A_24, %ge3A_25 : vector<16xi32>
    %lt3A = vector.broadcast %add3A_21 : i32 to vector<16xi32>
    %lt3A_27 = arith.cmpi slt, %sub3A_24, %lt3A : vector<16xi32>
    %and3A = arith.andi %ge3A_26, %lt3A_27 : vector<16xi1>
    %jit3A = arith.constant 5112 : i32
    %broadcast_in_dim3A = vector.broadcast %jit3A : i32 to vector<16xi32>
    %select_n3A = arith.select %and3A, %sub3A_24, %broadcast_in_dim3A : vector<16xi1>, vector<16xi32>
    %swap3A = arith.constant 0 : index
    %swap3A_28 = tpu.vector_load %arg7[%swap3A] {strides = array<i32>} : memref<128xi32, #tpu.memory_space<vmem>>, vector<16xi32>,
    %swap3A_29 = vector.shape_cast %swap3A_28 : vector<16xi32> to vector<16xi32>
    %swap3A_30 = vector.shape_cast %select_n3A : vector<16xi32> to vector<16xi32>
    tpu.vector_store %arg7[%swap3A], %swap3A_30 {strides = array<i32>} : memref<128xi32, #tpu.memory_space<vmem>>, vector<16xi32>,
    %get3A_31 = arith.constant 0 : index
    %get3A_32 = tpu.vector_load %arg6[%get3A_31] {strides = array<i32>} : memref<128xi32, #tpu.memory_space<vmem>>, vector<16xi32>,
    %get3A_33 = vector.shape_cast %get3A_32 : vector<16xi32> to vector<16xi32>
    %jit3A_34 = arith.constant 0 : i32
    %broadcast_in_dim3A_35 = vector.broadcast %jit3A_34 : i32 to vector<16xi32>
    %select_n3A_36 = arith.select %and3A, %get3A_33, %broadcast_in_dim3A_35 : vector<16xi1>, vector<16xi32>
    %swap3A_37 = arith.constant 0 : index
    %swap3A_38 = tpu.vector_load %arg6[%swap3A_37] {strides = array<i32>} : memref<128xi32, #tpu.memory_space<vmem>>, vector<16xi32>,
    %swap3A_39 = vector.shape_cast %swap3A_38 : vector<16xi32> to vector<16xi32>
    %swap3A_40 = vector.shape_cast %select_n3A_36 : vector<16xi32> to vector<16xi32>
    tpu.vector_store %arg6[%swap3A_37], %swap3A_40 {strides = array<i32>} : memref<128xi32, #tpu.memory_space<vmem>>, vector<16xi32>,
    %get3A_41 = arith.constant 16 : index
    %get3A_42 = tpu.vector_load %arg7[%get3A_41] {strides = array<i32>} : memref<128xi32, #tpu.memory_space<vmem>>, vector<16xi32>,
    %get3A_43 = vector.shape_cast %get3A_42 : vector<16xi32> to vector<16xi32>
    %sub3A_44 = vector.broadcast %mul3A_17 : i32 to vector<16xi32>
    %sub3A_45 = arith.subi %get3A_43, %sub3A_44 : vector<16xi32>
    %ge3A_46 = arith.constant 0 : i32
    %ge3A_47 = vector.broadcast %ge3A_46 : i32 to vector<16xi32>
    %ge3A_48 = arith.cmpi sge, %sub3A_45, %ge3A_47 : vector<16xi32>
    %lt3A_49 = vector.broadcast %add3A_21 : i32 to vector<16xi32>
    %lt3A_50 = arith.cmpi slt, %sub3A_45, %lt3A_49 : vector<16xi32>
    %and3A_51 = arith.andi %ge3A_48, %lt3A_50 : vector<16xi1>
    %jit3A_52 = arith.constant 5112 : i32
    %broadcast_in_dim3A_53 = vector.broadcast %jit3A_52 : i32 to vector<16xi32>
    %select_n3A_54 = arith.select %and3A_51, %sub3A_45, %broadcast_in_dim3A_53 : vector<16xi1>, vector<16xi32>
    %swap3A_55 = arith.constant 16 : index
    %swap3A_56 = tpu.vector_load %arg7[%swap3A_55] {strides = array<i32>} : memref<128xi32, #tpu.memory_space<vmem>>, vector<16xi32>,
    %swap3A_57 = vector.shape_cast %swap3A_56 : vector<16xi32> to vector<16xi32>
    %swap3A_58 = vector.shape_cast %select_n3A_54 : vector<16xi32> to vector<16xi32>
    tpu.vector_store %arg7[%swap3A_55], %swap3A_58 {strides = array<i32>} : memref<128xi32, #tpu.memory_space<vmem>>, vector<16xi32>,
    %get3A_59 = arith.constant 16 : index
    %get3A_60 = tpu.vector_load %arg6[%get3A_59] {strides = array<i32>} : memref<128xi32, #tpu.memory_space<vmem>>, vector<16xi32>,
    %get3A_61 = vector.shape_cast %get3A_60 : vector<16xi32> to vector<16xi32>
    %jit3A_62 = arith.constant 0 : i32
    %broadcast_in_dim3A_63 = vector.broadcast %jit3A_62 : i32 to vector<16xi32>
    %select_n3A_64 = arith.select %and3A_51, %get3A_61, %broadcast_in_dim3A_63 : vector<16xi1>, vector<16xi32>
    %swap3A_65 = arith.constant 16 : index
    %swap3A_66 = tpu.vector_load %arg6[%swap3A_65] {strides = array<i32>} : memref<128xi32, #tpu.memory_space<vmem>>, vector<16xi32>,
    %swap3A_67 = vector.shape_cast %swap3A_66 : vector<16xi32> to vector<16xi32>
    %swap3A_68 = vector.shape_cast %select_n3A_64 : vector<16xi32> to vector<16xi32>
    tpu.vector_store %arg6[%swap3A_65], %swap3A_68 {strides = array<i32>} : memref<128xi32, #tpu.memory_space<vmem>>, vector<16xi32>,
    %get3A_69 = arith.constant 32 : index
    %get3A_70 = tpu.vector_load %arg7[%get3A_69] {strides = array<i32>} : memref<128xi32, #tpu.memory_space<vmem>>, vector<16xi32>,
    %get3A_71 = vector.shape_cast %get3A_70 : vector<16xi32> to vector<16xi32>
    %sub3A_72 = vector.broadcast %mul3A_17 : i32 to vector<16xi32>
    %sub3A_73 = arith.subi %get3A_71, %sub3A_72 : vector<16xi32>
    %ge3A_74 = arith.constant 0 : i32
    %ge3A_75 = vector.broadcast %ge3A_74 : i32 to vector<16xi32>
    %ge3A_76 = arith.cmpi sge, %sub3A_73, %ge3A_75 : vector<16xi32>
    %lt3A_77 = vector.broadcast %add3A_21 : i32 to vector<16xi32>
    %lt3A_78 = arith.cmpi slt, %sub3A_73, %lt3A_77 : vector<16xi32>
    %and3A_79 = arith.andi %ge3A_76, %lt3A_78 : vector<16xi1>
    %jit3A_80 = arith.constant 5112 : i32
    %broadcast_in_dim3A_81 = vector.broadcast %jit3A_80 : i32 to vector<16xi32>
    %select_n3A_82 = arith.select %and3A_79, %sub3A_73, %broadcast_in_dim3A_81 : vector<16xi1>, vector<16xi32>
    %swap3A_83 = arith.constant 32 : index
    %swap3A_84 = tpu.vector_load %arg7[%swap3A_83] {strides = array<i32>} : memref<128xi32, #tpu.memory_space<vmem>>, vector<16xi32>,
    %swap3A_85 = vector.shape_cast %swap3A_84 : vector<16xi32> to vector<16xi32>
    %swap3A_86 = vector.shape_cast %select_n3A_82 : vector<16xi32> to vector<16xi32>
    tpu.vector_store %arg7[%swap3A_83], %swap3A_86 {strides = array<i32>} : memref<128xi32, #tpu.memory_space<vmem>>, vector<16xi32>,
    %get3A_87 = arith.constant 32 : index
    %get3A_88 = tpu.vector_load %arg6[%get3A_87] {strides = array<i32>} : memref<128xi32, #tpu.memory_space<vmem>>, vector<16xi32>,
    %get3A_89 = vector.shape_cast %get3A_88 : vector<16xi32> to vector<16xi32>
    %jit3A_90 = arith.constant 0 : i32
    %broadcast_in_dim3A_91 = vector.broadcast %jit3A_90 : i32 to vector<16xi32>
    %select_n3A_92 = arith.select %and3A_79, %get3A_89, %broadcast_in_dim3A_91 : vector<16xi1>, vector<16xi32>
    %swap3A_93 = arith.constant 32 : index
    %swap3A_94 = tpu.vector_load %arg6[%swap3A_93] {strides = array<i32>} : memref<128xi32, #tpu.memory_space<vmem>>, vector<16xi32>,
    %swap3A_95 = vector.shape_cast %swap3A_94 : vector<16xi32> to vector<16xi32>
    %swap3A_96 = vector.shape_cast %select_n3A_92 : vector<16xi32> to vector<16xi32>
    tpu.vector_store %arg6[%swap3A_93], %swap3A_96 {strides = array<i32>} : memref<128xi32, #tpu.memory_space<vmem>>, vector<16xi32>,
    %get3A_97 = arith.constant 48 : index
    %get3A_98 = tpu.vector_load %arg7[%get3A_97] {strides = array<i32>} : memref<128xi32, #tpu.memory_space<vmem>>, vector<16xi32>,
    %get3A_99 = vector.shape_cast %get3A_98 : vector<16xi32> to vector<16xi32>
    %sub3A_100 = vector.broadcast %mul3A_17 : i32 to vector<16xi32>
    %sub3A_101 = arith.subi %get3A_99, %sub3A_100 : vector<16xi32>
    %ge3A_102 = arith.constant 0 : i32
    %ge3A_103 = vector.broadcast %ge3A_102 : i32 to vector<16xi32>
    %ge3A_104 = arith.cmpi sge, %sub3A_101, %ge3A_103 : vector<16xi32>
    %lt3A_105 = vector.broadcast %add3A_21 : i32 to vector<16xi32>
    %lt3A_106 = arith.cmpi slt, %sub3A_101, %lt3A_105 : vector<16xi32>
    %and3A_107 = arith.andi %ge3A_104, %lt3A_106 : vector<16xi1>
    %jit3A_108 = arith.constant 5112 : i32
    %broadcast_in_dim3A_109 = vector.broadcast %jit3A_108 : i32 to vector<16xi32>
    %select_n3A_110 = arith.select %and3A_107, %sub3A_101, %broadcast_in_dim3A_109 : vector<16xi1>, vector<16xi32>
    %swap3A_111 = arith.constant 48 : index
    %swap3A_112 = tpu.vector_load %arg7[%swap3A_111] {strides = array<i32>} : memref<128xi32, #tpu.memory_space<vmem>>, vector<16xi32>,
    %swap3A_113 = vector.shape_cast %swap3A_112 : vector<16xi32> to vector<16xi32>
    %swap3A_114 = vector.shape_cast %select_n3A_110 : vector<16xi32> to vector<16xi32>
    tpu.vector_store %arg7[%swap3A_111], %swap3A_114 {strides = array<i32>} : memref<128xi32, #tpu.memory_space<vmem>>, vector<16xi32>,
    %get3A_115 = arith.constant 48 : index
    %get3A_116 = tpu.vector_load %arg6[%get3A_115] {strides = array<i32>} : memref<128xi32, #tpu.memory_space<vmem>>, vector<16xi32>,
    %get3A_117 = vector.shape_cast %get3A_116 : vector<16xi32> to vector<16xi32>
    %jit3A_118 = arith.constant 0 : i32
    %broadcast_in_dim3A_119 = vector.broadcast %jit3A_118 : i32 to vector<16xi32>
    %select_n3A_120 = arith.select %and3A_107, %get3A_117, %broadcast_in_dim3A_119 : vector<16xi1>, vector<16xi32>
    %swap3A_121 = arith.constant 48 : index
    %swap3A_122 = tpu.vector_load %arg6[%swap3A_121] {strides = array<i32>} : memref<128xi32, #tpu.memory_space<vmem>>, vector<16xi32>,
    %swap3A_123 = vector.shape_cast %swap3A_122 : vector<16xi32> to vector<16xi32>
    %swap3A_124 = vector.shape_cast %select_n3A_120 : vector<16xi32> to vector<16xi32>
    tpu.vector_store %arg6[%swap3A_121], %swap3A_124 {strides = array<i32>} : memref<128xi32, #tpu.memory_space<vmem>>, vector<16xi32>,
    %get3A_125 = arith.constant 64 : index
    %get3A_126 = tpu.vector_load %arg7[%get3A_125] {strides = array<i32>} : memref<128xi32, #tpu.memory_space<vmem>>, vector<16xi32>,
    %get3A_127 = vector.shape_cast %get3A_126 : vector<16xi32> to vector<16xi32>
    %sub3A_128 = vector.broadcast %mul3A_17 : i32 to vector<16xi32>
    %sub3A_129 = arith.subi %get3A_127, %sub3A_128 : vector<16xi32>
    %ge3A_130 = arith.constant 0 : i32
    %ge3A_131 = vector.broadcast %ge3A_130 : i32 to vector<16xi32>
    %ge3A_132 = arith.cmpi sge, %sub3A_129, %ge3A_131 : vector<16xi32>
    %lt3A_133 = vector.broadcast %add3A_21 : i32 to vector<16xi32>
    %lt3A_134 = arith.cmpi slt, %sub3A_129, %lt3A_133 : vector<16xi32>
    %and3A_135 = arith.andi %ge3A_132, %lt3A_134 : vector<16xi1>
    %jit3A_136 = arith.constant 5112 : i32
    %broadcast_in_dim3A_137 = vector.broadcast %jit3A_136 : i32 to vector<16xi32>
    %select_n3A_138 = arith.select %and3A_135, %sub3A_129, %broadcast_in_dim3A_137 : vector<16xi1>, vector<16xi32>
    %swap3A_139 = arith.constant 64 : index
    %swap3A_140 = tpu.vector_load %arg7[%swap3A_139] {strides = array<i32>} : memref<128xi32, #tpu.memory_space<vmem>>, vector<16xi32>,
    %swap3A_141 = vector.shape_cast %swap3A_140 : vector<16xi32> to vector<16xi32>
    %swap3A_142 = vector.shape_cast %select_n3A_138 : vector<16xi32> to vector<16xi32>
    tpu.vector_store %arg7[%swap3A_139], %swap3A_142 {strides = array<i32>} : memref<128xi32, #tpu.memory_space<vmem>>, vector<16xi32>,
    %get3A_143 = arith.constant 64 : index
    %get3A_144 = tpu.vector_load %arg6[%get3A_143] {strides = array<i32>} : memref<128xi32, #tpu.memory_space<vmem>>, vector<16xi32>,
    %get3A_145 = vector.shape_cast %get3A_144 : vector<16xi32> to vector<16xi32>
    %jit3A_146 = arith.constant 0 : i32
    %broadcast_in_dim3A_147 = vector.broadcast %jit3A_146 : i32 to vector<16xi32>
    %select_n3A_148 = arith.select %and3A_135, %get3A_145, %broadcast_in_dim3A_147 : vector<16xi1>, vector<16xi32>
    %swap3A_149 = arith.constant 64 : index
    %swap3A_150 = tpu.vector_load %arg6[%swap3A_149] {strides = array<i32>} : memref<128xi32, #tpu.memory_space<vmem>>, vector<16xi32>,
    %swap3A_151 = vector.shape_cast %swap3A_150 : vector<16xi32> to vector<16xi32>
    %swap3A_152 = vector.shape_cast %select_n3A_148 : vector<16xi32> to vector<16xi32>
    tpu.vector_store %arg6[%swap3A_149], %swap3A_152 {strides = array<i32>} : memref<128xi32, #tpu.memory_space<vmem>>, vector<16xi32>,
    %get3A_153 = arith.constant 80 : index
    %get3A_154 = tpu.vector_load %arg7[%get3A_153] {strides = array<i32>} : memref<128xi32, #tpu.memory_space<vmem>>, vector<16xi32>,
    %get3A_155 = vector.shape_cast %get3A_154 : vector<16xi32> to vector<16xi32>
    %sub3A_156 = vector.broadcast %mul3A_17 : i32 to vector<16xi32>
    %sub3A_157 = arith.subi %get3A_155, %sub3A_156 : vector<16xi32>
    %ge3A_158 = arith.constant 0 : i32
    %ge3A_159 = vector.broadcast %ge3A_158 : i32 to vector<16xi32>
    %ge3A_160 = arith.cmpi sge, %sub3A_157, %ge3A_159 : vector<16xi32>
    %lt3A_161 = vector.broadcast %add3A_21 : i32 to vector<16xi32>
    %lt3A_162 = arith.cmpi slt, %sub3A_157, %lt3A_161 : vector<16xi32>
    %and3A_163 = arith.andi %ge3A_160, %lt3A_162 : vector<16xi1>
    %jit3A_164 = arith.constant 5112 : i32
    %broadcast_in_dim3A_165 = vector.broadcast %jit3A_164 : i32 to vector<16xi32>
    %select_n3A_166 = arith.select %and3A_163, %sub3A_157, %broadcast_in_dim3A_165 : vector<16xi1>, vector<16xi32>
    %swap3A_167 = arith.constant 80 : index
    %swap3A_168 = tpu.vector_load %arg7[%swap3A_167] {strides = array<i32>} : memref<128xi32, #tpu.memory_space<vmem>>, vector<16xi32>,
    %swap3A_169 = vector.shape_cast %swap3A_168 : vector<16xi32> to vector<16xi32>
    %swap3A_170 = vector.shape_cast %select_n3A_166 : vector<16xi32> to vector<16xi32>
    tpu.vector_store %arg7[%swap3A_167], %swap3A_170 {strides = array<i32>} : memref<128xi32, #tpu.memory_space<vmem>>, vector<16xi32>,
    %get3A_171 = arith.constant 80 : index
    %get3A_172 = tpu.vector_load %arg6[%get3A_171] {strides = array<i32>} : memref<128xi32, #tpu.memory_space<vmem>>, vector<16xi32>,
    %get3A_173 = vector.shape_cast %get3A_172 : vector<16xi32> to vector<16xi32>
    %jit3A_174 = arith.constant 0 : i32
    %broadcast_in_dim3A_175 = vector.broadcast %jit3A_174 : i32 to vector<16xi32>
    %select_n3A_176 = arith.select %and3A_163, %get3A_173, %broadcast_in_dim3A_175 : vector<16xi1>, vector<16xi32>
    %swap3A_177 = arith.constant 80 : index
    %swap3A_178 = tpu.vector_load %arg6[%swap3A_177] {strides = array<i32>} : memref<128xi32, #tpu.memory_space<vmem>>, vector<16xi32>,
    %swap3A_179 = vector.shape_cast %swap3A_178 : vector<16xi32> to vector<16xi32>
    %swap3A_180 = vector.shape_cast %select_n3A_176 : vector<16xi32> to vector<16xi32>
    tpu.vector_store %arg6[%swap3A_177], %swap3A_180 {strides = array<i32>} : memref<128xi32, #tpu.memory_space<vmem>>, vector<16xi32>,
    %get3A_181 = arith.constant 96 : index
    %get3A_182 = tpu.vector_load %arg7[%get3A_181] {strides = array<i32>} : memref<128xi32, #tpu.memory_space<vmem>>, vector<16xi32>,
    %get3A_183 = vector.shape_cast %get3A_182 : vector<16xi32> to vector<16xi32>
    %sub3A_184 = vector.broadcast %mul3A_17 : i32 to vector<16xi32>
    %sub3A_185 = arith.subi %get3A_183, %sub3A_184 : vector<16xi32>
    %ge3A_186 = arith.constant 0 : i32
    %ge3A_187 = vector.broadcast %ge3A_186 : i32 to vector<16xi32>
    %ge3A_188 = arith.cmpi sge, %sub3A_185, %ge3A_187 : vector<16xi32>
    %lt3A_189 = vector.broadcast %add3A_21 : i32 to vector<16xi32>
    %lt3A_190 = arith.cmpi slt, %sub3A_185, %lt3A_189 : vector<16xi32>
    %and3A_191 = arith.andi %ge3A_188, %lt3A_190 : vector<16xi1>
    %jit3A_192 = arith.constant 5112 : i32
    %broadcast_in_dim3A_193 = vector.broadcast %jit3A_192 : i32 to vector<16xi32>
    %select_n3A_194 = arith.select %and3A_191, %sub3A_185, %broadcast_in_dim3A_193 : vector<16xi1>, vector<16xi32>
    %swap3A_195 = arith.constant 96 : index
    %swap3A_196 = tpu.vector_load %arg7[%swap3A_195] {strides = array<i32>} : memref<128xi32, #tpu.memory_space<vmem>>, vector<16xi32>,
    %swap3A_197 = vector.shape_cast %swap3A_196 : vector<16xi32> to vector<16xi32>
    %swap3A_198 = vector.shape_cast %select_n3A_194 : vector<16xi32> to vector<16xi32>
    tpu.vector_store %arg7[%swap3A_195], %swap3A_198 {strides = array<i32>} : memref<128xi32, #tpu.memory_space<vmem>>, vector<16xi32>,
    %get3A_199 = arith.constant 96 : index
    %get3A_200 = tpu.vector_load %arg6[%get3A_199] {strides = array<i32>} : memref<128xi32, #tpu.memory_space<vmem>>, vector<16xi32>,
    %get3A_201 = vector.shape_cast %get3A_200 : vector<16xi32> to vector<16xi32>
    %jit3A_202 = arith.constant 0 : i32
    %broadcast_in_dim3A_203 = vector.broadcast %jit3A_202 : i32 to vector<16xi32>
    %select_n3A_204 = arith.select %and3A_191, %get3A_201, %broadcast_in_dim3A_203 : vector<16xi1>, vector<16xi32>
    %swap3A_205 = arith.constant 96 : index
    %swap3A_206 = tpu.vector_load %arg6[%swap3A_205] {strides = array<i32>} : memref<128xi32, #tpu.memory_space<vmem>>, vector<16xi32>,
    %swap3A_207 = vector.shape_cast %swap3A_206 : vector<16xi32> to vector<16xi32>
    %swap3A_208 = vector.shape_cast %select_n3A_204 : vector<16xi32> to vector<16xi32>
    tpu.vector_store %arg6[%swap3A_205], %swap3A_208 {strides = array<i32>} : memref<128xi32, #tpu.memory_space<vmem>>, vector<16xi32>,
    %get3A_209 = arith.constant 112 : index
    %get3A_210 = tpu.vector_load %arg7[%get3A_209] {strides = array<i32>} : memref<128xi32, #tpu.memory_space<vmem>>, vector<16xi32>,
    %get3A_211 = vector.shape_cast %get3A_210 : vector<16xi32> to vector<16xi32>
    %sub3A_212 = vector.broadcast %mul3A_17 : i32 to vector<16xi32>
    %sub3A_213 = arith.subi %get3A_211, %sub3A_212 : vector<16xi32>
    %ge3A_214 = arith.constant 0 : i32
    %ge3A_215 = vector.broadcast %ge3A_214 : i32 to vector<16xi32>
    %ge3A_216 = arith.cmpi sge, %sub3A_213, %ge3A_215 : vector<16xi32>
    %lt3A_217 = vector.broadcast %add3A_21 : i32 to vector<16xi32>
    %lt3A_218 = arith.cmpi slt, %sub3A_213, %lt3A_217 : vector<16xi32>
    %and3A_219 = arith.andi %ge3A_216, %lt3A_218 : vector<16xi1>
    %jit3A_220 = arith.constant 5112 : i32
    %broadcast_in_dim3A_221 = vector.broadcast %jit3A_220 : i32 to vector<16xi32>
    %select_n3A_222 = arith.select %and3A_219, %sub3A_213, %broadcast_in_dim3A_221 : vector<16xi1>, vector<16xi32>
    %swap3A_223 = arith.constant 112 : index
    %swap3A_224 = tpu.vector_load %arg7[%swap3A_223] {strides = array<i32>} : memref<128xi32, #tpu.memory_space<vmem>>, vector<16xi32>,
    %swap3A_225 = vector.shape_cast %swap3A_224 : vector<16xi32> to vector<16xi32>
    %swap3A_226 = vector.shape_cast %select_n3A_222 : vector<16xi32> to vector<16xi32>
    tpu.vector_store %arg7[%swap3A_223], %swap3A_226 {strides = array<i32>} : memref<128xi32, #tpu.memory_space<vmem>>, vector<16xi32>,
    %get3A_227 = arith.constant 112 : index
    %get3A_228 = tpu.vector_load %arg6[%get3A_227] {strides = array<i32>} : memref<128xi32, #tpu.memory_space<vmem>>, vector<16xi32>,
    %get3A_229 = vector.shape_cast %get3A_228 : vector<16xi32> to vector<16xi32>
    %jit3A_230 = arith.constant 0 : i32
    %broadcast_in_dim3A_231 = vector.broadcast %jit3A_230 : i32 to vector<16xi32>
    %select_n3A_232 = arith.select %and3A_219, %get3A_229, %broadcast_in_dim3A_231 : vector<16xi1>, vector<16xi32>
    %swap3A_233 = arith.constant 112 : index
    %swap3A_234 = tpu.vector_load %arg6[%swap3A_233] {strides = array<i32>} : memref<128xi32, #tpu.memory_space<vmem>>, vector<16xi32>,
    %swap3A_235 = vector.shape_cast %swap3A_234 : vector<16xi32> to vector<16xi32>
    %swap3A_236 = vector.shape_cast %select_n3A_232 : vector<16xi32> to vector<16xi32>
    tpu.vector_store %arg6[%swap3A_233], %swap3A_236 {strides = array<i32>} : memref<128xi32, #tpu.memory_space<vmem>>, vector<16xi32>,
    %dma_start3A = arith.constant 0 : i32
    %dma_start3A_237 = arith.constant 0 : i32
    %dma_start3A_238 = tpu.memref_slice %arg2[%dma_start3A, %dma_start3A_237] : memref<10000x128xf32, #tpu.memory_space<hbm>> -> memref<10000x128xf32, #tpu.memory_space<hbm>>
    tpu.enqueue_indirect_dma source(%dma_start3A_238 : memref<10000x128xf32, #tpu.memory_space<hbm>>) target(%arg8 : memref<128x128xf32, #tpu.memory_space<vmem>>) offsets(%arg6 : memref<128xi32, #tpu.memory_space<vmem>>) semaphore(%arg13 : memref<!tpu.dma_semaphore, #tpu.memory_space<semaphore_mem>>)
    %add3A_239 = arith.constant 128 : i32
    %add3A_240 = arith.addi %mul3A_13, %add3A_239 : i32
    "tpu.region"() ({
      %run_scoped3A = tpu.sem_alloc : memref<!tpu.dma_semaphore, #tpu.memory_space<semaphore_mem>>
      %dma_start3A_502 = tpu.memref_slice %arg3[%add3A_240] : memref<323584xi32, #tpu.memory_space<hbm>> -> memref<128xi32, #tpu.memory_space<hbm>>
      %dma_start3A_503 = tpu.memref_slice %arg3[%add3A_240] : memref<323584xi32, #tpu.memory_space<hbm>> -> memref<128xi32, #tpu.memory_space<hbm>>
      tpu.enqueue_dma source(%dma_start3A_503 : memref<128xi32, #tpu.memory_space<hbm>>) target(%arg9 : memref<128xi32, #tpu.memory_space<vmem>>) target_semaphore(%run_scoped3A : memref<!tpu.dma_semaphore, #tpu.memory_space<semaphore_mem>>)
      %dma_wait3A_504 = tpu.memref_slice %arg3[%add3A_240] : memref<323584xi32, #tpu.memory_space<hbm>> -> memref<128xi32, #tpu.memory_space<hbm>>
      %dma_wait3A_505 = tpu.memref_slice %arg3[%add3A_240] : memref<323584xi32, #tpu.memory_space<hbm>> -> memref<128xi32, #tpu.memory_space<hbm>>
      tpu.wait_dma2 semaphore(%run_scoped3A : memref<!tpu.dma_semaphore, #tpu.memory_space<semaphore_mem>>) src(%dma_wait3A_505 : memref<128xi32, #tpu.memory_space<hbm>>) dst(%arg9 : memref<128xi32, #tpu.memory_space<vmem>>)
      tpu.yield
    }) : () -> ()
    "tpu.region"() ({
      %run_scoped3A = tpu.sem_alloc : memref<!tpu.dma_semaphore, #tpu.memory_space<semaphore_mem>>
      %dma_start3A_502 = tpu.memref_slice %arg4[%add3A_240] : memref<323584xi32, #tpu.memory_space<hbm>> -> memref<128xi32, #tpu.memory_space<hbm>>
      %dma_start3A_503 = tpu.memref_slice %arg4[%add3A_240] : memref<323584xi32, #tpu.memory_space<hbm>> -> memref<128xi32, #tpu.memory_space<hbm>>
      tpu.enqueue_dma source(%dma_start3A_503 : memref<128xi32, #tpu.memory_space<hbm>>) target(%arg10 : memref<128xi32, #tpu.memory_space<vmem>>) target_semaphore(%run_scoped3A : memref<!tpu.dma_semaphore, #tpu.memory_space<semaphore_mem>>)
      %dma_wait3A_504 = tpu.memref_slice %arg4[%add3A_240] : memref<323584xi32, #tpu.memory_space<hbm>> -> memref<128xi32, #tpu.memory_space<hbm>>
      %dma_wait3A_505 = tpu.memref_slice %arg4[%add3A_240] : memref<323584xi32, #tpu.memory_space<hbm>> -> memref<128xi32, #tpu.memory_space<hbm>>
      tpu.wait_dma2 semaphore(%run_scoped3A : memref<!tpu.dma_semaphore, #tpu.memory_space<semaphore_mem>>) src(%dma_wait3A_505 : memref<128xi32, #tpu.memory_space<hbm>>) dst(%arg10 : memref<128xi32, #tpu.memory_space<vmem>>)
      tpu.yield
    }) : () -> ()
    %mul3A_241 = arith.constant 5000 : i32
    %mul3A_242 = arith.muli %arg0, %mul3A_241 : i32
    %mul3A_243 = arith.constant 112 : i32
    %mul3A_244 = arith.muli %arg0, %mul3A_243 : i32
    %add3A_245 = arith.constant 5000 : i32
    %add3A_246 = arith.addi %add3A_245, %mul3A_244 : i32
    %get3A_247 = arith.constant 0 : index
    %get3A_248 = tpu.vector_load %arg10[%get3A_247] {strides = array<i32>} : memref<128xi32, #tpu.memory_space<vmem>>, vector<16xi32>,
    %get3A_249 = vector.shape_cast %get3A_248 : vector<16xi32> to vector<16xi32>
    %sub3A_250 = vector.broadcast %mul3A_242 : i32 to vector<16xi32>
    %sub3A_251 = arith.subi %get3A_249, %sub3A_250 : vector<16xi32>
    %ge3A_252 = arith.constant 0 : i32
    %ge3A_253 = vector.broadcast %ge3A_252 : i32 to vector<16xi32>
    %ge3A_254 = arith.cmpi sge, %sub3A_251, %ge3A_253 : vector<16xi32>
    %lt3A_255 = vector.broadcast %add3A_246 : i32 to vector<16xi32>
    %lt3A_256 = arith.cmpi slt, %sub3A_251, %lt3A_255 : vector<16xi32>
    %and3A_257 = arith.andi %ge3A_254, %lt3A_256 : vector<16xi1>
    %jit3A_258 = arith.constant 5112 : i32
    %broadcast_in_dim3A_259 = vector.broadcast %jit3A_258 : i32 to vector<16xi32>
    %select_n3A_260 = arith.select %and3A_257, %sub3A_251, %broadcast_in_dim3A_259 : vector<16xi1>, vector<16xi32>
    %swap3A_261 = arith.constant 0 : index
    %swap3A_262 = tpu.vector_load %arg10[%swap3A_261] {strides = array<i32>} : memref<128xi32, #tpu.memory_space<vmem>>, vector<16xi32>,
    %swap3A_263 = vector.shape_cast %swap3A_262 : vector<16xi32> to vector<16xi32>
    %swap3A_264 = vector.shape_cast %select_n3A_260 : vector<16xi32> to vector<16xi32>
    tpu.vector_store %arg10[%swap3A_261], %swap3A_264 {strides = array<i32>} : memref<128xi32, #tpu.memory_space<vmem>>, vector<16xi32>,
    %get3A_265 = arith.constant 0 : index
    %get3A_266 = tpu.vector_load %arg9[%get3A_265] {strides = array<i32>} : memref<128xi32, #tpu.memory_space<vmem>>, vector<16xi32>,
    %get3A_267 = vector.shape_cast %get3A_266 : vector<16xi32> to vector<16xi32>
    %jit3A_268 = arith.constant 0 : i32
    %broadcast_in_dim3A_269 = vector.broadcast %jit3A_268 : i32 to vector<16xi32>
    %select_n3A_270 = arith.select %and3A_257, %get3A_267, %broadcast_in_dim3A_269 : vector<16xi1>, vector<16xi32>
    %swap3A_271 = arith.constant 0 : index
    %swap3A_272 = tpu.vector_load %arg9[%swap3A_271] {strides = array<i32>} : memref<128xi32, #tpu.memory_space<vmem>>, vector<16xi32>,
    %swap3A_273 = vector.shape_cast %swap3A_272 : vector<16xi32> to vector<16xi32>
    %swap3A_274 = vector.shape_cast %select_n3A_270 : vector<16xi32> to vector<16xi32>
    tpu.vector_store %arg9[%swap3A_271], %swap3A_274 {strides = array<i32>} : memref<128xi32, #tpu.memory_space<vmem>>, vector<16xi32>,
    %get3A_275 = arith.constant 16 : index
    %get3A_276 = tpu.vector_load %arg10[%get3A_275] {strides = array<i32>} : memref<128xi32, #tpu.memory_space<vmem>>, vector<16xi32>,
    %get3A_277 = vector.shape_cast %get3A_276 : vector<16xi32> to vector<16xi32>
    %sub3A_278 = vector.broadcast %mul3A_242 : i32 to vector<16xi32>
    %sub3A_279 = arith.subi %get3A_277, %sub3A_278 : vector<16xi32>
    %ge3A_280 = arith.constant 0 : i32
    %ge3A_281 = vector.broadcast %ge3A_280 : i32 to vector<16xi32>
    %ge3A_282 = arith.cmpi sge, %sub3A_279, %ge3A_281 : vector<16xi32>
    %lt3A_283 = vector.broadcast %add3A_246 : i32 to vector<16xi32>
    %lt3A_284 = arith.cmpi slt, %sub3A_279, %lt3A_283 : vector<16xi32>
    %and3A_285 = arith.andi %ge3A_282, %lt3A_284 : vector<16xi1>
    %jit3A_286 = arith.constant 5112 : i32
    %broadcast_in_dim3A_287 = vector.broadcast %jit3A_286 : i32 to vector<16xi32>
    %select_n3A_288 = arith.select %and3A_285, %sub3A_279, %broadcast_in_dim3A_287 : vector<16xi1>, vector<16xi32>
    %swap3A_289 = arith.constant 16 : index
    %swap3A_290 = tpu.vector_load %arg10[%swap3A_289] {strides = array<i32>} : memref<128xi32, #tpu.memory_space<vmem>>, vector<16xi32>,
    %swap3A_291 = vector.shape_cast %swap3A_290 : vector<16xi32> to vector<16xi32>
    %swap3A_292 = vector.shape_cast %select_n3A_288 : vector<16xi32> to vector<16xi32>
    tpu.vector_store %arg10[%swap3A_289], %swap3A_292 {strides = array<i32>} : memref<128xi32, #tpu.memory_space<vmem>>, vector<16xi32>,
    %get3A_293 = arith.constant 16 : index
    %get3A_294 = tpu.vector_load %arg9[%get3A_293] {strides = array<i32>} : memref<128xi32, #tpu.memory_space<vmem>>, vector<16xi32>,
    %get3A_295 = vector.shape_cast %get3A_294 : vector<16xi32> to vector<16xi32>
    %jit3A_296 = arith.constant 0 : i32
    %broadcast_in_dim3A_297 = vector.broadcast %jit3A_296 : i32 to vector<16xi32>
    %select_n3A_298 = arith.select %and3A_285, %get3A_295, %broadcast_in_dim3A_297 : vector<16xi1>, vector<16xi32>
    %swap3A_299 = arith.constant 16 : index
    %swap3A_300 = tpu.vector_load %arg9[%swap3A_299] {strides = array<i32>} : memref<128xi32, #tpu.memory_space<vmem>>, vector<16xi32>,
    %swap3A_301 = vector.shape_cast %swap3A_300 : vector<16xi32> to vector<16xi32>
    %swap3A_302 = vector.shape_cast %select_n3A_298 : vector<16xi32> to vector<16xi32>
    tpu.vector_store %arg9[%swap3A_299], %swap3A_302 {strides = array<i32>} : memref<128xi32, #tpu.memory_space<vmem>>, vector<16xi32>,
    %get3A_303 = arith.constant 32 : index
    %get3A_304 = tpu.vector_load %arg10[%get3A_303] {strides = array<i32>} : memref<128xi32, #tpu.memory_space<vmem>>, vector<16xi32>,
    %get3A_305 = vector.shape_cast %get3A_304 : vector<16xi32> to vector<16xi32>
    %sub3A_306 = vector.broadcast %mul3A_242 : i32 to vector<16xi32>
    %sub3A_307 = arith.subi %get3A_305, %sub3A_306 : vector<16xi32>
    %ge3A_308 = arith.constant 0 : i32
    %ge3A_309 = vector.broadcast %ge3A_308 : i32 to vector<16xi32>
    %ge3A_310 = arith.cmpi sge, %sub3A_307, %ge3A_309 : vector<16xi32>
    %lt3A_311 = vector.broadcast %add3A_246 : i32 to vector<16xi32>
    %lt3A_312 = arith.cmpi slt, %sub3A_307, %lt3A_311 : vector<16xi32>
    %and3A_313 = arith.andi %ge3A_310, %lt3A_312 : vector<16xi1>
    %jit3A_314 = arith.constant 5112 : i32
    %broadcast_in_dim3A_315 = vector.broadcast %jit3A_314 : i32 to vector<16xi32>
    %select_n3A_316 = arith.select %and3A_313, %sub3A_307, %broadcast_in_dim3A_315 : vector<16xi1>, vector<16xi32>
    %swap3A_317 = arith.constant 32 : index
    %swap3A_318 = tpu.vector_load %arg10[%swap3A_317] {strides = array<i32>} : memref<128xi32, #tpu.memory_space<vmem>>, vector<16xi32>,
    %swap3A_319 = vector.shape_cast %swap3A_318 : vector<16xi32> to vector<16xi32>
    %swap3A_320 = vector.shape_cast %select_n3A_316 : vector<16xi32> to vector<16xi32>
    tpu.vector_store %arg10[%swap3A_317], %swap3A_320 {strides = array<i32>} : memref<128xi32, #tpu.memory_space<vmem>>, vector<16xi32>,
    %get3A_321 = arith.constant 32 : index
    %get3A_322 = tpu.vector_load %arg9[%get3A_321] {strides = array<i32>} : memref<128xi32, #tpu.memory_space<vmem>>, vector<16xi32>,
    %get3A_323 = vector.shape_cast %get3A_322 : vector<16xi32> to vector<16xi32>
    %jit3A_324 = arith.constant 0 : i32
    %broadcast_in_dim3A_325 = vector.broadcast %jit3A_324 : i32 to vector<16xi32>
    %select_n3A_326 = arith.select %and3A_313, %get3A_323, %broadcast_in_dim3A_325 : vector<16xi1>, vector<16xi32>
    %swap3A_327 = arith.constant 32 : index
    %swap3A_328 = tpu.vector_load %arg9[%swap3A_327] {strides = array<i32>} : memref<128xi32, #tpu.memory_space<vmem>>, vector<16xi32>,
    %swap3A_329 = vector.shape_cast %swap3A_328 : vector<16xi32> to vector<16xi32>
    %swap3A_330 = vector.shape_cast %select_n3A_326 : vector<16xi32> to vector<16xi32>
    tpu.vector_store %arg9[%swap3A_327], %swap3A_330 {strides = array<i32>} : memref<128xi32, #tpu.memory_space<vmem>>, vector<16xi32>,
    %get3A_331 = arith.constant 48 : index
    %get3A_332 = tpu.vector_load %arg10[%get3A_331] {strides = array<i32>} : memref<128xi32, #tpu.memory_space<vmem>>, vector<16xi32>,
    %get3A_333 = vector.shape_cast %get3A_332 : vector<16xi32> to vector<16xi32>
    %sub3A_334 = vector.broadcast %mul3A_242 : i32 to vector<16xi32>
    %sub3A_335 = arith.subi %get3A_333, %sub3A_334 : vector<16xi32>
    %ge3A_336 = arith.constant 0 : i32
    %ge3A_337 = vector.broadcast %ge3A_336 : i32 to vector<16xi32>
    %ge3A_338 = arith.cmpi sge, %sub3A_335, %ge3A_337 : vector<16xi32>
    %lt3A_339 = vector.broadcast %add3A_246 : i32 to vector<16xi32>
    %lt3A_340 = arith.cmpi slt, %sub3A_335, %lt3A_339 : vector<16xi32>
    %and3A_341 = arith.andi %ge3A_338, %lt3A_340 : vector<16xi1>
    %jit3A_342 = arith.constant 5112 : i32
    %broadcast_in_dim3A_343 = vector.broadcast %jit3A_342 : i32 to vector<16xi32>
    %select_n3A_344 = arith.select %and3A_341, %sub3A_335, %broadcast_in_dim3A_343 : vector<16xi1>, vector<16xi32>
    %swap3A_345 = arith.constant 48 : index
    %swap3A_346 = tpu.vector_load %arg10[%swap3A_345] {strides = array<i32>} : memref<128xi32, #tpu.memory_space<vmem>>, vector<16xi32>,
    %swap3A_347 = vector.shape_cast %swap3A_346 : vector<16xi32> to vector<16xi32>
    %swap3A_348 = vector.shape_cast %select_n3A_344 : vector<16xi32> to vector<16xi32>
    tpu.vector_store %arg10[%swap3A_345], %swap3A_348 {strides = array<i32>} : memref<128xi32, #tpu.memory_space<vmem>>, vector<16xi32>,
    %get3A_349 = arith.constant 48 : index
    %get3A_350 = tpu.vector_load %arg9[%get3A_349] {strides = array<i32>} : memref<128xi32, #tpu.memory_space<vmem>>, vector<16xi32>,
    %get3A_351 = vector.shape_cast %get3A_350 : vector<16xi32> to vector<16xi32>
    %jit3A_352 = arith.constant 0 : i32
    %broadcast_in_dim3A_353 = vector.broadcast %jit3A_352 : i32 to vector<16xi32>
    %select_n3A_354 = arith.select %and3A_341, %get3A_351, %broadcast_in_dim3A_353 : vector<16xi1>, vector<16xi32>
    %swap3A_355 = arith.constant 48 : index
    %swap3A_356 = tpu.vector_load %arg9[%swap3A_355] {strides = array<i32>} : memref<128xi32, #tpu.memory_space<vmem>>, vector<16xi32>,
    %swap3A_357 = vector.shape_cast %swap3A_356 : vector<16xi32> to vector<16xi32>
    %swap3A_358 = vector.shape_cast %select_n3A_354 : vector<16xi32> to vector<16xi32>
    tpu.vector_store %arg9[%swap3A_355], %swap3A_358 {strides = array<i32>} : memref<128xi32, #tpu.memory_space<vmem>>, vector<16xi32>,
    %get3A_359 = arith.constant 64 : index
    %get3A_360 = tpu.vector_load %arg10[%get3A_359] {strides = array<i32>} : memref<128xi32, #tpu.memory_space<vmem>>, vector<16xi32>,
    %get3A_361 = vector.shape_cast %get3A_360 : vector<16xi32> to vector<16xi32>
    %sub3A_362 = vector.broadcast %mul3A_242 : i32 to vector<16xi32>
    %sub3A_363 = arith.subi %get3A_361, %sub3A_362 : vector<16xi32>
    %ge3A_364 = arith.constant 0 : i32
    %ge3A_365 = vector.broadcast %ge3A_364 : i32 to vector<16xi32>
    %ge3A_366 = arith.cmpi sge, %sub3A_363, %ge3A_365 : vector<16xi32>
    %lt3A_367 = vector.broadcast %add3A_246 : i32 to vector<16xi32>
    %lt3A_368 = arith.cmpi slt, %sub3A_363, %lt3A_367 : vector<16xi32>
    %and3A_369 = arith.andi %ge3A_366, %lt3A_368 : vector<16xi1>
    %jit3A_370 = arith.constant 5112 : i32
    %broadcast_in_dim3A_371 = vector.broadcast %jit3A_370 : i32 to vector<16xi32>
    %select_n3A_372 = arith.select %and3A_369, %sub3A_363, %broadcast_in_dim3A_371 : vector<16xi1>, vector<16xi32>
    %swap3A_373 = arith.constant 64 : index
    %swap3A_374 = tpu.vector_load %arg10[%swap3A_373] {strides = array<i32>} : memref<128xi32, #tpu.memory_space<vmem>>, vector<16xi32>,
    %swap3A_375 = vector.shape_cast %swap3A_374 : vector<16xi32> to vector<16xi32>
    %swap3A_376 = vector.shape_cast %select_n3A_372 : vector<16xi32> to vector<16xi32>
    tpu.vector_store %arg10[%swap3A_373], %swap3A_376 {strides = array<i32>} : memref<128xi32, #tpu.memory_space<vmem>>, vector<16xi32>,
    %get3A_377 = arith.constant 64 : index
    %get3A_378 = tpu.vector_load %arg9[%get3A_377] {strides = array<i32>} : memref<128xi32, #tpu.memory_space<vmem>>, vector<16xi32>,
    %get3A_379 = vector.shape_cast %get3A_378 : vector<16xi32> to vector<16xi32>
    %jit3A_380 = arith.constant 0 : i32
    %broadcast_in_dim3A_381 = vector.broadcast %jit3A_380 : i32 to vector<16xi32>
    %select_n3A_382 = arith.select %and3A_369, %get3A_379, %broadcast_in_dim3A_381 : vector<16xi1>, vector<16xi32>
    %swap3A_383 = arith.constant 64 : index
    %swap3A_384 = tpu.vector_load %arg9[%swap3A_383] {strides = array<i32>} : memref<128xi32, #tpu.memory_space<vmem>>, vector<16xi32>,
    %swap3A_385 = vector.shape_cast %swap3A_384 : vector<16xi32> to vector<16xi32>
    %swap3A_386 = vector.shape_cast %select_n3A_382 : vector<16xi32> to vector<16xi32>
    tpu.vector_store %arg9[%swap3A_383], %swap3A_386 {strides = array<i32>} : memref<128xi32, #tpu.memory_space<vmem>>, vector<16xi32>,
    %get3A_387 = arith.constant 80 : index
    %get3A_388 = tpu.vector_load %arg10[%get3A_387] {strides = array<i32>} : memref<128xi32, #tpu.memory_space<vmem>>, vector<16xi32>,
    %get3A_389 = vector.shape_cast %get3A_388 : vector<16xi32> to vector<16xi32>
    %sub3A_390 = vector.broadcast %mul3A_242 : i32 to vector<16xi32>
    %sub3A_391 = arith.subi %get3A_389, %sub3A_390 : vector<16xi32>
    %ge3A_392 = arith.constant 0 : i32
    %ge3A_393 = vector.broadcast %ge3A_392 : i32 to vector<16xi32>
    %ge3A_394 = arith.cmpi sge, %sub3A_391, %ge3A_393 : vector<16xi32>
    %lt3A_395 = vector.broadcast %add3A_246 : i32 to vector<16xi32>
    %lt3A_396 = arith.cmpi slt, %sub3A_391, %lt3A_395 : vector<16xi32>
    %and3A_397 = arith.andi %ge3A_394, %lt3A_396 : vector<16xi1>
    %jit3A_398 = arith.constant 5112 : i32
    %broadcast_in_dim3A_399 = vector.broadcast %jit3A_398 : i32 to vector<16xi32>
    %select_n3A_400 = arith.select %and3A_397, %sub3A_391, %broadcast_in_dim3A_399 : vector<16xi1>, vector<16xi32>
    %swap3A_401 = arith.constant 80 : index
    %swap3A_402 = tpu.vector_load %arg10[%swap3A_401] {strides = array<i32>} : memref<128xi32, #tpu.memory_space<vmem>>, vector<16xi32>,
    %swap3A_403 = vector.shape_cast %swap3A_402 : vector<16xi32> to vector<16xi32>
    %swap3A_404 = vector.shape_cast %select_n3A_400 : vector<16xi32> to vector<16xi32>
    tpu.vector_store %arg10[%swap3A_401], %swap3A_404 {strides = array<i32>} : memref<128xi32, #tpu.memory_space<vmem>>, vector<16xi32>,
    %get3A_405 = arith.constant 80 : index
    %get3A_406 = tpu.vector_load %arg9[%get3A_405] {strides = array<i32>} : memref<128xi32, #tpu.memory_space<vmem>>, vector<16xi32>,
    %get3A_407 = vector.shape_cast %get3A_406 : vector<16xi32> to vector<16xi32>
    %jit3A_408 = arith.constant 0 : i32
    %broadcast_in_dim3A_409 = vector.broadcast %jit3A_408 : i32 to vector<16xi32>
    %select_n3A_410 = arith.select %and3A_397, %get3A_407, %broadcast_in_dim3A_409 : vector<16xi1>, vector<16xi32>
    %swap3A_411 = arith.constant 80 : index
    %swap3A_412 = tpu.vector_load %arg9[%swap3A_411] {strides = array<i32>} : memref<128xi32, #tpu.memory_space<vmem>>, vector<16xi32>,
    %swap3A_413 = vector.shape_cast %swap3A_412 : vector<16xi32> to vector<16xi32>
    %swap3A_414 = vector.shape_cast %select_n3A_410 : vector<16xi32> to vector<16xi32>
    tpu.vector_store %arg9[%swap3A_411], %swap3A_414 {strides = array<i32>} : memref<128xi32, #tpu.memory_space<vmem>>, vector<16xi32>,
    %get3A_415 = arith.constant 96 : index
    %get3A_416 = tpu.vector_load %arg10[%get3A_415] {strides = array<i32>} : memref<128xi32, #tpu.memory_space<vmem>>, vector<16xi32>,
    %get3A_417 = vector.shape_cast %get3A_416 : vector<16xi32> to vector<16xi32>
    %sub3A_418 = vector.broadcast %mul3A_242 : i32 to vector<16xi32>
    %sub3A_419 = arith.subi %get3A_417, %sub3A_418 : vector<16xi32>
    %ge3A_420 = arith.constant 0 : i32
    %ge3A_421 = vector.broadcast %ge3A_420 : i32 to vector<16xi32>
    %ge3A_422 = arith.cmpi sge, %sub3A_419, %ge3A_421 : vector<16xi32>
    %lt3A_423 = vector.broadcast %add3A_246 : i32 to vector<16xi32>
    %lt3A_424 = arith.cmpi slt, %sub3A_419, %lt3A_423 : vector<16xi32>
    %and3A_425 = arith.andi %ge3A_422, %lt3A_424 : vector<16xi1>
    %jit3A_426 = arith.constant 5112 : i32
    %broadcast_in_dim3A_427 = vector.broadcast %jit3A_426 : i32 to vector<16xi32>
    %select_n3A_428 = arith.select %and3A_425, %sub3A_419, %broadcast_in_dim3A_427 : vector<16xi1>, vector<16xi32>
    %swap3A_429 = arith.constant 96 : index
    %swap3A_430 = tpu.vector_load %arg10[%swap3A_429] {strides = array<i32>} : memref<128xi32, #tpu.memory_space<vmem>>, vector<16xi32>,
    %swap3A_431 = vector.shape_cast %swap3A_430 : vector<16xi32> to vector<16xi32>
    %swap3A_432 = vector.shape_cast %select_n3A_428 : vector<16xi32> to vector<16xi32>
    tpu.vector_store %arg10[%swap3A_429], %swap3A_432 {strides = array<i32>} : memref<128xi32, #tpu.memory_space<vmem>>, vector<16xi32>,
    %get3A_433 = arith.constant 96 : index
    %get3A_434 = tpu.vector_load %arg9[%get3A_433] {strides = array<i32>} : memref<128xi32, #tpu.memory_space<vmem>>, vector<16xi32>,
    %get3A_435 = vector.shape_cast %get3A_434 : vector<16xi32> to vector<16xi32>
    %jit3A_436 = arith.constant 0 : i32
    %broadcast_in_dim3A_437 = vector.broadcast %jit3A_436 : i32 to vector<16xi32>
    %select_n3A_438 = arith.select %and3A_425, %get3A_435, %broadcast_in_dim3A_437 : vector<16xi1>, vector<16xi32>
    %swap3A_439 = arith.constant 96 : index
    %swap3A_440 = tpu.vector_load %arg9[%swap3A_439] {strides = array<i32>} : memref<128xi32, #tpu.memory_space<vmem>>, vector<16xi32>,
    %swap3A_441 = vector.shape_cast %swap3A_440 : vector<16xi32> to vector<16xi32>
    %swap3A_442 = vector.shape_cast %select_n3A_438 : vector<16xi32> to vector<16xi32>
    tpu.vector_store %arg9[%swap3A_439], %swap3A_442 {strides = array<i32>} : memref<128xi32, #tpu.memory_space<vmem>>, vector<16xi32>,
    %get3A_443 = arith.constant 112 : index
    %get3A_444 = tpu.vector_load %arg10[%get3A_443] {strides = array<i32>} : memref<128xi32, #tpu.memory_space<vmem>>, vector<16xi32>,
    %get3A_445 = vector.shape_cast %get3A_444 : vector<16xi32> to vector<16xi32>
    %sub3A_446 = vector.broadcast %mul3A_242 : i32 to vector<16xi32>
    %sub3A_447 = arith.subi %get3A_445, %sub3A_446 : vector<16xi32>
    %ge3A_448 = arith.constant 0 : i32
    %ge3A_449 = vector.broadcast %ge3A_448 : i32 to vector<16xi32>
    %ge3A_450 = arith.cmpi sge, %sub3A_447, %ge3A_449 : vector<16xi32>
    %lt3A_451 = vector.broadcast %add3A_246 : i32 to vector<16xi32>
    %lt3A_452 = arith.cmpi slt, %sub3A_447, %lt3A_451 : vector<16xi32>
    %and3A_453 = arith.andi %ge3A_450, %lt3A_452 : vector<16xi1>
    %jit3A_454 = arith.constant 5112 : i32
    %broadcast_in_dim3A_455 = vector.broadcast %jit3A_454 : i32 to vector<16xi32>
    %select_n3A_456 = arith.select %and3A_453, %sub3A_447, %broadcast_in_dim3A_455 : vector<16xi1>, vector<16xi32>
    %swap3A_457 = arith.constant 112 : index
    %swap3A_458 = tpu.vector_load %arg10[%swap3A_457] {strides = array<i32>} : memref<128xi32, #tpu.memory_space<vmem>>, vector<16xi32>,
    %swap3A_459 = vector.shape_cast %swap3A_458 : vector<16xi32> to vector<16xi32>
    %swap3A_460 = vector.shape_cast %select_n3A_456 : vector<16xi32> to vector<16xi32>
    tpu.vector_store %arg10[%swap3A_457], %swap3A_460 {strides = array<i32>} : memref<128xi32, #tpu.memory_space<vmem>>, vector<16xi32>,
    %get3A_461 = arith.constant 112 : index
    %get3A_462 = tpu.vector_load %arg9[%get3A_461] {strides = array<i32>} : memref<128xi32, #tpu.memory_space<vmem>>, vector<16xi32>,
    %get3A_463 = vector.shape_cast %get3A_462 : vector<16xi32> to vector<16xi32>
    %jit3A_464 = arith.constant 0 : i32
    %broadcast_in_dim3A_465 = vector.broadcast %jit3A_464 : i32 to vector<16xi32>
    %select_n3A_466 = arith.select %and3A_453, %get3A_463, %broadcast_in_dim3A_465 : vector<16xi1>, vector<16xi32>
    %swap3A_467 = arith.constant 112 : index
    %swap3A_468 = tpu.vector_load %arg9[%swap3A_467] {strides = array<i32>} : memref<128xi32, #tpu.memory_space<vmem>>, vector<16xi32>,
    %swap3A_469 = vector.shape_cast %swap3A_468 : vector<16xi32> to vector<16xi32>
    %swap3A_470 = vector.shape_cast %select_n3A_466 : vector<16xi32> to vector<16xi32>
    tpu.vector_store %arg9[%swap3A_467], %swap3A_470 {strides = array<i32>} : memref<128xi32, #tpu.memory_space<vmem>>, vector<16xi32>,
    %dma_start3A_471 = arith.constant 0 : i32
    %dma_start3A_472 = arith.constant 0 : i32
    %dma_start3A_473 = tpu.memref_slice %arg2[%dma_start3A_471, %dma_start3A_472] : memref<10000x128xf32, #tpu.memory_space<hbm>> -> memref<10000x128xf32, #tpu.memory_space<hbm>>
    tpu.enqueue_indirect_dma source(%dma_start3A_473 : memref<10000x128xf32, #tpu.memory_space<hbm>>) target(%arg11 : memref<128x128xf32, #tpu.memory_space<vmem>>) offsets(%arg9 : memref<128xi32, #tpu.memory_space<vmem>>) semaphore(%arg15 : memref<!tpu.dma_semaphore, #tpu.memory_space<semaphore_mem>>)
    %scan3A_474 = arith.constant 0 : i32
    %scan3A_475 = arith.constant 0 : i32
    %scan3A_476 = arith.constant 78 : i32
    %scan3A_477 = arith.addi %scan3A_475, %scan3A_476 : i32
    %scan3A_478 = arith.constant 1 : i32
    %scan3A_479 = scf.for %scan3A_502 = %scan3A_475 to %scan3A_477 step %scan3A_478 iter_args(%scan3A_503 = %scan3A_474) -> (i32)  : i32 {
      %dma_wait3A_504 = arith.constant 0 : i32
      %dma_wait3A_505 = arith.constant 0 : i32
      %dma_wait3A_506 = tpu.memref_slice %arg2[%dma_wait3A_504, %dma_wait3A_505] : memref<10000x128xf32, #tpu.memory_space<hbm>> -> memref<10000x128xf32, #tpu.memory_space<hbm>>
      tpu.wait_indirect_dma semaphore(%arg13 : memref<!tpu.dma_semaphore, #tpu.memory_space<semaphore_mem>>) src(%dma_wait3A_506 : memref<10000x128xf32, #tpu.memory_space<hbm>>) dst(%arg8 : memref<128x128xf32, #tpu.memory_space<vmem>>)
      %dma_start3A_507 = arith.constant 0 : i32
      %dma_start3A_508 = arith.constant 0 : i32
      %dma_start3A_509 = tpu.memref_slice %arg12[%dma_start3A_507, %dma_start3A_508] : memref<5120x128xf32, #tpu.memory_space<vmem_shared>> -> memref<5120x128xf32, #tpu.memory_space<vmem_shared>>
      tpu.enqueue_indirect_dma source(%arg8 : memref<128x128xf32, #tpu.memory_space<vmem>>) target(%dma_start3A_509 : memref<5120x128xf32, #tpu.memory_space<vmem_shared>>) offsets(%arg7 : memref<128xi32, #tpu.memory_space<vmem>>) semaphore(%arg14 : memref<!tpu.dma_semaphore, #tpu.memory_space<semaphore_mem>>) {add = true}
      %dma_wait3A_510 = arith.constant 0 : i32
      %dma_wait3A_511 = arith.constant 0 : i32
      %dma_wait3A_512 = tpu.memref_slice %arg12[%dma_wait3A_510, %dma_wait3A_511] : memref<5120x128xf32, #tpu.memory_space<vmem_shared>> -> memref<5120x128xf32, #tpu.memory_space<vmem_shared>>
      tpu.wait_indirect_dma semaphore(%arg14 : memref<!tpu.dma_semaphore, #tpu.memory_space<semaphore_mem>>) src(%arg8 : memref<128x128xf32, #tpu.memory_space<vmem>>) dst(%dma_wait3A_512 : memref<5120x128xf32, #tpu.memory_space<vmem_shared>>)
      %mul3A_513 = arith.constant 2 : i32
      %mul3A_514 = arith.muli %mul3A_513, %scan3A_502 : i32
      %add3A_515 = arith.constant 2 : i32
      %add3A_516 = arith.addi %mul3A_514, %add3A_515 : i32
      %add3A_517 = arith.constant 0 : i32
      %add3A_518 = arith.addi %add3A_516, %add3A_517 : i32
      %mul3A_519 = arith.constant 128 : i32
      %mul3A_520 = arith.muli %add3A_518, %mul3A_519 : i32
      %add3A_521 = arith.addi %mul3A_13, %mul3A_520 : i32
      "tpu.region"() ({
        %run_scoped3A = tpu.sem_alloc : memref<!tpu.dma_semaphore, #tpu.memory_space<semaphore_mem>>
        %dma_start3A_1007 = tpu.memref_slice %arg3[%add3A_521] : memref<323584xi32, #tpu.memory_space<hbm>> -> memref<128xi32, #tpu.memory_space<hbm>>
        %dma_start3A_1008 = tpu.memref_slice %arg3[%add3A_521] : memref<323584xi32, #tpu.memory_space<hbm>> -> memref<128xi32, #tpu.memory_space<hbm>>
        tpu.enqueue_dma source(%dma_start3A_1008 : memref<128xi32, #tpu.memory_space<hbm>>) target(%arg6 : memref<128xi32, #tpu.memory_space<vmem>>) target_semaphore(%run_scoped3A : memref<!tpu.dma_semaphore, #tpu.memory_space<semaphore_mem>>)
        %dma_wait3A_1009 = tpu.memref_slice %arg3[%add3A_521] : memref<323584xi32, #tpu.memory_space<hbm>> -> memref<128xi32, #tpu.memory_space<hbm>>
        %dma_wait3A_1010 = tpu.memref_slice %arg3[%add3A_521] : memref<323584xi32, #tpu.memory_space<hbm>> -> memref<128xi32, #tpu.memory_space<hbm>>
        tpu.wait_dma2 semaphore(%run_scoped3A : memref<!tpu.dma_semaphore, #tpu.memory_space<semaphore_mem>>) src(%dma_wait3A_1010 : memref<128xi32, #tpu.memory_space<hbm>>) dst(%arg6 : memref<128xi32, #tpu.memory_space<vmem>>)
        tpu.yield
      }) : () -> ()
      "tpu.region"() ({
        %run_scoped3A = tpu.sem_alloc : memref<!tpu.dma_semaphore, #tpu.memory_space<semaphore_mem>>
        %dma_start3A_1007 = tpu.memref_slice %arg4[%add3A_521] : memref<323584xi32, #tpu.memory_space<hbm>> -> memref<128xi32, #tpu.memory_space<hbm>>
        %dma_start3A_1008 = tpu.memref_slice %arg4[%add3A_521] : memref<323584xi32, #tpu.memory_space<hbm>> -> memref<128xi32, #tpu.memory_space<hbm>>
        tpu.enqueue_dma source(%dma_start3A_1008 : memref<128xi32, #tpu.memory_space<hbm>>) target(%arg7 : memref<128xi32, #tpu.memory_space<vmem>>) target_semaphore(%run_scoped3A : memref<!tpu.dma_semaphore, #tpu.memory_space<semaphore_mem>>)
        %dma_wait3A_1009 = tpu.memref_slice %arg4[%add3A_521] : memref<323584xi32, #tpu.memory_space<hbm>> -> memref<128xi32, #tpu.memory_space<hbm>>
        %dma_wait3A_1010 = tpu.memref_slice %arg4[%add3A_521] : memref<323584xi32, #tpu.memory_space<hbm>> -> memref<128xi32, #tpu.memory_space<hbm>>
        tpu.wait_dma2 semaphore(%run_scoped3A : memref<!tpu.dma_semaphore, #tpu.memory_space<semaphore_mem>>) src(%dma_wait3A_1010 : memref<128xi32, #tpu.memory_space<hbm>>) dst(%arg7 : memref<128xi32, #tpu.memory_space<vmem>>)
        tpu.yield
      }) : () -> ()
      %mul3A_522 = arith.constant 5000 : i32
      %mul3A_523 = arith.muli %arg0, %mul3A_522 : i32
      %mul3A_524 = arith.constant 112 : i32
      %mul3A_525 = arith.muli %arg0, %mul3A_524 : i32
      %add3A_526 = arith.constant 5000 : i32
      %add3A_527 = arith.addi %add3A_526, %mul3A_525 : i32
      %get3A_528 = arith.constant 0 : index
      %get3A_529 = tpu.vector_load %arg7[%get3A_528] {strides = array<i32>} : memref<128xi32, #tpu.memory_space<vmem>>, vector<16xi32>,
      %get3A_530 = vector.shape_cast %get3A_529 : vector<16xi32> to vector<16xi32>
      %sub3A_531 = vector.broadcast %mul3A_523 : i32 to vector<16xi32>
      %sub3A_532 = arith.subi %get3A_530, %sub3A_531 : vector<16xi32>
      %ge3A_533 = arith.constant 0 : i32
      %ge3A_534 = vector.broadcast %ge3A_533 : i32 to vector<16xi32>
      %ge3A_535 = arith.cmpi sge, %sub3A_532, %ge3A_534 : vector<16xi32>
      %lt3A_536 = vector.broadcast %add3A_527 : i32 to vector<16xi32>
      %lt3A_537 = arith.cmpi slt, %sub3A_532, %lt3A_536 : vector<16xi32>
      %and3A_538 = arith.andi %ge3A_535, %lt3A_537 : vector<16xi1>
      %jit3A_539 = arith.constant 5112 : i32
      %broadcast_in_dim3A_540 = vector.broadcast %jit3A_539 : i32 to vector<16xi32>
      %select_n3A_541 = arith.select %and3A_538, %sub3A_532, %broadcast_in_dim3A_540 : vector<16xi1>, vector<16xi32>
      %swap3A_542 = arith.constant 0 : index
      %swap3A_543 = tpu.vector_load %arg7[%swap3A_542] {strides = array<i32>} : memref<128xi32, #tpu.memory_space<vmem>>, vector<16xi32>,
      %swap3A_544 = vector.shape_cast %swap3A_543 : vector<16xi32> to vector<16xi32>
      %swap3A_545 = vector.shape_cast %select_n3A_541 : vector<16xi32> to vector<16xi32>
      tpu.vector_store %arg7[%swap3A_542], %swap3A_545 {strides = array<i32>} : memref<128xi32, #tpu.memory_space<vmem>>, vector<16xi32>,
      %get3A_546 = arith.constant 0 : index
      %get3A_547 = tpu.vector_load %arg6[%get3A_546] {strides = array<i32>} : memref<128xi32, #tpu.memory_space<vmem>>, vector<16xi32>,
      %get3A_548 = vector.shape_cast %get3A_547 : vector<16xi32> to vector<16xi32>
      %jit3A_549 = arith.constant 0 : i32
      %broadcast_in_dim3A_550 = vector.broadcast %jit3A_549 : i32 to vector<16xi32>
      %select_n3A_551 = arith.select %and3A_538, %get3A_548, %broadcast_in_dim3A_550 : vector<16xi1>, vector<16xi32>
      %swap3A_552 = arith.constant 0 : index
      %swap3A_553 = tpu.vector_load %arg6[%swap3A_552] {strides = array<i32>} : memref<128xi32, #tpu.memory_space<vmem>>, vector<16xi32>,
      %swap3A_554 = vector.shape_cast %swap3A_553 : vector<16xi32> to vector<16xi32>
      %swap3A_555 = vector.shape_cast %select_n3A_551 : vector<16xi32> to vector<16xi32>
      tpu.vector_store %arg6[%swap3A_552], %swap3A_555 {strides = array<i32>} : memref<128xi32, #tpu.memory_space<vmem>>, vector<16xi32>,
      %get3A_556 = arith.constant 16 : index
      %get3A_557 = tpu.vector_load %arg7[%get3A_556] {strides = array<i32>} : memref<128xi32, #tpu.memory_space<vmem>>, vector<16xi32>,
      %get3A_558 = vector.shape_cast %get3A_557 : vector<16xi32> to vector<16xi32>
      %sub3A_559 = vector.broadcast %mul3A_523 : i32 to vector<16xi32>
      %sub3A_560 = arith.subi %get3A_558, %sub3A_559 : vector<16xi32>
      %ge3A_561 = arith.constant 0 : i32
      %ge3A_562 = vector.broadcast %ge3A_561 : i32 to vector<16xi32>
      %ge3A_563 = arith.cmpi sge, %sub3A_560, %ge3A_562 : vector<16xi32>
      %lt3A_564 = vector.broadcast %add3A_527 : i32 to vector<16xi32>
      %lt3A_565 = arith.cmpi slt, %sub3A_560, %lt3A_564 : vector<16xi32>
      %and3A_566 = arith.andi %ge3A_563, %lt3A_565 : vector<16xi1>
      %jit3A_567 = arith.constant 5112 : i32
      %broadcast_in_dim3A_568 = vector.broadcast %jit3A_567 : i32 to vector<16xi32>
      %select_n3A_569 = arith.select %and3A_566, %sub3A_560, %broadcast_in_dim3A_568 : vector<16xi1>, vector<16xi32>
      %swap3A_570 = arith.constant 16 : index
      %swap3A_571 = tpu.vector_load %arg7[%swap3A_570] {strides = array<i32>} : memref<128xi32, #tpu.memory_space<vmem>>, vector<16xi32>,
      %swap3A_572 = vector.shape_cast %swap3A_571 : vector<16xi32> to vector<16xi32>
      %swap3A_573 = vector.shape_cast %select_n3A_569 : vector<16xi32> to vector<16xi32>
      tpu.vector_store %arg7[%swap3A_570], %swap3A_573 {strides = array<i32>} : memref<128xi32, #tpu.memory_space<vmem>>, vector<16xi32>,
      %get3A_574 = arith.constant 16 : index
      %get3A_575 = tpu.vector_load %arg6[%get3A_574] {strides = array<i32>} : memref<128xi32, #tpu.memory_space<vmem>>, vector<16xi32>,
      %get3A_576 = vector.shape_cast %get3A_575 : vector<16xi32> to vector<16xi32>
      %jit3A_577 = arith.constant 0 : i32
      %broadcast_in_dim3A_578 = vector.broadcast %jit3A_577 : i32 to vector<16xi32>
      %select_n3A_579 = arith.select %and3A_566, %get3A_576, %broadcast_in_dim3A_578 : vector<16xi1>, vector<16xi32>
      %swap3A_580 = arith.constant 16 : index
      %swap3A_581 = tpu.vector_load %arg6[%swap3A_580] {strides = array<i32>} : memref<128xi32, #tpu.memory_space<vmem>>, vector<16xi32>,
      %swap3A_582 = vector.shape_cast %swap3A_581 : vector<16xi32> to vector<16xi32>
      %swap3A_583 = vector.shape_cast %select_n3A_579 : vector<16xi32> to vector<16xi32>
      tpu.vector_store %arg6[%swap3A_580], %swap3A_583 {strides = array<i32>} : memref<128xi32, #tpu.memory_space<vmem>>, vector<16xi32>,
      %get3A_584 = arith.constant 32 : index
      %get3A_585 = tpu.vector_load %arg7[%get3A_584] {strides = array<i32>} : memref<128xi32, #tpu.memory_space<vmem>>, vector<16xi32>,
      %get3A_586 = vector.shape_cast %get3A_585 : vector<16xi32> to vector<16xi32>
      %sub3A_587 = vector.broadcast %mul3A_523 : i32 to vector<16xi32>
      %sub3A_588 = arith.subi %get3A_586, %sub3A_587 : vector<16xi32>
      %ge3A_589 = arith.constant 0 : i32
      %ge3A_590 = vector.broadcast %ge3A_589 : i32 to vector<16xi32>
      %ge3A_591 = arith.cmpi sge, %sub3A_588, %ge3A_590 : vector<16xi32>
      %lt3A_592 = vector.broadcast %add3A_527 : i32 to vector<16xi32>
      %lt3A_593 = arith.cmpi slt, %sub3A_588, %lt3A_592 : vector<16xi32>
      %and3A_594 = arith.andi %ge3A_591, %lt3A_593 : vector<16xi1>
      %jit3A_595 = arith.constant 5112 : i32
      %broadcast_in_dim3A_596 = vector.broadcast %jit3A_595 : i32 to vector<16xi32>
      %select_n3A_597 = arith.select %and3A_594, %sub3A_588, %broadcast_in_dim3A_596 : vector<16xi1>, vector<16xi32>
      %swap3A_598 = arith.constant 32 : index
      %swap3A_599 = tpu.vector_load %arg7[%swap3A_598] {strides = array<i32>} : memref<128xi32, #tpu.memory_space<vmem>>, vector<16xi32>,
      %swap3A_600 = vector.shape_cast %swap3A_599 : vector<16xi32> to vector<16xi32>
      %swap3A_601 = vector.shape_cast %select_n3A_597 : vector<16xi32> to vector<16xi32>
      tpu.vector_store %arg7[%swap3A_598], %swap3A_601 {strides = array<i32>} : memref<128xi32, #tpu.memory_space<vmem>>, vector<16xi32>,
      %get3A_602 = arith.constant 32 : index
      %get3A_603 = tpu.vector_load %arg6[%get3A_602] {strides = array<i32>} : memref<128xi32, #tpu.memory_space<vmem>>, vector<16xi32>,
      %get3A_604 = vector.shape_cast %get3A_603 : vector<16xi32> to vector<16xi32>
      %jit3A_605 = arith.constant 0 : i32
      %broadcast_in_dim3A_606 = vector.broadcast %jit3A_605 : i32 to vector<16xi32>
      %select_n3A_607 = arith.select %and3A_594, %get3A_604, %broadcast_in_dim3A_606 : vector<16xi1>, vector<16xi32>
      %swap3A_608 = arith.constant 32 : index
      %swap3A_609 = tpu.vector_load %arg6[%swap3A_608] {strides = array<i32>} : memref<128xi32, #tpu.memory_space<vmem>>, vector<16xi32>,
      %swap3A_610 = vector.shape_cast %swap3A_609 : vector<16xi32> to vector<16xi32>
      %swap3A_611 = vector.shape_cast %select_n3A_607 : vector<16xi32> to vector<16xi32>
      tpu.vector_store %arg6[%swap3A_608], %swap3A_611 {strides = array<i32>} : memref<128xi32, #tpu.memory_space<vmem>>, vector<16xi32>,
      %get3A_612 = arith.constant 48 : index
      %get3A_613 = tpu.vector_load %arg7[%get3A_612] {strides = array<i32>} : memref<128xi32, #tpu.memory_space<vmem>>, vector<16xi32>,
      %get3A_614 = vector.shape_cast %get3A_613 : vector<16xi32> to vector<16xi32>
      %sub3A_615 = vector.broadcast %mul3A_523 : i32 to vector<16xi32>
      %sub3A_616 = arith.subi %get3A_614, %sub3A_615 : vector<16xi32>
      %ge3A_617 = arith.constant 0 : i32
      %ge3A_618 = vector.broadcast %ge3A_617 : i32 to vector<16xi32>
      %ge3A_619 = arith.cmpi sge, %sub3A_616, %ge3A_618 : vector<16xi32>
      %lt3A_620 = vector.broadcast %add3A_527 : i32 to vector<16xi32>
      %lt3A_621 = arith.cmpi slt, %sub3A_616, %lt3A_620 : vector<16xi32>
      %and3A_622 = arith.andi %ge3A_619, %lt3A_621 : vector<16xi1>
      %jit3A_623 = arith.constant 5112 : i32
      %broadcast_in_dim3A_624 = vector.broadcast %jit3A_623 : i32 to vector<16xi32>
      %select_n3A_625 = arith.select %and3A_622, %sub3A_616, %broadcast_in_dim3A_624 : vector<16xi1>, vector<16xi32>
      %swap3A_626 = arith.constant 48 : index
      %swap3A_627 = tpu.vector_load %arg7[%swap3A_626] {strides = array<i32>} : memref<128xi32, #tpu.memory_space<vmem>>, vector<16xi32>,
      %swap3A_628 = vector.shape_cast %swap3A_627 : vector<16xi32> to vector<16xi32>
      %swap3A_629 = vector.shape_cast %select_n3A_625 : vector<16xi32> to vector<16xi32>
      tpu.vector_store %arg7[%swap3A_626], %swap3A_629 {strides = array<i32>} : memref<128xi32, #tpu.memory_space<vmem>>, vector<16xi32>,
      %get3A_630 = arith.constant 48 : index
      %get3A_631 = tpu.vector_load %arg6[%get3A_630] {strides = array<i32>} : memref<128xi32, #tpu.memory_space<vmem>>, vector<16xi32>,
      %get3A_632 = vector.shape_cast %get3A_631 : vector<16xi32> to vector<16xi32>
      %jit3A_633 = arith.constant 0 : i32
      %broadcast_in_dim3A_634 = vector.broadcast %jit3A_633 : i32 to vector<16xi32>
      %select_n3A_635 = arith.select %and3A_622, %get3A_632, %broadcast_in_dim3A_634 : vector<16xi1>, vector<16xi32>
      %swap3A_636 = arith.constant 48 : index
      %swap3A_637 = tpu.vector_load %arg6[%swap3A_636] {strides = array<i32>} : memref<128xi32, #tpu.memory_space<vmem>>, vector<16xi32>,
      %swap3A_638 = vector.shape_cast %swap3A_637 : vector<16xi32> to vector<16xi32>
      %swap3A_639 = vector.shape_cast %select_n3A_635 : vector<16xi32> to vector<16xi32>
      tpu.vector_store %arg6[%swap3A_636], %swap3A_639 {strides = array<i32>} : memref<128xi32, #tpu.memory_space<vmem>>, vector<16xi32>,
      %get3A_640 = arith.constant 64 : index
      %get3A_641 = tpu.vector_load %arg7[%get3A_640] {strides = array<i32>} : memref<128xi32, #tpu.memory_space<vmem>>, vector<16xi32>,
      %get3A_642 = vector.shape_cast %get3A_641 : vector<16xi32> to vector<16xi32>
      %sub3A_643 = vector.broadcast %mul3A_523 : i32 to vector<16xi32>
      %sub3A_644 = arith.subi %get3A_642, %sub3A_643 : vector<16xi32>
      %ge3A_645 = arith.constant 0 : i32
      %ge3A_646 = vector.broadcast %ge3A_645 : i32 to vector<16xi32>
      %ge3A_647 = arith.cmpi sge, %sub3A_644, %ge3A_646 : vector<16xi32>
      %lt3A_648 = vector.broadcast %add3A_527 : i32 to vector<16xi32>
      %lt3A_649 = arith.cmpi slt, %sub3A_644, %lt3A_648 : vector<16xi32>
      %and3A_650 = arith.andi %ge3A_647, %lt3A_649 : vector<16xi1>
      %jit3A_651 = arith.constant 5112 : i32
      %broadcast_in_dim3A_652 = vector.broadcast %jit3A_651 : i32 to vector<16xi32>
      %select_n3A_653 = arith.select %and3A_650, %sub3A_644, %broadcast_in_dim3A_652 : vector<16xi1>, vector<16xi32>
      %swap3A_654 = arith.constant 64 : index
      %swap3A_655 = tpu.vector_load %arg7[%swap3A_654] {strides = array<i32>} : memref<128xi32, #tpu.memory_space<vmem>>, vector<16xi32>,
      %swap3A_656 = vector.shape_cast %swap3A_655 : vector<16xi32> to vector<16xi32>
      %swap3A_657 = vector.shape_cast %select_n3A_653 : vector<16xi32> to vector<16xi32>
      tpu.vector_store %arg7[%swap3A_654], %swap3A_657 {strides = array<i32>} : memref<128xi32, #tpu.memory_space<vmem>>, vector<16xi32>,
      %get3A_658 = arith.constant 64 : index
      %get3A_659 = tpu.vector_load %arg6[%get3A_658] {strides = array<i32>} : memref<128xi32, #tpu.memory_space<vmem>>, vector<16xi32>,
      %get3A_660 = vector.shape_cast %get3A_659 : vector<16xi32> to vector<16xi32>
      %jit3A_661 = arith.constant 0 : i32
      %broadcast_in_dim3A_662 = vector.broadcast %jit3A_661 : i32 to vector<16xi32>
      %select_n3A_663 = arith.select %and3A_650, %get3A_660, %broadcast_in_dim3A_662 : vector<16xi1>, vector<16xi32>
      %swap3A_664 = arith.constant 64 : index
      %swap3A_665 = tpu.vector_load %arg6[%swap3A_664] {strides = array<i32>} : memref<128xi32, #tpu.memory_space<vmem>>, vector<16xi32>,
      %swap3A_666 = vector.shape_cast %swap3A_665 : vector<16xi32> to vector<16xi32>
      %swap3A_667 = vector.shape_cast %select_n3A_663 : vector<16xi32> to vector<16xi32>
      tpu.vector_store %arg6[%swap3A_664], %swap3A_667 {strides = array<i32>} : memref<128xi32, #tpu.memory_space<vmem>>, vector<16xi32>,
      %get3A_668 = arith.constant 80 : index
      %get3A_669 = tpu.vector_load %arg7[%get3A_668] {strides = array<i32>} : memref<128xi32, #tpu.memory_space<vmem>>, vector<16xi32>,
      %get3A_670 = vector.shape_cast %get3A_669 : vector<16xi32> to vector<16xi32>
      %sub3A_671 = vector.broadcast %mul3A_523 : i32 to vector<16xi32>
      %sub3A_672 = arith.subi %get3A_670, %sub3A_671 : vector<16xi32>
      %ge3A_673 = arith.constant 0 : i32
      %ge3A_674 = vector.broadcast %ge3A_673 : i32 to vector<16xi32>
      %ge3A_675 = arith.cmpi sge, %sub3A_672, %ge3A_674 : vector<16xi32>
      %lt3A_676 = vector.broadcast %add3A_527 : i32 to vector<16xi32>
      %lt3A_677 = arith.cmpi slt, %sub3A_672, %lt3A_676 : vector<16xi32>
      %and3A_678 = arith.andi %ge3A_675, %lt3A_677 : vector<16xi1>
      %jit3A_679 = arith.constant 5112 : i32
      %broadcast_in_dim3A_680 = vector.broadcast %jit3A_679 : i32 to vector<16xi32>
      %select_n3A_681 = arith.select %and3A_678, %sub3A_672, %broadcast_in_dim3A_680 : vector<16xi1>, vector<16xi32>
      %swap3A_682 = arith.constant 80 : index
      %swap3A_683 = tpu.vector_load %arg7[%swap3A_682] {strides = array<i32>} : memref<128xi32, #tpu.memory_space<vmem>>, vector<16xi32>,
      %swap3A_684 = vector.shape_cast %swap3A_683 : vector<16xi32> to vector<16xi32>
      %swap3A_685 = vector.shape_cast %select_n3A_681 : vector<16xi32> to vector<16xi32>
      tpu.vector_store %arg7[%swap3A_682], %swap3A_685 {strides = array<i32>} : memref<128xi32, #tpu.memory_space<vmem>>, vector<16xi32>,
      %get3A_686 = arith.constant 80 : index
      %get3A_687 = tpu.vector_load %arg6[%get3A_686] {strides = array<i32>} : memref<128xi32, #tpu.memory_space<vmem>>, vector<16xi32>,
      %get3A_688 = vector.shape_cast %get3A_687 : vector<16xi32> to vector<16xi32>
      %jit3A_689 = arith.constant 0 : i32
      %broadcast_in_dim3A_690 = vector.broadcast %jit3A_689 : i32 to vector<16xi32>
      %select_n3A_691 = arith.select %and3A_678, %get3A_688, %broadcast_in_dim3A_690 : vector<16xi1>, vector<16xi32>
      %swap3A_692 = arith.constant 80 : index
      %swap3A_693 = tpu.vector_load %arg6[%swap3A_692] {strides = array<i32>} : memref<128xi32, #tpu.memory_space<vmem>>, vector<16xi32>,
      %swap3A_694 = vector.shape_cast %swap3A_693 : vector<16xi32> to vector<16xi32>
      %swap3A_695 = vector.shape_cast %select_n3A_691 : vector<16xi32> to vector<16xi32>
      tpu.vector_store %arg6[%swap3A_692], %swap3A_695 {strides = array<i32>} : memref<128xi32, #tpu.memory_space<vmem>>, vector<16xi32>,
      %get3A_696 = arith.constant 96 : index
      %get3A_697 = tpu.vector_load %arg7[%get3A_696] {strides = array<i32>} : memref<128xi32, #tpu.memory_space<vmem>>, vector<16xi32>,
      %get3A_698 = vector.shape_cast %get3A_697 : vector<16xi32> to vector<16xi32>
      %sub3A_699 = vector.broadcast %mul3A_523 : i32 to vector<16xi32>
      %sub3A_700 = arith.subi %get3A_698, %sub3A_699 : vector<16xi32>
      %ge3A_701 = arith.constant 0 : i32
      %ge3A_702 = vector.broadcast %ge3A_701 : i32 to vector<16xi32>
      %ge3A_703 = arith.cmpi sge, %sub3A_700, %ge3A_702 : vector<16xi32>
      %lt3A_704 = vector.broadcast %add3A_527 : i32 to vector<16xi32>
      %lt3A_705 = arith.cmpi slt, %sub3A_700, %lt3A_704 : vector<16xi32>
      %and3A_706 = arith.andi %ge3A_703, %lt3A_705 : vector<16xi1>
      %jit3A_707 = arith.constant 5112 : i32
      %broadcast_in_dim3A_708 = vector.broadcast %jit3A_707 : i32 to vector<16xi32>
      %select_n3A_709 = arith.select %and3A_706, %sub3A_700, %broadcast_in_dim3A_708 : vector<16xi1>, vector<16xi32>
      %swap3A_710 = arith.constant 96 : index
      %swap3A_711 = tpu.vector_load %arg7[%swap3A_710] {strides = array<i32>} : memref<128xi32, #tpu.memory_space<vmem>>, vector<16xi32>,
      %swap3A_712 = vector.shape_cast %swap3A_711 : vector<16xi32> to vector<16xi32>
      %swap3A_713 = vector.shape_cast %select_n3A_709 : vector<16xi32> to vector<16xi32>
      tpu.vector_store %arg7[%swap3A_710], %swap3A_713 {strides = array<i32>} : memref<128xi32, #tpu.memory_space<vmem>>, vector<16xi32>,
      %get3A_714 = arith.constant 96 : index
      %get3A_715 = tpu.vector_load %arg6[%get3A_714] {strides = array<i32>} : memref<128xi32, #tpu.memory_space<vmem>>, vector<16xi32>,
      %get3A_716 = vector.shape_cast %get3A_715 : vector<16xi32> to vector<16xi32>
      %jit3A_717 = arith.constant 0 : i32
      %broadcast_in_dim3A_718 = vector.broadcast %jit3A_717 : i32 to vector<16xi32>
      %select_n3A_719 = arith.select %and3A_706, %get3A_716, %broadcast_in_dim3A_718 : vector<16xi1>, vector<16xi32>
      %swap3A_720 = arith.constant 96 : index
      %swap3A_721 = tpu.vector_load %arg6[%swap3A_720] {strides = array<i32>} : memref<128xi32, #tpu.memory_space<vmem>>, vector<16xi32>,
      %swap3A_722 = vector.shape_cast %swap3A_721 : vector<16xi32> to vector<16xi32>
      %swap3A_723 = vector.shape_cast %select_n3A_719 : vector<16xi32> to vector<16xi32>
      tpu.vector_store %arg6[%swap3A_720], %swap3A_723 {strides = array<i32>} : memref<128xi32, #tpu.memory_space<vmem>>, vector<16xi32>,
      %get3A_724 = arith.constant 112 : index
      %get3A_725 = tpu.vector_load %arg7[%get3A_724] {strides = array<i32>} : memref<128xi32, #tpu.memory_space<vmem>>, vector<16xi32>,
      %get3A_726 = vector.shape_cast %get3A_725 : vector<16xi32> to vector<16xi32>
      %sub3A_727 = vector.broadcast %mul3A_523 : i32 to vector<16xi32>
      %sub3A_728 = arith.subi %get3A_726, %sub3A_727 : vector<16xi32>
      %ge3A_729 = arith.constant 0 : i32
      %ge3A_730 = vector.broadcast %ge3A_729 : i32 to vector<16xi32>
      %ge3A_731 = arith.cmpi sge, %sub3A_728, %ge3A_730 : vector<16xi32>
      %lt3A_732 = vector.broadcast %add3A_527 : i32 to vector<16xi32>
      %lt3A_733 = arith.cmpi slt, %sub3A_728, %lt3A_732 : vector<16xi32>
      %and3A_734 = arith.andi %ge3A_731, %lt3A_733 : vector<16xi1>
      %jit3A_735 = arith.constant 5112 : i32
      %broadcast_in_dim3A_736 = vector.broadcast %jit3A_735 : i32 to vector<16xi32>
      %select_n3A_737 = arith.select %and3A_734, %sub3A_728, %broadcast_in_dim3A_736 : vector<16xi1>, vector<16xi32>
      %swap3A_738 = arith.constant 112 : index
      %swap3A_739 = tpu.vector_load %arg7[%swap3A_738] {strides = array<i32>} : memref<128xi32, #tpu.memory_space<vmem>>, vector<16xi32>,
      %swap3A_740 = vector.shape_cast %swap3A_739 : vector<16xi32> to vector<16xi32>
      %swap3A_741 = vector.shape_cast %select_n3A_737 : vector<16xi32> to vector<16xi32>
      tpu.vector_store %arg7[%swap3A_738], %swap3A_741 {strides = array<i32>} : memref<128xi32, #tpu.memory_space<vmem>>, vector<16xi32>,
      %get3A_742 = arith.constant 112 : index
      %get3A_743 = tpu.vector_load %arg6[%get3A_742] {strides = array<i32>} : memref<128xi32, #tpu.memory_space<vmem>>, vector<16xi32>,
      %get3A_744 = vector.shape_cast %get3A_743 : vector<16xi32> to vector<16xi32>
      %jit3A_745 = arith.constant 0 : i32
      %broadcast_in_dim3A_746 = vector.broadcast %jit3A_745 : i32 to vector<16xi32>
      %select_n3A_747 = arith.select %and3A_734, %get3A_744, %broadcast_in_dim3A_746 : vector<16xi1>, vector<16xi32>
      %swap3A_748 = arith.constant 112 : index
      %swap3A_749 = tpu.vector_load %arg6[%swap3A_748] {strides = array<i32>} : memref<128xi32, #tpu.memory_space<vmem>>, vector<16xi32>,
      %swap3A_750 = vector.shape_cast %swap3A_749 : vector<16xi32> to vector<16xi32>
      %swap3A_751 = vector.shape_cast %select_n3A_747 : vector<16xi32> to vector<16xi32>
      tpu.vector_store %arg6[%swap3A_748], %swap3A_751 {strides = array<i32>} : memref<128xi32, #tpu.memory_space<vmem>>, vector<16xi32>,
      %dma_start3A_752 = arith.constant 0 : i32
      %dma_start3A_753 = arith.constant 0 : i32
      %dma_start3A_754 = tpu.memref_slice %arg2[%dma_start3A_752, %dma_start3A_753] : memref<10000x128xf32, #tpu.memory_space<hbm>> -> memref<10000x128xf32, #tpu.memory_space<hbm>>
      tpu.enqueue_indirect_dma source(%dma_start3A_754 : memref<10000x128xf32, #tpu.memory_space<hbm>>) target(%arg8 : memref<128x128xf32, #tpu.memory_space<vmem>>) offsets(%arg6 : memref<128xi32, #tpu.memory_space<vmem>>) semaphore(%arg13 : memref<!tpu.dma_semaphore, #tpu.memory_space<semaphore_mem>>)
      %dma_wait3A_755 = arith.constant 0 : i32
      %dma_wait3A_756 = arith.constant 0 : i32
      %dma_wait3A_757 = tpu.memref_slice %arg2[%dma_wait3A_755, %dma_wait3A_756] : memref<10000x128xf32, #tpu.memory_space<hbm>> -> memref<10000x128xf32, #tpu.memory_space<hbm>>
      tpu.wait_indirect_dma semaphore(%arg15 : memref<!tpu.dma_semaphore, #tpu.memory_space<semaphore_mem>>) src(%dma_wait3A_757 : memref<10000x128xf32, #tpu.memory_space<hbm>>) dst(%arg11 : memref<128x128xf32, #tpu.memory_space<vmem>>)
      %dma_start3A_758 = arith.constant 0 : i32
      %dma_start3A_759 = arith.constant 0 : i32
      %dma_start3A_760 = tpu.memref_slice %arg12[%dma_start3A_758, %dma_start3A_759] : memref<5120x128xf32, #tpu.memory_space<vmem_shared>> -> memref<5120x128xf32, #tpu.memory_space<vmem_shared>>
      tpu.enqueue_indirect_dma source(%arg11 : memref<128x128xf32, #tpu.memory_space<vmem>>) target(%dma_start3A_760 : memref<5120x128xf32, #tpu.memory_space<vmem_shared>>) offsets(%arg10 : memref<128xi32, #tpu.memory_space<vmem>>) semaphore(%arg16 : memref<!tpu.dma_semaphore, #tpu.memory_space<semaphore_mem>>) {add = true}
      %dma_wait3A_761 = arith.constant 0 : i32
      %dma_wait3A_762 = arith.constant 0 : i32
      %dma_wait3A_763 = tpu.memref_slice %arg12[%dma_wait3A_761, %dma_wait3A_762] : memref<5120x128xf32, #tpu.memory_space<vmem_shared>> -> memref<5120x128xf32, #tpu.memory_space<vmem_shared>>
      tpu.wait_indirect_dma semaphore(%arg16 : memref<!tpu.dma_semaphore, #tpu.memory_space<semaphore_mem>>) src(%arg11 : memref<128x128xf32, #tpu.memory_space<vmem>>) dst(%dma_wait3A_763 : memref<5120x128xf32, #tpu.memory_space<vmem_shared>>)
      %mul3A_764 = arith.constant 2 : i32
      %mul3A_765 = arith.muli %mul3A_764, %scan3A_502 : i32
      %add3A_766 = arith.constant 2 : i32
      %add3A_767 = arith.addi %mul3A_765, %add3A_766 : i32
      %add3A_768 = arith.constant 1 : i32
      %add3A_769 = arith.addi %add3A_767, %add3A_768 : i32
      %mul3A_770 = arith.constant 128 : i32
      %mul3A_771 = arith.muli %add3A_769, %mul3A_770 : i32
      %add3A_772 = arith.addi %mul3A_13, %mul3A_771 : i32
      "tpu.region"() ({
        %run_scoped3A = tpu.sem_alloc : memref<!tpu.dma_semaphore, #tpu.memory_space<semaphore_mem>>
        %dma_start3A_1007 = tpu.memref_slice %arg3[%add3A_772] : memref<323584xi32, #tpu.memory_space<hbm>> -> memref<128xi32, #tpu.memory_space<hbm>>
        %dma_start3A_1008 = tpu.memref_slice %arg3[%add3A_772] : memref<323584xi32, #tpu.memory_space<hbm>> -> memref<128xi32, #tpu.memory_space<hbm>>
        tpu.enqueue_dma source(%dma_start3A_1008 : memref<128xi32, #tpu.memory_space<hbm>>) target(%arg9 : memref<128xi32, #tpu.memory_space<vmem>>) target_semaphore(%run_scoped3A : memref<!tpu.dma_semaphore, #tpu.memory_space<semaphore_mem>>)
        %dma_wait3A_1009 = tpu.memref_slice %arg3[%add3A_772] : memref<323584xi32, #tpu.memory_space<hbm>> -> memref<128xi32, #tpu.memory_space<hbm>>
        %dma_wait3A_1010 = tpu.memref_slice %arg3[%add3A_772] : memref<323584xi32, #tpu.memory_space<hbm>> -> memref<128xi32, #tpu.memory_space<hbm>>
        tpu.wait_dma2 semaphore(%run_scoped3A : memref<!tpu.dma_semaphore, #tpu.memory_space<semaphore_mem>>) src(%dma_wait3A_1010 : memref<128xi32, #tpu.memory_space<hbm>>) dst(%arg9 : memref<128xi32, #tpu.memory_space<vmem>>)
        tpu.yield
      }) : () -> ()
      "tpu.region"() ({
        %run_scoped3A = tpu.sem_alloc : memref<!tpu.dma_semaphore, #tpu.memory_space<semaphore_mem>>
        %dma_start3A_1007 = tpu.memref_slice %arg4[%add3A_772] : memref<323584xi32, #tpu.memory_space<hbm>> -> memref<128xi32, #tpu.memory_space<hbm>>
        %dma_start3A_1008 = tpu.memref_slice %arg4[%add3A_772] : memref<323584xi32, #tpu.memory_space<hbm>> -> memref<128xi32, #tpu.memory_space<hbm>>
        tpu.enqueue_dma source(%dma_start3A_1008 : memref<128xi32, #tpu.memory_space<hbm>>) target(%arg10 : memref<128xi32, #tpu.memory_space<vmem>>) target_semaphore(%run_scoped3A : memref<!tpu.dma_semaphore, #tpu.memory_space<semaphore_mem>>)
        %dma_wait3A_1009 = tpu.memref_slice %arg4[%add3A_772] : memref<323584xi32, #tpu.memory_space<hbm>> -> memref<128xi32, #tpu.memory_space<hbm>>
        %dma_wait3A_1010 = tpu.memref_slice %arg4[%add3A_772] : memref<323584xi32, #tpu.memory_space<hbm>> -> memref<128xi32, #tpu.memory_space<hbm>>
        tpu.wait_dma2 semaphore(%run_scoped3A : memref<!tpu.dma_semaphore, #tpu.memory_space<semaphore_mem>>) src(%dma_wait3A_1010 : memref<128xi32, #tpu.memory_space<hbm>>) dst(%arg10 : memref<128xi32, #tpu.memory_space<vmem>>)
        tpu.yield
      }) : () -> ()
      %mul3A_773 = arith.constant 5000 : i32
      %mul3A_774 = arith.muli %arg0, %mul3A_773 : i32
      %mul3A_775 = arith.constant 112 : i32
      %mul3A_776 = arith.muli %arg0, %mul3A_775 : i32
      %add3A_777 = arith.constant 5000 : i32
      %add3A_778 = arith.addi %add3A_777, %mul3A_776 : i32
      %get3A_779 = arith.constant 0 : index
      %get3A_780 = tpu.vector_load %arg10[%get3A_779] {strides = array<i32>} : memref<128xi32, #tpu.memory_space<vmem>>, vector<16xi32>,
      %get3A_781 = vector.shape_cast %get3A_780 : vector<16xi32> to vector<16xi32>
      %sub3A_782 = vector.broadcast %mul3A_774 : i32 to vector<16xi32>
      %sub3A_783 = arith.subi %get3A_781, %sub3A_782 : vector<16xi32>
      %ge3A_784 = arith.constant 0 : i32
      %ge3A_785 = vector.broadcast %ge3A_784 : i32 to vector<16xi32>
      %ge3A_786 = arith.cmpi sge, %sub3A_783, %ge3A_785 : vector<16xi32>
      %lt3A_787 = vector.broadcast %add3A_778 : i32 to vector<16xi32>
      %lt3A_788 = arith.cmpi slt, %sub3A_783, %lt3A_787 : vector<16xi32>
      %and3A_789 = arith.andi %ge3A_786, %lt3A_788 : vector<16xi1>
      %jit3A_790 = arith.constant 5112 : i32
      %broadcast_in_dim3A_791 = vector.broadcast %jit3A_790 : i32 to vector<16xi32>
      %select_n3A_792 = arith.select %and3A_789, %sub3A_783, %broadcast_in_dim3A_791 : vector<16xi1>, vector<16xi32>
      %swap3A_793 = arith.constant 0 : index
      %swap3A_794 = tpu.vector_load %arg10[%swap3A_793] {strides = array<i32>} : memref<128xi32, #tpu.memory_space<vmem>>, vector<16xi32>,
      %swap3A_795 = vector.shape_cast %swap3A_794 : vector<16xi32> to vector<16xi32>
      %swap3A_796 = vector.shape_cast %select_n3A_792 : vector<16xi32> to vector<16xi32>
      tpu.vector_store %arg10[%swap3A_793], %swap3A_796 {strides = array<i32>} : memref<128xi32, #tpu.memory_space<vmem>>, vector<16xi32>,
      %get3A_797 = arith.constant 0 : index
      %get3A_798 = tpu.vector_load %arg9[%get3A_797] {strides = array<i32>} : memref<128xi32, #tpu.memory_space<vmem>>, vector<16xi32>,
      %get3A_799 = vector.shape_cast %get3A_798 : vector<16xi32> to vector<16xi32>
      %jit3A_800 = arith.constant 0 : i32
      %broadcast_in_dim3A_801 = vector.broadcast %jit3A_800 : i32 to vector<16xi32>
      %select_n3A_802 = arith.select %and3A_789, %get3A_799, %broadcast_in_dim3A_801 : vector<16xi1>, vector<16xi32>
      %swap3A_803 = arith.constant 0 : index
      %swap3A_804 = tpu.vector_load %arg9[%swap3A_803] {strides = array<i32>} : memref<128xi32, #tpu.memory_space<vmem>>, vector<16xi32>,
      %swap3A_805 = vector.shape_cast %swap3A_804 : vector<16xi32> to vector<16xi32>
      %swap3A_806 = vector.shape_cast %select_n3A_802 : vector<16xi32> to vector<16xi32>
      tpu.vector_store %arg9[%swap3A_803], %swap3A_806 {strides = array<i32>} : memref<128xi32, #tpu.memory_space<vmem>>, vector<16xi32>,
      %get3A_807 = arith.constant 16 : index
      %get3A_808 = tpu.vector_load %arg10[%get3A_807] {strides = array<i32>} : memref<128xi32, #tpu.memory_space<vmem>>, vector<16xi32>,
      %get3A_809 = vector.shape_cast %get3A_808 : vector<16xi32> to vector<16xi32>
      %sub3A_810 = vector.broadcast %mul3A_774 : i32 to vector<16xi32>
      %sub3A_811 = arith.subi %get3A_809, %sub3A_810 : vector<16xi32>
      %ge3A_812 = arith.constant 0 : i32
      %ge3A_813 = vector.broadcast %ge3A_812 : i32 to vector<16xi32>
      %ge3A_814 = arith.cmpi sge, %sub3A_811, %ge3A_813 : vector<16xi32>
      %lt3A_815 = vector.broadcast %add3A_778 : i32 to vector<16xi32>
      %lt3A_816 = arith.cmpi slt, %sub3A_811, %lt3A_815 : vector<16xi32>
      %and3A_817 = arith.andi %ge3A_814, %lt3A_816 : vector<16xi1>
      %jit3A_818 = arith.constant 5112 : i32
      %broadcast_in_dim3A_819 = vector.broadcast %jit3A_818 : i32 to vector<16xi32>
      %select_n3A_820 = arith.select %and3A_817, %sub3A_811, %broadcast_in_dim3A_819 : vector<16xi1>, vector<16xi32>
      %swap3A_821 = arith.constant 16 : index
      %swap3A_822 = tpu.vector_load %arg10[%swap3A_821] {strides = array<i32>} : memref<128xi32, #tpu.memory_space<vmem>>, vector<16xi32>,
      %swap3A_823 = vector.shape_cast %swap3A_822 : vector<16xi32> to vector<16xi32>
      %swap3A_824 = vector.shape_cast %select_n3A_820 : vector<16xi32> to vector<16xi32>
      tpu.vector_store %arg10[%swap3A_821], %swap3A_824 {strides = array<i32>} : memref<128xi32, #tpu.memory_space<vmem>>, vector<16xi32>,
      %get3A_825 = arith.constant 16 : index
      %get3A_826 = tpu.vector_load %arg9[%get3A_825] {strides = array<i32>} : memref<128xi32, #tpu.memory_space<vmem>>, vector<16xi32>,
      %get3A_827 = vector.shape_cast %get3A_826 : vector<16xi32> to vector<16xi32>
      %jit3A_828 = arith.constant 0 : i32
      %broadcast_in_dim3A_829 = vector.broadcast %jit3A_828 : i32 to vector<16xi32>
      %select_n3A_830 = arith.select %and3A_817, %get3A_827, %broadcast_in_dim3A_829 : vector<16xi1>, vector<16xi32>
      %swap3A_831 = arith.constant 16 : index
      %swap3A_832 = tpu.vector_load %arg9[%swap3A_831] {strides = array<i32>} : memref<128xi32, #tpu.memory_space<vmem>>, vector<16xi32>,
      %swap3A_833 = vector.shape_cast %swap3A_832 : vector<16xi32> to vector<16xi32>
      %swap3A_834 = vector.shape_cast %select_n3A_830 : vector<16xi32> to vector<16xi32>
      tpu.vector_store %arg9[%swap3A_831], %swap3A_834 {strides = array<i32>} : memref<128xi32, #tpu.memory_space<vmem>>, vector<16xi32>,
      %get3A_835 = arith.constant 32 : index
      %get3A_836 = tpu.vector_load %arg10[%get3A_835] {strides = array<i32>} : memref<128xi32, #tpu.memory_space<vmem>>, vector<16xi32>,
      %get3A_837 = vector.shape_cast %get3A_836 : vector<16xi32> to vector<16xi32>
      %sub3A_838 = vector.broadcast %mul3A_774 : i32 to vector<16xi32>
      %sub3A_839 = arith.subi %get3A_837, %sub3A_838 : vector<16xi32>
      %ge3A_840 = arith.constant 0 : i32
      %ge3A_841 = vector.broadcast %ge3A_840 : i32 to vector<16xi32>
      %ge3A_842 = arith.cmpi sge, %sub3A_839, %ge3A_841 : vector<16xi32>
      %lt3A_843 = vector.broadcast %add3A_778 : i32 to vector<16xi32>
      %lt3A_844 = arith.cmpi slt, %sub3A_839, %lt3A_843 : vector<16xi32>
      %and3A_845 = arith.andi %ge3A_842, %lt3A_844 : vector<16xi1>
      %jit3A_846 = arith.constant 5112 : i32
      %broadcast_in_dim3A_847 = vector.broadcast %jit3A_846 : i32 to vector<16xi32>
      %select_n3A_848 = arith.select %and3A_845, %sub3A_839, %broadcast_in_dim3A_847 : vector<16xi1>, vector<16xi32>
      %swap3A_849 = arith.constant 32 : index
      %swap3A_850 = tpu.vector_load %arg10[%swap3A_849] {strides = array<i32>} : memref<128xi32, #tpu.memory_space<vmem>>, vector<16xi32>,
      %swap3A_851 = vector.shape_cast %swap3A_850 : vector<16xi32> to vector<16xi32>
      %swap3A_852 = vector.shape_cast %select_n3A_848 : vector<16xi32> to vector<16xi32>
      tpu.vector_store %arg10[%swap3A_849], %swap3A_852 {strides = array<i32>} : memref<128xi32, #tpu.memory_space<vmem>>, vector<16xi32>,
      %get3A_853 = arith.constant 32 : index
      %get3A_854 = tpu.vector_load %arg9[%get3A_853] {strides = array<i32>} : memref<128xi32, #tpu.memory_space<vmem>>, vector<16xi32>,
      %get3A_855 = vector.shape_cast %get3A_854 : vector<16xi32> to vector<16xi32>
      %jit3A_856 = arith.constant 0 : i32
      %broadcast_in_dim3A_857 = vector.broadcast %jit3A_856 : i32 to vector<16xi32>
      %select_n3A_858 = arith.select %and3A_845, %get3A_855, %broadcast_in_dim3A_857 : vector<16xi1>, vector<16xi32>
      %swap3A_859 = arith.constant 32 : index
      %swap3A_860 = tpu.vector_load %arg9[%swap3A_859] {strides = array<i32>} : memref<128xi32, #tpu.memory_space<vmem>>, vector<16xi32>,
      %swap3A_861 = vector.shape_cast %swap3A_860 : vector<16xi32> to vector<16xi32>
      %swap3A_862 = vector.shape_cast %select_n3A_858 : vector<16xi32> to vector<16xi32>
      tpu.vector_store %arg9[%swap3A_859], %swap3A_862 {strides = array<i32>} : memref<128xi32, #tpu.memory_space<vmem>>, vector<16xi32>,
      %get3A_863 = arith.constant 48 : index
      %get3A_864 = tpu.vector_load %arg10[%get3A_863] {strides = array<i32>} : memref<128xi32, #tpu.memory_space<vmem>>, vector<16xi32>,
      %get3A_865 = vector.shape_cast %get3A_864 : vector<16xi32> to vector<16xi32>
      %sub3A_866 = vector.broadcast %mul3A_774 : i32 to vector<16xi32>
      %sub3A_867 = arith.subi %get3A_865, %sub3A_866 : vector<16xi32>
      %ge3A_868 = arith.constant 0 : i32
      %ge3A_869 = vector.broadcast %ge3A_868 : i32 to vector<16xi32>
      %ge3A_870 = arith.cmpi sge, %sub3A_867, %ge3A_869 : vector<16xi32>
      %lt3A_871 = vector.broadcast %add3A_778 : i32 to vector<16xi32>
      %lt3A_872 = arith.cmpi slt, %sub3A_867, %lt3A_871 : vector<16xi32>
      %and3A_873 = arith.andi %ge3A_870, %lt3A_872 : vector<16xi1>
      %jit3A_874 = arith.constant 5112 : i32
      %broadcast_in_dim3A_875 = vector.broadcast %jit3A_874 : i32 to vector<16xi32>
      %select_n3A_876 = arith.select %and3A_873, %sub3A_867, %broadcast_in_dim3A_875 : vector<16xi1>, vector<16xi32>
      %swap3A_877 = arith.constant 48 : index
      %swap3A_878 = tpu.vector_load %arg10[%swap3A_877] {strides = array<i32>} : memref<128xi32, #tpu.memory_space<vmem>>, vector<16xi32>,
      %swap3A_879 = vector.shape_cast %swap3A_878 : vector<16xi32> to vector<16xi32>
      %swap3A_880 = vector.shape_cast %select_n3A_876 : vector<16xi32> to vector<16xi32>
      tpu.vector_store %arg10[%swap3A_877], %swap3A_880 {strides = array<i32>} : memref<128xi32, #tpu.memory_space<vmem>>, vector<16xi32>,
      %get3A_881 = arith.constant 48 : index
      %get3A_882 = tpu.vector_load %arg9[%get3A_881] {strides = array<i32>} : memref<128xi32, #tpu.memory_space<vmem>>, vector<16xi32>,
      %get3A_883 = vector.shape_cast %get3A_882 : vector<16xi32> to vector<16xi32>
      %jit3A_884 = arith.constant 0 : i32
      %broadcast_in_dim3A_885 = vector.broadcast %jit3A_884 : i32 to vector<16xi32>
      %select_n3A_886 = arith.select %and3A_873, %get3A_883, %broadcast_in_dim3A_885 : vector<16xi1>, vector<16xi32>
      %swap3A_887 = arith.constant 48 : index
      %swap3A_888 = tpu.vector_load %arg9[%swap3A_887] {strides = array<i32>} : memref<128xi32, #tpu.memory_space<vmem>>, vector<16xi32>,
      %swap3A_889 = vector.shape_cast %swap3A_888 : vector<16xi32> to vector<16xi32>
      %swap3A_890 = vector.shape_cast %select_n3A_886 : vector<16xi32> to vector<16xi32>
      tpu.vector_store %arg9[%swap3A_887], %swap3A_890 {strides = array<i32>} : memref<128xi32, #tpu.memory_space<vmem>>, vector<16xi32>,
      %get3A_891 = arith.constant 64 : index
      %get3A_892 = tpu.vector_load %arg10[%get3A_891] {strides = array<i32>} : memref<128xi32, #tpu.memory_space<vmem>>, vector<16xi32>,
      %get3A_893 = vector.shape_cast %get3A_892 : vector<16xi32> to vector<16xi32>
      %sub3A_894 = vector.broadcast %mul3A_774 : i32 to vector<16xi32>
      %sub3A_895 = arith.subi %get3A_893, %sub3A_894 : vector<16xi32>
      %ge3A_896 = arith.constant 0 : i32
      %ge3A_897 = vector.broadcast %ge3A_896 : i32 to vector<16xi32>
      %ge3A_898 = arith.cmpi sge, %sub3A_895, %ge3A_897 : vector<16xi32>
      %lt3A_899 = vector.broadcast %add3A_778 : i32 to vector<16xi32>
      %lt3A_900 = arith.cmpi slt, %sub3A_895, %lt3A_899 : vector<16xi32>
      %and3A_901 = arith.andi %ge3A_898, %lt3A_900 : vector<16xi1>
      %jit3A_902 = arith.constant 5112 : i32
      %broadcast_in_dim3A_903 = vector.broadcast %jit3A_902 : i32 to vector<16xi32>
      %select_n3A_904 = arith.select %and3A_901, %sub3A_895, %broadcast_in_dim3A_903 : vector<16xi1>, vector<16xi32>
      %swap3A_905 = arith.constant 64 : index
      %swap3A_906 = tpu.vector_load %arg10[%swap3A_905] {strides = array<i32>} : memref<128xi32, #tpu.memory_space<vmem>>, vector<16xi32>,
      %swap3A_907 = vector.shape_cast %swap3A_906 : vector<16xi32> to vector<16xi32>
      %swap3A_908 = vector.shape_cast %select_n3A_904 : vector<16xi32> to vector<16xi32>
      tpu.vector_store %arg10[%swap3A_905], %swap3A_908 {strides = array<i32>} : memref<128xi32, #tpu.memory_space<vmem>>, vector<16xi32>,
      %get3A_909 = arith.constant 64 : index
      %get3A_910 = tpu.vector_load %arg9[%get3A_909] {strides = array<i32>} : memref<128xi32, #tpu.memory_space<vmem>>, vector<16xi32>,
      %get3A_911 = vector.shape_cast %get3A_910 : vector<16xi32> to vector<16xi32>
      %jit3A_912 = arith.constant 0 : i32
      %broadcast_in_dim3A_913 = vector.broadcast %jit3A_912 : i32 to vector<16xi32>
      %select_n3A_914 = arith.select %and3A_901, %get3A_911, %broadcast_in_dim3A_913 : vector<16xi1>, vector<16xi32>
      %swap3A_915 = arith.constant 64 : index
      %swap3A_916 = tpu.vector_load %arg9[%swap3A_915] {strides = array<i32>} : memref<128xi32, #tpu.memory_space<vmem>>, vector<16xi32>,
      %swap3A_917 = vector.shape_cast %swap3A_916 : vector<16xi32> to vector<16xi32>
      %swap3A_918 = vector.shape_cast %select_n3A_914 : vector<16xi32> to vector<16xi32>
      tpu.vector_store %arg9[%swap3A_915], %swap3A_918 {strides = array<i32>} : memref<128xi32, #tpu.memory_space<vmem>>, vector<16xi32>,
      %get3A_919 = arith.constant 80 : index
      %get3A_920 = tpu.vector_load %arg10[%get3A_919] {strides = array<i32>} : memref<128xi32, #tpu.memory_space<vmem>>, vector<16xi32>,
      %get3A_921 = vector.shape_cast %get3A_920 : vector<16xi32> to vector<16xi32>
      %sub3A_922 = vector.broadcast %mul3A_774 : i32 to vector<16xi32>
      %sub3A_923 = arith.subi %get3A_921, %sub3A_922 : vector<16xi32>
      %ge3A_924 = arith.constant 0 : i32
      %ge3A_925 = vector.broadcast %ge3A_924 : i32 to vector<16xi32>
      %ge3A_926 = arith.cmpi sge, %sub3A_923, %ge3A_925 : vector<16xi32>
      %lt3A_927 = vector.broadcast %add3A_778 : i32 to vector<16xi32>
      %lt3A_928 = arith.cmpi slt, %sub3A_923, %lt3A_927 : vector<16xi32>
      %and3A_929 = arith.andi %ge3A_926, %lt3A_928 : vector<16xi1>
      %jit3A_930 = arith.constant 5112 : i32
      %broadcast_in_dim3A_931 = vector.broadcast %jit3A_930 : i32 to vector<16xi32>
      %select_n3A_932 = arith.select %and3A_929, %sub3A_923, %broadcast_in_dim3A_931 : vector<16xi1>, vector<16xi32>
      %swap3A_933 = arith.constant 80 : index
      %swap3A_934 = tpu.vector_load %arg10[%swap3A_933] {strides = array<i32>} : memref<128xi32, #tpu.memory_space<vmem>>, vector<16xi32>,
      %swap3A_935 = vector.shape_cast %swap3A_934 : vector<16xi32> to vector<16xi32>
      %swap3A_936 = vector.shape_cast %select_n3A_932 : vector<16xi32> to vector<16xi32>
      tpu.vector_store %arg10[%swap3A_933], %swap3A_936 {strides = array<i32>} : memref<128xi32, #tpu.memory_space<vmem>>, vector<16xi32>,
      %get3A_937 = arith.constant 80 : index
      %get3A_938 = tpu.vector_load %arg9[%get3A_937] {strides = array<i32>} : memref<128xi32, #tpu.memory_space<vmem>>, vector<16xi32>,
      %get3A_939 = vector.shape_cast %get3A_938 : vector<16xi32> to vector<16xi32>
      %jit3A_940 = arith.constant 0 : i32
      %broadcast_in_dim3A_941 = vector.broadcast %jit3A_940 : i32 to vector<16xi32>
      %select_n3A_942 = arith.select %and3A_929, %get3A_939, %broadcast_in_dim3A_941 : vector<16xi1>, vector<16xi32>
      %swap3A_943 = arith.constant 80 : index
      %swap3A_944 = tpu.vector_load %arg9[%swap3A_943] {strides = array<i32>} : memref<128xi32, #tpu.memory_space<vmem>>, vector<16xi32>,
      %swap3A_945 = vector.shape_cast %swap3A_944 : vector<16xi32> to vector<16xi32>
      %swap3A_946 = vector.shape_cast %select_n3A_942 : vector<16xi32> to vector<16xi32>
      tpu.vector_store %arg9[%swap3A_943], %swap3A_946 {strides = array<i32>} : memref<128xi32, #tpu.memory_space<vmem>>, vector<16xi32>,
      %get3A_947 = arith.constant 96 : index
      %get3A_948 = tpu.vector_load %arg10[%get3A_947] {strides = array<i32>} : memref<128xi32, #tpu.memory_space<vmem>>, vector<16xi32>,
      %get3A_949 = vector.shape_cast %get3A_948 : vector<16xi32> to vector<16xi32>
      %sub3A_950 = vector.broadcast %mul3A_774 : i32 to vector<16xi32>
      %sub3A_951 = arith.subi %get3A_949, %sub3A_950 : vector<16xi32>
      %ge3A_952 = arith.constant 0 : i32
      %ge3A_953 = vector.broadcast %ge3A_952 : i32 to vector<16xi32>
      %ge3A_954 = arith.cmpi sge, %sub3A_951, %ge3A_953 : vector<16xi32>
      %lt3A_955 = vector.broadcast %add3A_778 : i32 to vector<16xi32>
      %lt3A_956 = arith.cmpi slt, %sub3A_951, %lt3A_955 : vector<16xi32>
      %and3A_957 = arith.andi %ge3A_954, %lt3A_956 : vector<16xi1>
      %jit3A_958 = arith.constant 5112 : i32
      %broadcast_in_dim3A_959 = vector.broadcast %jit3A_958 : i32 to vector<16xi32>
      %select_n3A_960 = arith.select %and3A_957, %sub3A_951, %broadcast_in_dim3A_959 : vector<16xi1>, vector<16xi32>
      %swap3A_961 = arith.constant 96 : index
      %swap3A_962 = tpu.vector_load %arg10[%swap3A_961] {strides = array<i32>} : memref<128xi32, #tpu.memory_space<vmem>>, vector<16xi32>,
      %swap3A_963 = vector.shape_cast %swap3A_962 : vector<16xi32> to vector<16xi32>
      %swap3A_964 = vector.shape_cast %select_n3A_960 : vector<16xi32> to vector<16xi32>
      tpu.vector_store %arg10[%swap3A_961], %swap3A_964 {strides = array<i32>} : memref<128xi32, #tpu.memory_space<vmem>>, vector<16xi32>,
      %get3A_965 = arith.constant 96 : index
      %get3A_966 = tpu.vector_load %arg9[%get3A_965] {strides = array<i32>} : memref<128xi32, #tpu.memory_space<vmem>>, vector<16xi32>,
      %get3A_967 = vector.shape_cast %get3A_966 : vector<16xi32> to vector<16xi32>
      %jit3A_968 = arith.constant 0 : i32
      %broadcast_in_dim3A_969 = vector.broadcast %jit3A_968 : i32 to vector<16xi32>
      %select_n3A_970 = arith.select %and3A_957, %get3A_967, %broadcast_in_dim3A_969 : vector<16xi1>, vector<16xi32>
      %swap3A_971 = arith.constant 96 : index
      %swap3A_972 = tpu.vector_load %arg9[%swap3A_971] {strides = array<i32>} : memref<128xi32, #tpu.memory_space<vmem>>, vector<16xi32>,
      %swap3A_973 = vector.shape_cast %swap3A_972 : vector<16xi32> to vector<16xi32>
      %swap3A_974 = vector.shape_cast %select_n3A_970 : vector<16xi32> to vector<16xi32>
      tpu.vector_store %arg9[%swap3A_971], %swap3A_974 {strides = array<i32>} : memref<128xi32, #tpu.memory_space<vmem>>, vector<16xi32>,
      %get3A_975 = arith.constant 112 : index
      %get3A_976 = tpu.vector_load %arg10[%get3A_975] {strides = array<i32>} : memref<128xi32, #tpu.memory_space<vmem>>, vector<16xi32>,
      %get3A_977 = vector.shape_cast %get3A_976 : vector<16xi32> to vector<16xi32>
      %sub3A_978 = vector.broadcast %mul3A_774 : i32 to vector<16xi32>
      %sub3A_979 = arith.subi %get3A_977, %sub3A_978 : vector<16xi32>
      %ge3A_980 = arith.constant 0 : i32
      %ge3A_981 = vector.broadcast %ge3A_980 : i32 to vector<16xi32>
      %ge3A_982 = arith.cmpi sge, %sub3A_979, %ge3A_981 : vector<16xi32>
      %lt3A_983 = vector.broadcast %add3A_778 : i32 to vector<16xi32>
      %lt3A_984 = arith.cmpi slt, %sub3A_979, %lt3A_983 : vector<16xi32>
      %and3A_985 = arith.andi %ge3A_982, %lt3A_984 : vector<16xi1>
      %jit3A_986 = arith.constant 5112 : i32
      %broadcast_in_dim3A_987 = vector.broadcast %jit3A_986 : i32 to vector<16xi32>
      %select_n3A_988 = arith.select %and3A_985, %sub3A_979, %broadcast_in_dim3A_987 : vector<16xi1>, vector<16xi32>
      %swap3A_989 = arith.constant 112 : index
      %swap3A_990 = tpu.vector_load %arg10[%swap3A_989] {strides = array<i32>} : memref<128xi32, #tpu.memory_space<vmem>>, vector<16xi32>,
      %swap3A_991 = vector.shape_cast %swap3A_990 : vector<16xi32> to vector<16xi32>
      %swap3A_992 = vector.shape_cast %select_n3A_988 : vector<16xi32> to vector<16xi32>
      tpu.vector_store %arg10[%swap3A_989], %swap3A_992 {strides = array<i32>} : memref<128xi32, #tpu.memory_space<vmem>>, vector<16xi32>,
      %get3A_993 = arith.constant 112 : index
      %get3A_994 = tpu.vector_load %arg9[%get3A_993] {strides = array<i32>} : memref<128xi32, #tpu.memory_space<vmem>>, vector<16xi32>,
      %get3A_995 = vector.shape_cast %get3A_994 : vector<16xi32> to vector<16xi32>
      %jit3A_996 = arith.constant 0 : i32
      %broadcast_in_dim3A_997 = vector.broadcast %jit3A_996 : i32 to vector<16xi32>
      %select_n3A_998 = arith.select %and3A_985, %get3A_995, %broadcast_in_dim3A_997 : vector<16xi1>, vector<16xi32>
      %swap3A_999 = arith.constant 112 : index
      %swap3A_1000 = tpu.vector_load %arg9[%swap3A_999] {strides = array<i32>} : memref<128xi32, #tpu.memory_space<vmem>>, vector<16xi32>,
      %swap3A_1001 = vector.shape_cast %swap3A_1000 : vector<16xi32> to vector<16xi32>
      %swap3A_1002 = vector.shape_cast %select_n3A_998 : vector<16xi32> to vector<16xi32>
      tpu.vector_store %arg9[%swap3A_999], %swap3A_1002 {strides = array<i32>} : memref<128xi32, #tpu.memory_space<vmem>>, vector<16xi32>,
      %dma_start3A_1003 = arith.constant 0 : i32
      %dma_start3A_1004 = arith.constant 0 : i32
      %dma_start3A_1005 = tpu.memref_slice %arg2[%dma_start3A_1003, %dma_start3A_1004] : memref<10000x128xf32, #tpu.memory_space<hbm>> -> memref<10000x128xf32, #tpu.memory_space<hbm>>
      tpu.enqueue_indirect_dma source(%dma_start3A_1005 : memref<10000x128xf32, #tpu.memory_space<hbm>>) target(%arg11 : memref<128x128xf32, #tpu.memory_space<vmem>>) offsets(%arg9 : memref<128xi32, #tpu.memory_space<vmem>>) semaphore(%arg15 : memref<!tpu.dma_semaphore, #tpu.memory_space<semaphore_mem>>)
      %scan3A_1006 = arith.constant 0 : i32
      scf.yield %scan3A_1006 : i32
    }
    %scan3A_480 = arith.constant 78 : i32
    %dma_wait3A = arith.constant 0 : i32
    %dma_wait3A_481 = arith.constant 0 : i32
    %dma_wait3A_482 = tpu.memref_slice %arg2[%dma_wait3A, %dma_wait3A_481] : memref<10000x128xf32, #tpu.memory_space<hbm>> -> memref<10000x128xf32, #tpu.memory_space<hbm>>
    tpu.wait_indirect_dma semaphore(%arg13 : memref<!tpu.dma_semaphore, #tpu.memory_space<semaphore_mem>>) src(%dma_wait3A_482 : memref<10000x128xf32, #tpu.memory_space<hbm>>) dst(%arg8 : memref<128x128xf32, #tpu.memory_space<vmem>>)
    %dma_start3A_483 = arith.constant 0 : i32
    %dma_start3A_484 = arith.constant 0 : i32
    %dma_start3A_485 = tpu.memref_slice %arg12[%dma_start3A_483, %dma_start3A_484] : memref<5120x128xf32, #tpu.memory_space<vmem_shared>> -> memref<5120x128xf32, #tpu.memory_space<vmem_shared>>
    tpu.enqueue_indirect_dma source(%arg8 : memref<128x128xf32, #tpu.memory_space<vmem>>) target(%dma_start3A_485 : memref<5120x128xf32, #tpu.memory_space<vmem_shared>>) offsets(%arg7 : memref<128xi32, #tpu.memory_space<vmem>>) semaphore(%arg14 : memref<!tpu.dma_semaphore, #tpu.memory_space<semaphore_mem>>) {add = true}
    %dma_wait3A_486 = arith.constant 0 : i32
    %dma_wait3A_487 = arith.constant 0 : i32
    %dma_wait3A_488 = tpu.memref_slice %arg12[%dma_wait3A_486, %dma_wait3A_487] : memref<5120x128xf32, #tpu.memory_space<vmem_shared>> -> memref<5120x128xf32, #tpu.memory_space<vmem_shared>>
    tpu.wait_indirect_dma semaphore(%arg14 : memref<!tpu.dma_semaphore, #tpu.memory_space<semaphore_mem>>) src(%arg8 : memref<128x128xf32, #tpu.memory_space<vmem>>) dst(%dma_wait3A_488 : memref<5120x128xf32, #tpu.memory_space<vmem_shared>>)
    %dma_wait3A_489 = arith.constant 0 : i32
    %dma_wait3A_490 = arith.constant 0 : i32
    %dma_wait3A_491 = tpu.memref_slice %arg2[%dma_wait3A_489, %dma_wait3A_490] : memref<10000x128xf32, #tpu.memory_space<hbm>> -> memref<10000x128xf32, #tpu.memory_space<hbm>>
    tpu.wait_indirect_dma semaphore(%arg15 : memref<!tpu.dma_semaphore, #tpu.memory_space<semaphore_mem>>) src(%dma_wait3A_491 : memref<10000x128xf32, #tpu.memory_space<hbm>>) dst(%arg11 : memref<128x128xf32, #tpu.memory_space<vmem>>)
    %dma_start3A_492 = arith.constant 0 : i32
    %dma_start3A_493 = arith.constant 0 : i32
    %dma_start3A_494 = tpu.memref_slice %arg12[%dma_start3A_492, %dma_start3A_493] : memref<5120x128xf32, #tpu.memory_space<vmem_shared>> -> memref<5120x128xf32, #tpu.memory_space<vmem_shared>>
    tpu.enqueue_indirect_dma source(%arg11 : memref<128x128xf32, #tpu.memory_space<vmem>>) target(%dma_start3A_494 : memref<5120x128xf32, #tpu.memory_space<vmem_shared>>) offsets(%arg10 : memref<128xi32, #tpu.memory_space<vmem>>) semaphore(%arg16 : memref<!tpu.dma_semaphore, #tpu.memory_space<semaphore_mem>>) {add = true}
    %dma_wait3A_495 = arith.constant 0 : i32
    %dma_wait3A_496 = arith.constant 0 : i32
    %dma_wait3A_497 = tpu.memref_slice %arg12[%dma_wait3A_495, %dma_wait3A_496] : memref<5120x128xf32, #tpu.memory_space<vmem_shared>> -> memref<5120x128xf32, #tpu.memory_space<vmem_shared>>
    tpu.wait_indirect_dma semaphore(%arg16 : memref<!tpu.dma_semaphore, #tpu.memory_space<semaphore_mem>>) src(%arg11 : memref<128x128xf32, #tpu.memory_space<vmem>>) dst(%dma_wait3A_497 : memref<5120x128xf32, #tpu.memory_space<vmem_shared>>)
    %barrier3A_498 = arith.constant 0 : index
    tpu.barrier barrier_id(%barrier3A_498)
    %mul3A_499 = arith.constant 5120 : i32
    %mul3A_500 = arith.muli %arg0, %mul3A_499 : i32
    %add3A_501 = arith.addi %mul3A_500, %mul3A_6 : i32
    "tpu.region"() ({
      %run_scoped3A = tpu.sem_alloc : memref<!tpu.dma_semaphore, #tpu.memory_space<semaphore_mem>>
      %dma_start3A_502 = arith.constant 0 : i32
      %dma_start3A_503 = tpu.memref_slice %arg5[%add3A_501, %dma_start3A_502] : memref<10240x128xf32, #tpu.memory_space<hbm>> -> memref<320x128xf32, #tpu.memory_space<hbm>>
      %dma_start3A_504 = arith.constant 0 : i32
      %dma_start3A_505 = tpu.memref_slice %arg12[%mul3A_6, %dma_start3A_504] : memref<5120x128xf32, #tpu.memory_space<vmem_shared>> -> memref<320x128xf32, #tpu.memory_space<vmem_shared>>
      tpu.enqueue_dma source(%dma_start3A_505 : memref<320x128xf32, #tpu.memory_space<vmem_shared>>) target(%dma_start3A_503 : memref<320x128xf32, #tpu.memory_space<hbm>>) target_semaphore(%run_scoped3A : memref<!tpu.dma_semaphore, #tpu.memory_space<semaphore_mem>>)
      %dma_wait3A_506 = arith.constant 0 : i32
      %dma_wait3A_507 = tpu.memref_slice %arg5[%add3A_501, %dma_wait3A_506] : memref<10240x128xf32, #tpu.memory_space<hbm>> -> memref<320x128xf32, #tpu.memory_space<hbm>>
      %dma_wait3A_508 = arith.constant 0 : i32
      %dma_wait3A_509 = tpu.memref_slice %arg12[%mul3A_6, %dma_wait3A_508] : memref<5120x128xf32, #tpu.memory_space<vmem_shared>> -> memref<320x128xf32, #tpu.memory_space<vmem_shared>>
      tpu.wait_dma2 semaphore(%run_scoped3A : memref<!tpu.dma_semaphore, #tpu.memory_space<semaphore_mem>>) src(%dma_wait3A_509 : memref<320x128xf32, #tpu.memory_space<vmem_shared>>) dst(%dma_wait3A_507 : memref<320x128xf32, #tpu.memory_space<hbm>>)
      tpu.yield
    }) : () -> ()
    return
  }
}

module attributes {stable_mosaic.version = 14 : i64} {
  func.func @_scale_body(%arg0: i32, %arg1: memref<1x1000x128xf32, #tpu.memory_space<vmem>>, %arg2: memref<1000x128xf32, #tpu.memory_space<vmem>>, %arg3: memref<1000x128xf32, #tpu.memory_space<vmem>>, %arg4: memref<1000x128xf32, #tpu.memory_space<vmem>>) attributes {dimension_semantics = [#tpu.dimension_semantics<arbitrary>], iteration_bounds = array<i64: 10>, scalar_prefetch = 0 : i64, scratch_operands = 0 : i64, tpu.core_type = #tpu.core_type<tc>, window_params = [{transform_indices = @transform_0, window_bounds = array<i64: 1, 1000, 128>}, {transform_indices = @transform_1, window_bounds = array<i64: 1000, 128>}, {transform_indices = @transform_2, window_bounds = array<i64: 1000, 128>}, {transform_indices = @transform_3, window_bounds = array<i64: 1000, 128>}]} {
    %get3A = arith.constant 0 : index
    %get3A_0 = arith.constant 0 : index
    %get3A_1 = arith.constant 0 : index
    %get3A_2 = vector.load %arg1[%get3A, %get3A_0, %get3A_1] : memref<1x1000x128xf32, #tpu.memory_space<vmem>>, vector<1x1000x1xf32>
    %get3A_3 = vector.shape_cast %get3A_2 : vector<1x1000x1xf32> to vector<1000x1xf32>
    %add3A = arith.constant 1.000000e+00 : f32
    %add3A_4 = vector.broadcast %add3A : f32 to vector<1000x1xf32>
    %add3A_5 = arith.addf %get3A_3, %add3A_4 : vector<1000x1xf32>
    %rsqrt3A = math.rsqrt %add3A_5 : vector<1000x1xf32>
    %broadcast_in_dim3A = vector.shape_cast %rsqrt3A : vector<1000x1xf32> to vector<1000x1xf32>
    %broadcast_in_dim3A_6 = vector.broadcast %broadcast_in_dim3A : vector<1000x1xf32> to vector<1000x128xf32>
    %swap3A = arith.constant 0 : index
    %swap3A_7 = arith.constant 0 : index
    %swap3A_8 = vector.load %arg4[%swap3A, %swap3A_7] : memref<1000x128xf32, #tpu.memory_space<vmem>>, vector<1000x128xf32>
    tpu.vector_store %arg4[%swap3A, %swap3A_7], %broadcast_in_dim3A_6 {strides = array<i32>} : memref<1000x128xf32, #tpu.memory_space<vmem>>, vector<1000x128xf32>,
    %get3A_9 = arith.constant 0 : index
    %get3A_10 = arith.constant 0 : index
    %get3A_11 = vector.load %arg2[%get3A_9, %get3A_10] : memref<1000x128xf32, #tpu.memory_space<vmem>>, vector<1000x128xf32>
    %mul3A = arith.mulf %broadcast_in_dim3A_6, %get3A_11 : vector<1000x128xf32>
    %swap3A_12 = arith.constant 0 : index
    %swap3A_13 = arith.constant 0 : index
    %swap3A_14 = vector.load %arg3[%swap3A_12, %swap3A_13] : memref<1000x128xf32, #tpu.memory_space<vmem>>, vector<1000x128xf32>
    tpu.vector_store %arg3[%swap3A_12, %swap3A_13], %mul3A {strides = array<i32>} : memref<1000x128xf32, #tpu.memory_space<vmem>>, vector<1000x128xf32>,
    return
  }
  func.func @transform_0(%arg0: i32) -> (i32, i32, i32) {
    %jit3A = arith.constant 5 : i32
    %div3A = arith.divsi %arg0, %jit3A : i32
    %sign3A = arith.constant 0 : i32
    %sign3A_0 = arith.cmpi sgt, %arg0, %sign3A : i32
    %sign3A_1 = arith.extui %sign3A_0 : i1 to i32
    %sign3A_2 = arith.constant 0 : i32
    %sign3A_3 = arith.cmpi slt, %arg0, %sign3A_2 : i32
    %sign3A_4 = arith.extui %sign3A_3 : i1 to i32
    %sign3A_5 = arith.subi %sign3A_1, %sign3A_4 : i32
    %sign3A_6 = arith.constant 0 : i32
    %sign3A_7 = arith.cmpi sgt, %jit3A, %sign3A_6 : i32
    %sign3A_8 = arith.extui %sign3A_7 : i1 to i32
    %sign3A_9 = arith.constant 0 : i32
    %sign3A_10 = arith.cmpi slt, %jit3A, %sign3A_9 : i32
    %sign3A_11 = arith.extui %sign3A_10 : i1 to i32
    %sign3A_12 = arith.subi %sign3A_8, %sign3A_11 : i32
    %ne3A = arith.cmpi ne, %sign3A_5, %sign3A_12 : i32
    %rem3A = arith.remsi %arg0, %jit3A : i32
    %ne3A_13 = arith.constant 0 : i32
    %ne3A_14 = arith.cmpi ne, %rem3A, %ne3A_13 : i32
    %and3A = arith.andi %ne3A, %ne3A_14 : i1
    %sub3A = arith.constant 1 : i32
    %sub3A_15 = arith.subi %div3A, %sub3A : i32
    %select_n3A = arith.select %and3A, %sub3A_15, %div3A : i32
    %jit3A_16 = arith.constant 5 : i32
    %eq3A = arith.constant 0 : i32
    %eq3A_17 = arith.cmpi eq, %jit3A_16, %eq3A : i32
    %jit3A_18 = arith.constant 1 : i32
    %select_n3A_19 = arith.select %eq3A_17, %jit3A_18, %jit3A_16 : i32
    %rem3A_20 = arith.remsi %arg0, %select_n3A_19 : i32
    %ne3A_21 = arith.constant 0 : i32
    %ne3A_22 = arith.cmpi ne, %rem3A_20, %ne3A_21 : i32
    %lt3A = arith.constant 0 : i32
    %lt3A_23 = arith.cmpi slt, %rem3A_20, %lt3A : i32
    %lt3A_24 = arith.constant 0 : i32
    %lt3A_25 = arith.cmpi slt, %select_n3A_19, %lt3A_24 : i32
    %ne3A_26 = arith.xori %lt3A_23, %lt3A_25 : i1
    %and3A_27 = arith.andi %ne3A_26, %ne3A_22 : i1
    %add3A = arith.addi %rem3A_20, %select_n3A_19 : i32
    %select_n3A_28 = arith.select %and3A_27, %add3A, %rem3A_20 : i32
    %c0_i32 = arith.constant 0 : i32
    %c0_i32_29 = arith.constant 0 : i32
    return %select_n3A, %select_n3A_28, %c0_i32 : i32, i32, i32
  }
  func.func @transform_1(%arg0: i32) -> (i32, i32) {
    %c0_i32 = arith.constant 0 : i32
    %c0_i32_0 = arith.constant 0 : i32
    return %arg0, %c0_i32 : i32, i32
  }
  func.func @transform_2(%arg0: i32) -> (i32, i32) {
    %c0_i32 = arith.constant 0 : i32
    %c0_i32_0 = arith.constant 0 : i32
    return %arg0, %c0_i32 : i32, i32
  }
  func.func @transform_3(%arg0: i32) -> (i32, i32) {
    %c0_i32 = arith.constant 0 : i32
    %c0_i32_0 = arith.constant 0 : i32
    return %arg0, %c0_i32 : i32, i32
  }
}

module attributes {stable_mosaic.version = 14 : i64} {
  func.func @_layer_body(%arg0: i32, %arg1: memref<1x1000x128xf32, #tpu.memory_space<vmem>>, %arg2: memref<1000x128xf32, #tpu.memory_space<vmem>>, %arg3: memref<1000x128xf32, #tpu.memory_space<vmem>>, %arg4: memref<128x256xf32, #tpu.memory_space<vmem>>, %arg5: memref<1x256xf32, #tpu.memory_space<vmem>>, %arg6: memref<256x128xf32, #tpu.memory_space<vmem>>, %arg7: memref<1000x128xf32, #tpu.memory_space<vmem>>) attributes {dimension_semantics = [#tpu.dimension_semantics<arbitrary>], iteration_bounds = array<i64: 10>, scalar_prefetch = 0 : i64, scratch_operands = 0 : i64, tpu.core_type = #tpu.core_type<tc>, window_params = [{transform_indices = @transform_0, window_bounds = array<i64: 1, 1000, 128>}, {transform_indices = @transform_1, window_bounds = array<i64: 1000, 128>}, {transform_indices = @transform_2, window_bounds = array<i64: 1000, 128>}, {pipeline_mode = #tpu.pipeline_mode<synchronous>, transform_indices = @transform_3, window_bounds = array<i64: 128, 256>}, {pipeline_mode = #tpu.pipeline_mode<synchronous>, transform_indices = @transform_4, window_bounds = array<i64: 1, 256>}, {pipeline_mode = #tpu.pipeline_mode<synchronous>, transform_indices = @transform_5, window_bounds = array<i64: 256, 128>}, {transform_indices = @transform_6, window_bounds = array<i64: 1000, 128>}]} {
    %get3A = arith.constant 0 : index
    %get3A_0 = arith.constant 0 : index
    %get3A_1 = vector.load %arg3[%get3A, %get3A_0] : memref<1000x128xf32, #tpu.memory_space<vmem>>, vector<1000x128xf32>
    %get3A_2 = arith.constant 0 : index
    %get3A_3 = arith.constant 0 : index
    %get3A_4 = arith.constant 0 : index
    %get3A_5 = vector.load %arg1[%get3A_2, %get3A_3, %get3A_4] : memref<1x1000x128xf32, #tpu.memory_space<vmem>>, vector<1x1000x128xf32>
    %get3A_6 = vector.shape_cast %get3A_5 : vector<1x1000x128xf32> to vector<1000x128xf32>
    %get3A_7 = arith.constant 0 : index
    %get3A_8 = arith.constant 0 : index
    %get3A_9 = vector.load %arg2[%get3A_7, %get3A_8] : memref<1000x128xf32, #tpu.memory_space<vmem>>, vector<1000x128xf32>
    %add3A = arith.addf %get3A_6, %get3A_9 : vector<1000x128xf32>
    %mul3A = arith.mulf %get3A_1, %add3A : vector<1000x128xf32>
    %get3A_10 = arith.constant 0 : index
    %get3A_11 = arith.constant 0 : index
    %get3A_12 = vector.load %arg4[%get3A_10, %get3A_11] : memref<128x256xf32, #tpu.memory_space<vmem>>, vector<128x256xf32>
    %dot_general3A = arith.constant dense<0.000000e+00> : vector<1000x256xf32>
    %dot_general3A_13 = tpu.matmul %mul3A, %get3A_12, %dot_general3A {dimension_numbers = #tpu.dot_dimension_numbers<[1], [0], [0], [1], [0, 0, 1, 1], [], []>, transpose_lhs_hint = false} : vector<1000x128xf32>, vector<128x256xf32>, vector<1000x256xf32> -> vector<1000x256xf32>
    %get3A_14 = arith.constant 0 : index
    %get3A_15 = arith.constant 0 : index
    %get3A_16 = vector.load %arg5[%get3A_14, %get3A_15] : memref<1x256xf32, #tpu.memory_space<vmem>>, vector<1x256xf32>
    %add3A_17 = vector.broadcast %get3A_16 : vector<1x256xf32> to vector<1000x256xf32>
    %add3A_18 = arith.addf %dot_general3A_13, %add3A_17 : vector<1000x256xf32>
    %max3A = arith.constant 0.000000e+00 : f32
    %max3A_19 = vector.broadcast %max3A : f32 to vector<1000x256xf32>
    %max3A_20 = arith.maximumf %add3A_18, %max3A_19 : vector<1000x256xf32>
    %get3A_21 = arith.constant 0 : index
    %get3A_22 = arith.constant 0 : index
    %get3A_23 = vector.load %arg6[%get3A_21, %get3A_22] : memref<256x128xf32, #tpu.memory_space<vmem>>, vector<256x128xf32>
    %dot_general3A_24 = arith.constant dense<0.000000e+00> : vector<1000x128xf32>
    %dot_general3A_25 = tpu.matmul %max3A_20, %get3A_23, %dot_general3A_24 {dimension_numbers = #tpu.dot_dimension_numbers<[1], [0], [0], [1], [0, 0, 1, 1], [], []>, transpose_lhs_hint = false} : vector<1000x256xf32>, vector<256x128xf32>, vector<1000x128xf32> -> vector<1000x128xf32>
    %get3A_26 = arith.constant 0 : index
    %get3A_27 = arith.constant 0 : index
    %get3A_28 = vector.load %arg3[%get3A_26, %get3A_27] : memref<1000x128xf32, #tpu.memory_space<vmem>>, vector<1000x128xf32>
    %mul3A_29 = arith.mulf %get3A_28, %dot_general3A_25 : vector<1000x128xf32>
    %swap3A = arith.constant 0 : index
    %swap3A_30 = arith.constant 0 : index
    %swap3A_31 = vector.load %arg7[%swap3A, %swap3A_30] : memref<1000x128xf32, #tpu.memory_space<vmem>>, vector<1000x128xf32>
    tpu.vector_store %arg7[%swap3A, %swap3A_30], %mul3A_29 {strides = array<i32>} : memref<1000x128xf32, #tpu.memory_space<vmem>>, vector<1000x128xf32>,
    return
  }
  func.func @transform_0(%arg0: i32) -> (i32, i32, i32) {
    %jit3A = arith.constant 5 : i32
    %div3A = arith.divsi %arg0, %jit3A : i32
    %sign3A = arith.constant 0 : i32
    %sign3A_0 = arith.cmpi sgt, %arg0, %sign3A : i32
    %sign3A_1 = arith.extui %sign3A_0 : i1 to i32
    %sign3A_2 = arith.constant 0 : i32
    %sign3A_3 = arith.cmpi slt, %arg0, %sign3A_2 : i32
    %sign3A_4 = arith.extui %sign3A_3 : i1 to i32
    %sign3A_5 = arith.subi %sign3A_1, %sign3A_4 : i32
    %sign3A_6 = arith.constant 0 : i32
    %sign3A_7 = arith.cmpi sgt, %jit3A, %sign3A_6 : i32
    %sign3A_8 = arith.extui %sign3A_7 : i1 to i32
    %sign3A_9 = arith.constant 0 : i32
    %sign3A_10 = arith.cmpi slt, %jit3A, %sign3A_9 : i32
    %sign3A_11 = arith.extui %sign3A_10 : i1 to i32
    %sign3A_12 = arith.subi %sign3A_8, %sign3A_11 : i32
    %ne3A = arith.cmpi ne, %sign3A_5, %sign3A_12 : i32
    %rem3A = arith.remsi %arg0, %jit3A : i32
    %ne3A_13 = arith.constant 0 : i32
    %ne3A_14 = arith.cmpi ne, %rem3A, %ne3A_13 : i32
    %and3A = arith.andi %ne3A, %ne3A_14 : i1
    %sub3A = arith.constant 1 : i32
    %sub3A_15 = arith.subi %div3A, %sub3A : i32
    %select_n3A = arith.select %and3A, %sub3A_15, %div3A : i32
    %jit3A_16 = arith.constant 5 : i32
    %eq3A = arith.constant 0 : i32
    %eq3A_17 = arith.cmpi eq, %jit3A_16, %eq3A : i32
    %jit3A_18 = arith.constant 1 : i32
    %select_n3A_19 = arith.select %eq3A_17, %jit3A_18, %jit3A_16 : i32
    %rem3A_20 = arith.remsi %arg0, %select_n3A_19 : i32
    %ne3A_21 = arith.constant 0 : i32
    %ne3A_22 = arith.cmpi ne, %rem3A_20, %ne3A_21 : i32
    %lt3A = arith.constant 0 : i32
    %lt3A_23 = arith.cmpi slt, %rem3A_20, %lt3A : i32
    %lt3A_24 = arith.constant 0 : i32
    %lt3A_25 = arith.cmpi slt, %select_n3A_19, %lt3A_24 : i32
    %ne3A_26 = arith.xori %lt3A_23, %lt3A_25 : i1
    %and3A_27 = arith.andi %ne3A_26, %ne3A_22 : i1
    %add3A = arith.addi %rem3A_20, %select_n3A_19 : i32
    %select_n3A_28 = arith.select %and3A_27, %add3A, %rem3A_20 : i32
    %c0_i32 = arith.constant 0 : i32
    %c0_i32_29 = arith.constant 0 : i32
    return %select_n3A, %select_n3A_28, %c0_i32 : i32, i32, i32
  }
  func.func @transform_1(%arg0: i32) -> (i32, i32) {
    %c0_i32 = arith.constant 0 : i32
    %c0_i32_0 = arith.constant 0 : i32
    return %arg0, %c0_i32 : i32, i32
  }
  func.func @transform_2(%arg0: i32) -> (i32, i32) {
    %c0_i32 = arith.constant 0 : i32
    %c0_i32_0 = arith.constant 0 : i32
    return %arg0, %c0_i32 : i32, i32
  }
  func.func @transform_3(%arg0: i32) -> (i32, i32) {
    %c0_i32 = arith.constant 0 : i32
    %c0_i32_0 = arith.constant 0 : i32
    %c0_i32_1 = arith.constant 0 : i32
    return %c0_i32, %c0_i32_0 : i32, i32
  }
  func.func @transform_4(%arg0: i32) -> (i32, i32) {
    %c0_i32 = arith.constant 0 : i32
    %c0_i32_0 = arith.constant 0 : i32
    %c0_i32_1 = arith.constant 0 : i32
    return %c0_i32, %c0_i32_0 : i32, i32
  }
  func.func @transform_5(%arg0: i32) -> (i32, i32) {
    %c0_i32 = arith.constant 0 : i32
    %c0_i32_0 = arith.constant 0 : i32
    %c0_i32_1 = arith.constant 0 : i32
    return %c0_i32, %c0_i32_0 : i32, i32
  }
  func.func @transform_6(%arg0: i32) -> (i32, i32) {
    %c0_i32 = arith.constant 0 : i32
    %c0_i32_0 = arith.constant 0 : i32
    return %arg0, %c0_i32 : i32, i32
  }
}

module attributes {stable_mosaic.version = 14 : i64} {
  func.func @_out_body(%arg0: i32, %arg1: memref<1x1000x128xf32, #tpu.memory_space<vmem>>, %arg2: memref<1000x128xf32, #tpu.memory_space<vmem>>, %arg3: memref<1000x128xf32, #tpu.memory_space<vmem>>, %arg4: memref<1x128xf32, #tpu.memory_space<vmem>>, %arg5: memref<1000x128xf32, #tpu.memory_space<vmem>>) attributes {dimension_semantics = [#tpu.dimension_semantics<arbitrary>], iteration_bounds = array<i64: 10>, scalar_prefetch = 0 : i64, scratch_operands = 0 : i64, tpu.core_type = #tpu.core_type<tc>, window_params = [{transform_indices = @transform_0, window_bounds = array<i64: 1, 1000, 128>}, {transform_indices = @transform_1, window_bounds = array<i64: 1000, 128>}, {transform_indices = @transform_2, window_bounds = array<i64: 1000, 128>}, {pipeline_mode = #tpu.pipeline_mode<synchronous>, transform_indices = @transform_3, window_bounds = array<i64: 1, 128>}, {transform_indices = @transform_4, window_bounds = array<i64: 1000, 128>}]} {
    %get3A = arith.constant 0 : index
    %get3A_0 = arith.constant 0 : index
    %get3A_1 = vector.load %arg3[%get3A, %get3A_0] : memref<1000x128xf32, #tpu.memory_space<vmem>>, vector<1000x128xf32>
    %get3A_2 = arith.constant 0 : index
    %get3A_3 = arith.constant 0 : index
    %get3A_4 = arith.constant 0 : index
    %get3A_5 = vector.load %arg1[%get3A_2, %get3A_3, %get3A_4] : memref<1x1000x128xf32, #tpu.memory_space<vmem>>, vector<1x1000x128xf32>
    %get3A_6 = vector.shape_cast %get3A_5 : vector<1x1000x128xf32> to vector<1000x128xf32>
    %get3A_7 = arith.constant 0 : index
    %get3A_8 = arith.constant 0 : index
    %get3A_9 = vector.load %arg2[%get3A_7, %get3A_8] : memref<1000x128xf32, #tpu.memory_space<vmem>>, vector<1000x128xf32>
    %add3A = arith.addf %get3A_6, %get3A_9 : vector<1000x128xf32>
    %mul3A = arith.mulf %get3A_1, %add3A : vector<1000x128xf32>
    %get3A_10 = arith.constant 0 : index
    %get3A_11 = arith.constant 0 : index
    %get3A_12 = vector.load %arg4[%get3A_10, %get3A_11] : memref<1x128xf32, #tpu.memory_space<vmem>>, vector<1x128xf32>
    %add3A_13 = vector.broadcast %get3A_12 : vector<1x128xf32> to vector<1000x128xf32>
    %add3A_14 = arith.addf %mul3A, %add3A_13 : vector<1000x128xf32>
    %swap3A = arith.constant 0 : index
    %swap3A_15 = arith.constant 0 : index
    %swap3A_16 = vector.load %arg5[%swap3A, %swap3A_15] : memref<1000x128xf32, #tpu.memory_space<vmem>>, vector<1000x128xf32>
    tpu.vector_store %arg5[%swap3A, %swap3A_15], %add3A_14 {strides = array<i32>} : memref<1000x128xf32, #tpu.memory_space<vmem>>, vector<1000x128xf32>,
    return
  }
  func.func @transform_0(%arg0: i32) -> (i32, i32, i32) {
    %jit3A = arith.constant 5 : i32
    %div3A = arith.divsi %arg0, %jit3A : i32
    %sign3A = arith.constant 0 : i32
    %sign3A_0 = arith.cmpi sgt, %arg0, %sign3A : i32
    %sign3A_1 = arith.extui %sign3A_0 : i1 to i32
    %sign3A_2 = arith.constant 0 : i32
    %sign3A_3 = arith.cmpi slt, %arg0, %sign3A_2 : i32
    %sign3A_4 = arith.extui %sign3A_3 : i1 to i32
    %sign3A_5 = arith.subi %sign3A_1, %sign3A_4 : i32
    %sign3A_6 = arith.constant 0 : i32
    %sign3A_7 = arith.cmpi sgt, %jit3A, %sign3A_6 : i32
    %sign3A_8 = arith.extui %sign3A_7 : i1 to i32
    %sign3A_9 = arith.constant 0 : i32
    %sign3A_10 = arith.cmpi slt, %jit3A, %sign3A_9 : i32
    %sign3A_11 = arith.extui %sign3A_10 : i1 to i32
    %sign3A_12 = arith.subi %sign3A_8, %sign3A_11 : i32
    %ne3A = arith.cmpi ne, %sign3A_5, %sign3A_12 : i32
    %rem3A = arith.remsi %arg0, %jit3A : i32
    %ne3A_13 = arith.constant 0 : i32
    %ne3A_14 = arith.cmpi ne, %rem3A, %ne3A_13 : i32
    %and3A = arith.andi %ne3A, %ne3A_14 : i1
    %sub3A = arith.constant 1 : i32
    %sub3A_15 = arith.subi %div3A, %sub3A : i32
    %select_n3A = arith.select %and3A, %sub3A_15, %div3A : i32
    %jit3A_16 = arith.constant 5 : i32
    %eq3A = arith.constant 0 : i32
    %eq3A_17 = arith.cmpi eq, %jit3A_16, %eq3A : i32
    %jit3A_18 = arith.constant 1 : i32
    %select_n3A_19 = arith.select %eq3A_17, %jit3A_18, %jit3A_16 : i32
    %rem3A_20 = arith.remsi %arg0, %select_n3A_19 : i32
    %ne3A_21 = arith.constant 0 : i32
    %ne3A_22 = arith.cmpi ne, %rem3A_20, %ne3A_21 : i32
    %lt3A = arith.constant 0 : i32
    %lt3A_23 = arith.cmpi slt, %rem3A_20, %lt3A : i32
    %lt3A_24 = arith.constant 0 : i32
    %lt3A_25 = arith.cmpi slt, %select_n3A_19, %lt3A_24 : i32
    %ne3A_26 = arith.xori %lt3A_23, %lt3A_25 : i1
    %and3A_27 = arith.andi %ne3A_26, %ne3A_22 : i1
    %add3A = arith.addi %rem3A_20, %select_n3A_19 : i32
    %select_n3A_28 = arith.select %and3A_27, %add3A, %rem3A_20 : i32
    %c0_i32 = arith.constant 0 : i32
    %c0_i32_29 = arith.constant 0 : i32
    return %select_n3A, %select_n3A_28, %c0_i32 : i32, i32, i32
  }
  func.func @transform_1(%arg0: i32) -> (i32, i32) {
    %c0_i32 = arith.constant 0 : i32
    %c0_i32_0 = arith.constant 0 : i32
    return %arg0, %c0_i32 : i32, i32
  }
  func.func @transform_2(%arg0: i32) -> (i32, i32) {
    %c0_i32 = arith.constant 0 : i32
    %c0_i32_0 = arith.constant 0 : i32
    return %arg0, %c0_i32 : i32, i32
  }
  func.func @transform_3(%arg0: i32) -> (i32, i32) {
    %c0_i32 = arith.constant 0 : i32
    %c0_i32_0 = arith.constant 0 : i32
    %c0_i32_1 = arith.constant 0 : i32
    return %c0_i32, %c0_i32_0 : i32, i32
  }
  func.func @transform_4(%arg0: i32) -> (i32, i32) {
    %c0_i32 = arith.constant 0 : i32
    %c0_i32_0 = arith.constant 0 : i32
    return %arg0, %c0_i32 : i32, i32
  }
}

</mosaic_0001>

<sc_bundles>
// kernel: kernel.11.cloned.1.call-start
scs
__scs_entry_jumppad:
0x0: {  	(pc) =	sbr.rel $0x88, $3  }
0x1: {  	(tag) =	ssettag $0x0;
	lr =	simm.s32 $0x1  }
0x2: {  	[smem:$0x3F9B] =	sst lr;
	_ =	strace $0xD0000000  }
0x3: {  	_ = 	snop  }
0x4: {  	_ = 	snop  }
0x5: {  	_ = 	snop  }
0x6: {  	_ = 	snop  }
0x7: {  	_ = 	snop  }
__scs_overlays_trampoline_lowered:
0x8: {  	[smem:$0x3FAA] =	sst s0  }
0x9: {  	[smem:$0x3FAB] =	sst s1  }
0xa: {  	[smem:$0x3FAC] =	sst s2  }
0xb: {  	[smem:$0x3FAD] =	sst s3  }
0xc: {  	[smem:$0x3FAE] =	sst s4  }
0xd: {  	[smem:$0x3FAF] =	sst s5  }
0xe: {  	[smem:$0x3FB0] =	sst s6  }
0xf: {  	[smem:$0x3FB1] =	sst s7  }
0x10: {  	[smem:$0x3FB2] =	sst s8  }
0x11: {  	[smem:$0x3FB3] =	sst s9;
	s0 =	simm.s32 @!p0 $0x0  }
0x12: {  	s1 =	sld [smem:$0x3F99];
	s0 =	simm.s32 @p0 $0x1  }
0x13: {  	[smem:$0x3FB4] =	sst s0;
	s0 =	simm.s32 @!p1 $0x0  }
0x14: {  	s2 =	sld [smem:$0x3F98];
	s0 =	simm.s32 @p1 $0x1  }
0x15: {  	[smem:$0x3FB5] =	sst s0;
	s0 =	simm.s32 @!p2 $0x0  }
0x16: {  	s3 =	sld [smem:$0x3FDB];
	s0 =	simm.s32 @p2 $0x1  }
0x17: {  	s4 =	simm.s32 $0x1BF5;
	[smem:$0x3FB7] =	sst s0  }
0x18: {  	s0 =	sld [smem:$0x3F9A];
	_ =	swait.ge [sflag:s4], $0x0  }
0x19: {  	s7 =	sld [smem:$0x3F9B]  }
0x1a: {  	s8 =	sadd.s32 $0xFFFFE003, lr  }
0x1b: {  	s9 =	sadd.s32 $0xFFFFFEF7, lr;
	s5 =	simm.s32 $0xFFFFFFFF;
	p2 =	slt.u32 s8, $0xFFFFF086  }
0x1c: {  	p1 =	slt.u32 s9, $0xF7A;
	s5 =	simm.s32 @!p2 $0x0  }
0x1d: {  	s5 =	simm.s32 @p1 $0x1;
	p0 =	seq.s32 s7, s2  }
0x1e: {  	s7 =	smul.u32 @!p0 $0xF7A, s2;
	p2 =	seq.s32 @!p0 s5, $0x0  }
0x1f: {  	s9 =	smul.u32 $0xF7A, s1;
	s8 =	simm.s32 @!p0 $0x1BF5;
	p2 =	por !p2, p0  }
0x20: {  	[sflag:s8] =	ssyncset.s32 @!p0 $0xFFFFF086;
	s6 =	sadd.s32 @!p0 s3, s7;
	s7 =	simm.s32 @!p0 $0x108  }
0x21: {  	s3 =	sadd.s32 s3, s9;
	s6 =	sadd.s32 @!p0 $0x88, s6;
	s7 =	simm.s32 @p2 $0x1082  }
0x22: {  	[simem:s7], [sflag:s8] =	dma.local @!p0 [hbm:s6], $0xF7A  }
0x23: {  	s9 =	sor.u32 $0xD0000000, s2;
	s6 =	simm.s32 $0x108;
	_ =	swait.ge @!p0 [sflag:s8], $0x0  }
0x24: {  	s3 =	sadd.s32 $0x88, s3;
	s6 =	simm.s32 @!p1 $0x1082;
	[sflag:s4] =	ssyncset.s32 $0xFFFFF086  }
0x25: {  	[simem:s6], [sflag:s4] =	dma.local [hbm:s3], $0xF7A  }
0x26: {  	[smem:$0x3F9B] =	sst s1;
	(tag) =	ssettag s2;
	_ =	strace s9  }
0x27: {  	s1 =	sld [smem:$0x3FAB]  }
0x28: {  	s2 =	sld [smem:$0x3FAC]  }
0x29: {  	s4 =	sld [smem:$0x3FAE]  }
0x2a: {  	p0 =	seq.s32 s5, $0x0;
	s5 =	sld [smem:$0x3FAF]  }
0x2b: {  	s6 =	sld [smem:$0x3FB0]  }
0x2c: {  	s7 =	sld [smem:$0x3FB1]  }
0x2d: {  	s3 =	simm.s32 $0x108;
	s8 =	sld [smem:$0x3FB2]  }
0x2e: {  	s3 =	simm.s32 @!p0 $0x1082;
	s9 =	sld [smem:$0x3FB3]  }
0x2f: {  	lr =	sadd.s32 s0, s3;
	s0 =	sld [smem:$0x3FAA]  }
0x30: {  	s3 =	sld [smem:$0x3FAD]  }
0x31: {  	[smem:$0x3FB6] =	sst s10  }
0x32: {  	s10 =	sld [smem:$0x3FB4];
	_ =	sdelay $0x3  }
0x33: {  	p0 =	seq.s32 s10, $0x1;
	s10 =	sld [smem:$0x3FB6];
	_ =	sdelay $0x3  }
0x34: {  	[smem:$0x3FB6] =	sst s10  }
0x35: {  	s10 =	sld [smem:$0x3FB5];
	_ =	sdelay $0x3  }
0x36: {  	p1 =	seq.s32 s10, $0x1;
	s10 =	sld [smem:$0x3FB6];
	_ =	sdelay $0x3  }
0x37: {  	[smem:$0x3FB6] =	sst s10  }
0x38: {  	s10 =	sld [smem:$0x3FB7]  }
0x39: {  	_ = 	snop;
	(pc) =	sbr.ind lr, $3  }
0x3a: {  	_ = 	snop  }
0x3b: {  	_ = 	snop  }
0x3c: {  	p2 =	seq.s32 s10, $0x1;
	s10 =	sld [smem:$0x3FB6]  }
0x3d: {  	_ =	shalt  }
0x3e: {  	_ =	shalt  }
0x3f: {  	_ =	shalt  }
0x40: {  	_ =	shalt  }
0x41: {  	_ =	shalt  }
0x42: {  	_ =	shalt  }
0x43: {  	_ =	shalt  }
0x44: {  	_ =	shalt  }
0x45: {  	_ =	shalt  }
0x46: {  	_ =	shalt  }
0x47: {  	_ =	shalt  }
0x48: {  	_ =	shalt  }
0x49: {  	_ =	shalt  }
0x4a: {  	_ =	shalt  }
0x4b: {  	_ =	shalt  }
0x4c: {  	_ =	shalt  }
0x4d: {  	_ =	shalt  }
0x4e: {  	_ =	shalt  }
0x4f: {  	_ =	shalt  }
0x50: {  	_ =	shalt  }
0x51: {  	_ =	shalt  }
0x52: {  	_ =	shalt  }
0x53: {  	_ =	shalt  }
0x54: {  	_ =	shalt  }
0x55: {  	_ =	shalt  }
0x56: {  	_ =	shalt  }
0x57: {  	_ =	shalt  }
0x58: {  	_ =	shalt  }
0x59: {  	_ =	shalt  }
0x5a: {  	_ =	shalt  }
0x5b: {  	_ =	shalt  }
0x5c: {  	_ =	shalt  }
0x5d: {  	_ =	shalt  }
0x5e: {  	_ =	shalt  }
0x5f: {  	_ =	shalt  }
0x60: {  	_ =	shalt  }
0x61: {  	_ =	shalt  }
0x62: {  	_ =	shalt  }
0x63: {  	_ =	shalt  }
0x64: {  	_ =	shalt  }
0x65: {  	_ =	shalt  }
0x66: {  	_ =	shalt  }
0x67: {  	_ =	shalt  }
0x68: {  	_ =	shalt  }
0x69: {  	_ =	shalt  }
0x6a: {  	_ =	shalt  }
0x6b: {  	_ =	shalt  }
0x6c: {  	_ =	shalt  }
0x6d: {  	_ =	shalt  }
0x6e: {  	_ =	shalt  }
0x6f: {  	_ =	shalt  }
0x70: {  	_ =	shalt  }
0x71: {  	_ =	shalt  }
0x72: {  	_ =	shalt  }
0x73: {  	_ =	shalt  }
0x74: {  	_ =	shalt  }
0x75: {  	_ =	shalt  }
0x76: {  	_ =	shalt  }
0x77: {  	_ =	shalt  }
0x78: {  	_ =	shalt  }
0x79: {  	_ =	shalt  }
0x7a: {  	_ =	shalt  }
0x7b: {  	_ =	shalt  }
0x7c: {  	_ =	shalt  }
0x7d: {  	_ =	shalt  }
0x7e: {  	_ =	shalt  }
0x7f: {  	_ =	shalt  }
0x80: {  	_ =	shalt  }
0x81: {  	_ =	shalt  }
0x82: {  	_ =	shalt  }
0x83: {  	_ =	shalt  }
0x84: {  	_ =	shalt  }
0x85: {  	_ =	shalt  }
0x86: {  	_ =	shalt  }
0x87: {  	_ =	shalt  }
.Lfunc_end0:
.L_simem_size_0:
called_computation.1_lowered:
.L_overlay_start_0:
0x88: {  	s2 =	sld [smem:$0x3FD9]  }
0x89: {  	s3 =	sld [smem:$0x3FFE];
	_ =	sdelay $0x1  }
0x8a: {  	s1 =	srdreg.scid  }
0x8b: {  	s0 =	sand.u32 $0x1, s1  }
0x8c: {  	s17 =	sshll.u32 s0, $0xA;
	s2 =	sadd.s32 s3, s2  }
0x8d: {  	s2 =	sadd.s32 s2, s17  }
0x8e: {  	[smem:$0x3FC2] =	sst s2  }
0x8f: {  	_ = 	snop  }
0x90: {  	s2 =	sld [smem:$0x3FD0];
	(tm) =	ssettm $0x1  }
0x91: {  	s18 =	sld [smem:$0x3FFB];
	_ =	sdelay $0x3  }
0x92: {  	_ =	strace s18  }
0x93: {  	s3 =	sld [smem:$0x3FFC];
	_ =	sdelay $0x3  }
0x94: {  	_ =	strace s3  }
0x95: {  	s3 =	sld [smem:$0x3FFD];
	_ =	sdelay $0x3  }
0x96: {  	_ =	strace s3  }
0x97: {  	_ =	strace $0x8FFFFFFF  }
0x98: {  	s19 =	sld [smem:$0x3FDB];
	_ =	sdelay $0x1  }
0x99: {  	s4 =	simm.s32 $_scs_section_size  }
0x9a: {  	s5 =	simm.s32 $_size__tile_overlayer_lowered;
	s6 =	simm.s32 $_tile_overlayer_lowered  }
0x9b: {  	s22 =	simm.s32 $0x1BFF;
	s21 =	sshll.u32 s6, $0x1;
	s3 =	sadd.s32 s4, s19  }
0x9c: {  	s7 =	simm.s32 $0x0;
	s20 =	sshll.u32 s5, $0x1;
	s5 =	sadd.s32 s21, s3  }
0x9d: {  	[timem:s7], [sflag:s22] =	dma.local [hbm:s5], s20  }
0x9e: {  	_ =	swait.ge [sflag:s22], s20  }
0x9f: {  	s4 =	ssub.s32 $0x0, s20;
	[sflag:s22] =	ssyncset.done $0x0  }
0xa0: {  	[sflag:s22] =	ssyncadd.s32 s4;
	_ =	sdelay $0x1  }
0xa1: {  	s23 =	simm.s32 $0x1B8B  }
0xa2: {  	_ =	swait.ge [sflag:s23], $0x1  }
0xa3: {  	[sflag:s23] =	ssyncset.done $0x0  }
0xa4: {  	s25 =	simm.s32 $0x1B8E;
	s24 =	sld [smem:$0x3FFE];
	[sflag:s23] =	ssyncadd.s32 $0xFFFFFFFF  }
0xa5: {  	s26 =	simm.s32 $execute0_lowered;
	[smem:$0x3FD2] =	sst s25  }
0xa6: {  	s5 =	sshll.u32 s26, $0x1;
	_ =	strace $0x80000049;
	[dreg:$0x1] =	wrdreg $0xFFFFFFFF  }
0xa7: {  	s28 =	simm.s32 $_size_execute0_lowered;
	s3 =	sadd.s32 s3, s5;
	[dreg:$0x0] =	wrdreg $0x0  }
0xa8: {  	s5 =	sshll.u32 s28, $0x1;
	[dreg:$0x2] =	wrdreg s3  }
0xa9: {  	[dreg:$0x3] =	wrdreg s5  }
0xaa: {  	[dreg:$0x4] =	wrdreg $0xC0  }
0xab: {  	_ =	task [dreg:s7], $0x5FFFF  }
0xac: {  	[dreg:$0x1] =	wrdreg $0xFFFFFFFF  }
0xad: {  	[dreg:$0x0] =	wrdreg $0x60  }
0xae: {  	[dreg:$0x2] =	wrdreg s2  }
0xaf: {  	[dreg:$0x3] =	wrdreg s24  }
0xb0: {  	[dreg:$0x4] =	wrdreg $0x82000  }
0xb1: {  	[dreg:$0x5] =	wrdreg $0x9  }
0xb2: {  	_ =	task.clear_ibuf [dreg:s7], $0x6FFFF;
	_ =	strace $0x90000049  }
0xb3: {  	s29 =	simm.s32 $0x9;
	_ =	strace $0x8000004B  }
0xb4: {  	_ =	swait.ge [sflag:s29], $0x1  }
0xb5: {  	[sflag:s29] =	ssyncadd.s32 $0xFFFFFFFF  }
0xb6: {  	_ =	strace $0x9000004B  }
0xb7: {  	_ =	sfence  }
0xb8: {  	s30 =	sld [smem:$0x0];
	_ =	sdelay $0x2  }
0xb9: {  	s31 =	sshll.u32 s1, $0xD;
	s1 =	sshrl.u32 s1, $0x2  }
0xba: {  	s3 =	sand.u32 $0x4000, s31;
	s1 =	sadd.s32 s1, s30  }
0xbb: {  	s0 =	sor.u32 s3, s0;
	s1 =	sshll.u32 s1, $0x11  }
0xbc: {  	s0 =	sor.u32 s1, s0  }
0xbd: {  	s0 =	sadd.s32 $0x8F2B, s0  }
0xbe: {  	[sflag:s0] =	ssyncadd.remote.s32 $0x1  }
0xbf: {  	_ =	sfence.sel $0xFFFF  }
0xc0: {  	[dreg:$0x0] =	wrdreg $0xFFFFFFFF;
	(pc) =	sbr.abs _section_cstart, $3  }
0xc1: {  	[dreg:$0x1] =	wrdreg $0xFFFFFFFF  }
0xc2: {  	_ =	task.clear_ibuf [dreg:s7], $0x2FFFF;
	_ =	strace $0x9FFFFFFF  }
0xc3: {  	(tm) =	ssettm $0x7FFFFFFF  }
tec
execute0_lowered:
.L_overlay_start_1:
0x0: {  	(tag) =	ssettag $0x1  }
0x1: {  	s1 =	rddreg [dreg:$0x0]  }
0x2: {  	s5 =	rddreg [dreg:$0x1]  }
0x3: {  	s3 =	rddreg [dreg:$0x2]  }
0x4: {  	s0 =	rddreg [dreg:$0x3];
	s6 =	srdreg.scid  }
0x5: {  	s2 =	stileid.u32;
	s4 =	simm.s32 $0x0;
	s18 =	simm.s32 $0x80  }
0x6: {  	s19 =	simm.s32 $0x4100;
	s20 =	simm.s32 $0x4180;
	s28 =	smul.u32 $0x1400, s2  }
0x7: {  	s21 =	simm.s32 $0x4200;
	s22 =	simm.s32 $0x1;
	s8 =	smul.u32 $0x28000, s2  }
0x8: {  	s23 =	simm.s32 $0x2;
	s26 =	simm.s32 $0x0;
	s11 =	smul.u32 $0x4F00, s2  }
0x9: {  	s9 =	sand.u32 $0x1, s6;
	[smem:$0x7FF] =	sst s4;
	s17 =	smul.u32 $0x9E0, s2  }
0xa: {  	s15 =	sadd.s32 $0x34800, s5;
	s14 =	sadd.s32 $0x2A00, s5;
	s7 =	smul.u32 $0x14000, s9  }
0xb: {  	_ =	strace $0x8000004A;
	s29 =	ssub.s32 $0x2, s9;
	s24 =	smul.u32 $0x1388, s9  }
0xc: {  	s31 =	smul.u32 $0x70, s9;
	s10 =	sshrl.u32 s29, $0x1;
	s8 =	sshrl.u32 s8, $0x2  }
0xd: {  	s30 =	sshrl.u32 s11, $0x3;
	s6 =	sadd.s32 s28, s7;
	s13 =	ssub.s32 s29, s10  }
0xe: {  	s9 =	sadd.s32 s14, s30;
	s16 =	sor.u32 $0x10, s30;
	s25 =	sor.u32 $0x1388, s31  }
0xf: {  	v0 =	vmov s24;
	s24 =	simm.s32 $0x3;
	s12 =	sadd.s32 s6, s5;
	s5 =	sadd.s32 s8, s3  }
0x10: {  	s8 =	sadd.s32 s15, s30;
	s10 =	sadd.s32 s15, s16;
	s11 =	sadd.s32 s14, s16  }
0x11: {  	s13 =	smax.u32 s13, $0x1;
	s14 =	sadd.s32 s17, s14;
	s15 =	sadd.s32 s17, s15  }
0x12: {  	s16 =	simm.s32 $0x100;
	s17 =	simm.s32 $0x5;
	v1 =	vmov s25;
	s25 =	simm.s32 $0x4  }
0x13: {  	v2 =	vimm.f32 $0.0e+00;
	s6 =	sadd.s32 $0x4000, s5;
	s7 =	sadd.s32 $0x8000, s5;
	s12 =	sadd.s32 $0xC800, s12  }
.LBB2_1:
0x14: {  	s28 =	simm.s32 $0x0;
	s29 =	simm.s32 $0x200  }
.LBB2_2:
0x15: {  	p0 =	sne.s32 s29, $0xFE00;
	[tilespmem:s28+$0x170] =	vst v2  }
0x16: {  	[tilespmem:s28+$0x100] =	vst v2  }
0x17: {  	[tilespmem:s28+$0x110] =	vst v2  }
.Ltmp0:
0x18: {  	[tilespmem:s28+$0x120] =	vst v2;
	(pc) =	sbr.rel @p0 .LBB2_2-.Ltmp0, $4  }
0x19: {  	[tilespmem:s28+$0x130] =	vst v2  }
0x1a: {  	[tilespmem:s28+$0x140] =	vst v2  }
0x1b: {  	[tilespmem:s28+$0x150] =	vst v2  }
0x1c: {  	[tilespmem:s28+$0x160] =	vst v2;
	s28 =	sshra.s32 s29, $0x2;
	s29 =	sadd.s32 $0x200, s29  }
0x1d: {  	[tilespmem:s28+$0x170] =	vst v2  }
0x1e: {  	[tilespmem:s28+$0x100] =	vst v2  }
0x1f: {  	[tilespmem:s28+$0x110] =	vst v2  }
0x20: {  	[tilespmem:s28+$0x120] =	vst v2  }
0x21: {  	[tilespmem:s28+$0x130] =	vst v2  }
0x22: {  	[tilespmem:s28+$0x140] =	vst v2  }
0x23: {  	[tilespmem:s28+$0x150] =	vst v2  }
0x24: {  	[tilespmem:s28+$0x160] =	vst v2  }
0x25: {  	[spmem:s5] =	stream.linear.scatter [tilespmem:s16], [sflag:$0x5], $0x4000, $0x38;
	[tilespmem:$0x12200] =	vst v63  }
0x26: {  	_ =	swait.ge [sflag:s17], $0x4000  }
0x27: {  	[sflag:s17] =	ssyncset.done $0x0  }
0x28: {  	[sflag:s17] =	ssyncadd.s32 $0xFFFFC000  }
0x29: {  	[spmem:s6] =	stream.linear.scatter [tilespmem:s16], [sflag:$0x5], $0x4000, $0x38;
	[tilespmem:$0x12200] =	vst v63  }
0x2a: {  	_ =	swait.ge [sflag:s17], $0x4000  }
0x2b: {  	[sflag:s17] =	ssyncset.done $0x0  }
0x2c: {  	[sflag:s17] =	ssyncadd.s32 $0xFFFFC000  }
0x2d: {  	[spmem:s7] =	stream.linear.scatter [tilespmem:s16], [sflag:$0x5], $0x2000, $0x38;
	[tilespmem:$0x12200] =	vst v63  }
0x2e: {  	_ =	swait.ge [sflag:s17], $0x2000  }
0x2f: {  	[sflag:s17] =	ssyncset.done $0x0  }
0x30: {  	[sflag:s17] =	ssyncadd.s32 $0xFFFFE000  }
0x31: {  	[bflag:$0x0] =	sbarrier.arrive $0xFFFF  }
0x32: {  	[tilespmem:s4], [sflag:$0x5] =	stream.linear.gather [hbm4b:s8+s4], $0x80, $0x38;
	[tilespmem:$0x12200] =	vst v63  }
0x33: {  	_ =	swait.ge [sflag:s17], $0x80  }
0x34: {  	[sflag:s17] =	ssyncset.done $0x0  }
0x35: {  	[sflag:s17] =	ssyncadd.s32 $0xFFFFFF80  }
0x36: {  	[tilespmem:s18], [sflag:$0x5] =	stream.linear.gather [hbm4b:s9+s4], $0x80, $0x38;
	[tilespmem:$0x12200] =	vst v63  }
0x37: {  	_ =	swait.ge [sflag:s17], $0x80  }
0x38: {  	[sflag:s17] =	ssyncset.done $0x0  }
0x39: {  	[sflag:s17] =	ssyncadd.s32 $0xFFFFFF80  }
0x3a: {  	v3 =	vld [tilespmem:$0x80];
	_ =	sdelay $0x1  }
0x3b: {  	v4 =	vld [tilespmem:$0x90]  }
0x3c: {  	v5 =	vld [tilespmem:$0x0]  }
0x3d: {  	v6 =	vld [tilespmem:$0xA0]  }
0x3e: {  	v7 =	vld [tilespmem:$0x10];
	v3 =	vsub.s32 v3, v0  }
0x3f: {  	v8 =	vld [tilespmem:$0xB0];
	vm0 =	vgt.s32 v3, $0xFFFFFFFF;
	vm1 =	vlt.s32 v3, v1  }
0x40: {  	v9 =	vld [tilespmem:$0x20];
	v4 =	vsub.s32 v4, v0;
	vm0 =	vmand vm0, vm1  }
0x41: {  	v10 =	vld [tilespmem:$0xC0];
	vm9 =	vgt.s32 v4, $0xFFFFFFFF;
	vm2 =	vlt.s32 v4, v1;
	v3 =	vnsel vm0, $0x13F8, v3  }
0x42: {  	v35 =	vld [tilespmem:$0x30];
	v34 =	vsub.s32 v6, v0;
	vm10 =	vmand vm9, vm2;
	[tilespmem:$0x80] =	vst v3;
	v3 =	vnsel vm0, $0x0, v5  }
0x43: {  	v36 =	vld [tilespmem:$0xD0];
	vm11 =	vgt.s32 v34, $0xFFFFFFFF;
	vm12 =	vlt.s32 v34, v1;
	[tilespmem:$0x0] =	vst v3;
	v3 =	vnsel vm10, $0x13F8, v4  }
0x44: {  	v38 =	vld [tilespmem:$0x40];
	v37 =	vsub.s32 v8, v0;
	vm13 =	vmand vm11, vm12;
	[tilespmem:$0x90] =	vst v3;
	v3 =	vnsel vm10, $0x0, v7  }
0x45: {  	v39 =	vld [tilespmem:$0xE0];
	vm14 =	vgt.s32 v37, $0xFFFFFFFF;
	vm15 =	vlt.s32 v37, v1;
	[tilespmem:$0x10] =	vst v3;
	v3 =	vnsel vm13, $0x13F8, v34  }
0x46: {  	v41 =	vld [tilespmem:$0x50];
	v40 =	vsub.s32 v10, v0;
	vm4 =	vmand vm14, vm15;
	[tilespmem:$0xA0] =	vst v3;
	v3 =	vnsel vm13, $0x0, v9  }
0x47: {  	v42 =	vld [tilespmem:$0xF0];
	vm5 =	vgt.s32 v40, $0xFFFFFFFF;
	vm6 =	vlt.s32 v40, v1;
	[tilespmem:$0x20] =	vst v3;
	v3 =	vnsel vm4, $0x13F8, v37  }
0x48: {  	vm7 =	vmand vm5, vm6;
	v4 =	vsub.s32 v36, v0;
	[tilespmem:$0xB0] =	vst v3;
	v3 =	vnsel vm4, $0x0, v35  }
0x49: {  	v43 =	vld [tilespmem:$0x60];
	vm8 =	vgt.s32 v4, $0xFFFFFFFF;
	vm9 =	vlt.s32 v4, v1;
	[tilespmem:$0x30] =	vst v3;
	v3 =	vnsel vm7, $0x13F8, v40  }
0x4a: {  	v5 =	vsub.s32 v39, v0;
	vm10 =	vmand vm8, vm9;
	[tilespmem:$0xC0] =	vst v3;
	v3 =	vnsel vm7, $0x0, v38  }
0x4b: {  	v44 =	vld [tilespmem:$0x70];
	vm11 =	vgt.s32 v5, $0xFFFFFFFF;
	vm12 =	vlt.s32 v5, v1;
	[tilespmem:$0x40] =	vst v3;
	v3 =	vnsel vm10, $0x13F8, v4  }
0x4c: {  	v7 =	vsub.s32 v42, v0;
	vm13 =	vmand vm11, vm12;
	[tilespmem:$0xD0] =	vst v3;
	v3 =	vnsel vm10, $0x0, v41  }
0x4d: {  	vm14 =	vgt.s32 v7, $0xFFFFFFFF;
	vm15 =	vlt.s32 v7, v1;
	[tilespmem:$0x50] =	vst v3;
	v3 =	vnsel vm13, $0x13F8, v5  }
0x4e: {  	vm4 =	vmand vm14, vm15;
	[tilespmem:$0xE0] =	vst v3;
	v3 =	vnsel vm13, $0x0, v43  }
0x4f: {  	[tilespmem:$0x60] =	vst v3;
	v3 =	vnsel vm4, $0x13F8, v7  }
0x50: {  	[tilespmem:$0xF0] =	vst v3;
	v3 =	vnsel vm4, $0x0, v44  }
0x51: {  	[tilespmem:$0x70] =	vst v3  }
0x52: {  	[tilespmem:s16], [sflag:$0x1] =	stream.indirect.gather [hbm4b:s1+s18], $0x80, s4, s18, $0xb8;
	[tilespmem:$0x12200] =	vst v63  }
0x53: {  	_ = 	snop  }
0x54: {  	[tilespmem:s19], [sflag:$0x5] =	stream.linear.gather [hbm4b:s10+s4], $0x80, $0x38;
	[tilespmem:$0x12200] =	vst v63  }
0x55: {  	_ =	swait.ge [sflag:s17], $0x80  }
0x56: {  	[sflag:s17] =	ssyncset.done $0x0  }
0x57: {  	[sflag:s17] =	ssyncadd.s32 $0xFFFFFF80  }
0x58: {  	[tilespmem:s20], [sflag:$0x5] =	stream.linear.gather [hbm4b:s11+s4], $0x80, $0x38;
	[tilespmem:$0x12200] =	vst v63  }
0x59: {  	_ =	swait.ge [sflag:s17], $0x80  }
0x5a: {  	[sflag:s17] =	ssyncset.done $0x0  }
0x5b: {  	[sflag:s17] =	ssyncadd.s32 $0xFFFFFF80  }
0x5c: {  	v3 =	vld [tilespmem:$0x4180]  }
0x5d: {  	v45 =	vld [tilespmem:$0x4190]  }
0x5e: {  	v47 =	vld [tilespmem:$0x41A0]  }
0x5f: {  	v49 =	vld [tilespmem:$0x41B0];
	_ =	sdelay $0x1  }
0x60: {  	v46 =	vld [tilespmem:$0x4100]  }
0x61: {  	v48 =	vld [tilespmem:$0x4110];
	v3 =	vsub.s32 v3, v0  }
0x62: {  	v50 =	vld [tilespmem:$0x4120];
	v4 =	vsub.s32 v45, v0;
	vm5 =	vgt.s32 v3, $0xFFFFFFFF;
	vm6 =	vlt.s32 v3, v1  }
0x63: {  	v57 =	vld [tilespmem:$0x41E0];
	v52 =	vsub.s32 v47, v0;
	v55 =	vsub.s32 v49, v0;
	vm0 =	vmand vm5, vm6  }
0x64: {  	v51 =	vld [tilespmem:$0x41C0];
	vm7 =	vgt.s32 v4, $0xFFFFFFFF;
	vm8 =	vlt.s32 v4, v1;
	v3 =	vnsel vm0, $0x13F8, v3  }
0x65: {  	v53 =	vld [tilespmem:$0x4130];
	vm10 =	vgt.s32 v52, $0xFFFFFFFF;
	vm9 =	vmand vm7, vm8;
	[tilespmem:$0x4180] =	vst v3;
	v3 =	vnsel vm0, $0x0, v46  }
0x66: {  	v61 =	vld [tilespmem:$0x4160];
	vm11 =	vlt.s32 v52, v1;
	vm13 =	vgt.s32 v55, $0xFFFFFFFF;
	[tilespmem:$0x4100] =	vst v3;
	v3 =	vnsel vm9, $0x13F8, v4  }
0x67: {  	v54 =	vld [tilespmem:$0x41D0];
	vm14 =	vlt.s32 v55, v1;
	vm12 =	vmand vm10, vm11;
	[tilespmem:$0x4190] =	vst v3;
	v3 =	vnsel vm9, $0x0, v48  }
0x68: {  	v5 =	vsub.s32 v57, v0;
	vm15 =	vmand vm13, vm14;
	[tilespmem:$0x4110] =	vst v3;
	v3 =	vnsel vm12, $0x13F8, v52  }
0x69: {  	v56 =	vld [tilespmem:$0x4140];
	vm10 =	vgt.s32 v5, $0xFFFFFFFF;
	vm11 =	vlt.s32 v5, v1;
	[tilespmem:$0x41A0] =	vst v3;
	v3 =	vnsel vm12, $0x0, v50  }
0x6a: {  	v60 =	vld [tilespmem:$0x41F0];
	v58 =	vsub.s32 v51, v0;
	vm12 =	vmand vm10, vm11;
	[tilespmem:$0x4120] =	vst v3;
	v3 =	vnsel vm15, $0x13F8, v55  }
0x6b: {  	v59 =	vld [tilespmem:$0x4150];
	vm4 =	vgt.s32 v58, $0xFFFFFFFF;
	vm5 =	vlt.s32 v58, v1;
	v63 =	vnsel vm12, $0x0, v61;
	[tilespmem:$0x41B0] =	vst v3  }
0x6c: {  	vm6 =	vmand vm4, vm5;
	v4 =	vsub.s32 v54, v0;
	v3 =	vnsel vm15, $0x0, v53;
	[tilespmem:$0x4160] =	vst v63  }
0x6d: {  	vm7 =	vgt.s32 v4, $0xFFFFFFFF;
	vm8 =	vlt.s32 v4, v1;
	[tilespmem:$0x4130] =	vst v3;
	v3 =	vnsel vm6, $0x13F8, v58  }
0x6e: {  	v62 =	vld [tilespmem:$0x4170];
	vm9 =	vmand vm7, vm8;
	[tilespmem:$0x41C0] =	vst v3;
	v3 =	vnsel vm6, $0x0, v56  }
0x6f: {  	v7 =	vsub.s32 v60, v0;
	[tilespmem:$0x4140] =	vst v3;
	v3 =	vnsel vm9, $0x13F8, v4  }
0x70: {  	vm13 =	vgt.s32 v7, $0xFFFFFFFF;
	vm14 =	vlt.s32 v7, v1;
	[tilespmem:$0x41D0] =	vst v3;
	v3 =	vnsel vm9, $0x0, v59  }
0x71: {  	vm15 =	vmand vm13, vm14;
	[tilespmem:$0x4150] =	vst v3;
	v3 =	vnsel vm12, $0x13F8, v5  }
0x72: {  	[tilespmem:$0x41E0] =	vst v3;
	v3 =	vnsel vm15, $0x13F8, v7  }
0x73: {  	[tilespmem:$0x41F0] =	vst v3;
	v3 =	vnsel vm15, $0x0, v62  }
0x74: {  	s28 =	simm.s32 $0xFFFFF640;
	[tilespmem:$0x4170] =	vst v3  }
0x75: {  	[tilespmem:s21], [sflag:$0x3] =	stream.indirect.gather [hbm4b:s1+s18], $0x80, s19, s18, $0xb8;
	[tilespmem:$0x12200] =	vst v63  }
.LBB2_4:
0x76: {  	_ =	swait.ge [sflag:s22], $0x4000  }
0x77: {  	[sflag:s22] =	ssyncset.done $0x0  }
0x78: {  	[sflag:s22] =	ssyncadd.s32 $0xFFFFC000  }
0x79: {  	[spmem:s3] =	stream.indirect.scatter.add.f32 [tilespmem:s16], [sflag:$0x2], $0x80, s18, s18, $0xb8;
	[tilespmem:$0x12200] =	vst v63  }
0x7a: {  	_ =	swait.ge [sflag:s23], $0x4000  }
0x7b: {  	s29 =	sadd.s32 s28, s15;
	[sflag:s23] =	ssyncset.done $0x0  }
0x7c: {  	s30 =	sadd.s32 $0x9E0, s29;
	[sflag:s23] =	ssyncadd.s32 $0xFFFFC000  }
0x7d: {  	[tilespmem:s4], [sflag:$0x5] =	stream.linear.gather [hbm4b:s30+s4], $0x80, $0x38;
	[tilespmem:$0x12200] =	vst v63  }
0x7e: {  	_ =	swait.ge [sflag:s17], $0x80  }
0x7f: {  	s30 =	sadd.s32 s28, s14;
	[sflag:s17] =	ssyncset.done $0x0  }
0x80: {  	s31 =	sadd.s32 $0x9E0, s30;
	[sflag:s17] =	ssyncadd.s32 $0xFFFFFF80  }
0x81: {  	[tilespmem:s18], [sflag:$0x5] =	stream.linear.gather [hbm4b:s31+s4], $0x80, $0x38;
	[tilespmem:$0x12200] =	vst v63  }
0x82: {  	_ =	swait.ge [sflag:s17], $0x80  }
0x83: {  	[sflag:s17] =	ssyncset.done $0x0  }
0x84: {  	[sflag:s17] =	ssyncadd.s32 $0xFFFFFF80  }
0x85: {  	v3 =	vld [tilespmem:$0x80];
	_ =	sdelay $0x1  }
0x86: {  	v4 =	vld [tilespmem:$0x90]  }
0x87: {  	v5 =	vld [tilespmem:$0x0]  }
0x88: {  	v6 =	vld [tilespmem:$0xA0]  }
0x89: {  	v7 =	vld [tilespmem:$0x10];
	v3 =	vsub.s32 v3, v0  }
0x8a: {  	v8 =	vld [tilespmem:$0xB0];
	vm0 =	vgt.s32 v3, $0xFFFFFFFF;
	vm1 =	vlt.s32 v3, v1  }
0x8b: {  	v9 =	vld [tilespmem:$0x20];
	v4 =	vsub.s32 v4, v0;
	vm0 =	vmand vm0, vm1  }
0x8c: {  	v10 =	vld [tilespmem:$0xC0];
	vm9 =	vgt.s32 v4, $0xFFFFFFFF;
	vm2 =	vlt.s32 v4, v1;
	v3 =	vnsel vm0, $0x13F8, v3  }
0x8d: {  	v35 =	vld [tilespmem:$0x30];
	v34 =	vsub.s32 v6, v0;
	vm10 =	vmand vm9, vm2;
	[tilespmem:$0x80] =	vst v3;
	v3 =	vnsel vm0, $0x0, v5  }
0x8e: {  	v36 =	vld [tilespmem:$0xD0];
	vm11 =	vgt.s32 v34, $0xFFFFFFFF;
	vm12 =	vlt.s32 v34, v1;
	[tilespmem:$0x0] =	vst v3;
	v3 =	vnsel vm10, $0x13F8, v4  }
0x8f: {  	v38 =	vld [tilespmem:$0x40];
	v37 =	vsub.s32 v8, v0;
	vm13 =	vmand vm11, vm12;
	[tilespmem:$0x90] =	vst v3;
	v3 =	vnsel vm10, $0x0, v7  }
0x90: {  	v39 =	vld [tilespmem:$0xE0];
	vm14 =	vgt.s32 v37, $0xFFFFFFFF;
	vm15 =	vlt.s32 v37, v1;
	[tilespmem:$0x10] =	vst v3;
	v3 =	vnsel vm13, $0x13F8, v34  }
0x91: {  	v41 =	vld [tilespmem:$0x50];
	v40 =	vsub.s32 v10, v0;
	vm4 =	vmand vm14, vm15;
	[tilespmem:$0xA0] =	vst v3;
	v3 =	vnsel vm13, $0x0, v9  }
0x92: {  	v42 =	vld [tilespmem:$0xF0];
	vm5 =	vgt.s32 v40, $0xFFFFFFFF;
	vm6 =	vlt.s32 v40, v1;
	[tilespmem:$0x20] =	vst v3;
	v3 =	vnsel vm4, $0x13F8, v37  }
0x93: {  	vm7 =	vmand vm5, vm6;
	v4 =	vsub.s32 v36, v0;
	[tilespmem:$0xB0] =	vst v3;
	v3 =	vnsel vm4, $0x0, v35  }
0x94: {  	v43 =	vld [tilespmem:$0x60];
	vm8 =	vgt.s32 v4, $0xFFFFFFFF;
	vm9 =	vlt.s32 v4, v1;
	[tilespmem:$0x30] =	vst v3;
	v3 =	vnsel vm7, $0x13F8, v40  }
0x95: {  	v5 =	vsub.s32 v39, v0;
	vm10 =	vmand vm8, vm9;
	[tilespmem:$0xC0] =	vst v3;
	v3 =	vnsel vm7, $0x0, v38  }
0x96: {  	v44 =	vld [tilespmem:$0x70];
	vm11 =	vgt.s32 v5, $0xFFFFFFFF;
	vm12 =	vlt.s32 v5, v1;
	[tilespmem:$0x40] =	vst v3;
	v3 =	vnsel vm10, $0x13F8, v4  }
0x97: {  	v7 =	vsub.s32 v42, v0;
	vm13 =	vmand vm11, vm12;
	[tilespmem:$0xD0] =	vst v3;
	v3 =	vnsel vm10, $0x0, v41  }
0x98: {  	vm14 =	vgt.s32 v7, $0xFFFFFFFF;
	vm15 =	vlt.s32 v7, v1;
	[tilespmem:$0x50] =	vst v3;
	v3 =	vnsel vm13, $0x13F8, v5  }
0x99: {  	vm4 =	vmand vm14, vm15;
	[tilespmem:$0xE0] =	vst v3;
	v3 =	vnsel vm13, $0x0, v43  }
0x9a: {  	[tilespmem:$0x60] =	vst v3;
	v3 =	vnsel vm4, $0x13F8, v7  }
0x9b: {  	[tilespmem:$0xF0] =	vst v3;
	v3 =	vnsel vm4, $0x0, v44  }
0x9c: {  	[tilespmem:$0x70] =	vst v3  }
0x9d: {  	[tilespmem:s16], [sflag:$0x1] =	stream.indirect.gather [hbm4b:s1+s18], $0x80, s4, s18, $0xb8;
	[tilespmem:$0x12200] =	vst v63  }
0x9e: {  	_ =	swait.ge [sflag:s24], $0x4000  }
0x9f: {  	[sflag:s24] =	ssyncset.done $0x0  }
0xa0: {  	[sflag:s24] =	ssyncadd.s32 $0xFFFFC000  }
0xa1: {  	[spmem:s3] =	stream.indirect.scatter.add.f32 [tilespmem:s21], [sflag:$0x4], $0x80, s20, s18, $0xb8;
	[tilespmem:$0x12200] =	vst v63  }
0xa2: {  	_ =	swait.ge [sflag:s25], $0x4000  }
0xa3: {  	[sflag:s25] =	ssyncset.done $0x0  }
0xa4: {  	s29 =	sadd.s32 $0x9F0, s29;
	[sflag:s25] =	ssyncadd.s32 $0xFFFFC000  }
0xa5: {  	[tilespmem:s19], [sflag:$0x5] =	stream.linear.gather [hbm4b:s29+s4], $0x80, $0x38;
	[tilespmem:$0x12200] =	vst v63  }
0xa6: {  	_ =	swait.ge [sflag:s17], $0x80  }
0xa7: {  	[sflag:s17] =	ssyncset.done $0x0  }
0xa8: {  	s31 =	sadd.s32 $0x9F0, s30;
	[sflag:s17] =	ssyncadd.s32 $0xFFFFFF80  }
0xa9: {  	[tilespmem:s20], [sflag:$0x5] =	stream.linear.gather [hbm4b:s31+s4], $0x80, $0x38;
	[tilespmem:$0x12200] =	vst v63  }
0xaa: {  	_ =	swait.ge [sflag:s17], $0x80  }
0xab: {  	[sflag:s17] =	ssyncset.done $0x0  }
0xac: {  	[sflag:s17] =	ssyncadd.s32 $0xFFFFFF80  }
0xad: {  	v3 =	vld [tilespmem:$0x4180]  }
0xae: {  	v45 =	vld [tilespmem:$0x4190]  }
0xaf: {  	v47 =	vld [tilespmem:$0x41A0]  }
0xb0: {  	v49 =	vld [tilespmem:$0x41B0];
	_ =	sdelay $0x1  }
0xb1: {  	v46 =	vld [tilespmem:$0x4100]  }
0xb2: {  	v48 =	vld [tilespmem:$0x4110];
	v3 =	vsub.s32 v3, v0  }
0xb3: {  	v50 =	vld [tilespmem:$0x4120];
	v4 =	vsub.s32 v45, v0;
	vm5 =	vgt.s32 v3, $0xFFFFFFFF;
	vm6 =	vlt.s32 v3, v1  }
0xb4: {  	v57 =	vld [tilespmem:$0x41E0];
	v52 =	vsub.s32 v47, v0;
	v55 =	vsub.s32 v49, v0;
	vm0 =	vmand vm5, vm6  }
0xb5: {  	v51 =	vld [tilespmem:$0x41C0];
	vm7 =	vgt.s32 v4, $0xFFFFFFFF;
	vm8 =	vlt.s32 v4, v1;
	v3 =	vnsel vm0, $0x13F8, v3  }
0xb6: {  	v53 =	vld [tilespmem:$0x4130];
	vm10 =	vgt.s32 v52, $0xFFFFFFFF;
	vm9 =	vmand vm7, vm8;
	[tilespmem:$0x4180] =	vst v3;
	v3 =	vnsel vm0, $0x0, v46  }
0xb7: {  	v61 =	vld [tilespmem:$0x4160];
	vm11 =	vlt.s32 v52, v1;
	vm13 =	vgt.s32 v55, $0xFFFFFFFF;
	[tilespmem:$0x4100] =	vst v3;
	v3 =	vnsel vm9, $0x13F8, v4  }
0xb8: {  	v54 =	vld [tilespmem:$0x41D0];
	vm14 =	vlt.s32 v55, v1;
	vm12 =	vmand vm10, vm11;
	[tilespmem:$0x4190] =	vst v3;
	v3 =	vnsel vm9, $0x0, v48  }
0xb9: {  	v5 =	vsub.s32 v57, v0;
	vm15 =	vmand vm13, vm14;
	[tilespmem:$0x4110] =	vst v3;
	v3 =	vnsel vm12, $0x13F8, v52  }
0xba: {  	v56 =	vld [tilespmem:$0x4140];
	vm10 =	vgt.s32 v5, $0xFFFFFFFF;
	vm11 =	vlt.s32 v5, v1;
	[tilespmem:$0x41A0] =	vst v3;
	v3 =	vnsel vm12, $0x0, v50  }
0xbb: {  	v60 =	vld [tilespmem:$0x41F0];
	v58 =	vsub.s32 v51, v0;
	vm12 =	vmand vm10, vm11;
	[tilespmem:$0x4120] =	vst v3;
	v3 =	vnsel vm15, $0x13F8, v55  }
0xbc: {  	v59 =	vld [tilespmem:$0x4150];
	vm4 =	vgt.s32 v58, $0xFFFFFFFF;
	vm5 =	vlt.s32 v58, v1;
	v63 =	vnsel vm12, $0x0, v61;
	[tilespmem:$0x41B0] =	vst v3  }
0xbd: {  	vm6 =	vmand vm4, vm5;
	v4 =	vsub.s32 v54, v0;
	v3 =	vnsel vm15, $0x0, v53;
	[tilespmem:$0x4160] =	vst v63  }
0xbe: {  	vm7 =	vgt.s32 v4, $0xFFFFFFFF;
	vm8 =	vlt.s32 v4, v1;
	[tilespmem:$0x4130] =	vst v3;
	v3 =	vnsel vm6, $0x13F8, v58  }
0xbf: {  	v62 =	vld [tilespmem:$0x4170];
	vm9 =	vmand vm7, vm8;
	[tilespmem:$0x41C0] =	vst v3;
	v3 =	vnsel vm6, $0x0, v56  }
0xc0: {  	v7 =	vsub.s32 v60, v0;
	[tilespmem:$0x4140] =	vst v3;
	v3 =	vnsel vm9, $0x13F8, v4  }
0xc1: {  	p0 =	sne.s32 s28, $0xFFFFFFE0;
	vm13 =	vgt.s32 v7, $0xFFFFFFFF;
	vm14 =	vlt.s32 v7, v1;
	[tilespmem:$0x41D0] =	vst v3;
	v3 =	vnsel vm9, $0x0, v59  }
.Ltmp1:
0xc2: {  	vm15 =	vmand vm13, vm14;
	[tilespmem:$0x4150] =	vst v3;
	v3 =	vnsel vm12, $0x13F8, v5;
	(pc) =	sbr.rel @p0 .LBB2_4-.Ltmp1, $4  }
0xc3: {  	[tilespmem:$0x41E0] =	vst v3;
	v3 =	vnsel vm15, $0x13F8, v7  }
0xc4: {  	[tilespmem:$0x41F0] =	vst v3;
	v3 =	vnsel vm15, $0x0, v62  }
0xc5: {  	s28 =	sadd.s32 $0x20, s28;
	[tilespmem:$0x4170] =	vst v3  }
0xc6: {  	[tilespmem:s21], [sflag:$0x3] =	stream.indirect.gather [hbm4b:s1+s18], $0x80, s19, s18, $0xb8;
	[tilespmem:$0x12200] =	vst v63  }
0xc7: {  	_ =	swait.ge [sflag:s22], $0x4000  }
0xc8: {  	[sflag:s22] =	ssyncset.done $0x0  }
0xc9: {  	[sflag:s22] =	ssyncadd.s32 $0xFFFFC000  }
0xca: {  	[spmem:s3] =	stream.indirect.scatter.add.f32 [tilespmem:s16], [sflag:$0x2], $0x80, s18, s18, $0xb8;
	[tilespmem:$0x12200] =	vst v63  }
0xcb: {  	_ =	swait.ge [sflag:s23], $0x4000  }
0xcc: {  	[sflag:s23] =	ssyncset.done $0x0  }
0xcd: {  	[sflag:s23] =	ssyncadd.s32 $0xFFFFC000  }
0xce: {  	_ =	swait.ge [sflag:s24], $0x4000  }
0xcf: {  	[sflag:s24] =	ssyncset.done $0x0  }
0xd0: {  	[sflag:s24] =	ssyncadd.s32 $0xFFFFC000  }
0xd1: {  	[spmem:s3] =	stream.indirect.scatter.add.f32 [tilespmem:s21], [sflag:$0x4], $0x80, s20, s18, $0xb8;
	[tilespmem:$0x12200] =	vst v63  }
0xd2: {  	_ =	swait.ge [sflag:s25], $0x4000  }
0xd3: {  	s28 =	sshll.u32 s2, $0x6;
	s26 =	sadd.s32 $0x1, s26;
	[sflag:s25] =	ssyncset.done $0x0  }
0xd4: {  	s29 =	sshrl.u32 s5, $0x3;
	p0 =	sne.s32 s26, s13;
	[sflag:s25] =	ssyncadd.s32 $0xFFFFC000  }
.Ltmp2:
0xd5: {  	s28 =	sor.u32 $0x1C05, s28;
	[bflag:$0x0] =	sbarrier.arrive $0xFFFF;
	(pc) =	sbr.rel @p0 .LBB2_1-.Ltmp2, $4  }
0xd6: {  	[hbm:s12], [sflag:s28] =	dma.local [spmem:s29], $0x1400  }
0xd7: {  	_ =	swait.ge [sflag:s17], $0x1400  }
0xd8: {  	[sflag:s17] =	ssyncset.done $0x0  }
0xd9: {  	[sflag:s17] =	ssyncadd.s32 $0xFFFFEC00  }
0xda: {  	_ =	sfence.sel $0x180000  }
0xdb: {  	[bflag:$0x0] =	sbarrier.arrive $0xFFFF  }
0xdc: {  	p0 =	sne.s32 s2, $0x0;
	_ =	strace $0x9000004A  }
0xdd: {  	s0 =	sadd.s32 @!p0 $0x100000, s0;
	[bflag:$0x2] =	sbarrier.arrive $0xFFFF  }
0xde: {  	[sflag:s0] =	ssyncadd.tile.s32 @!p0 $0x1;
	_ =	shalt  }
.Lfunc_end2:
_tile_overlayer_lowered:
.L_overlay_start_2:
0xdf: {  	(tag) =	ssettag $0x2  }
0xe0: {  	s0 =	rddreg [dreg:$0x0];
	s2 =	stileid.u32  }
0xe1: {  	s1 =	rddreg [dreg:$0x1];
	p0 =	sne.s32 s2, $0x0  }
0xe2: {  	s3 =	rddreg [dreg:$0x2];
	[bflag:$0x3] =	sbarrier.arrive $0xFFFF;
	s2 =	simm.s32 @!p0 $0x1C05  }
0xe3: {  	[timem:s3], [sflag:s2] =	dma.local @!p0 [hbm:s0], s1  }
0xe4: {  	s0 =	simm.s32 @!p0 $0x5  }
0xe5: {  	_ =	swait.ge @!p0 [sflag:s0], s1  }
0xe6: {  	s1 =	ssub.s32 @!p0 $0x0, s1;
	[sflag:s0] =	ssyncset.done @!p0 $0x0  }
0xe7: {  	[sflag:s0] =	ssyncadd.s32 @!p0 s1  }
0xe8: {  	[bflag:$0x3] =	sbarrier.arrive $0xFFFF  }
0xe9: {  	_ =	shalt  }

// kernel: kernel.14.cloned.1.call-start
scs
__scs_entry_jumppad:
0x0: {  	(pc) =	sbr.rel $0x88, $3  }
0x1: {  	(tag) =	ssettag $0x0;
	lr =	simm.s32 $0x1  }
0x2: {  	[smem:$0x3F9B] =	sst lr;
	_ =	strace $0xD0000000  }
0x3: {  	_ = 	snop  }
0x4: {  	_ = 	snop  }
0x5: {  	_ = 	snop  }
0x6: {  	_ = 	snop  }
0x7: {  	_ = 	snop  }
__scs_overlays_trampoline_lowered:
0x8: {  	[smem:$0x3FAA] =	sst s0  }
0x9: {  	[smem:$0x3FAB] =	sst s1  }
0xa: {  	[smem:$0x3FAC] =	sst s2  }
0xb: {  	[smem:$0x3FAD] =	sst s3  }
0xc: {  	[smem:$0x3FAE] =	sst s4  }
0xd: {  	[smem:$0x3FAF] =	sst s5  }
0xe: {  	[smem:$0x3FB0] =	sst s6  }
0xf: {  	[smem:$0x3FB1] =	sst s7  }
0x10: {  	[smem:$0x3FB2] =	sst s8  }
0x11: {  	[smem:$0x3FB3] =	sst s9;
	s0 =	simm.s32 @!p0 $0x0  }
0x12: {  	s1 =	sld [smem:$0x3F99];
	s0 =	simm.s32 @p0 $0x1  }
0x13: {  	[smem:$0x3FB4] =	sst s0;
	s0 =	simm.s32 @!p1 $0x0  }
0x14: {  	s2 =	sld [smem:$0x3F98];
	s0 =	simm.s32 @p1 $0x1  }
0x15: {  	[smem:$0x3FB5] =	sst s0;
	s0 =	simm.s32 @!p2 $0x0  }
0x16: {  	s3 =	sld [smem:$0x3FDB];
	s0 =	simm.s32 @p2 $0x1  }
0x17: {  	s4 =	simm.s32 $0x1BF5;
	[smem:$0x3FB7] =	sst s0  }
0x18: {  	s0 =	sld [smem:$0x3F9A];
	_ =	swait.ge [sflag:s4], $0x0  }
0x19: {  	s7 =	sld [smem:$0x3F9B]  }
0x1a: {  	s8 =	sadd.s32 $0xFFFFE003, lr  }
0x1b: {  	s9 =	sadd.s32 $0xFFFFFEF7, lr;
	s5 =	simm.s32 $0xFFFFFFFF;
	p2 =	slt.u32 s8, $0xFFFFF086  }
0x1c: {  	p1 =	slt.u32 s9, $0xF7A;
	s5 =	simm.s32 @!p2 $0x0  }
0x1d: {  	s5 =	simm.s32 @p1 $0x1;
	p0 =	seq.s32 s7, s2  }
0x1e: {  	s7 =	smul.u32 @!p0 $0xF7A, s2;
	p2 =	seq.s32 @!p0 s5, $0x0  }
0x1f: {  	s9 =	smul.u32 $0xF7A, s1;
	s8 =	simm.s32 @!p0 $0x1BF5;
	p2 =	por !p2, p0  }
0x20: {  	[sflag:s8] =	ssyncset.s32 @!p0 $0xFFFFF086;
	s6 =	sadd.s32 @!p0 s3, s7;
	s7 =	simm.s32 @!p0 $0x108  }
0x21: {  	s3 =	sadd.s32 s3, s9;
	s6 =	sadd.s32 @!p0 $0x88, s6;
	s7 =	simm.s32 @p2 $0x1082  }
0x22: {  	[simem:s7], [sflag:s8] =	dma.local @!p0 [hbm:s6], $0xF7A  }
0x23: {  	s9 =	sor.u32 $0xD0000000, s2;
	s6 =	simm.s32 $0x108;
	_ =	swait.ge @!p0 [sflag:s8], $0x0  }
0x24: {  	s3 =	sadd.s32 $0x88, s3;
	s6 =	simm.s32 @!p1 $0x1082;
	[sflag:s4] =	ssyncset.s32 $0xFFFFF086  }
0x25: {  	[simem:s6], [sflag:s4] =	dma.local [hbm:s3], $0xF7A  }
0x26: {  	[smem:$0x3F9B] =	sst s1;
	(tag) =	ssettag s2;
	_ =	strace s9  }
0x27: {  	s1 =	sld [smem:$0x3FAB]  }
0x28: {  	s2 =	sld [smem:$0x3FAC]  }
0x29: {  	s4 =	sld [smem:$0x3FAE]  }
0x2a: {  	p0 =	seq.s32 s5, $0x0;
	s5 =	sld [smem:$0x3FAF]  }
0x2b: {  	s6 =	sld [smem:$0x3FB0]  }
0x2c: {  	s7 =	sld [smem:$0x3FB1]  }
0x2d: {  	s3 =	simm.s32 $0x108;
	s8 =	sld [smem:$0x3FB2]  }
0x2e: {  	s3 =	simm.s32 @!p0 $0x1082;
	s9 =	sld [smem:$0x3FB3]  }
0x2f: {  	lr =	sadd.s32 s0, s3;
	s0 =	sld [smem:$0x3FAA]  }
0x30: {  	s3 =	sld [smem:$0x3FAD]  }
0x31: {  	[smem:$0x3FB6] =	sst s10  }
0x32: {  	s10 =	sld [smem:$0x3FB4];
	_ =	sdelay $0x3  }
0x33: {  	p0 =	seq.s32 s10, $0x1;
	s10 =	sld [smem:$0x3FB6];
	_ =	sdelay $0x3  }
0x34: {  	[smem:$0x3FB6] =	sst s10  }
0x35: {  	s10 =	sld [smem:$0x3FB5];
	_ =	sdelay $0x3  }
0x36: {  	p1 =	seq.s32 s10, $0x1;
	s10 =	sld [smem:$0x3FB6];
	_ =	sdelay $0x3  }
0x37: {  	[smem:$0x3FB6] =	sst s10  }
0x38: {  	s10 =	sld [smem:$0x3FB7]  }
0x39: {  	_ = 	snop;
	(pc) =	sbr.ind lr, $3  }
0x3a: {  	_ = 	snop  }
0x3b: {  	_ = 	snop  }
0x3c: {  	p2 =	seq.s32 s10, $0x1;
	s10 =	sld [smem:$0x3FB6]  }
0x3d: {  	_ =	shalt  }
0x3e: {  	_ =	shalt  }
0x3f: {  	_ =	shalt  }
0x40: {  	_ =	shalt  }
0x41: {  	_ =	shalt  }
0x42: {  	_ =	shalt  }
0x43: {  	_ =	shalt  }
0x44: {  	_ =	shalt  }
0x45: {  	_ =	shalt  }
0x46: {  	_ =	shalt  }
0x47: {  	_ =	shalt  }
0x48: {  	_ =	shalt  }
0x49: {  	_ =	shalt  }
0x4a: {  	_ =	shalt  }
0x4b: {  	_ =	shalt  }
0x4c: {  	_ =	shalt  }
0x4d: {  	_ =	shalt  }
0x4e: {  	_ =	shalt  }
0x4f: {  	_ =	shalt  }
0x50: {  	_ =	shalt  }
0x51: {  	_ =	shalt  }
0x52: {  	_ =	shalt  }
0x53: {  	_ =	shalt  }
0x54: {  	_ =	shalt  }
0x55: {  	_ =	shalt  }
0x56: {  	_ =	shalt  }
0x57: {  	_ =	shalt  }
0x58: {  	_ =	shalt  }
0x59: {  	_ =	shalt  }
0x5a: {  	_ =	shalt  }
0x5b: {  	_ =	shalt  }
0x5c: {  	_ =	shalt  }
0x5d: {  	_ =	shalt  }
0x5e: {  	_ =	shalt  }
0x5f: {  	_ =	shalt  }
0x60: {  	_ =	shalt  }
0x61: {  	_ =	shalt  }
0x62: {  	_ =	shalt  }
0x63: {  	_ =	shalt  }
0x64: {  	_ =	shalt  }
0x65: {  	_ =	shalt  }
0x66: {  	_ =	shalt  }
0x67: {  	_ =	shalt  }
0x68: {  	_ =	shalt  }
0x69: {  	_ =	shalt  }
0x6a: {  	_ =	shalt  }
0x6b: {  	_ =	shalt  }
0x6c: {  	_ =	shalt  }
0x6d: {  	_ =	shalt  }
0x6e: {  	_ =	shalt  }
0x6f: {  	_ =	shalt  }
0x70: {  	_ =	shalt  }
0x71: {  	_ =	shalt  }
0x72: {  	_ =	shalt  }
0x73: {  	_ =	shalt  }
0x74: {  	_ =	shalt  }
0x75: {  	_ =	shalt  }
0x76: {  	_ =	shalt  }
0x77: {  	_ =	shalt  }
0x78: {  	_ =	shalt  }
0x79: {  	_ =	shalt  }
0x7a: {  	_ =	shalt  }
0x7b: {  	_ =	shalt  }
0x7c: {  	_ =	shalt  }
0x7d: {  	_ =	shalt  }
0x7e: {  	_ =	shalt  }
0x7f: {  	_ =	shalt  }
0x80: {  	_ =	shalt  }
0x81: {  	_ =	shalt  }
0x82: {  	_ =	shalt  }
0x83: {  	_ =	shalt  }
0x84: {  	_ =	shalt  }
0x85: {  	_ =	shalt  }
0x86: {  	_ =	shalt  }
0x87: {  	_ =	shalt  }
.Lfunc_end0:
.L_simem_size_0:
called_computation.2_lowered:
.L_overlay_start_0:
0x88: {  	s2 =	sld [smem:$0x3FD9]  }
0x89: {  	s3 =	sld [smem:$0x3FFE];
	_ =	sdelay $0x1  }
0x8a: {  	s1 =	srdreg.scid  }
0x8b: {  	s0 =	sand.u32 $0x1, s1  }
0x8c: {  	s17 =	sshll.u32 s0, $0xA;
	s2 =	sadd.s32 s3, s2  }
0x8d: {  	s2 =	sadd.s32 s2, s17  }
0x8e: {  	[smem:$0x3FC2] =	sst s2  }
0x8f: {  	_ = 	snop  }
0x90: {  	s2 =	sld [smem:$0x3FD0];
	(tm) =	ssettm $0x1  }
0x91: {  	s18 =	sld [smem:$0x3FFB];
	_ =	sdelay $0x3  }
0x92: {  	_ =	strace s18  }
0x93: {  	s3 =	sld [smem:$0x3FFC];
	_ =	sdelay $0x3  }
0x94: {  	_ =	strace s3  }
0x95: {  	s3 =	sld [smem:$0x3FFD];
	_ =	sdelay $0x3  }
0x96: {  	_ =	strace s3  }
0x97: {  	_ =	strace $0x8FFFFFFF  }
0x98: {  	s19 =	sld [smem:$0x3FDB];
	_ =	sdelay $0x1  }
0x99: {  	s4 =	simm.s32 $_scs_section_size  }
0x9a: {  	s5 =	simm.s32 $_size__tile_overlayer_lowered;
	s6 =	simm.s32 $_tile_overlayer_lowered  }
0x9b: {  	s22 =	simm.s32 $0x1BFF;
	s21 =	sshll.u32 s6, $0x1;
	s3 =	sadd.s32 s4, s19  }
0x9c: {  	s7 =	simm.s32 $0x0;
	s20 =	sshll.u32 s5, $0x1;
	s5 =	sadd.s32 s21, s3  }
0x9d: {  	[timem:s7], [sflag:s22] =	dma.local [hbm:s5], s20  }
0x9e: {  	_ =	swait.ge [sflag:s22], s20  }
0x9f: {  	s4 =	ssub.s32 $0x0, s20;
	[sflag:s22] =	ssyncset.done $0x0  }
0xa0: {  	[sflag:s22] =	ssyncadd.s32 s4;
	_ =	sdelay $0x1  }
0xa1: {  	s23 =	simm.s32 $0x1B8B  }
0xa2: {  	_ =	swait.ge [sflag:s23], $0x1  }
0xa3: {  	[sflag:s23] =	ssyncset.done $0x0  }
0xa4: {  	s25 =	simm.s32 $0x1B8E;
	s24 =	sld [smem:$0x3FFE];
	[sflag:s23] =	ssyncadd.s32 $0xFFFFFFFF  }
0xa5: {  	s26 =	simm.s32 $execute0_lowered;
	[smem:$0x3FD2] =	sst s25  }
0xa6: {  	s5 =	sshll.u32 s26, $0x1;
	_ =	strace $0x8000004C;
	[dreg:$0x1] =	wrdreg $0xFFFFFFFF  }
0xa7: {  	s28 =	simm.s32 $_size_execute0_lowered;
	s3 =	sadd.s32 s3, s5;
	[dreg:$0x0] =	wrdreg $0x0  }
0xa8: {  	s5 =	sshll.u32 s28, $0x1;
	[dreg:$0x2] =	wrdreg s3  }
0xa9: {  	[dreg:$0x3] =	wrdreg s5  }
0xaa: {  	[dreg:$0x4] =	wrdreg $0xC0  }
0xab: {  	_ =	task [dreg:s7], $0x5FFFF  }
0xac: {  	[dreg:$0x1] =	wrdreg $0xFFFFFFFF  }
0xad: {  	[dreg:$0x0] =	wrdreg $0x60  }
0xae: {  	[dreg:$0x2] =	wrdreg s2  }
0xaf: {  	[dreg:$0x3] =	wrdreg s24  }
0xb0: {  	[dreg:$0x4] =	wrdreg $0x82000  }
0xb1: {  	[dreg:$0x5] =	wrdreg $0x9  }
0xb2: {  	_ =	task.clear_ibuf [dreg:s7], $0x6FFFF;
	_ =	strace $0x9000004C  }
0xb3: {  	s29 =	simm.s32 $0x9;
	_ =	strace $0x8000004E  }
0xb4: {  	_ =	swait.ge [sflag:s29], $0x1  }
0xb5: {  	[sflag:s29] =	ssyncadd.s32 $0xFFFFFFFF  }
0xb6: {  	_ =	strace $0x9000004E  }
0xb7: {  	_ =	sfence  }
0xb8: {  	s30 =	sld [smem:$0x0];
	_ =	sdelay $0x2  }
0xb9: {  	s31 =	sshll.u32 s1, $0xD;
	s1 =	sshrl.u32 s1, $0x2  }
0xba: {  	s3 =	sand.u32 $0x4000, s31;
	s1 =	sadd.s32 s1, s30  }
0xbb: {  	s0 =	sor.u32 s3, s0;
	s1 =	sshll.u32 s1, $0x11  }
0xbc: {  	s0 =	sor.u32 s1, s0  }
0xbd: {  	s0 =	sadd.s32 $0x8F2B, s0  }
0xbe: {  	[sflag:s0] =	ssyncadd.remote.s32 $0x1  }
0xbf: {  	_ =	sfence.sel $0xFFFF  }
0xc0: {  	[dreg:$0x0] =	wrdreg $0xFFFFFFFF;
	(pc) =	sbr.abs _section_cstart, $3  }
0xc1: {  	[dreg:$0x1] =	wrdreg $0xFFFFFFFF  }
0xc2: {  	_ =	task.clear_ibuf [dreg:s7], $0x2FFFF;
	_ =	strace $0x9FFFFFFF  }
0xc3: {  	(tm) =	ssettm $0x7FFFFFFF  }
tec
execute0_lowered:
.L_overlay_start_1:
0x0: {  	(tag) =	ssettag $0x1  }
0x1: {  	s1 =	rddreg [dreg:$0x0]  }
0x2: {  	s5 =	rddreg [dreg:$0x1]  }
0x3: {  	s3 =	rddreg [dreg:$0x2]  }
0x4: {  	s0 =	rddreg [dreg:$0x3];
	s6 =	srdreg.scid  }
0x5: {  	s2 =	stileid.u32;
	s4 =	simm.s32 $0x0;
	s18 =	simm.s32 $0x80  }
0x6: {  	s19 =	simm.s32 $0x4100;
	s20 =	simm.s32 $0x4180;
	s28 =	smul.u32 $0x1400, s2  }
0x7: {  	s21 =	simm.s32 $0x4200;
	s22 =	simm.s32 $0x1;
	s8 =	smul.u32 $0x28000, s2  }
0x8: {  	s23 =	simm.s32 $0x2;
	s26 =	simm.s32 $0x0;
	s11 =	smul.u32 $0x4F00, s2  }
0x9: {  	s9 =	sand.u32 $0x1, s6;
	[smem:$0x7FF] =	sst s4;
	s17 =	smul.u32 $0x9E0, s2  }
0xa: {  	s15 =	sadd.s32 $0x34800, s5;
	s14 =	sadd.s32 $0x2A00, s5;
	s7 =	smul.u32 $0x14000, s9  }
0xb: {  	_ =	strace $0x8000004D;
	s29 =	ssub.s32 $0x2, s9;
	s24 =	smul.u32 $0x1388, s9  }
0xc: {  	s31 =	smul.u32 $0x70, s9;
	s10 =	sshrl.u32 s29, $0x1;
	s8 =	sshrl.u32 s8, $0x2  }
0xd: {  	s30 =	sshrl.u32 s11, $0x3;
	s6 =	sadd.s32 s28, s7;
	s13 =	ssub.s32 s29, s10  }
0xe: {  	s9 =	sadd.s32 s14, s30;
	s16 =	sor.u32 $0x10, s30;
	s25 =	sor.u32 $0x1388, s31  }
0xf: {  	v0 =	vmov s24;
	s24 =	simm.s32 $0x3;
	s12 =	sadd.s32 s6, s5;
	s5 =	sadd.s32 s8, s3  }
0x10: {  	s8 =	sadd.s32 s15, s30;
	s10 =	sadd.s32 s15, s16;
	s11 =	sadd.s32 s14, s16  }
0x11: {  	s13 =	smax.u32 s13, $0x1;
	s14 =	sadd.s32 s17, s14;
	s15 =	sadd.s32 s17, s15  }
0x12: {  	s16 =	simm.s32 $0x100;
	s17 =	simm.s32 $0x5;
	v1 =	vmov s25;
	s25 =	simm.s32 $0x4  }
0x13: {  	v2 =	vimm.f32 $0.0e+00;
	s6 =	sadd.s32 $0x4000, s5;
	s7 =	sadd.s32 $0x8000, s5;
	s12 =	sadd.s32 $0xC800, s12  }
.LBB2_1:
0x14: {  	s28 =	simm.s32 $0x0;
	s29 =	simm.s32 $0x200  }
.LBB2_2:
0x15: {  	p0 =	sne.s32 s29, $0xFE00;
	[tilespmem:s28+$0x170] =	vst v2  }
0x16: {  	[tilespmem:s28+$0x100] =	vst v2  }
0x17: {  	[tilespmem:s28+$0x110] =	vst v2  }
.Ltmp0:
0x18: {  	[tilespmem:s28+$0x120] =	vst v2;
	(pc) =	sbr.rel @p0 .LBB2_2-.Ltmp0, $4  }
0x19: {  	[tilespmem:s28+$0x130] =	vst v2  }
0x1a: {  	[tilespmem:s28+$0x140] =	vst v2  }
0x1b: {  	[tilespmem:s28+$0x150] =	vst v2  }
0x1c: {  	[tilespmem:s28+$0x160] =	vst v2;
	s28 =	sshra.s32 s29, $0x2;
	s29 =	sadd.s32 $0x200, s29  }
0x1d: {  	[tilespmem:s28+$0x170] =	vst v2  }
0x1e: {  	[tilespmem:s28+$0x100] =	vst v2  }
0x1f: {  	[tilespmem:s28+$0x110] =	vst v2  }
0x20: {  	[tilespmem:s28+$0x120] =	vst v2  }
0x21: {  	[tilespmem:s28+$0x130] =	vst v2  }
0x22: {  	[tilespmem:s28+$0x140] =	vst v2  }
0x23: {  	[tilespmem:s28+$0x150] =	vst v2  }
0x24: {  	[tilespmem:s28+$0x160] =	vst v2  }
0x25: {  	[spmem:s5] =	stream.linear.scatter [tilespmem:s16], [sflag:$0x5], $0x4000, $0x38;
	[tilespmem:$0x12200] =	vst v63  }
0x26: {  	_ =	swait.ge [sflag:s17], $0x4000  }
0x27: {  	[sflag:s17] =	ssyncset.done $0x0  }
0x28: {  	[sflag:s17] =	ssyncadd.s32 $0xFFFFC000  }
0x29: {  	[spmem:s6] =	stream.linear.scatter [tilespmem:s16], [sflag:$0x5], $0x4000, $0x38;
	[tilespmem:$0x12200] =	vst v63  }
0x2a: {  	_ =	swait.ge [sflag:s17], $0x4000  }
0x2b: {  	[sflag:s17] =	ssyncset.done $0x0  }
0x2c: {  	[sflag:s17] =	ssyncadd.s32 $0xFFFFC000  }
0x2d: {  	[spmem:s7] =	stream.linear.scatter [tilespmem:s16], [sflag:$0x5], $0x2000, $0x38;
	[tilespmem:$0x12200] =	vst v63  }
0x2e: {  	_ =	swait.ge [sflag:s17], $0x2000  }
0x2f: {  	[sflag:s17] =	ssyncset.done $0x0  }
0x30: {  	[sflag:s17] =	ssyncadd.s32 $0xFFFFE000  }
0x31: {  	[bflag:$0x0] =	sbarrier.arrive $0xFFFF  }
0x32: {  	[tilespmem:s4], [sflag:$0x5] =	stream.linear.gather [hbm4b:s8+s4], $0x80, $0x38;
	[tilespmem:$0x12200] =	vst v63  }
0x33: {  	_ =	swait.ge [sflag:s17], $0x80  }
0x34: {  	[sflag:s17] =	ssyncset.done $0x0  }
0x35: {  	[sflag:s17] =	ssyncadd.s32 $0xFFFFFF80  }
0x36: {  	[tilespmem:s18], [sflag:$0x5] =	stream.linear.gather [hbm4b:s9+s4], $0x80, $0x38;
	[tilespmem:$0x12200] =	vst v63  }
0x37: {  	_ =	swait.ge [sflag:s17], $0x80  }
0x38: {  	[sflag:s17] =	ssyncset.done $0x0  }
0x39: {  	[sflag:s17] =	ssyncadd.s32 $0xFFFFFF80  }
0x3a: {  	v3 =	vld [tilespmem:$0x80];
	_ =	sdelay $0x1  }
0x3b: {  	v4 =	vld [tilespmem:$0x90]  }
0x3c: {  	v5 =	vld [tilespmem:$0x0]  }
0x3d: {  	v6 =	vld [tilespmem:$0xA0]  }
0x3e: {  	v7 =	vld [tilespmem:$0x10];
	v3 =	vsub.s32 v3, v0  }
0x3f: {  	v8 =	vld [tilespmem:$0xB0];
	vm0 =	vgt.s32 v3, $0xFFFFFFFF;
	vm1 =	vlt.s32 v3, v1  }
0x40: {  	v9 =	vld [tilespmem:$0x20];
	v4 =	vsub.s32 v4, v0;
	vm0 =	vmand vm0, vm1  }
0x41: {  	v10 =	vld [tilespmem:$0xC0];
	vm9 =	vgt.s32 v4, $0xFFFFFFFF;
	vm2 =	vlt.s32 v4, v1;
	v3 =	vnsel vm0, $0x13F8, v3  }
0x42: {  	v35 =	vld [tilespmem:$0x30];
	v34 =	vsub.s32 v6, v0;
	vm10 =	vmand vm9, vm2;
	[tilespmem:$0x80] =	vst v3;
	v3 =	vnsel vm0, $0x0, v5  }
0x43: {  	v36 =	vld [tilespmem:$0xD0];
	vm11 =	vgt.s32 v34, $0xFFFFFFFF;
	vm12 =	vlt.s32 v34, v1;
	[tilespmem:$0x0] =	vst v3;
	v3 =	vnsel vm10, $0x13F8, v4  }
0x44: {  	v38 =	vld [tilespmem:$0x40];
	v37 =	vsub.s32 v8, v0;
	vm13 =	vmand vm11, vm12;
	[tilespmem:$0x90] =	vst v3;
	v3 =	vnsel vm10, $0x0, v7  }
0x45: {  	v39 =	vld [tilespmem:$0xE0];
	vm14 =	vgt.s32 v37, $0xFFFFFFFF;
	vm15 =	vlt.s32 v37, v1;
	[tilespmem:$0x10] =	vst v3;
	v3 =	vnsel vm13, $0x13F8, v34  }
0x46: {  	v41 =	vld [tilespmem:$0x50];
	v40 =	vsub.s32 v10, v0;
	vm4 =	vmand vm14, vm15;
	[tilespmem:$0xA0] =	vst v3;
	v3 =	vnsel vm13, $0x0, v9  }
0x47: {  	v42 =	vld [tilespmem:$0xF0];
	vm5 =	vgt.s32 v40, $0xFFFFFFFF;
	vm6 =	vlt.s32 v40, v1;
	[tilespmem:$0x20] =	vst v3;
	v3 =	vnsel vm4, $0x13F8, v37  }
0x48: {  	vm7 =	vmand vm5, vm6;
	v4 =	vsub.s32 v36, v0;
	[tilespmem:$0xB0] =	vst v3;
	v3 =	vnsel vm4, $0x0, v35  }
0x49: {  	v43 =	vld [tilespmem:$0x60];
	vm8 =	vgt.s32 v4, $0xFFFFFFFF;
	vm9 =	vlt.s32 v4, v1;
	[tilespmem:$0x30] =	vst v3;
	v3 =	vnsel vm7, $0x13F8, v40  }
0x4a: {  	v5 =	vsub.s32 v39, v0;
	vm10 =	vmand vm8, vm9;
	[tilespmem:$0xC0] =	vst v3;
	v3 =	vnsel vm7, $0x0, v38  }
0x4b: {  	v44 =	vld [tilespmem:$0x70];
	vm11 =	vgt.s32 v5, $0xFFFFFFFF;
	vm12 =	vlt.s32 v5, v1;
	[tilespmem:$0x40] =	vst v3;
	v3 =	vnsel vm10, $0x13F8, v4  }
0x4c: {  	v7 =	vsub.s32 v42, v0;
	vm13 =	vmand vm11, vm12;
	[tilespmem:$0xD0] =	vst v3;
	v3 =	vnsel vm10, $0x0, v41  }
0x4d: {  	vm14 =	vgt.s32 v7, $0xFFFFFFFF;
	vm15 =	vlt.s32 v7, v1;
	[tilespmem:$0x50] =	vst v3;
	v3 =	vnsel vm13, $0x13F8, v5  }
0x4e: {  	vm4 =	vmand vm14, vm15;
	[tilespmem:$0xE0] =	vst v3;
	v3 =	vnsel vm13, $0x0, v43  }
0x4f: {  	[tilespmem:$0x60] =	vst v3;
	v3 =	vnsel vm4, $0x13F8, v7  }
0x50: {  	[tilespmem:$0xF0] =	vst v3;
	v3 =	vnsel vm4, $0x0, v44  }
0x51: {  	[tilespmem:$0x70] =	vst v3  }
0x52: {  	[tilespmem:s16], [sflag:$0x1] =	stream.indirect.gather [hbm4b:s1+s18], $0x80, s4, s18, $0xb8;
	[tilespmem:$0x12200] =	vst v63  }
0x53: {  	_ = 	snop  }
0x54: {  	[tilespmem:s19], [sflag:$0x5] =	stream.linear.gather [hbm4b:s10+s4], $0x80, $0x38;
	[tilespmem:$0x12200] =	vst v63  }
0x55: {  	_ =	swait.ge [sflag:s17], $0x80  }
0x56: {  	[sflag:s17] =	ssyncset.done $0x0  }
0x57: {  	[sflag:s17] =	ssyncadd.s32 $0xFFFFFF80  }
0x58: {  	[tilespmem:s20], [sflag:$0x5] =	stream.linear.gather [hbm4b:s11+s4], $0x80, $0x38;
	[tilespmem:$0x12200] =	vst v63  }
0x59: {  	_ =	swait.ge [sflag:s17], $0x80  }
0x5a: {  	[sflag:s17] =	ssyncset.done $0x0  }
0x5b: {  	[sflag:s17] =	ssyncadd.s32 $0xFFFFFF80  }
0x5c: {  	v3 =	vld [tilespmem:$0x4180]  }
0x5d: {  	v45 =	vld [tilespmem:$0x4190]  }
0x5e: {  	v47 =	vld [tilespmem:$0x41A0]  }
0x5f: {  	v49 =	vld [tilespmem:$0x41B0];
	_ =	sdelay $0x1  }
0x60: {  	v46 =	vld [tilespmem:$0x4100]  }
0x61: {  	v48 =	vld [tilespmem:$0x4110];
	v3 =	vsub.s32 v3, v0  }
0x62: {  	v50 =	vld [tilespmem:$0x4120];
	v4 =	vsub.s32 v45, v0;
	vm5 =	vgt.s32 v3, $0xFFFFFFFF;
	vm6 =	vlt.s32 v3, v1  }
0x63: {  	v57 =	vld [tilespmem:$0x41E0];
	v52 =	vsub.s32 v47, v0;
	v55 =	vsub.s32 v49, v0;
	vm0 =	vmand vm5, vm6  }
0x64: {  	v51 =	vld [tilespmem:$0x41C0];
	vm7 =	vgt.s32 v4, $0xFFFFFFFF;
	vm8 =	vlt.s32 v4, v1;
	v3 =	vnsel vm0, $0x13F8, v3  }
0x65: {  	v53 =	vld [tilespmem:$0x4130];
	vm10 =	vgt.s32 v52, $0xFFFFFFFF;
	vm9 =	vmand vm7, vm8;
	[tilespmem:$0x4180] =	vst v3;
	v3 =	vnsel vm0, $0x0, v46  }
0x66: {  	v61 =	vld [tilespmem:$0x4160];
	vm11 =	vlt.s32 v52, v1;
	vm13 =	vgt.s32 v55, $0xFFFFFFFF;
	[tilespmem:$0x4100] =	vst v3;
	v3 =	vnsel vm9, $0x13F8, v4  }
0x67: {  	v54 =	vld [tilespmem:$0x41D0];
	vm14 =	vlt.s32 v55, v1;
	vm12 =	vmand vm10, vm11;
	[tilespmem:$0x4190] =	vst v3;
	v3 =	vnsel vm9, $0x0, v48  }
0x68: {  	v5 =	vsub.s32 v57, v0;
	vm15 =	vmand vm13, vm14;
	[tilespmem:$0x4110] =	vst v3;
	v3 =	vnsel vm12, $0x13F8, v52  }
0x69: {  	v56 =	vld [tilespmem:$0x4140];
	vm10 =	vgt.s32 v5, $0xFFFFFFFF;
	vm11 =	vlt.s32 v5, v1;
	[tilespmem:$0x41A0] =	vst v3;
	v3 =	vnsel vm12, $0x0, v50  }
0x6a: {  	v60 =	vld [tilespmem:$0x41F0];
	v58 =	vsub.s32 v51, v0;
	vm12 =	vmand vm10, vm11;
	[tilespmem:$0x4120] =	vst v3;
	v3 =	vnsel vm15, $0x13F8, v55  }
0x6b: {  	v59 =	vld [tilespmem:$0x4150];
	vm4 =	vgt.s32 v58, $0xFFFFFFFF;
	vm5 =	vlt.s32 v58, v1;
	v63 =	vnsel vm12, $0x0, v61;
	[tilespmem:$0x41B0] =	vst v3  }
0x6c: {  	vm6 =	vmand vm4, vm5;
	v4 =	vsub.s32 v54, v0;
	v3 =	vnsel vm15, $0x0, v53;
	[tilespmem:$0x4160] =	vst v63  }
0x6d: {  	vm7 =	vgt.s32 v4, $0xFFFFFFFF;
	vm8 =	vlt.s32 v4, v1;
	[tilespmem:$0x4130] =	vst v3;
	v3 =	vnsel vm6, $0x13F8, v58  }
0x6e: {  	v62 =	vld [tilespmem:$0x4170];
	vm9 =	vmand vm7, vm8;
	[tilespmem:$0x41C0] =	vst v3;
	v3 =	vnsel vm6, $0x0, v56  }
0x6f: {  	v7 =	vsub.s32 v60, v0;
	[tilespmem:$0x4140] =	vst v3;
	v3 =	vnsel vm9, $0x13F8, v4  }
0x70: {  	vm13 =	vgt.s32 v7, $0xFFFFFFFF;
	vm14 =	vlt.s32 v7, v1;
	[tilespmem:$0x41D0] =	vst v3;
	v3 =	vnsel vm9, $0x0, v59  }
0x71: {  	vm15 =	vmand vm13, vm14;
	[tilespmem:$0x4150] =	vst v3;
	v3 =	vnsel vm12, $0x13F8, v5  }
0x72: {  	[tilespmem:$0x41E0] =	vst v3;
	v3 =	vnsel vm15, $0x13F8, v7  }
0x73: {  	[tilespmem:$0x41F0] =	vst v3;
	v3 =	vnsel vm15, $0x0, v62  }
0x74: {  	s28 =	simm.s32 $0xFFFFF640;
	[tilespmem:$0x4170] =	vst v3  }
0x75: {  	[tilespmem:s21], [sflag:$0x3] =	stream.indirect.gather [hbm4b:s1+s18], $0x80, s19, s18, $0xb8;
	[tilespmem:$0x12200] =	vst v63  }
.LBB2_4:
0x76: {  	_ =	swait.ge [sflag:s22], $0x4000  }
0x77: {  	[sflag:s22] =	ssyncset.done $0x0  }
0x78: {  	[sflag:s22] =	ssyncadd.s32 $0xFFFFC000  }
0x79: {  	[spmem:s3] =	stream.indirect.scatter.add.f32 [tilespmem:s16], [sflag:$0x2], $0x80, s18, s18, $0xb8;
	[tilespmem:$0x12200] =	vst v63  }
0x7a: {  	_ =	swait.ge [sflag:s23], $0x4000  }
0x7b: {  	s29 =	sadd.s32 s28, s15;
	[sflag:s23] =	ssyncset.done $0x0  }
0x7c: {  	s30 =	sadd.s32 $0x9E0, s29;
	[sflag:s23] =	ssyncadd.s32 $0xFFFFC000  }
0x7d: {  	[tilespmem:s4], [sflag:$0x5] =	stream.linear.gather [hbm4b:s30+s4], $0x80, $0x38;
	[tilespmem:$0x12200] =	vst v63  }
0x7e: {  	_ =	swait.ge [sflag:s17], $0x80  }
0x7f: {  	s30 =	sadd.s32 s28, s14;
	[sflag:s17] =	ssyncset.done $0x0  }
0x80: {  	s31 =	sadd.s32 $0x9E0, s30;
	[sflag:s17] =	ssyncadd.s32 $0xFFFFFF80  }
0x81: {  	[tilespmem:s18], [sflag:$0x5] =	stream.linear.gather [hbm4b:s31+s4], $0x80, $0x38;
	[tilespmem:$0x12200] =	vst v63  }
0x82: {  	_ =	swait.ge [sflag:s17], $0x80  }
0x83: {  	[sflag:s17] =	ssyncset.done $0x0  }
0x84: {  	[sflag:s17] =	ssyncadd.s32 $0xFFFFFF80  }
0x85: {  	v3 =	vld [tilespmem:$0x80];
	_ =	sdelay $0x1  }
0x86: {  	v4 =	vld [tilespmem:$0x90]  }
0x87: {  	v5 =	vld [tilespmem:$0x0]  }
0x88: {  	v6 =	vld [tilespmem:$0xA0]  }
0x89: {  	v7 =	vld [tilespmem:$0x10];
	v3 =	vsub.s32 v3, v0  }
0x8a: {  	v8 =	vld [tilespmem:$0xB0];
	vm0 =	vgt.s32 v3, $0xFFFFFFFF;
	vm1 =	vlt.s32 v3, v1  }
0x8b: {  	v9 =	vld [tilespmem:$0x20];
	v4 =	vsub.s32 v4, v0;
	vm0 =	vmand vm0, vm1  }
0x8c: {  	v10 =	vld [tilespmem:$0xC0];
	vm9 =	vgt.s32 v4, $0xFFFFFFFF;
	vm2 =	vlt.s32 v4, v1;
	v3 =	vnsel vm0, $0x13F8, v3  }
0x8d: {  	v35 =	vld [tilespmem:$0x30];
	v34 =	vsub.s32 v6, v0;
	vm10 =	vmand vm9, vm2;
	[tilespmem:$0x80] =	vst v3;
	v3 =	vnsel vm0, $0x0, v5  }
0x8e: {  	v36 =	vld [tilespmem:$0xD0];
	vm11 =	vgt.s32 v34, $0xFFFFFFFF;
	vm12 =	vlt.s32 v34, v1;
	[tilespmem:$0x0] =	vst v3;
	v3 =	vnsel vm10, $0x13F8, v4  }
0x8f: {  	v38 =	vld [tilespmem:$0x40];
	v37 =	vsub.s32 v8, v0;
	vm13 =	vmand vm11, vm12;
	[tilespmem:$0x90] =	vst v3;
	v3 =	vnsel vm10, $0x0, v7  }
0x90: {  	v39 =	vld [tilespmem:$0xE0];
	vm14 =	vgt.s32 v37, $0xFFFFFFFF;
	vm15 =	vlt.s32 v37, v1;
	[tilespmem:$0x10] =	vst v3;
	v3 =	vnsel vm13, $0x13F8, v34  }
0x91: {  	v41 =	vld [tilespmem:$0x50];
	v40 =	vsub.s32 v10, v0;
	vm4 =	vmand vm14, vm15;
	[tilespmem:$0xA0] =	vst v3;
	v3 =	vnsel vm13, $0x0, v9  }
0x92: {  	v42 =	vld [tilespmem:$0xF0];
	vm5 =	vgt.s32 v40, $0xFFFFFFFF;
	vm6 =	vlt.s32 v40, v1;
	[tilespmem:$0x20] =	vst v3;
	v3 =	vnsel vm4, $0x13F8, v37  }
0x93: {  	vm7 =	vmand vm5, vm6;
	v4 =	vsub.s32 v36, v0;
	[tilespmem:$0xB0] =	vst v3;
	v3 =	vnsel vm4, $0x0, v35  }
0x94: {  	v43 =	vld [tilespmem:$0x60];
	vm8 =	vgt.s32 v4, $0xFFFFFFFF;
	vm9 =	vlt.s32 v4, v1;
	[tilespmem:$0x30] =	vst v3;
	v3 =	vnsel vm7, $0x13F8, v40  }
0x95: {  	v5 =	vsub.s32 v39, v0;
	vm10 =	vmand vm8, vm9;
	[tilespmem:$0xC0] =	vst v3;
	v3 =	vnsel vm7, $0x0, v38  }
0x96: {  	v44 =	vld [tilespmem:$0x70];
	vm11 =	vgt.s32 v5, $0xFFFFFFFF;
	vm12 =	vlt.s32 v5, v1;
	[tilespmem:$0x40] =	vst v3;
	v3 =	vnsel vm10, $0x13F8, v4  }
0x97: {  	v7 =	vsub.s32 v42, v0;
	vm13 =	vmand vm11, vm12;
	[tilespmem:$0xD0] =	vst v3;
	v3 =	vnsel vm10, $0x0, v41  }
0x98: {  	vm14 =	vgt.s32 v7, $0xFFFFFFFF;
	vm15 =	vlt.s32 v7, v1;
	[tilespmem:$0x50] =	vst v3;
	v3 =	vnsel vm13, $0x13F8, v5  }
0x99: {  	vm4 =	vmand vm14, vm15;
	[tilespmem:$0xE0] =	vst v3;
	v3 =	vnsel vm13, $0x0, v43  }
0x9a: {  	[tilespmem:$0x60] =	vst v3;
	v3 =	vnsel vm4, $0x13F8, v7  }
0x9b: {  	[tilespmem:$0xF0] =	vst v3;
	v3 =	vnsel vm4, $0x0, v44  }
0x9c: {  	[tilespmem:$0x70] =	vst v3  }
0x9d: {  	[tilespmem:s16], [sflag:$0x1] =	stream.indirect.gather [hbm4b:s1+s18], $0x80, s4, s18, $0xb8;
	[tilespmem:$0x12200] =	vst v63  }
0x9e: {  	_ =	swait.ge [sflag:s24], $0x4000  }
0x9f: {  	[sflag:s24] =	ssyncset.done $0x0  }
0xa0: {  	[sflag:s24] =	ssyncadd.s32 $0xFFFFC000  }
0xa1: {  	[spmem:s3] =	stream.indirect.scatter.add.f32 [tilespmem:s21], [sflag:$0x4], $0x80, s20, s18, $0xb8;
	[tilespmem:$0x12200] =	vst v63  }
0xa2: {  	_ =	swait.ge [sflag:s25], $0x4000  }
0xa3: {  	[sflag:s25] =	ssyncset.done $0x0  }
0xa4: {  	s29 =	sadd.s32 $0x9F0, s29;
	[sflag:s25] =	ssyncadd.s32 $0xFFFFC000  }
0xa5: {  	[tilespmem:s19], [sflag:$0x5] =	stream.linear.gather [hbm4b:s29+s4], $0x80, $0x38;
	[tilespmem:$0x12200] =	vst v63  }
0xa6: {  	_ =	swait.ge [sflag:s17], $0x80  }
0xa7: {  	[sflag:s17] =	ssyncset.done $0x0  }
0xa8: {  	s31 =	sadd.s32 $0x9F0, s30;
	[sflag:s17] =	ssyncadd.s32 $0xFFFFFF80  }
0xa9: {  	[tilespmem:s20], [sflag:$0x5] =	stream.linear.gather [hbm4b:s31+s4], $0x80, $0x38;
	[tilespmem:$0x12200] =	vst v63  }
0xaa: {  	_ =	swait.ge [sflag:s17], $0x80  }
0xab: {  	[sflag:s17] =	ssyncset.done $0x0  }
0xac: {  	[sflag:s17] =	ssyncadd.s32 $0xFFFFFF80  }
0xad: {  	v3 =	vld [tilespmem:$0x4180]  }
0xae: {  	v45 =	vld [tilespmem:$0x4190]  }
0xaf: {  	v47 =	vld [tilespmem:$0x41A0]  }
0xb0: {  	v49 =	vld [tilespmem:$0x41B0];
	_ =	sdelay $0x1  }
0xb1: {  	v46 =	vld [tilespmem:$0x4100]  }
0xb2: {  	v48 =	vld [tilespmem:$0x4110];
	v3 =	vsub.s32 v3, v0  }
0xb3: {  	v50 =	vld [tilespmem:$0x4120];
	v4 =	vsub.s32 v45, v0;
	vm5 =	vgt.s32 v3, $0xFFFFFFFF;
	vm6 =	vlt.s32 v3, v1  }
0xb4: {  	v57 =	vld [tilespmem:$0x41E0];
	v52 =	vsub.s32 v47, v0;
	v55 =	vsub.s32 v49, v0;
	vm0 =	vmand vm5, vm6  }
0xb5: {  	v51 =	vld [tilespmem:$0x41C0];
	vm7 =	vgt.s32 v4, $0xFFFFFFFF;
	vm8 =	vlt.s32 v4, v1;
	v3 =	vnsel vm0, $0x13F8, v3  }
0xb6: {  	v53 =	vld [tilespmem:$0x4130];
	vm10 =	vgt.s32 v52, $0xFFFFFFFF;
	vm9 =	vmand vm7, vm8;
	[tilespmem:$0x4180] =	vst v3;
	v3 =	vnsel vm0, $0x0, v46  }
0xb7: {  	v61 =	vld [tilespmem:$0x4160];
	vm11 =	vlt.s32 v52, v1;
	vm13 =	vgt.s32 v55, $0xFFFFFFFF;
	[tilespmem:$0x4100] =	vst v3;
	v3 =	vnsel vm9, $0x13F8, v4  }
0xb8: {  	v54 =	vld [tilespmem:$0x41D0];
	vm14 =	vlt.s32 v55, v1;
	vm12 =	vmand vm10, vm11;
	[tilespmem:$0x4190] =	vst v3;
	v3 =	vnsel vm9, $0x0, v48  }
0xb9: {  	v5 =	vsub.s32 v57, v0;
	vm15 =	vmand vm13, vm14;
	[tilespmem:$0x4110] =	vst v3;
	v3 =	vnsel vm12, $0x13F8, v52  }
0xba: {  	v56 =	vld [tilespmem:$0x4140];
	vm10 =	vgt.s32 v5, $0xFFFFFFFF;
	vm11 =	vlt.s32 v5, v1;
	[tilespmem:$0x41A0] =	vst v3;
	v3 =	vnsel vm12, $0x0, v50  }
0xbb: {  	v60 =	vld [tilespmem:$0x41F0];
	v58 =	vsub.s32 v51, v0;
	vm12 =	vmand vm10, vm11;
	[tilespmem:$0x4120] =	vst v3;
	v3 =	vnsel vm15, $0x13F8, v55  }
0xbc: {  	v59 =	vld [tilespmem:$0x4150];
	vm4 =	vgt.s32 v58, $0xFFFFFFFF;
	vm5 =	vlt.s32 v58, v1;
	v63 =	vnsel vm12, $0x0, v61;
	[tilespmem:$0x41B0] =	vst v3  }
0xbd: {  	vm6 =	vmand vm4, vm5;
	v4 =	vsub.s32 v54, v0;
	v3 =	vnsel vm15, $0x0, v53;
	[tilespmem:$0x4160] =	vst v63  }
0xbe: {  	vm7 =	vgt.s32 v4, $0xFFFFFFFF;
	vm8 =	vlt.s32 v4, v1;
	[tilespmem:$0x4130] =	vst v3;
	v3 =	vnsel vm6, $0x13F8, v58  }
0xbf: {  	v62 =	vld [tilespmem:$0x4170];
	vm9 =	vmand vm7, vm8;
	[tilespmem:$0x41C0] =	vst v3;
	v3 =	vnsel vm6, $0x0, v56  }
0xc0: {  	v7 =	vsub.s32 v60, v0;
	[tilespmem:$0x4140] =	vst v3;
	v3 =	vnsel vm9, $0x13F8, v4  }
0xc1: {  	p0 =	sne.s32 s28, $0xFFFFFFE0;
	vm13 =	vgt.s32 v7, $0xFFFFFFFF;
	vm14 =	vlt.s32 v7, v1;
	[tilespmem:$0x41D0] =	vst v3;
	v3 =	vnsel vm9, $0x0, v59  }
.Ltmp1:
0xc2: {  	vm15 =	vmand vm13, vm14;
	[tilespmem:$0x4150] =	vst v3;
	v3 =	vnsel vm12, $0x13F8, v5;
	(pc) =	sbr.rel @p0 .LBB2_4-.Ltmp1, $4  }
0xc3: {  	[tilespmem:$0x41E0] =	vst v3;
	v3 =	vnsel vm15, $0x13F8, v7  }
0xc4: {  	[tilespmem:$0x41F0] =	vst v3;
	v3 =	vnsel vm15, $0x0, v62  }
0xc5: {  	s28 =	sadd.s32 $0x20, s28;
	[tilespmem:$0x4170] =	vst v3  }
0xc6: {  	[tilespmem:s21], [sflag:$0x3] =	stream.indirect.gather [hbm4b:s1+s18], $0x80, s19, s18, $0xb8;
	[tilespmem:$0x12200] =	vst v63  }
0xc7: {  	_ =	swait.ge [sflag:s22], $0x4000  }
0xc8: {  	[sflag:s22] =	ssyncset.done $0x0  }
0xc9: {  	[sflag:s22] =	ssyncadd.s32 $0xFFFFC000  }
0xca: {  	[spmem:s3] =	stream.indirect.scatter.add.f32 [tilespmem:s16], [sflag:$0x2], $0x80, s18, s18, $0xb8;
	[tilespmem:$0x12200] =	vst v63  }
0xcb: {  	_ =	swait.ge [sflag:s23], $0x4000  }
0xcc: {  	[sflag:s23] =	ssyncset.done $0x0  }
0xcd: {  	[sflag:s23] =	ssyncadd.s32 $0xFFFFC000  }
0xce: {  	_ =	swait.ge [sflag:s24], $0x4000  }
0xcf: {  	[sflag:s24] =	ssyncset.done $0x0  }
0xd0: {  	[sflag:s24] =	ssyncadd.s32 $0xFFFFC000  }
0xd1: {  	[spmem:s3] =	stream.indirect.scatter.add.f32 [tilespmem:s21], [sflag:$0x4], $0x80, s20, s18, $0xb8;
	[tilespmem:$0x12200] =	vst v63  }
0xd2: {  	_ =	swait.ge [sflag:s25], $0x4000  }
0xd3: {  	s28 =	sshll.u32 s2, $0x6;
	s26 =	sadd.s32 $0x1, s26;
	[sflag:s25] =	ssyncset.done $0x0  }
0xd4: {  	s29 =	sshrl.u32 s5, $0x3;
	p0 =	sne.s32 s26, s13;
	[sflag:s25] =	ssyncadd.s32 $0xFFFFC000  }
.Ltmp2:
0xd5: {  	s28 =	sor.u32 $0x1C05, s28;
	[bflag:$0x0] =	sbarrier.arrive $0xFFFF;
	(pc) =	sbr.rel @p0 .LBB2_1-.Ltmp2, $4  }
0xd6: {  	[hbm:s12], [sflag:s28] =	dma.local [spmem:s29], $0x1400  }
0xd7: {  	_ =	swait.ge [sflag:s17], $0x1400  }
0xd8: {  	[sflag:s17] =	ssyncset.done $0x0  }
0xd9: {  	[sflag:s17] =	ssyncadd.s32 $0xFFFFEC00  }
0xda: {  	_ =	sfence.sel $0x180000  }
0xdb: {  	[bflag:$0x0] =	sbarrier.arrive $0xFFFF  }
0xdc: {  	p0 =	sne.s32 s2, $0x0;
	_ =	strace $0x9000004D  }
0xdd: {  	s0 =	sadd.s32 @!p0 $0x100000, s0;
	[bflag:$0x2] =	sbarrier.arrive $0xFFFF  }
0xde: {  	[sflag:s0] =	ssyncadd.tile.s32 @!p0 $0x1;
	_ =	shalt  }
.Lfunc_end2:
_tile_overlayer_lowered:
.L_overlay_start_2:
0xdf: {  	(tag) =	ssettag $0x2  }
0xe0: {  	s0 =	rddreg [dreg:$0x0];
	s2 =	stileid.u32  }
0xe1: {  	s1 =	rddreg [dreg:$0x1];
	p0 =	sne.s32 s2, $0x0  }
0xe2: {  	s3 =	rddreg [dreg:$0x2];
	[bflag:$0x3] =	sbarrier.arrive $0xFFFF;
	s2 =	simm.s32 @!p0 $0x1C05  }
0xe3: {  	[timem:s3], [sflag:s2] =	dma.local @!p0 [hbm:s0], s1  }
0xe4: {  	s0 =	simm.s32 @!p0 $0x5  }
0xe5: {  	_ =	swait.ge @!p0 [sflag:s0], s1  }
0xe6: {  	s1 =	ssub.s32 @!p0 $0x0, s1;
	[sflag:s0] =	ssyncset.done @!p0 $0x0  }
0xe7: {  	[sflag:s0] =	ssyncadd.s32 @!p0 s1  }
0xe8: {  	[bflag:$0x3] =	sbarrier.arrive $0xFFFF  }
0xe9: {  	_ =	shalt  }

// kernel: kernel.8.cloned.1.call-start
scs
__scs_entry_jumppad:
0x0: {  	(pc) =	sbr.rel $0x88, $3  }
0x1: {  	(tag) =	ssettag $0x0;
	lr =	simm.s32 $0x1  }
0x2: {  	[smem:$0x3F9B] =	sst lr;
	_ =	strace $0xD0000000  }
0x3: {  	_ = 	snop  }
0x4: {  	_ = 	snop  }
0x5: {  	_ = 	snop  }
0x6: {  	_ = 	snop  }
0x7: {  	_ = 	snop  }
__scs_overlays_trampoline_lowered:
0x8: {  	[smem:$0x3FAA] =	sst s0  }
0x9: {  	[smem:$0x3FAB] =	sst s1  }
0xa: {  	[smem:$0x3FAC] =	sst s2  }
0xb: {  	[smem:$0x3FAD] =	sst s3  }
0xc: {  	[smem:$0x3FAE] =	sst s4  }
0xd: {  	[smem:$0x3FAF] =	sst s5  }
0xe: {  	[smem:$0x3FB0] =	sst s6  }
0xf: {  	[smem:$0x3FB1] =	sst s7  }
0x10: {  	[smem:$0x3FB2] =	sst s8  }
0x11: {  	[smem:$0x3FB3] =	sst s9;
	s0 =	simm.s32 @!p0 $0x0  }
0x12: {  	s1 =	sld [smem:$0x3F99];
	s0 =	simm.s32 @p0 $0x1  }
0x13: {  	[smem:$0x3FB4] =	sst s0;
	s0 =	simm.s32 @!p1 $0x0  }
0x14: {  	s2 =	sld [smem:$0x3F98];
	s0 =	simm.s32 @p1 $0x1  }
0x15: {  	[smem:$0x3FB5] =	sst s0;
	s0 =	simm.s32 @!p2 $0x0  }
0x16: {  	s3 =	sld [smem:$0x3FDB];
	s0 =	simm.s32 @p2 $0x1  }
0x17: {  	s4 =	simm.s32 $0x1BF5;
	[smem:$0x3FB7] =	sst s0  }
0x18: {  	s0 =	sld [smem:$0x3F9A];
	_ =	swait.ge [sflag:s4], $0x0  }
0x19: {  	s7 =	sld [smem:$0x3F9B]  }
0x1a: {  	s8 =	sadd.s32 $0xFFFFE003, lr  }
0x1b: {  	s9 =	sadd.s32 $0xFFFFFEF7, lr;
	s5 =	simm.s32 $0xFFFFFFFF;
	p2 =	slt.u32 s8, $0xFFFFF086  }
0x1c: {  	p1 =	slt.u32 s9, $0xF7A;
	s5 =	simm.s32 @!p2 $0x0  }
0x1d: {  	s5 =	simm.s32 @p1 $0x1;
	p0 =	seq.s32 s7, s2  }
0x1e: {  	s7 =	smul.u32 @!p0 $0xF7A, s2;
	p2 =	seq.s32 @!p0 s5, $0x0  }
0x1f: {  	s9 =	smul.u32 $0xF7A, s1;
	s8 =	simm.s32 @!p0 $0x1BF5;
	p2 =	por !p2, p0  }
0x20: {  	[sflag:s8] =	ssyncset.s32 @!p0 $0xFFFFF086;
	s6 =	sadd.s32 @!p0 s3, s7;
	s7 =	simm.s32 @!p0 $0x108  }
0x21: {  	s3 =	sadd.s32 s3, s9;
	s6 =	sadd.s32 @!p0 $0x88, s6;
	s7 =	simm.s32 @p2 $0x1082  }
0x22: {  	[simem:s7], [sflag:s8] =	dma.local @!p0 [hbm:s6], $0xF7A  }
0x23: {  	s9 =	sor.u32 $0xD0000000, s2;
	s6 =	simm.s32 $0x108;
	_ =	swait.ge @!p0 [sflag:s8], $0x0  }
0x24: {  	s3 =	sadd.s32 $0x88, s3;
	s6 =	simm.s32 @!p1 $0x1082;
	[sflag:s4] =	ssyncset.s32 $0xFFFFF086  }
0x25: {  	[simem:s6], [sflag:s4] =	dma.local [hbm:s3], $0xF7A  }
0x26: {  	[smem:$0x3F9B] =	sst s1;
	(tag) =	ssettag s2;
	_ =	strace s9  }
0x27: {  	s1 =	sld [smem:$0x3FAB]  }
0x28: {  	s2 =	sld [smem:$0x3FAC]  }
0x29: {  	s4 =	sld [smem:$0x3FAE]  }
0x2a: {  	p0 =	seq.s32 s5, $0x0;
	s5 =	sld [smem:$0x3FAF]  }
0x2b: {  	s6 =	sld [smem:$0x3FB0]  }
0x2c: {  	s7 =	sld [smem:$0x3FB1]  }
0x2d: {  	s3 =	simm.s32 $0x108;
	s8 =	sld [smem:$0x3FB2]  }
0x2e: {  	s3 =	simm.s32 @!p0 $0x1082;
	s9 =	sld [smem:$0x3FB3]  }
0x2f: {  	lr =	sadd.s32 s0, s3;
	s0 =	sld [smem:$0x3FAA]  }
0x30: {  	s3 =	sld [smem:$0x3FAD]  }
0x31: {  	[smem:$0x3FB6] =	sst s10  }
0x32: {  	s10 =	sld [smem:$0x3FB4];
	_ =	sdelay $0x3  }
0x33: {  	p0 =	seq.s32 s10, $0x1;
	s10 =	sld [smem:$0x3FB6];
	_ =	sdelay $0x3  }
0x34: {  	[smem:$0x3FB6] =	sst s10  }
0x35: {  	s10 =	sld [smem:$0x3FB5];
	_ =	sdelay $0x3  }
0x36: {  	p1 =	seq.s32 s10, $0x1;
	s10 =	sld [smem:$0x3FB6];
	_ =	sdelay $0x3  }
0x37: {  	[smem:$0x3FB6] =	sst s10  }
0x38: {  	s10 =	sld [smem:$0x3FB7]  }
0x39: {  	_ = 	snop;
	(pc) =	sbr.ind lr, $3  }
0x3a: {  	_ = 	snop  }
0x3b: {  	_ = 	snop  }
0x3c: {  	p2 =	seq.s32 s10, $0x1;
	s10 =	sld [smem:$0x3FB6]  }
0x3d: {  	_ =	shalt  }
0x3e: {  	_ =	shalt  }
0x3f: {  	_ =	shalt  }
0x40: {  	_ =	shalt  }
0x41: {  	_ =	shalt  }
0x42: {  	_ =	shalt  }
0x43: {  	_ =	shalt  }
0x44: {  	_ =	shalt  }
0x45: {  	_ =	shalt  }
0x46: {  	_ =	shalt  }
0x47: {  	_ =	shalt  }
0x48: {  	_ =	shalt  }
0x49: {  	_ =	shalt  }
0x4a: {  	_ =	shalt  }
0x4b: {  	_ =	shalt  }
0x4c: {  	_ =	shalt  }
0x4d: {  	_ =	shalt  }
0x4e: {  	_ =	shalt  }
0x4f: {  	_ =	shalt  }
0x50: {  	_ =	shalt  }
0x51: {  	_ =	shalt  }
0x52: {  	_ =	shalt  }
0x53: {  	_ =	shalt  }
0x54: {  	_ =	shalt  }
0x55: {  	_ =	shalt  }
0x56: {  	_ =	shalt  }
0x57: {  	_ =	shalt  }
0x58: {  	_ =	shalt  }
0x59: {  	_ =	shalt  }
0x5a: {  	_ =	shalt  }
0x5b: {  	_ =	shalt  }
0x5c: {  	_ =	shalt  }
0x5d: {  	_ =	shalt  }
0x5e: {  	_ =	shalt  }
0x5f: {  	_ =	shalt  }
0x60: {  	_ =	shalt  }
0x61: {  	_ =	shalt  }
0x62: {  	_ =	shalt  }
0x63: {  	_ =	shalt  }
0x64: {  	_ =	shalt  }
0x65: {  	_ =	shalt  }
0x66: {  	_ =	shalt  }
0x67: {  	_ =	shalt  }
0x68: {  	_ =	shalt  }
0x69: {  	_ =	shalt  }
0x6a: {  	_ =	shalt  }
0x6b: {  	_ =	shalt  }
0x6c: {  	_ =	shalt  }
0x6d: {  	_ =	shalt  }
0x6e: {  	_ =	shalt  }
0x6f: {  	_ =	shalt  }
0x70: {  	_ =	shalt  }
0x71: {  	_ =	shalt  }
0x72: {  	_ =	shalt  }
0x73: {  	_ =	shalt  }
0x74: {  	_ =	shalt  }
0x75: {  	_ =	shalt  }
0x76: {  	_ =	shalt  }
0x77: {  	_ =	shalt  }
0x78: {  	_ =	shalt  }
0x79: {  	_ =	shalt  }
0x7a: {  	_ =	shalt  }
0x7b: {  	_ =	shalt  }
0x7c: {  	_ =	shalt  }
0x7d: {  	_ =	shalt  }
0x7e: {  	_ =	shalt  }
0x7f: {  	_ =	shalt  }
0x80: {  	_ =	shalt  }
0x81: {  	_ =	shalt  }
0x82: {  	_ =	shalt  }
0x83: {  	_ =	shalt  }
0x84: {  	_ =	shalt  }
0x85: {  	_ =	shalt  }
0x86: {  	_ =	shalt  }
0x87: {  	_ =	shalt  }
.Lfunc_end0:
.L_simem_size_0:
called_computation_lowered:
.L_overlay_start_0:
0x88: {  	s2 =	sld [smem:$0x3FD9]  }
0x89: {  	s3 =	sld [smem:$0x3FFE];
	_ =	sdelay $0x1  }
0x8a: {  	s1 =	srdreg.scid  }
0x8b: {  	s0 =	sand.u32 $0x1, s1  }
0x8c: {  	s16 =	sshll.u32 s0, $0xA;
	s2 =	sadd.s32 s3, s2  }
0x8d: {  	s2 =	sadd.s32 s2, s16  }
0x8e: {  	[smem:$0x3FC2] =	sst s2  }
0x8f: {  	_ = 	snop  }
0x90: {  	(tm) =	ssettm $0x1  }
0x91: {  	s17 =	sld [smem:$0x3FFB];
	_ =	sdelay $0x3  }
0x92: {  	_ =	strace s17  }
0x93: {  	s2 =	sld [smem:$0x3FFC];
	_ =	sdelay $0x3  }
0x94: {  	_ =	strace s2  }
0x95: {  	s2 =	sld [smem:$0x3FFD];
	_ =	sdelay $0x3  }
0x96: {  	_ =	strace s2  }
0x97: {  	_ =	strace $0x8FFFFFFF  }
0x98: {  	s18 =	sld [smem:$0x3FDB];
	_ =	sdelay $0x1  }
0x99: {  	s19 =	simm.s32 $_scs_section_size  }
0x9a: {  	s4 =	simm.s32 $_size__tile_overlayer_lowered;
	s5 =	simm.s32 $_tile_overlayer_lowered  }
0x9b: {  	s22 =	simm.s32 $0x1BFF;
	s21 =	sshll.u32 s5, $0x1;
	s2 =	sadd.s32 s19, s18  }
0x9c: {  	s6 =	simm.s32 $0x0;
	s20 =	sshll.u32 s4, $0x1;
	s4 =	sadd.s32 s21, s2  }
0x9d: {  	[timem:s6], [sflag:s22] =	dma.local [hbm:s4], s20  }
0x9e: {  	_ =	swait.ge [sflag:s22], s20  }
0x9f: {  	s3 =	ssub.s32 $0x0, s20;
	[sflag:s22] =	ssyncset.done $0x0  }
0xa0: {  	[sflag:s22] =	ssyncadd.s32 s3;
	_ =	sdelay $0x1  }
0xa1: {  	s23 =	simm.s32 $0x1B8B  }
0xa2: {  	_ =	swait.ge [sflag:s23], $0x1  }
0xa3: {  	[sflag:s23] =	ssyncset.done $0x0  }
0xa4: {  	s25 =	simm.s32 $0x1B8E;
	s24 =	sld [smem:$0x3FFE];
	[sflag:s23] =	ssyncadd.s32 $0xFFFFFFFF  }
0xa5: {  	s26 =	simm.s32 $execute0_lowered;
	[smem:$0x3FD2] =	sst s25  }
0xa6: {  	s4 =	sshll.u32 s26, $0x1;
	_ =	strace $0x80000046;
	[dreg:$0x1] =	wrdreg $0xFFFFFFFF  }
0xa7: {  	s28 =	simm.s32 $_size_execute0_lowered;
	s2 =	sadd.s32 s2, s4;
	[dreg:$0x0] =	wrdreg $0x0  }
0xa8: {  	s4 =	sshll.u32 s28, $0x1;
	[dreg:$0x2] =	wrdreg s2  }
0xa9: {  	[dreg:$0x3] =	wrdreg s4  }
0xaa: {  	[dreg:$0x4] =	wrdreg $0xC0  }
0xab: {  	_ =	task [dreg:s6], $0x5FFFF  }
0xac: {  	[dreg:$0x1] =	wrdreg $0xFFFFFFFF  }
0xad: {  	[dreg:$0x0] =	wrdreg $0x60  }
0xae: {  	[dreg:$0x2] =	wrdreg s24  }
0xaf: {  	[dreg:$0x3] =	wrdreg $0x42000  }
0xb0: {  	[dreg:$0x4] =	wrdreg $0x9  }
0xb1: {  	_ =	task.clear_ibuf [dreg:s6], $0x5FFFF;
	_ =	strace $0x90000046  }
0xb2: {  	s29 =	simm.s32 $0x9;
	_ =	strace $0x80000048  }
0xb3: {  	_ =	swait.ge [sflag:s29], $0x1  }
0xb4: {  	[sflag:s29] =	ssyncadd.s32 $0xFFFFFFFF  }
0xb5: {  	_ =	strace $0x90000048  }
0xb6: {  	_ =	sfence  }
0xb7: {  	s30 =	sld [smem:$0x0];
	_ =	sdelay $0x2  }
0xb8: {  	s31 =	sshll.u32 s1, $0xD;
	s1 =	sshrl.u32 s1, $0x2  }
0xb9: {  	s3 =	sand.u32 $0x4000, s31;
	s1 =	sadd.s32 s1, s30  }
0xba: {  	s0 =	sor.u32 s3, s0;
	s1 =	sshll.u32 s1, $0x11  }
0xbb: {  	s0 =	sor.u32 s1, s0  }
0xbc: {  	s0 =	sadd.s32 $0x8F2B, s0  }
0xbd: {  	[sflag:s0] =	ssyncadd.remote.s32 $0x1  }
0xbe: {  	_ =	sfence.sel $0xFFFF  }
0xbf: {  	[dreg:$0x0] =	wrdreg $0xFFFFFFFF;
	(pc) =	sbr.abs _section_cstart, $3  }
0xc0: {  	[dreg:$0x1] =	wrdreg $0xFFFFFFFF  }
0xc1: {  	_ =	task.clear_ibuf [dreg:s6], $0x2FFFF;
	_ =	strace $0x9FFFFFFF  }
0xc2: {  	(tm) =	ssettm $0x7FFFFFFF  }
0xc3: {  	_ =	shalt  }
tec
execute0_lowered:
.L_overlay_start_1:
0x0: {  	(tag) =	ssettag $0x1  }
0x1: {  	s5 =	rddreg [dreg:$0x0];
	s1 =	srdreg.scid  }
0x2: {  	s0 =	stileid.u32;
	s2 =	rddreg [dreg:$0x1];
	s3 =	simm.s32 $0x0  }
0x3: {  	s17 =	simm.s32 $0x5;
	s18 =	simm.s32 $0x80;
	s4 =	smul.u32 $0x1400, s0  }
0x4: {  	s19 =	simm.s32 $0x1;
	s21 =	simm.s32 $0x180;
	s7 =	smul.u32 $0x28000, s0  }
0x5: {  	s22 =	simm.s32 $0x3;
	s12 =	sand.u32 $0x1, s1;
	s11 =	smul.u32 $0x4F00, s0  }
0x6: {  	s24 =	simm.s32 $0x4;
	s1 =	rddreg [dreg:$0x2];
	s6 =	smul.u32 $0x14000, s12  }
0x7: {  	s25 =	simm.s32 $0x0;
	[smem:$0x7FF] =	sst s3;
	s13 =	smul.u32 $0x70, s12  }
0x8: {  	_ =	strace $0x80000047;
	s29 =	ssub.s32 $0x2, s12;
	s20 =	smul.u32 $0x1388, s12  }
0x9: {  	s30 =	sshrl.u32 s29, $0x1;
	s7 =	sshrl.u32 s7, $0x2;
	s8 =	sshrl.u32 s11, $0x3  }
0xa: {  	s10 =	sadd.s32 $0x100, s11;
	s11 =	sadd.s32 $0x180, s11;
	s6 =	sadd.s32 s4, s6  }
0xb: {  	s4 =	sadd.s32 $0x2A00, s5;
	s15 =	ssub.s32 s29, s30;
	s31 =	sshrl.u32 s10, $0x3  }
0xc: {  	s16 =	sshrl.u32 s11, $0x3;
	s23 =	sor.u32 $0x1388, s13;
	v0 =	vmov s20;
	s20 =	simm.s32 $0x100  }
0xd: {  	s14 =	sadd.s32 s6, s5;
	s5 =	sadd.s32 s7, s2;
	s6 =	sadd.s32 s4, s8  }
0xe: {  	s12 =	sadd.s32 s4, s31;
	s13 =	sadd.s32 s4, s16;
	s15 =	smax.u32 s15, $0x1  }
0xf: {  	s16 =	simm.s32 $0x200;
	v1 =	vmov s23;
	s23 =	simm.s32 $0x2;
	s7 =	sadd.s32 $0x4000, s5  }
0x10: {  	v2 =	vimm.f32 $0.0e+00;
	v3 =	vimm.f32 $1.000000000e+00;
	s8 =	sadd.s32 $0x8000, s5;
	s9 =	sadd.s32 $0x10, s6;
	s14 =	sadd.s32 $0xC800, s14  }
.LBB2_1:
0x11: {  	s26 =	simm.s32 $0x0;
	s28 =	simm.s32 $0x200  }
.LBB2_2:
0x12: {  	p0 =	sne.s32 s28, $0xFE00;
	[tilespmem:s26+$0x270] =	vst v2  }
0x13: {  	[tilespmem:s26+$0x200] =	vst v2  }
0x14: {  	[tilespmem:s26+$0x210] =	vst v2  }
.Ltmp0:
0x15: {  	[tilespmem:s26+$0x220] =	vst v2;
	(pc) =	sbr.rel @p0 .LBB2_2-.Ltmp0, $4  }
0x16: {  	[tilespmem:s26+$0x230] =	vst v2  }
0x17: {  	[tilespmem:s26+$0x240] =	vst v2  }
0x18: {  	[tilespmem:s26+$0x250] =	vst v2  }
0x19: {  	[tilespmem:s26+$0x260] =	vst v2;
	s26 =	sshra.s32 s28, $0x2;
	s28 =	sadd.s32 $0x200, s28  }
0x1a: {  	[tilespmem:s26+$0x270] =	vst v2  }
0x1b: {  	[tilespmem:s26+$0x200] =	vst v2  }
0x1c: {  	[tilespmem:s26+$0x210] =	vst v2  }
0x1d: {  	[tilespmem:s26+$0x220] =	vst v2  }
0x1e: {  	[tilespmem:s26+$0x230] =	vst v2  }
0x1f: {  	[tilespmem:s26+$0x240] =	vst v2  }
0x20: {  	[tilespmem:s26+$0x250] =	vst v2  }
0x21: {  	[tilespmem:s26+$0x260] =	vst v2  }
0x22: {  	[spmem:s5] =	stream.linear.scatter [tilespmem:s16], [sflag:$0x5], $0x4000, $0x38;
	[tilespmem:$0xE200] =	vst v63  }
0x23: {  	_ =	swait.ge [sflag:s17], $0x4000  }
0x24: {  	[sflag:s17] =	ssyncset.done $0x0  }
0x25: {  	[sflag:s17] =	ssyncadd.s32 $0xFFFFC000  }
0x26: {  	[spmem:s7] =	stream.linear.scatter [tilespmem:s16], [sflag:$0x5], $0x4000, $0x38;
	[tilespmem:$0xE200] =	vst v63  }
0x27: {  	_ =	swait.ge [sflag:s17], $0x4000  }
0x28: {  	[sflag:s17] =	ssyncset.done $0x0  }
0x29: {  	[sflag:s17] =	ssyncadd.s32 $0xFFFFC000  }
0x2a: {  	[spmem:s8] =	stream.linear.scatter [tilespmem:s16], [sflag:$0x5], $0x2000, $0x38;
	[tilespmem:$0xE200] =	vst v63  }
0x2b: {  	_ =	swait.ge [sflag:s17], $0x2000  }
0x2c: {  	[sflag:s17] =	ssyncset.done $0x0  }
0x2d: {  	s26 =	simm.s32 $0x200;
	s28 =	simm.s32 $0x0;
	[sflag:s17] =	ssyncadd.s32 $0xFFFFE000  }
.LBB2_4:
0x2e: {  	p0 =	sne.s32 s26, $0xFE00;
	[tilespmem:s28+$0x200] =	vst v3;
	s28 =	smov.u32 s26;
	s26 =	sadd.s32 $0x200, s26  }
.Ltmp1:
0x2f: {  	(pc) =	sbr.rel @p0 .LBB2_4-.Ltmp1, $2  }
0x30: {  	_ =	sdelay $0x2  }
0x31: {  	s28 =	sshra.s32 s28, $0x2  }
0x32: {  	[tilespmem:s28+$0x200] =	vst v3  }
0x33: {  	[bflag:$0x0] =	sbarrier.arrive $0xFFFF  }
0x34: {  	[tilespmem:s3], [sflag:$0x1] =	stream.linear.gather [hbm4b:s6+s3], $0x80, $0x38;
	[tilespmem:$0xE200] =	vst v63  }
0x35: {  	_ = 	snop  }
0x36: {  	[tilespmem:s18], [sflag:$0x2] =	stream.linear.gather [hbm4b:s9+s3], $0x80, $0x38;
	[tilespmem:$0xE200] =	vst v63  }
0x37: {  	_ =	swait.ge [sflag:s19], $0x80  }
0x38: {  	[sflag:s19] =	ssyncset.done $0x0  }
0x39: {  	[sflag:s19] =	ssyncadd.s32 $0xFFFFFF80  }
0x3a: {  	v4 =	vld [tilespmem:$0x0]  }
0x3b: {  	v5 =	vld [tilespmem:$0x10]  }
0x3c: {  	v6 =	vld [tilespmem:$0x20]  }
0x3d: {  	v7 =	vld [tilespmem:$0x30]  }
0x3e: {  	v8 =	vld [tilespmem:$0x40]  }
0x3f: {  	v9 =	vld [tilespmem:$0x50];
	_ =	sdelay $0x2  }
0x40: {  	v4 =	vsub.s32 v4, v0  }
0x41: {  	v5 =	vsub.s32 v5, v0;
	v6 =	vsub.s32 v6, v0;
	v7 =	vsub.s32 v7, v0  }
0x42: {  	v8 =	vsub.s32 v8, v0;
	v9 =	vsub.s32 v9, v0;
	vm0 =	vgt.s32 v4, $0xFFFFFFFF  }
0x43: {  	vm1 =	vlt.s32 v4, v1;
	vm2 =	vlt.s32 v5, v1;
	vm3 =	vgt.s32 v6, $0xFFFFFFFF  }
0x44: {  	vm4 =	vlt.s32 v6, v1;
	vm0 =	vmand vm0, vm1;
	vm1 =	vgt.s32 v5, $0xFFFFFFFF  }
0x45: {  	v10 =	vld [tilespmem:$0x60];
	vm13 =	vlt.s32 v9, v1;
	v4 =	vnsel vm0, $0x13F8, v4;
	vm0 =	vmand vm1, vm2  }
0x46: {  	v11 =	vld [tilespmem:$0x70];
	vm1 =	vmand vm3, vm4;
	vm2 =	vlt.s32 v8, v1;
	v5 =	vnsel vm0, $0x13F8, v5  }
0x47: {  	v6 =	vnsel vm1, $0x13F8, v6;
	vm0 =	vgt.s32 v7, $0xFFFFFFFF;
	vm1 =	vlt.s32 v7, v1  }
0x48: {  	vm3 =	vgt.s32 v9, $0xFFFFFFFF;
	[tilespmem:$0x100] =	vst v4;
	vm0 =	vmand vm0, vm1;
	vm1 =	vgt.s32 v8, $0xFFFFFFFF  }
0x49: {  	[tilespmem:$0x110] =	vst v5;
	v4 =	vnsel vm0, $0x13F8, v7;
	vm0 =	vmand vm1, vm2;
	vm1 =	vmand vm3, vm13  }
0x4a: {  	[tilespmem:$0x120] =	vst v6;
	v7 =	vsub.s32 v10, v0;
	v5 =	vnsel vm0, $0x13F8, v8;
	v6 =	vnsel vm1, $0x13F8, v9  }
0x4b: {  	[tilespmem:$0x130] =	vst v4;
	vm0 =	vgt.s32 v7, $0xFFFFFFFF;
	vm1 =	vlt.s32 v7, v1;
	v4 =	vsub.s32 v11, v0  }
0x4c: {  	[tilespmem:$0x140] =	vst v5;
	vm0 =	vmand vm0, vm1;
	vm1 =	vgt.s32 v4, $0xFFFFFFFF;
	vm2 =	vlt.s32 v4, v1  }
0x4d: {  	[tilespmem:$0x150] =	vst v6;
	v5 =	vnsel vm0, $0x13F8, v7;
	vm0 =	vmand vm1, vm2  }
0x4e: {  	[tilespmem:$0x160] =	vst v5;
	v4 =	vnsel vm0, $0x13F8, v4  }
0x4f: {  	[tilespmem:$0x170] =	vst v4  }
0x50: {  	[spmem:s2] =	stream.indirect.scatter.add.f32 [tilespmem:s16], [sflag:$0x3], $0x80, s20, s18, $0xb8;
	[tilespmem:$0xE200] =	vst v63  }
0x51: {  	s26 =	simm.s32 $0x2  }
0x52: {  	[tilespmem:s3], [sflag:$0x1] =	stream.linear.gather [hbm4b:s12+s3], $0x80, $0x38;
	[tilespmem:$0xE200] =	vst v63  }
0x53: {  	_ =	swait.ge [sflag:s26], $0x80  }
0x54: {  	[sflag:s26] =	ssyncset.done $0x0  }
0x55: {  	[sflag:s26] =	ssyncadd.s32 $0xFFFFFF80  }
0x56: {  	v4 =	vld [tilespmem:$0x80]  }
0x57: {  	v5 =	vld [tilespmem:$0x90]  }
0x58: {  	v6 =	vld [tilespmem:$0xA0]  }
0x59: {  	v7 =	vld [tilespmem:$0xB0]  }
0x5a: {  	v8 =	vld [tilespmem:$0xC0]  }
0x5b: {  	v9 =	vld [tilespmem:$0xD0];
	_ =	sdelay $0x2  }
0x5c: {  	v4 =	vsub.s32 v4, v0  }
0x5d: {  	v5 =	vsub.s32 v5, v0;
	v6 =	vsub.s32 v6, v0;
	v7 =	vsub.s32 v7, v0  }
0x5e: {  	v8 =	vsub.s32 v8, v0;
	v9 =	vsub.s32 v9, v0;
	vm0 =	vgt.s32 v4, $0xFFFFFFFF  }
0x5f: {  	vm1 =	vlt.s32 v4, v1;
	vm2 =	vlt.s32 v5, v1;
	vm3 =	vgt.s32 v6, $0xFFFFFFFF  }
0x60: {  	vm14 =	vlt.s32 v6, v1;
	vm0 =	vmand vm0, vm1;
	vm1 =	vgt.s32 v5, $0xFFFFFFFF  }
0x61: {  	v10 =	vld [tilespmem:$0xE0];
	vm15 =	vlt.s32 v9, v1;
	v4 =	vnsel vm0, $0x13F8, v4;
	vm0 =	vmand vm1, vm2  }
0x62: {  	v11 =	vld [tilespmem:$0xF0];
	vm1 =	vmand vm3, vm14;
	vm2 =	vlt.s32 v8, v1;
	v5 =	vnsel vm0, $0x13F8, v5  }
0x63: {  	v6 =	vnsel vm1, $0x13F8, v6;
	vm0 =	vgt.s32 v7, $0xFFFFFFFF;
	vm1 =	vlt.s32 v7, v1  }
0x64: {  	vm3 =	vgt.s32 v9, $0xFFFFFFFF;
	[tilespmem:$0x180] =	vst v4;
	vm0 =	vmand vm0, vm1;
	vm1 =	vgt.s32 v8, $0xFFFFFFFF  }
0x65: {  	[tilespmem:$0x190] =	vst v5;
	v4 =	vnsel vm0, $0x13F8, v7;
	vm0 =	vmand vm1, vm2;
	vm1 =	vmand vm3, vm15  }
0x66: {  	[tilespmem:$0x1A0] =	vst v6;
	v7 =	vsub.s32 v10, v0;
	v5 =	vnsel vm0, $0x13F8, v8;
	v6 =	vnsel vm1, $0x13F8, v9  }
0x67: {  	[tilespmem:$0x1B0] =	vst v4;
	vm0 =	vgt.s32 v7, $0xFFFFFFFF;
	vm1 =	vlt.s32 v7, v1;
	v4 =	vsub.s32 v11, v0  }
0x68: {  	[tilespmem:$0x1C0] =	vst v5;
	vm0 =	vmand vm0, vm1;
	vm1 =	vgt.s32 v4, $0xFFFFFFFF;
	vm2 =	vlt.s32 v4, v1  }
0x69: {  	[tilespmem:$0x1D0] =	vst v6;
	v5 =	vnsel vm0, $0x13F8, v7;
	vm0 =	vmand vm1, vm2  }
0x6a: {  	[tilespmem:$0x1E0] =	vst v5;
	v4 =	vnsel vm0, $0x13F8, v4  }
0x6b: {  	[tilespmem:$0x1F0] =	vst v4  }
0x6c: {  	[spmem:s2] =	stream.indirect.scatter.add.f32 [tilespmem:s16], [sflag:$0x4], $0x80, s21, s18, $0xb8;
	[tilespmem:$0xE200] =	vst v63  }
0x6d: {  	_ = 	snop  }
0x6e: {  	[tilespmem:s18], [sflag:$0x2] =	stream.linear.gather [hbm4b:s13+s3], $0x80, $0x38;
	[tilespmem:$0xE200] =	vst v63  }
0x6f: {  	_ =	swait.ge [sflag:s19], $0x80  }
0x70: {  	[sflag:s19] =	ssyncset.done $0x0  }
0x71: {  	[sflag:s19] =	ssyncadd.s32 $0xFFFFFF80  }
0x72: {  	_ =	swait.ge [sflag:s22], $0x4000  }
0x73: {  	[sflag:s22] =	ssyncset.done $0x0  }
0x74: {  	[sflag:s22] =	ssyncadd.s32 $0xFFFFC000  }
0x75: {  	v4 =	vld [tilespmem:$0x0]  }
0x76: {  	v5 =	vld [tilespmem:$0x30]  }
0x77: {  	v6 =	vld [tilespmem:$0x20]  }
0x78: {  	v10 =	vld [tilespmem:$0x60]  }
0x79: {  	v11 =	vld [tilespmem:$0x40]  }
0x7a: {  	v7 =	vld [tilespmem:$0x10];
	v4 =	vsub.s32 v4, v0  }
0x7b: {  	v8 =	vld [tilespmem:$0x50];
	v5 =	vsub.s32 v5, v0;
	vm0 =	vgt.s32 v4, $0xFFFFFFFF;
	vm1 =	vlt.s32 v4, v1  }
0x7c: {  	v9 =	vld [tilespmem:$0x70];
	vm2 =	vlt.s32 v5, v1;
	vm0 =	vmand vm0, vm1;
	vm1 =	vgt.s32 v5, $0xFFFFFFFF  }
0x7d: {  	v6 =	vsub.s32 v6, v0;
	v4 =	vnsel vm0, $0x13F8, v4;
	vm0 =	vmand vm1, vm2  }
0x7e: {  	vm1 =	vgt.s32 v6, $0xFFFFFFFF;
	vm2 =	vlt.s32 v6, v1;
	[tilespmem:$0x100] =	vst v4;
	v4 =	vnsel vm0, $0x13F8, v5  }
0x7f: {  	s28 =	simm.s32 $0x4;
	vm0 =	vmand vm1, vm2;
	v5 =	vsub.s32 v10, v0;
	[tilespmem:$0x130] =	vst v4;
	v4 =	vsub.s32 v11, v0  }
.LBB2_6:
0x80: {  	p0 =	sne.s32 s28, $0x9C;
	v7 =	vsub.s32 v7, v0;
	v8 =	vsub.s32 v8, v0;
	vm1 =	vlt.s32 v5, v1;
	s29 =	smov.u32 s28;
	s28 =	sadd.s32 $0x2, s28  }
0x81: {  	vm3 =	vgt.s32 v5, $0xFFFFFFFF;
	vm2 =	vgt.s32 v8, $0xFFFFFFFF;
	v9 =	vsub.s32 v9, v0  }
0x82: {  	vm4 =	vgt.s32 v7, $0xFFFFFFFF;
	vm5 =	vgt.s32 v9, $0xFFFFFFFF;
	vm6 =	vlt.s32 v9, v1  }
0x83: {  	vm8 =	vgt.s32 v4, $0xFFFFFFFF;
	vm7 =	vlt.s32 v7, v1;
	vm5 =	vmand vm5, vm6  }
0x84: {  	v6 =	vnsel vm0, $0x13F8, v6;
	vm4 =	vmand vm4, vm7;
	v9 =	vnsel vm5, $0x13F8, v9  }
0x85: {  	vm0 =	vlt.s32 v4, v1;
	v7 =	vnsel vm4, $0x13F8, v7;
	vm4 =	vlt.s32 v8, v1;
	[tilespmem:$0x170] =	vst v9  }
0x86: {  	vm0 =	vmand vm8, vm0;
	vm1 =	vmand vm3, vm1;
	vm2 =	vmand vm2, vm4;
	[tilespmem:$0x110] =	vst v7  }
0x87: {  	v4 =	vnsel vm0, $0x13F8, v4;
	v5 =	vnsel vm1, $0x13F8, v5;
	[tilespmem:$0x120] =	vst v6;
	v6 =	vnsel vm2, $0x13F8, v8  }
0x88: {  	s30 =	smin.u32 s26, $0x9B;
	[tilespmem:$0x160] =	vst v5  }
0x89: {  	s30 =	sshll.u32 s30, $0x7;
	[tilespmem:$0x140] =	vst v4  }
0x8a: {  	s30 =	sadd.s32 s30, s10;
	[tilespmem:$0x150] =	vst v6  }
0x8b: {  	[spmem:s2] =	stream.indirect.scatter.add.f32 [tilespmem:s16], [sflag:$0x3], $0x80, s20, s18, $0xb8;
	[tilespmem:$0xE200] =	vst v63  }
0x8c: {  	s30 =	sshrl.u32 s30, $0x3  }
0x8d: {  	s30 =	sadd.s32 s4, s30  }
0x8e: {  	[tilespmem:s3], [sflag:$0x1] =	stream.linear.gather [hbm4b:s30+s3], $0x80, $0x38;
	[tilespmem:$0xE200] =	vst v63  }
0x8f: {  	_ =	swait.ge [sflag:s23], $0x80  }
0x90: {  	[sflag:s23] =	ssyncset.done $0x0  }
0x91: {  	[sflag:s23] =	ssyncadd.s32 $0xFFFFFF80  }
0x92: {  	_ =	swait.ge [sflag:s24], $0x4000  }
0x93: {  	[sflag:s24] =	ssyncset.done $0x0  }
0x94: {  	[sflag:s24] =	ssyncadd.s32 $0xFFFFC000  }
0x95: {  	v4 =	vld [tilespmem:$0x80]  }
0x96: {  	v5 =	vld [tilespmem:$0x90]  }
0x97: {  	v6 =	vld [tilespmem:$0xA0]  }
0x98: {  	v7 =	vld [tilespmem:$0xB0]  }
0x99: {  	v8 =	vld [tilespmem:$0xC0]  }
0x9a: {  	v4 =	vsub.s32 v4, v0;
	v9 =	vld [tilespmem:$0xE0]  }
0x9b: {  	vm0 =	vgt.s32 v4, $0xFFFFFFFF;
	vm1 =	vlt.s32 v4, v1;
	v5 =	vsub.s32 v5, v0;
	v10 =	vld [tilespmem:$0xF0]  }
0x9c: {  	vm1 =	vmand vm0, vm1;
	vm0 =	vgt.s32 v5, $0xFFFFFFFF;
	vm2 =	vlt.s32 v5, v1  }
0x9d: {  	v6 =	vsub.s32 v6, v0;
	vm0 =	vmand vm0, vm2;
	v7 =	vsub.s32 v7, v0  }
0x9e: {  	v5 =	vnsel vm0, $0x13F8, v5;
	vm0 =	vgt.s32 v7, $0xFFFFFFFF;
	v8 =	vsub.s32 v8, v0;
	v11 =	vld [tilespmem:$0xD0]  }
0x9f: {  	v4 =	vnsel vm1, $0x13F8, v4;
	vm1 =	vgt.s32 v6, $0xFFFFFFFF;
	vm2 =	vlt.s32 v7, v1  }
0xa0: {  	vm3 =	vlt.s32 v6, v1;
	vm4 =	vgt.s32 v8, $0xFFFFFFFF;
	vm5 =	vlt.s32 v8, v1;
	[tilespmem:$0x180] =	vst v4  }
0xa1: {  	vm1 =	vmand vm1, vm3;
	vm3 =	vmand vm4, vm5;
	v4 =	vsub.s32 v9, v0  }
0xa2: {  	v6 =	vnsel vm1, $0x13F8, v6;
	v9 =	vsub.s32 v10, v0;
	v8 =	vnsel vm3, $0x13F8, v8  }
0xa3: {  	vm1 =	vgt.s32 v9, $0xFFFFFFFF;
	vm3 =	vlt.s32 v9, v1;
	[tilespmem:$0x1C0] =	vst v8;
	v8 =	vsub.s32 v11, v0  }
0xa4: {  	vm1 =	vmand vm1, vm3;
	[tilespmem:$0x1A0] =	vst v6;
	vm4 =	vgt.s32 v8, $0xFFFFFFFF;
	vm5 =	vlt.s32 v8, v1  }
0xa5: {  	[tilespmem:$0x190] =	vst v5;
	vm3 =	vmand vm4, vm5;
	vm4 =	vgt.s32 v4, $0xFFFFFFFF;
	v5 =	vnsel vm1, $0x13F8, v9  }
0xa6: {  	vm0 =	vmand vm0, vm2;
	vm1 =	vlt.s32 v4, v1;
	v6 =	vnsel vm3, $0x13F8, v8;
	[tilespmem:$0x1F0] =	vst v5  }
0xa7: {  	s30 =	smin.u32 s26, $0x9A;
	s26 =	smov.u32 s29;
	v5 =	vnsel vm0, $0x13F8, v7;
	vm0 =	vmand vm4, vm1;
	[tilespmem:$0x1D0] =	vst v6  }
0xa8: {  	s29 =	sshll.u32 s30, $0x7;
	v4 =	vnsel vm0, $0x13F8, v4;
	[tilespmem:$0x1B0] =	vst v5  }
0xa9: {  	s29 =	sadd.s32 s29, s11;
	[tilespmem:$0x1E0] =	vst v4  }
0xaa: {  	[spmem:s2] =	stream.indirect.scatter.add.f32 [tilespmem:s16], [sflag:$0x4], $0x80, s21, s18, $0xb8;
	[tilespmem:$0xE200] =	vst v63  }
0xab: {  	s29 =	sshrl.u32 s29, $0x3  }
0xac: {  	s29 =	sadd.s32 s4, s29  }
0xad: {  	[tilespmem:s18], [sflag:$0x2] =	stream.linear.gather [hbm4b:s29+s3], $0x80, $0x38;
	[tilespmem:$0xE200] =	vst v63  }
0xae: {  	_ =	swait.ge [sflag:s19], $0x80  }
0xaf: {  	[sflag:s19] =	ssyncset.done $0x0  }
0xb0: {  	[sflag:s19] =	ssyncadd.s32 $0xFFFFFF80  }
0xb1: {  	_ =	swait.ge [sflag:s22], $0x4000  }
0xb2: {  	[sflag:s22] =	ssyncset.done $0x0  }
0xb3: {  	[sflag:s22] =	ssyncadd.s32 $0xFFFFC000  }
0xb4: {  	v4 =	vld [tilespmem:$0x0]  }
0xb5: {  	v5 =	vld [tilespmem:$0x30]  }
0xb6: {  	v10 =	vld [tilespmem:$0x60]  }
0xb7: {  	v6 =	vld [tilespmem:$0x20]  }
0xb8: {  	v7 =	vld [tilespmem:$0x10]  }
0xb9: {  	v4 =	vsub.s32 v4, v0;
	v11 =	vld [tilespmem:$0x40]  }
.Ltmp2:
0xba: {  	vm0 =	vgt.s32 v4, $0xFFFFFFFF;
	vm1 =	vlt.s32 v4, v1;
	v5 =	vsub.s32 v5, v0;
	v8 =	vld [tilespmem:$0x50];
	(pc) =	sbr.rel @p0 .LBB2_6-.Ltmp2, $4  }
0xbb: {  	vm0 =	vmand vm0, vm1;
	vm1 =	vgt.s32 v5, $0xFFFFFFFF;
	vm2 =	vlt.s32 v5, v1;
	v9 =	vld [tilespmem:$0x70]  }
0xbc: {  	v4 =	vnsel vm0, $0x13F8, v4;
	v6 =	vsub.s32 v6, v0;
	vm0 =	vmand vm1, vm2  }
0xbd: {  	[tilespmem:$0x100] =	vst v4;
	vm1 =	vgt.s32 v6, $0xFFFFFFFF;
	vm2 =	vlt.s32 v6, v1;
	v4 =	vnsel vm0, $0x13F8, v5  }
0xbe: {  	v5 =	vsub.s32 v10, v0;
	vm0 =	vmand vm1, vm2;
	[tilespmem:$0x130] =	vst v4;
	v4 =	vsub.s32 v11, v0  }
0xbf: {  	v7 =	vsub.s32 v7, v0;
	v8 =	vsub.s32 v8, v0;
	vm1 =	vlt.s32 v5, v1  }
0xc0: {  	vm13 =	vgt.s32 v5, $0xFFFFFFFF;
	vm14 =	vgt.s32 v4, $0xFFFFFFFF;
	v6 =	vnsel vm0, $0x13F8, v6  }
0xc1: {  	vm15 =	vlt.s32 v4, v1;
	v9 =	vsub.s32 v9, v0;
	vm4 =	vgt.s32 v7, $0xFFFFFFFF  }
0xc2: {  	vm5 =	vlt.s32 v7, v1;
	vm12 =	vgt.s32 v8, $0xFFFFFFFF;
	vm1 =	vmand vm13, vm1  }
0xc3: {  	vm0 =	vmand vm14, vm15;
	[tilespmem:$0x120] =	vst v6;
	vm2 =	vgt.s32 v9, $0xFFFFFFFF;
	v5 =	vnsel vm1, $0x13F8, v5  }
0xc4: {  	vm3 =	vlt.s32 v9, v1;
	vm4 =	vmand vm4, vm5;
	v4 =	vnsel vm0, $0x13F8, v4;
	[tilespmem:$0x160] =	vst v5  }
0xc5: {  	s28 =	smin.u32 s26, $0x9B;
	vm2 =	vmand vm2, vm3;
	v7 =	vnsel vm4, $0x13F8, v7;
	vm4 =	vlt.s32 v8, v1;
	[tilespmem:$0x140] =	vst v4  }
0xc6: {  	s28 =	sshll.u32 s28, $0x7;
	v9 =	vnsel vm2, $0x13F8, v9;
	[tilespmem:$0x110] =	vst v7;
	vm5 =	vmand vm12, vm4  }
0xc7: {  	s28 =	sadd.s32 s28, s10;
	[tilespmem:$0x170] =	vst v9;
	v5 =	vnsel vm5, $0x13F8, v8  }
0xc8: {  	s28 =	sshrl.u32 s28, $0x3;
	[tilespmem:$0x150] =	vst v5  }
0xc9: {  	[spmem:s2] =	stream.indirect.scatter.add.f32 [tilespmem:s16], [sflag:$0x3], $0x80, s20, s18, $0xb8;
	[tilespmem:$0xE200] =	vst v63  }
0xca: {  	s28 =	sadd.s32 s4, s28  }
0xcb: {  	[tilespmem:s3], [sflag:$0x1] =	stream.linear.gather [hbm4b:s28+s3], $0x80, $0x38;
	[tilespmem:$0xE200] =	vst v63  }
0xcc: {  	_ =	swait.ge [sflag:s23], $0x80  }
0xcd: {  	[sflag:s23] =	ssyncset.done $0x0  }
0xce: {  	[sflag:s23] =	ssyncadd.s32 $0xFFFFFF80  }
0xcf: {  	_ =	swait.ge [sflag:s24], $0x4000  }
0xd0: {  	[sflag:s24] =	ssyncset.done $0x0  }
0xd1: {  	[sflag:s24] =	ssyncadd.s32 $0xFFFFC000  }
0xd2: {  	v4 =	vld [tilespmem:$0x80]  }
0xd3: {  	v5 =	vld [tilespmem:$0x90]  }
0xd4: {  	v57 =	vld [tilespmem:$0xA0]  }
0xd5: {  	v58 =	vld [tilespmem:$0xB0]  }
0xd6: {  	v59 =	vld [tilespmem:$0xC0]  }
0xd7: {  	v60 =	vld [tilespmem:$0xE0]  }
0xd8: {  	v10 =	vld [tilespmem:$0xF0]  }
0xd9: {  	v11 =	vld [tilespmem:$0xD0];
	_ =	sdelay $0x1  }
0xda: {  	v4 =	vsub.s32 v4, v0  }
0xdb: {  	v5 =	vsub.s32 v5, v0;
	v6 =	vsub.s32 v57, v0;
	v7 =	vsub.s32 v58, v0  }
0xdc: {  	v8 =	vsub.s32 v59, v0;
	v9 =	vsub.s32 v60, v0;
	v62 =	vsub.s32 v10, v0  }
0xdd: {  	v63 =	vsub.s32 v11, v0;
	vm6 =	vgt.s32 v4, $0xFFFFFFFF;
	vm7 =	vlt.s32 v4, v1  }
0xde: {  	vm8 =	vgt.s32 v5, $0xFFFFFFFF;
	vm9 =	vlt.s32 v5, v1;
	vm10 =	vgt.s32 v6, $0xFFFFFFFF  }
0xdf: {  	vm2 =	vlt.s32 v7, v1;
	vm11 =	vlt.s32 v6, v1;
	vm12 =	vgt.s32 v8, $0xFFFFFFFF  }
0xe0: {  	vm13 =	vlt.s32 v8, v1;
	vm15 =	vgt.s32 v62, $0xFFFFFFFF;
	vm0 =	vmand vm6, vm7  }
0xe1: {  	vm1 =	vmand vm8, vm9;
	vm14 =	vmand vm12, vm13;
	v4 =	vnsel vm0, $0x13F8, v4  }
0xe2: {  	vm8 =	vlt.s32 v62, v1;
	vm9 =	vgt.s32 v63, $0xFFFFFFFF;
	v61 =	vnsel vm14, $0x13F8, v8;
	[tilespmem:$0x180] =	vst v4  }
0xe3: {  	vm12 =	vgt.s32 v9, $0xFFFFFFFF;
	v5 =	vnsel vm1, $0x13F8, v5;
	vm0 =	vmand vm10, vm11;
	[tilespmem:$0x1C0] =	vst v61  }
0xe4: {  	vm10 =	vlt.s32 v63, v1;
	v4 =	vnsel vm0, $0x13F8, v6;
	vm0 =	vmand vm15, vm8;
	[tilespmem:$0x190] =	vst v5  }
0xe5: {  	vm1 =	vgt.s32 v7, $0xFFFFFFFF;
	vm11 =	vmand vm9, vm10;
	[tilespmem:$0x1A0] =	vst v4;
	v4 =	vnsel vm0, $0x13F8, v62  }
0xe6: {  	s29 =	smin.u32 s26, $0x9A;
	vm14 =	vlt.s32 v9, v1;
	vm13 =	vmand vm1, vm2;
	v5 =	vnsel vm11, $0x13F8, v63;
	[tilespmem:$0x1F0] =	vst v4  }
0xe7: {  	s26 =	sshll.u32 s29, $0x7;
	vm15 =	vmand vm12, vm14;
	v4 =	vnsel vm13, $0x13F8, v7;
	[tilespmem:$0x1D0] =	vst v5  }
0xe8: {  	s26 =	sadd.s32 s26, s11;
	[tilespmem:$0x1B0] =	vst v4;
	v4 =	vnsel vm15, $0x13F8, v9  }
0xe9: {  	s26 =	sshrl.u32 s26, $0x3;
	[tilespmem:$0x1E0] =	vst v4  }
0xea: {  	[spmem:s2] =	stream.indirect.scatter.add.f32 [tilespmem:s16], [sflag:$0x4], $0x80, s21, s18, $0xb8;
	[tilespmem:$0xE200] =	vst v63  }
0xeb: {  	s26 =	sadd.s32 s4, s26  }
0xec: {  	[tilespmem:s18], [sflag:$0x2] =	stream.linear.gather [hbm4b:s26+s3], $0x80, $0x38;
	[tilespmem:$0xE200] =	vst v63  }
0xed: {  	_ =	swait.ge [sflag:s22], $0x4000  }
0xee: {  	[sflag:s22] =	ssyncset.done $0x0  }
0xef: {  	[sflag:s22] =	ssyncadd.s32 $0xFFFFC000  }
0xf0: {  	_ =	swait.ge [sflag:s19], $0x80  }
0xf1: {  	[sflag:s19] =	ssyncset.done $0x0  }
0xf2: {  	[sflag:s19] =	ssyncadd.s32 $0xFFFFFF80  }
0xf3: {  	_ =	swait.ge [sflag:s24], $0x4000  }
0xf4: {  	[sflag:s24] =	ssyncset.done $0x0  }
0xf5: {  	[sflag:s24] =	ssyncadd.s32 $0xFFFFC000  }
0xf6: {  	_ =	swait.ge [sflag:s23], $0x80  }
0xf7: {  	s30 =	sshll.u32 s0, $0x6;
	s25 =	sadd.s32 $0x1, s25;
	[sflag:s23] =	ssyncset.done $0x0  }
0xf8: {  	s31 =	sshrl.u32 s5, $0x3;
	p0 =	sne.s32 s25, s15;
	[sflag:s23] =	ssyncadd.s32 $0xFFFFFF80  }
.Ltmp3:
0xf9: {  	s26 =	sor.u32 $0x1C05, s30;
	[bflag:$0x0] =	sbarrier.arrive $0xFFFF;
	(pc) =	sbr.rel @p0 .LBB2_1-.Ltmp3, $4  }
0xfa: {  	[hbm:s14], [sflag:s26] =	dma.local [spmem:s31], $0x1400  }
0xfb: {  	_ =	swait.ge [sflag:s17], $0x1400  }
0xfc: {  	[sflag:s17] =	ssyncset.done $0x0  }
0xfd: {  	[sflag:s17] =	ssyncadd.s32 $0xFFFFEC00  }
0xfe: {  	_ =	sfence.sel $0x180000  }
0xff: {  	[bflag:$0x0] =	sbarrier.arrive $0xFFFF  }
0x100: {  	p0 =	sne.s32 s0, $0x0;
	_ =	strace $0x90000047  }
0x101: {  	s0 =	sadd.s32 @!p0 $0x100000, s1;
	[bflag:$0x2] =	sbarrier.arrive $0xFFFF  }
0x102: {  	[sflag:s0] =	ssyncadd.tile.s32 @!p0 $0x1;
	_ =	shalt  }
.Lfunc_end2:
_tile_overlayer_lowered:
.L_overlay_start_2:
0x103: {  	(tag) =	ssettag $0x2  }
0x104: {  	s0 =	rddreg [dreg:$0x0];
	s2 =	stileid.u32  }
0x105: {  	s1 =	rddreg [dreg:$0x1];
	p0 =	sne.s32 s2, $0x0  }
0x106: {  	s3 =	rddreg [dreg:$0x2];
	[bflag:$0x3] =	sbarrier.arrive $0xFFFF;
	s2 =	simm.s32 @!p0 $0x1C05  }
0x107: {  	[timem:s3], [sflag:s2] =	dma.local @!p0 [hbm:s0], s1  }
0x108: {  	s0 =	simm.s32 @!p0 $0x5  }
0x109: {  	_ =	swait.ge @!p0 [sflag:s0], s1  }
0x10a: {  	s1 =	ssub.s32 @!p0 $0x0, s1;
	[sflag:s0] =	ssyncset.done @!p0 $0x0  }
0x10b: {  	[sflag:s0] =	ssyncadd.s32 @!p0 s1  }
0x10c: {  	[bflag:$0x3] =	sbarrier.arrive $0xFFFF  }
0x10d: {  	_ =	shalt  }

</sc_bundles>
